<compile_context>
chip_gen: v7x
topology: tpu7x:2x2x1
jax: 0.10.2.dev20260603
libtpu: 0.0.44.dev20260713+nightly
codegen_flags: <defaults>
</compile_context>

<pallas_src>
import functools
import math

import jax
import jax.numpy as jnp
from jax import lax
from jax.experimental import pallas as pl
from jax.experimental.pallas import tpu as pltpu
from jax.experimental.pallas import tpu_sc as plsc

NUM_ENT = 8000
N_NODES = 10000
HIDDEN = 200
NUM_TYPES = 16
E = 320000
BATCH = 1024
W = 128
DEG_COL = 72
RRELU_SLOPE = (1.0 / 8.0 + 1.0 / 3.0) / 2.0

N_SUPER = 250
CH_ROWS = 10
PER_CORE = 125
ACC_ROWS = 8008
ZS = 496
ZS_LAST = 568


def _gidx_body(src_ref, et_ref, dst_ref, out_ref, dstc_ref):
    out_ref[...] = et_ref[...] * N_NODES + src_ref[...]
    dstc_ref[...] = jnp.minimum(dst_ref[...], NUM_ENT)


def _build_gidx(src3, et3, dst3):
    return pl.pallas_call(
        _gidx_body,
        out_shape=[
            jax.ShapeDtypeStruct((N_SUPER, CH_ROWS, 128), jnp.int32),
            jax.ShapeDtypeStruct((N_SUPER, CH_ROWS, 128), jnp.int32),
        ],
    )(src3, et3, dst3)


_HT_BLK = 1000


def _ht_a_body(h_ref, wa_ref, outa_ref):
    outa_ref[...] = h_ref[...] * wa_ref[0]


def _ht_b_body(h_ref, wb_ref, outb_ref):
    hb = jnp.concatenate(
        [h_ref[...], jnp.ones((_HT_BLK, 1), jnp.float32),
         jnp.zeros((_HT_BLK, W - (HIDDEN - W) - 1), jnp.float32)], axis=1)
    outb_ref[...] = hb * wb_ref[0]


def _build_ht_one(body, h_part, w_part, width_in):
    nb = N_NODES // _HT_BLK
    return pl.pallas_call(
        body,
        grid=(nb, NUM_TYPES),
        in_specs=[
            pl.BlockSpec((_HT_BLK, width_in), lambda b, t: (b, 0)),
            pl.BlockSpec((1, 1, W), lambda b, t: (t, 0, 0)),
        ],
        out_specs=pl.BlockSpec((_HT_BLK, W), lambda b, t: (t * 10 + b, 0)),
        out_shape=jax.ShapeDtypeStruct((NUM_TYPES * N_NODES, W), jnp.float32),
    )(h_part, w_part.reshape(NUM_TYPES, 1, W))


def _sc_agg_body(ht_hbm, gidx_hbm, dst_hbm, z_hbm, out_a, out_b,
                 gbuf, dbuf, rows0, rows1, rows2, acc,
                 gsem0, gsem1, gsem2, ssem0, ssem1, ssem2):
    rows = [rows0, rows1, rows2]
    gsem = [gsem0, gsem1, gsem2]
    ssem = [ssem0, ssem1, ssem2]
    c = lax.axis_index("c")
    s = lax.axis_index("s")

    base = c * PER_CORE + jnp.minimum(s, 13) * 8 + jnp.maximum(s - 13, 0) * 7
    cnt = jnp.where(s < 13, 8, 7)

    @pl.when(s < 15)
    def _():
        pltpu.sync_copy(z_hbm.at[pl.ds(0, ZS)], acc.at[pl.ds(s * ZS, ZS)])

    @pl.when(s == 15)
    def _():
        pltpu.sync_copy(z_hbm, acc.at[pl.ds(15 * ZS, ZS_LAST)])

    plsc.subcore_barrier()

    def body(i, carry):
        sck = base + i
        pltpu.sync_copy(gidx_hbm.at[sck], gbuf)
        pltpu.sync_copy(dst_hbm.at[sck], dbuf)
        for j0 in range(2):
            pltpu.async_copy(ht_hbm.at[gbuf.at[j0]], rows[j0], gsem[j0])
        for j in range(CH_ROWS):
            b = j % 3
            pltpu.make_async_copy(ht_hbm.at[gbuf.at[j]], rows[b],
                                  gsem[b]).wait()
            pltpu.async_copy(rows[b], acc.at[dbuf.at[j]], ssem[b], add=True)
            if j + 2 < CH_ROWS:
                nb = (j + 2) % 3
                if j >= 1:
                    pb = (j - 1) % 3
                    pltpu.make_async_copy(
                        rows[pb], acc.at[dbuf.at[j - 1]], ssem[pb]).wait()
                pltpu.async_copy(ht_hbm.at[gbuf.at[j + 2]], rows[nb], gsem[nb])
        for j in range(CH_ROWS - 3, CH_ROWS):
            b = j % 3
            pltpu.make_async_copy(rows[b], acc.at[dbuf.at[j]], ssem[b]).wait()
        return carry

    lax.fori_loop(0, cnt, body, 0)
    plsc.subcore_barrier()

    out = [out_a, out_b]
    for ci in range(2):
        @pl.when(jnp.logical_and(c == ci, s < 15))
        def _(ci=ci):
            sl = pl.ds(s * ZS, ZS)
            pltpu.sync_copy(acc.at[sl], out[ci].at[sl])

        @pl.when(jnp.logical_and(c == ci, s == 15))
        def _(ci=ci):
            sl = pl.ds(15 * ZS, ZS_LAST)
            pltpu.sync_copy(acc.at[sl], out[ci].at[sl])


def _sc_agg(ht, gidx3, dst3, zeros_slab):
    mesh = plsc.VectorSubcoreMesh(core_axis_name="c", subcore_axis_name="s")
    k = functools.partial(
        pl.kernel,
        out_type=tuple(
            jax.ShapeDtypeStruct((ACC_ROWS, W), jnp.float32)
            for _ in range(2)),
        mesh=mesh,
        scratch_types=[
            pltpu.VMEM((CH_ROWS, 128), jnp.int32),
            pltpu.VMEM((CH_ROWS, 128), jnp.int32),
            pltpu.VMEM((128, W), jnp.float32),
            pltpu.VMEM((128, W), jnp.float32),
            pltpu.VMEM((128, W), jnp.float32),
            pltpu.VMEM_SHARED((ACC_ROWS, W), jnp.float32),
        ] + [pltpu.SemaphoreType.DMA] * 6,
        compiler_params=pltpu.CompilerParams(use_tc_tiling_on_sc=True),
    )(_sc_agg_body)
    return k(ht, gidx3, dst3, zeros_slab)


def _decode_body(a0_ref, b0_ref, a1_ref, b1_ref, ei_ref, ri_ref, td_ref,
                 rel_ref, w1_ref, w2_ref, w3_ref, b_ref, temb_ref,
                 static_out, y_out):
    p0 = a0_ref[:NUM_ENT] + b0_ref[:NUM_ENT]
    p1 = a1_ref[:NUM_ENT] + b1_ref[:NUM_ENT]
    deg = p1[:, DEG_COL:DEG_COL + 1]
    norm = jnp.where(deg > 0, 1.0 / jnp.maximum(deg, 1.0), 0.0)
    st = jnp.concatenate([p0, p1[:, :HIDDEN - W]], axis=1) * norm
    st = jnp.where(st >= 0, st, st * RRELU_SLOPE)
    static_out[...] = st

    ei = ei_ref[...]
    acc = jnp.zeros((BATCH, HIDDEN), dtype=jnp.float32)
    chunk = 1000
    for k in range(NUM_ENT // chunk):
        iota = lax.broadcasted_iota(jnp.int32, (BATCH, chunk), 1) + k * chunk
        oh = (ei == iota).astype(jnp.float32)
        acc = acc + jnp.dot(oh, st[k * chunk:(k + 1) * chunk, :],
                            preferred_element_type=jnp.float32)
    ent = jnp.tanh(acc)

    ri = ri_ref[...]
    iota_r = lax.broadcasted_iota(jnp.int32, (BATCH, 230), 1)
    oh_r = (ri == iota_r).astype(jnp.float32)
    rel = jnp.dot(oh_r, rel_ref[...], preferred_element_type=jnp.float32)

    ti = td_ref[...] // 24
    iota_t = lax.broadcasted_iota(jnp.int32, (BATCH, 365), 1)
    oh_t = (ti == iota_t).astype(jnp.float32)
    tim = jnp.dot(oh_t, temb_ref[...], preferred_element_type=jnp.float32)

    x = (jnp.dot(ent, w1_ref[...], preferred_element_type=jnp.float32)
         + jnp.dot(rel, w2_ref[...], preferred_element_type=jnp.float32)
         + tim * w3_ref[...] + b_ref[...])
    y_out[...] = jnp.maximum(x, 0.0)


def _decode(a0, b0, a1, b1, ei, ri, td, rel_emb, w1, w2, w3, b, temb):
    return pl.pallas_call(
        _decode_body,
        out_shape=[
            jax.ShapeDtypeStruct((NUM_ENT, HIDDEN), jnp.float32),
            jax.ShapeDtypeStruct((BATCH, HIDDEN), jnp.float32),
        ],
    )(a0, b0, a1, b1, ei, ri, td, rel_emb, w1, w2, w3, b, temb)


def _score_body(y_ref, s_ref, out_ref):
    out_ref[...] = lax.dot_general(
        y_ref[...], s_ref[...], (((1,), (1,)), ((), ())),
        preferred_element_type=jnp.float32)


def _score(y, static):
    return pl.pallas_call(
        _score_body,
        out_shape=jax.ShapeDtypeStruct((BATCH, NUM_ENT), jnp.float32),
        compiler_params=pltpu.CompilerParams(
            vmem_limit_bytes=100 * 1024 * 1024),
    )(y, static)


def kernel(ent_emb, attr_emb, rel_emb, rgcn_weight, dec_W, dec_b, time_emb,
           edge_index, edge_type, batch_data):
    f32 = jnp.float32
    h = jnp.concatenate([ent_emb, attr_emb], axis=0)
    w = rgcn_weight.reshape(NUM_TYPES, HIDDEN)

    w_a = w[:, :W]
    w_b = jnp.concatenate(
        [w[:, W:], jnp.ones((NUM_TYPES, 1), f32),
         jnp.zeros((NUM_TYPES, W - (HIDDEN - W) - 1), f32)], axis=1)

    src3 = edge_index[0].reshape(N_SUPER, CH_ROWS, 128)
    et3 = edge_type.reshape(N_SUPER, CH_ROWS, 128)
    dst3 = edge_index[1].reshape(N_SUPER, CH_ROWS, 128)

    gidx3, dstc3 = _build_gidx(src3, et3, dst3)
    zslab = jnp.zeros((ZS_LAST, W), f32)
    ht_a = _build_ht_one(_ht_a_body, h[:, :W], w_a, W)
    pa0, pb0 = _sc_agg(ht_a, gidx3, dstc3, zslab)
    ht_b = _build_ht_one(_ht_b_body, h[:, W:], w_b, HIDDEN - W)
    pa1, pb1 = _sc_agg(ht_b, gidx3, dstc3, zslab)

    ei = batch_data[:, 0:1]
    ri = batch_data[:, 1:2]
    td = batch_data[:, 3:4]
    w1 = dec_W[0:HIDDEN]
    w2 = dec_W[HIDDEN:2 * HIDDEN]
    w3 = dec_W[2 * HIDDEN:2 * HIDDEN + 1]
    b = dec_b.reshape(1, HIDDEN)

    static, y = _decode(pa0, pb0, pa1, pb1,
                        ei, ri, td, rel_emb, w1, w2, w3, b, time_emb)
    return _score(y, static)

# --- scband reference (transcript-rebuilt; emitter-appended) ---
"""Pipeline reference for scband-pkem-model-18803366822339 (READ-ONLY COPY).

The authoritative reference and input builder live on the scoring server;
editing this copy changes nothing except your own understanding.
"""

import jax, jax.numpy as jnp
import numpy as np
import math

NUM_ENT = 8000
NUM_ATTR_VALUES = 2000
NUM_REL = 230
NUM_ATTR_TYPES = 16
HIDDEN = 200
NUM_BASES = 200
SUB_IN = HIDDEN // NUM_BASES
SUB_OUT = HIDDEN // NUM_BASES
TIME_INTERVAL = 24
NUM_TIMESTAMPS = 365
PERIOD = 7
TRANX = 0.1
AMPY = 0.005
N_NODES = NUM_ENT + NUM_ATTR_VALUES
N_EDGES = 320000
BATCH = 1024
RRELU_SLOPE = (1.0 / 8.0 + 1.0 / 3.0) / 2.0  # F.rrelu eval-mode slope


def setup_inputs(seed: int = 0):
    key = jax.random.key(seed)
    ks = jax.random.split(key, 9)
    edge_index = jax.random.randint(ks[0], (2, N_EDGES), 0, N_NODES, dtype=jnp.int32)
    edge_type = jax.random.randint(ks[1], (N_EDGES,), 0, NUM_ATTR_TYPES, dtype=jnp.int32)
    batch_data = jax.random.randint(ks[2], (BATCH, 4), 0, 230, dtype=jnp.int32)
    ent_emb = jax.random.normal(ks[3], (NUM_ENT, HIDDEN), dtype=jnp.float32)
    gain = math.sqrt(2.0)
    a = gain * math.sqrt(6.0 / (NUM_REL + HIDDEN))
    rel_emb = jax.random.uniform(ks[4], (NUM_REL, HIDDEN), minval=-a, maxval=a, dtype=jnp.float32)
    std = math.sqrt(2.0 / (NUM_ATTR_VALUES + HIDDEN))
    attr_emb = jax.random.normal(ks[5], (NUM_ATTR_VALUES, HIDDEN), dtype=jnp.float32) * std
    rgcn_weight = jax.random.normal(ks[6], (NUM_ATTR_TYPES, NUM_BASES * SUB_IN * SUB_OUT), dtype=jnp.float32) * 0.05
    dec_W = jax.random.normal(ks[7], (HIDDEN * 2 + 1, HIDDEN), dtype=jnp.float32) * (1.0 / math.sqrt(HIDDEN * 2 + 1))
    dec_b = jnp.zeros((HIDDEN,), dtype=jnp.float32)
    t = jnp.arange(NUM_TIMESTAMPS, dtype=jnp.float32)
    time_emb = (AMPY * (jnp.sin(2.0 * math.pi * t / PERIOD) + 1.0) + TRANX).reshape(-1, 1)
    return {"ent_emb": ent_emb, "attr_emb": attr_emb, "rel_emb": rel_emb,
            "rgcn_weight": rgcn_weight, "dec_W": dec_W, "dec_b": dec_b,
            "time_emb": time_emb, "edge_index": edge_index,
            "edge_type": edge_type, "batch_data": batch_data}


def reference(ent_emb, attr_emb, rel_emb, rgcn_weight, dec_W, dec_b, time_emb,
              edge_index, edge_type, batch_data):
    # --- static RGCN block layer (block-diagonal decomposition, self_loop=False) ---
    h = jnp.concatenate([ent_emb, attr_emb], axis=0)  # g.ndata['h']
    src = edge_index[0]
    dst = edge_index[1]
    w = rgcn_weight[edge_type].reshape(-1, NUM_BASES, SUB_IN, SUB_OUT)
    node = h[src].reshape(-1, NUM_BASES, 1, SUB_IN)
    msg = jnp.einsum('ebij,ebjk->ebik', node, w).reshape(-1, HIDDEN)
    agg = jax.ops.segment_sum(msg, dst, num_segments=N_NODES)
    deg = jax.ops.segment_sum(jnp.ones((N_EDGES,), dtype=jnp.float32), dst, num_segments=N_NODES)
    norm = jnp.where(deg > 0, 1.0 / jnp.maximum(deg, 1.0), 0.0).reshape(-1, 1)
    h_out = agg * norm  # apply_func: h * norm
    h_out = jnp.where(h_out >= 0, h_out, h_out * RRELU_SLOPE)  # F.rrelu (eval)
    # dropout: identity in eval mode
    static_emb = h_out[:NUM_ENT]
    # --- get_embeddings ---
    ent_idx = batch_data[:, 0]
    rel_idx = batch_data[:, 1]
    tim_idx = batch_data[:, 3] // TIME_INTERVAL
    ent = static_emb[ent_idx]
    rel = rel_emb[rel_idx]
    tim = time_emb[tim_idx]
    # --- Decoder ---
    ent = jnp.tanh(ent)
    x = jnp.concatenate([ent, rel, tim], axis=1)
    x = x @ dec_W + dec_b
    x = jax.nn.relu(x)  # dropout identity in eval
    out = x @ static_emb.T
    return out.reshape(-1, NUM_ENT)

if __name__ == "__main__":
    import jax
    _d = setup_inputs()
    print(jax.jit(kernel)(*tuple(_d.values())))

</pallas_src>

<mosaic_0001>
#map = affine_map<(d0, d1) -> (0, 0)>
#map1 = affine_map<(d0, d1) -> (0, 0, 0)>
module attributes {stable_mosaic.version = 14 : i64} {
  func.func @_sc_agg_body(%arg0: i32, %arg1: i32, %arg2: memref<160000x128xf32, #tpu.memory_space<hbm>>, %arg3: memref<250x10x128xi32, #tpu.memory_space<hbm>>, %arg4: memref<250x10x128xi32, #tpu.memory_space<hbm>>, %arg5: memref<568x128xf32, #tpu.memory_space<hbm>>, %arg6: memref<8008x128xf32, #tpu.memory_space<hbm>>, %arg7: memref<8008x128xf32, #tpu.memory_space<hbm>>, %arg8: memref<10x128xi32, #tpu.memory_space<vmem>>, %arg9: memref<10x128xi32, #tpu.memory_space<vmem>>, %arg10: memref<128x128xf32, #tpu.memory_space<vmem>>, %arg11: memref<128x128xf32, #tpu.memory_space<vmem>>, %arg12: memref<128x128xf32, #tpu.memory_space<vmem>>, %arg13: memref<8008x128xf32, #tpu.memory_space<vmem_shared>>, %arg14: memref<!tpu.dma_semaphore, #tpu.memory_space<semaphore_mem>>, %arg15: memref<!tpu.dma_semaphore, #tpu.memory_space<semaphore_mem>>, %arg16: memref<!tpu.dma_semaphore, #tpu.memory_space<semaphore_mem>>, %arg17: memref<!tpu.dma_semaphore, #tpu.memory_space<semaphore_mem>>, %arg18: memref<!tpu.dma_semaphore, #tpu.memory_space<semaphore_mem>>, %arg19: memref<!tpu.dma_semaphore, #tpu.memory_space<semaphore_mem>>) attributes {dimension_semantics = [#tpu.dimension_semantics<core_parallel>, #tpu.dimension_semantics<subcore_parallel>], iteration_bounds = array<i64: 2, 16>, scalar_prefetch = 0 : i64, scratch_operands = 12 : i64, tpu.core_type = #tpu.core_type<sc_vector_subcore>, window_params = [{transform_indices = #map}, {transform_indices = #map1}, {transform_indices = #map1}, {transform_indices = #map}, {transform_indices = #map}, {transform_indices = #map}]} {
    %mul3A = arith.constant 125 : i32
    %mul3A_0 = arith.muli %arg0, %mul3A : i32
    %min3A = arith.constant 13 : i32
    %min3A_1 = arith.minsi %arg1, %min3A : i32
    %mul3A_2 = arith.constant 8 : i32
    %mul3A_3 = arith.muli %min3A_1, %mul3A_2 : i32
    %add3A = arith.addi %mul3A_0, %mul3A_3 : i32
    %sub3A = arith.constant 13 : i32
    %sub3A_4 = arith.subi %arg1, %sub3A : i32
    %max3A = arith.constant 0 : i32
    %max3A_5 = arith.maxsi %sub3A_4, %max3A : i32
    %mul3A_6 = arith.constant 7 : i32
    %mul3A_7 = arith.muli %max3A_5, %mul3A_6 : i32
    %add3A_8 = arith.addi %add3A, %mul3A_7 : i32
    %lt3A = arith.constant 13 : i32
    %lt3A_9 = arith.cmpi slt, %arg1, %lt3A : i32
    %jit3A = arith.constant 8 : i32
    %jit3A_10 = arith.constant 7 : i32
    %select_n3A = arith.select %lt3A_9, %jit3A, %jit3A_10 : i32
    %lt3A_11 = arith.constant 15 : i32
    %lt3A_12 = arith.cmpi slt, %arg1, %lt3A_11 : i32
    %convert_element_type3A = arith.extui %lt3A_12 : i1 to i32
    %cond3A = arith.constant 0 : i32
    %cond3A_13 = arith.cmpi ne, %convert_element_type3A, %cond3A : i32
    scf.if %cond3A_13 {
      %mul3A_59 = arith.constant 496 : i32
      %mul3A_60 = arith.muli %arg1, %mul3A_59 : i32
      "tpu.region"() ({
        %run_scoped3A = tpu.sem_alloc : memref<!tpu.dma_semaphore, #tpu.memory_space<semaphore_mem>>
        %dma_start3A = arith.constant 0 : i32
        %dma_start3A_61 = tpu.memref_slice %arg13[%mul3A_60, %dma_start3A] : memref<8008x128xf32, #tpu.memory_space<vmem_shared>> -> memref<496x128xf32, #tpu.memory_space<vmem_shared>>
        %dma_start3A_62 = arith.constant 0 : i32
        %dma_start3A_63 = arith.constant 0 : i32
        %dma_start3A_64 = tpu.memref_slice %arg5[%dma_start3A_62, %dma_start3A_63] : memref<568x128xf32, #tpu.memory_space<hbm>> -> memref<496x128xf32, #tpu.memory_space<hbm>>
        tpu.enqueue_dma source(%dma_start3A_64 : memref<496x128xf32, #tpu.memory_space<hbm>>) target(%dma_start3A_61 : memref<496x128xf32, #tpu.memory_space<vmem_shared>>) target_semaphore(%run_scoped3A : memref<!tpu.dma_semaphore, #tpu.memory_space<semaphore_mem>>)
        %dma_wait3A = arith.constant 0 : i32
        %dma_wait3A_65 = tpu.memref_slice %arg13[%mul3A_60, %dma_wait3A] : memref<8008x128xf32, #tpu.memory_space<vmem_shared>> -> memref<496x128xf32, #tpu.memory_space<vmem_shared>>
        %dma_wait3A_66 = arith.constant 0 : i32
        %dma_wait3A_67 = arith.constant 0 : i32
        %dma_wait3A_68 = tpu.memref_slice %arg5[%dma_wait3A_66, %dma_wait3A_67] : memref<568x128xf32, #tpu.memory_space<hbm>> -> memref<496x128xf32, #tpu.memory_space<hbm>>
        tpu.wait_dma2 semaphore(%run_scoped3A : memref<!tpu.dma_semaphore, #tpu.memory_space<semaphore_mem>>) src(%dma_wait3A_68 : memref<496x128xf32, #tpu.memory_space<hbm>>) dst(%dma_wait3A_65 : memref<496x128xf32, #tpu.memory_space<vmem_shared>>)
        tpu.yield
      }) : () -> ()
    } else {
    }
    %eq3A = arith.constant 15 : i32
    %eq3A_14 = arith.cmpi eq, %arg1, %eq3A : i32
    %convert_element_type3A_15 = arith.extui %eq3A_14 : i1 to i32
    %cond3A_16 = arith.constant 0 : i32
    %cond3A_17 = arith.cmpi ne, %convert_element_type3A_15, %cond3A_16 : i32
    scf.if %cond3A_17 {
      "tpu.region"() ({
        %run_scoped3A = tpu.sem_alloc : memref<!tpu.dma_semaphore, #tpu.memory_space<semaphore_mem>>
        %dma_start3A = arith.constant 7440 : i32
        %dma_start3A_59 = arith.constant 0 : i32
        %dma_start3A_60 = tpu.memref_slice %arg13[%dma_start3A, %dma_start3A_59] : memref<8008x128xf32, #tpu.memory_space<vmem_shared>> -> memref<568x128xf32, #tpu.memory_space<vmem_shared>>
        tpu.enqueue_dma source(%arg5 : memref<568x128xf32, #tpu.memory_space<hbm>>) target(%dma_start3A_60 : memref<568x128xf32, #tpu.memory_space<vmem_shared>>) target_semaphore(%run_scoped3A : memref<!tpu.dma_semaphore, #tpu.memory_space<semaphore_mem>>)
        %dma_wait3A = arith.constant 7440 : i32
        %dma_wait3A_61 = arith.constant 0 : i32
        %dma_wait3A_62 = tpu.memref_slice %arg13[%dma_wait3A, %dma_wait3A_61] : memref<8008x128xf32, #tpu.memory_space<vmem_shared>> -> memref<568x128xf32, #tpu.memory_space<vmem_shared>>
        tpu.wait_dma2 semaphore(%run_scoped3A : memref<!tpu.dma_semaphore, #tpu.memory_space<semaphore_mem>>) src(%arg5 : memref<568x128xf32, #tpu.memory_space<hbm>>) dst(%dma_wait3A_62 : memref<568x128xf32, #tpu.memory_space<vmem_shared>>)
        tpu.yield
      }) : () -> ()
    } else {
    }
    %barrier3A = arith.constant 0 : index
    tpu.barrier barrier_id(%barrier3A)
    %while3A = arith.constant 0 : i32
    %while3A_18 = arith.constant 0 : i32
    %while3A_19 = arith.subi %select_n3A, %while3A_18 : i32
    %while3A_20 = arith.addi %while3A_18, %while3A_19 : i32
    %while3A_21 = arith.constant 1 : i32
    %while3A_22 = arith.divsi %while3A_19, %while3A_21 : i32
    %while3A_23 = arith.muli %while3A_22, %while3A_21 : i32
    %while3A_24 = arith.addi %while3A_18, %while3A_23 : i32
    %while3A_25 = arith.constant 1 : i32
    scf.for %while3A_59 = %while3A_18 to %while3A_24 step %while3A_25  : i32 {
      %add3A_60 = arith.addi %add3A_8, %while3A_59 : i32
      "tpu.region"() ({
        %run_scoped3A = tpu.sem_alloc : memref<!tpu.dma_semaphore, #tpu.memory_space<semaphore_mem>>
        %dma_start3A_339 = arith.constant 0 : i32
        %dma_start3A_340 = arith.constant 0 : i32
        %dma_start3A_341 = tpu.memref_slice %arg3[%add3A_60, %dma_start3A_339, %dma_start3A_340] : memref<250x10x128xi32, #tpu.memory_space<hbm>> -> memref<1x10x128xi32, #tpu.memory_space<hbm>>
        %dma_start3A_342 = tpu.memref_squeeze %dma_start3A_341 : memref<1x10x128xi32, #tpu.memory_space<hbm>> -> memref<10x128xi32, #tpu.memory_space<hbm>>
        %dma_start3A_343 = arith.constant 0 : i32
        %dma_start3A_344 = arith.constant 0 : i32
        %dma_start3A_345 = tpu.memref_slice %arg3[%add3A_60, %dma_start3A_343, %dma_start3A_344] : memref<250x10x128xi32, #tpu.memory_space<hbm>> -> memref<1x10x128xi32, #tpu.memory_space<hbm>>
        %dma_start3A_346 = tpu.memref_squeeze %dma_start3A_345 : memref<1x10x128xi32, #tpu.memory_space<hbm>> -> memref<10x128xi32, #tpu.memory_space<hbm>>
        tpu.enqueue_dma source(%dma_start3A_346 : memref<10x128xi32, #tpu.memory_space<hbm>>) target(%arg8 : memref<10x128xi32, #tpu.memory_space<vmem>>) target_semaphore(%run_scoped3A : memref<!tpu.dma_semaphore, #tpu.memory_space<semaphore_mem>>)
        %dma_wait3A_347 = arith.constant 0 : i32
        %dma_wait3A_348 = arith.constant 0 : i32
        %dma_wait3A_349 = tpu.memref_slice %arg3[%add3A_60, %dma_wait3A_347, %dma_wait3A_348] : memref<250x10x128xi32, #tpu.memory_space<hbm>> -> memref<1x10x128xi32, #tpu.memory_space<hbm>>
        %dma_wait3A_350 = tpu.memref_squeeze %dma_wait3A_349 : memref<1x10x128xi32, #tpu.memory_space<hbm>> -> memref<10x128xi32, #tpu.memory_space<hbm>>
        %dma_wait3A_351 = arith.constant 0 : i32
        %dma_wait3A_352 = arith.constant 0 : i32
        %dma_wait3A_353 = tpu.memref_slice %arg3[%add3A_60, %dma_wait3A_351, %dma_wait3A_352] : memref<250x10x128xi32, #tpu.memory_space<hbm>> -> memref<1x10x128xi32, #tpu.memory_space<hbm>>
        %dma_wait3A_354 = tpu.memref_squeeze %dma_wait3A_353 : memref<1x10x128xi32, #tpu.memory_space<hbm>> -> memref<10x128xi32, #tpu.memory_space<hbm>>
        tpu.wait_dma2 semaphore(%run_scoped3A : memref<!tpu.dma_semaphore, #tpu.memory_space<semaphore_mem>>) src(%dma_wait3A_354 : memref<10x128xi32, #tpu.memory_space<hbm>>) dst(%arg8 : memref<10x128xi32, #tpu.memory_space<vmem>>)
        tpu.yield
      }) : () -> ()
      "tpu.region"() ({
        %run_scoped3A = tpu.sem_alloc : memref<!tpu.dma_semaphore, #tpu.memory_space<semaphore_mem>>
        %dma_start3A_339 = arith.constant 0 : i32
        %dma_start3A_340 = arith.constant 0 : i32
        %dma_start3A_341 = tpu.memref_slice %arg4[%add3A_60, %dma_start3A_339, %dma_start3A_340] : memref<250x10x128xi32, #tpu.memory_space<hbm>> -> memref<1x10x128xi32, #tpu.memory_space<hbm>>
        %dma_start3A_342 = tpu.memref_squeeze %dma_start3A_341 : memref<1x10x128xi32, #tpu.memory_space<hbm>> -> memref<10x128xi32, #tpu.memory_space<hbm>>
        %dma_start3A_343 = arith.constant 0 : i32
        %dma_start3A_344 = arith.constant 0 : i32
        %dma_start3A_345 = tpu.memref_slice %arg4[%add3A_60, %dma_start3A_343, %dma_start3A_344] : memref<250x10x128xi32, #tpu.memory_space<hbm>> -> memref<1x10x128xi32, #tpu.memory_space<hbm>>
        %dma_start3A_346 = tpu.memref_squeeze %dma_start3A_345 : memref<1x10x128xi32, #tpu.memory_space<hbm>> -> memref<10x128xi32, #tpu.memory_space<hbm>>
        tpu.enqueue_dma source(%dma_start3A_346 : memref<10x128xi32, #tpu.memory_space<hbm>>) target(%arg9 : memref<10x128xi32, #tpu.memory_space<vmem>>) target_semaphore(%run_scoped3A : memref<!tpu.dma_semaphore, #tpu.memory_space<semaphore_mem>>)
        %dma_wait3A_347 = arith.constant 0 : i32
        %dma_wait3A_348 = arith.constant 0 : i32
        %dma_wait3A_349 = tpu.memref_slice %arg4[%add3A_60, %dma_wait3A_347, %dma_wait3A_348] : memref<250x10x128xi32, #tpu.memory_space<hbm>> -> memref<1x10x128xi32, #tpu.memory_space<hbm>>
        %dma_wait3A_350 = tpu.memref_squeeze %dma_wait3A_349 : memref<1x10x128xi32, #tpu.memory_space<hbm>> -> memref<10x128xi32, #tpu.memory_space<hbm>>
        %dma_wait3A_351 = arith.constant 0 : i32
        %dma_wait3A_352 = arith.constant 0 : i32
        %dma_wait3A_353 = tpu.memref_slice %arg4[%add3A_60, %dma_wait3A_351, %dma_wait3A_352] : memref<250x10x128xi32, #tpu.memory_space<hbm>> -> memref<1x10x128xi32, #tpu.memory_space<hbm>>
        %dma_wait3A_354 = tpu.memref_squeeze %dma_wait3A_353 : memref<1x10x128xi32, #tpu.memory_space<hbm>> -> memref<10x128xi32, #tpu.memory_space<hbm>>
        tpu.wait_dma2 semaphore(%run_scoped3A : memref<!tpu.dma_semaphore, #tpu.memory_space<semaphore_mem>>) src(%dma_wait3A_354 : memref<10x128xi32, #tpu.memory_space<hbm>>) dst(%arg9 : memref<10x128xi32, #tpu.memory_space<vmem>>)
        tpu.yield
      }) : () -> ()
      %dma_start3A = arith.constant 0 : i32
      %dma_start3A_61 = arith.constant 0 : i32
      %dma_start3A_62 = tpu.memref_slice %arg8[%dma_start3A, %dma_start3A_61] : memref<10x128xi32, #tpu.memory_space<vmem>> -> memref<1x128xi32, #tpu.memory_space<vmem>>
      %dma_start3A_63 = tpu.memref_squeeze %dma_start3A_62 : memref<1x128xi32, #tpu.memory_space<vmem>> -> memref<128xi32, #tpu.memory_space<vmem>>
      %dma_start3A_64 = arith.constant 0 : i32
      %dma_start3A_65 = arith.constant 0 : i32
      %dma_start3A_66 = tpu.memref_slice %arg2[%dma_start3A_64, %dma_start3A_65] : memref<160000x128xf32, #tpu.memory_space<hbm>> -> memref<160000x128xf32, #tpu.memory_space<hbm>>
      tpu.enqueue_indirect_dma source(%dma_start3A_66 : memref<160000x128xf32, #tpu.memory_space<hbm>>) target(%arg10 : memref<128x128xf32, #tpu.memory_space<vmem>>) offsets(%dma_start3A_63 : memref<128xi32, #tpu.memory_space<vmem>>) semaphore(%arg14 : memref<!tpu.dma_semaphore, #tpu.memory_space<semaphore_mem>>)
      %dma_start3A_67 = arith.constant 1 : i32
      %dma_start3A_68 = arith.constant 0 : i32
      %dma_start3A_69 = tpu.memref_slice %arg8[%dma_start3A_67, %dma_start3A_68] : memref<10x128xi32, #tpu.memory_space<vmem>> -> memref<1x128xi32, #tpu.memory_space<vmem>>
      %dma_start3A_70 = tpu.memref_squeeze %dma_start3A_69 : memref<1x128xi32, #tpu.memory_space<vmem>> -> memref<128xi32, #tpu.memory_space<vmem>>
      %dma_start3A_71 = arith.constant 0 : i32
      %dma_start3A_72 = arith.constant 0 : i32
      %dma_start3A_73 = tpu.memref_slice %arg2[%dma_start3A_71, %dma_start3A_72] : memref<160000x128xf32, #tpu.memory_space<hbm>> -> memref<160000x128xf32, #tpu.memory_space<hbm>>
      tpu.enqueue_indirect_dma source(%dma_start3A_73 : memref<160000x128xf32, #tpu.memory_space<hbm>>) target(%arg11 : memref<128x128xf32, #tpu.memory_space<vmem>>) offsets(%dma_start3A_70 : memref<128xi32, #tpu.memory_space<vmem>>) semaphore(%arg15 : memref<!tpu.dma_semaphore, #tpu.memory_space<semaphore_mem>>)
      %dma_wait3A = arith.constant 0 : i32
      %dma_wait3A_74 = arith.constant 0 : i32
      %dma_wait3A_75 = tpu.memref_slice %arg8[%dma_wait3A, %dma_wait3A_74] : memref<10x128xi32, #tpu.memory_space<vmem>> -> memref<1x128xi32, #tpu.memory_space<vmem>>
      %dma_wait3A_76 = tpu.memref_squeeze %dma_wait3A_75 : memref<1x128xi32, #tpu.memory_space<vmem>> -> memref<128xi32, #tpu.memory_space<vmem>>
      %dma_wait3A_77 = arith.constant 0 : i32
      %dma_wait3A_78 = arith.constant 0 : i32
      %dma_wait3A_79 = tpu.memref_slice %arg2[%dma_wait3A_77, %dma_wait3A_78] : memref<160000x128xf32, #tpu.memory_space<hbm>> -> memref<160000x128xf32, #tpu.memory_space<hbm>>
      tpu.wait_indirect_dma semaphore(%arg14 : memref<!tpu.dma_semaphore, #tpu.memory_space<semaphore_mem>>) src(%dma_wait3A_79 : memref<160000x128xf32, #tpu.memory_space<hbm>>) dst(%arg10 : memref<128x128xf32, #tpu.memory_space<vmem>>)
      %dma_start3A_80 = arith.constant 0 : i32
      %dma_start3A_81 = arith.constant 0 : i32
      %dma_start3A_82 = tpu.memref_slice %arg9[%dma_start3A_80, %dma_start3A_81] : memref<10x128xi32, #tpu.memory_space<vmem>> -> memref<1x128xi32, #tpu.memory_space<vmem>>
      %dma_start3A_83 = tpu.memref_squeeze %dma_start3A_82 : memref<1x128xi32, #tpu.memory_space<vmem>> -> memref<128xi32, #tpu.memory_space<vmem>>
      %dma_start3A_84 = arith.constant 0 : i32
      %dma_start3A_85 = arith.constant 0 : i32
      %dma_start3A_86 = tpu.memref_slice %arg13[%dma_start3A_84, %dma_start3A_85] : memref<8008x128xf32, #tpu.memory_space<vmem_shared>> -> memref<8008x128xf32, #tpu.memory_space<vmem_shared>>
      tpu.enqueue_indirect_dma source(%arg10 : memref<128x128xf32, #tpu.memory_space<vmem>>) target(%dma_start3A_86 : memref<8008x128xf32, #tpu.memory_space<vmem_shared>>) offsets(%dma_start3A_83 : memref<128xi32, #tpu.memory_space<vmem>>) semaphore(%arg17 : memref<!tpu.dma_semaphore, #tpu.memory_space<semaphore_mem>>) {add = true}
      %dma_start3A_87 = arith.constant 2 : i32
      %dma_start3A_88 = arith.constant 0 : i32
      %dma_start3A_89 = tpu.memref_slice %arg8[%dma_start3A_87, %dma_start3A_88] : memref<10x128xi32, #tpu.memory_space<vmem>> -> memref<1x128xi32, #tpu.memory_space<vmem>>
      %dma_start3A_90 = tpu.memref_squeeze %dma_start3A_89 : memref<1x128xi32, #tpu.memory_space<vmem>> -> memref<128xi32, #tpu.memory_space<vmem>>
      %dma_start3A_91 = arith.constant 0 : i32
      %dma_start3A_92 = arith.constant 0 : i32
      %dma_start3A_93 = tpu.memref_slice %arg2[%dma_start3A_91, %dma_start3A_92] : memref<160000x128xf32, #tpu.memory_space<hbm>> -> memref<160000x128xf32, #tpu.memory_space<hbm>>
      tpu.enqueue_indirect_dma source(%dma_start3A_93 : memref<160000x128xf32, #tpu.memory_space<hbm>>) target(%arg12 : memref<128x128xf32, #tpu.memory_space<vmem>>) offsets(%dma_start3A_90 : memref<128xi32, #tpu.memory_space<vmem>>) semaphore(%arg16 : memref<!tpu.dma_semaphore, #tpu.memory_space<semaphore_mem>>)
      %dma_wait3A_94 = arith.constant 1 : i32
      %dma_wait3A_95 = arith.constant 0 : i32
      %dma_wait3A_96 = tpu.memref_slice %arg8[%dma_wait3A_94, %dma_wait3A_95] : memref<10x128xi32, #tpu.memory_space<vmem>> -> memref<1x128xi32, #tpu.memory_space<vmem>>
      %dma_wait3A_97 = tpu.memref_squeeze %dma_wait3A_96 : memref<1x128xi32, #tpu.memory_space<vmem>> -> memref<128xi32, #tpu.memory_space<vmem>>
      %dma_wait3A_98 = arith.constant 0 : i32
      %dma_wait3A_99 = arith.constant 0 : i32
      %dma_wait3A_100 = tpu.memref_slice %arg2[%dma_wait3A_98, %dma_wait3A_99] : memref<160000x128xf32, #tpu.memory_space<hbm>> -> memref<160000x128xf32, #tpu.memory_space<hbm>>
      tpu.wait_indirect_dma semaphore(%arg15 : memref<!tpu.dma_semaphore, #tpu.memory_space<semaphore_mem>>) src(%dma_wait3A_100 : memref<160000x128xf32, #tpu.memory_space<hbm>>) dst(%arg11 : memref<128x128xf32, #tpu.memory_space<vmem>>)
      %dma_start3A_101 = arith.constant 1 : i32
      %dma_start3A_102 = arith.constant 0 : i32
      %dma_start3A_103 = tpu.memref_slice %arg9[%dma_start3A_101, %dma_start3A_102] : memref<10x128xi32, #tpu.memory_space<vmem>> -> memref<1x128xi32, #tpu.memory_space<vmem>>
      %dma_start3A_104 = tpu.memref_squeeze %dma_start3A_103 : memref<1x128xi32, #tpu.memory_space<vmem>> -> memref<128xi32, #tpu.memory_space<vmem>>
      %dma_start3A_105 = arith.constant 0 : i32
      %dma_start3A_106 = arith.constant 0 : i32
      %dma_start3A_107 = tpu.memref_slice %arg13[%dma_start3A_105, %dma_start3A_106] : memref<8008x128xf32, #tpu.memory_space<vmem_shared>> -> memref<8008x128xf32, #tpu.memory_space<vmem_shared>>
      tpu.enqueue_indirect_dma source(%arg11 : memref<128x128xf32, #tpu.memory_space<vmem>>) target(%dma_start3A_107 : memref<8008x128xf32, #tpu.memory_space<vmem_shared>>) offsets(%dma_start3A_104 : memref<128xi32, #tpu.memory_space<vmem>>) semaphore(%arg18 : memref<!tpu.dma_semaphore, #tpu.memory_space<semaphore_mem>>) {add = true}
      %dma_wait3A_108 = arith.constant 0 : i32
      %dma_wait3A_109 = arith.constant 0 : i32
      %dma_wait3A_110 = tpu.memref_slice %arg9[%dma_wait3A_108, %dma_wait3A_109] : memref<10x128xi32, #tpu.memory_space<vmem>> -> memref<1x128xi32, #tpu.memory_space<vmem>>
      %dma_wait3A_111 = tpu.memref_squeeze %dma_wait3A_110 : memref<1x128xi32, #tpu.memory_space<vmem>> -> memref<128xi32, #tpu.memory_space<vmem>>
      %dma_wait3A_112 = arith.constant 0 : i32
      %dma_wait3A_113 = arith.constant 0 : i32
      %dma_wait3A_114 = tpu.memref_slice %arg13[%dma_wait3A_112, %dma_wait3A_113] : memref<8008x128xf32, #tpu.memory_space<vmem_shared>> -> memref<8008x128xf32, #tpu.memory_space<vmem_shared>>
      tpu.wait_indirect_dma semaphore(%arg17 : memref<!tpu.dma_semaphore, #tpu.memory_space<semaphore_mem>>) src(%arg10 : memref<128x128xf32, #tpu.memory_space<vmem>>) dst(%dma_wait3A_114 : memref<8008x128xf32, #tpu.memory_space<vmem_shared>>)
      %dma_start3A_115 = arith.constant 3 : i32
      %dma_start3A_116 = arith.constant 0 : i32
      %dma_start3A_117 = tpu.memref_slice %arg8[%dma_start3A_115, %dma_start3A_116] : memref<10x128xi32, #tpu.memory_space<vmem>> -> memref<1x128xi32, #tpu.memory_space<vmem>>
      %dma_start3A_118 = tpu.memref_squeeze %dma_start3A_117 : memref<1x128xi32, #tpu.memory_space<vmem>> -> memref<128xi32, #tpu.memory_space<vmem>>
      %dma_start3A_119 = arith.constant 0 : i32
      %dma_start3A_120 = arith.constant 0 : i32
      %dma_start3A_121 = tpu.memref_slice %arg2[%dma_start3A_119, %dma_start3A_120] : memref<160000x128xf32, #tpu.memory_space<hbm>> -> memref<160000x128xf32, #tpu.memory_space<hbm>>
      tpu.enqueue_indirect_dma source(%dma_start3A_121 : memref<160000x128xf32, #tpu.memory_space<hbm>>) target(%arg10 : memref<128x128xf32, #tpu.memory_space<vmem>>) offsets(%dma_start3A_118 : memref<128xi32, #tpu.memory_space<vmem>>) semaphore(%arg14 : memref<!tpu.dma_semaphore, #tpu.memory_space<semaphore_mem>>)
      %dma_wait3A_122 = arith.constant 2 : i32
      %dma_wait3A_123 = arith.constant 0 : i32
      %dma_wait3A_124 = tpu.memref_slice %arg8[%dma_wait3A_122, %dma_wait3A_123] : memref<10x128xi32, #tpu.memory_space<vmem>> -> memref<1x128xi32, #tpu.memory_space<vmem>>
      %dma_wait3A_125 = tpu.memref_squeeze %dma_wait3A_124 : memref<1x128xi32, #tpu.memory_space<vmem>> -> memref<128xi32, #tpu.memory_space<vmem>>
      %dma_wait3A_126 = arith.constant 0 : i32
      %dma_wait3A_127 = arith.constant 0 : i32
      %dma_wait3A_128 = tpu.memref_slice %arg2[%dma_wait3A_126, %dma_wait3A_127] : memref<160000x128xf32, #tpu.memory_space<hbm>> -> memref<160000x128xf32, #tpu.memory_space<hbm>>
      tpu.wait_indirect_dma semaphore(%arg16 : memref<!tpu.dma_semaphore, #tpu.memory_space<semaphore_mem>>) src(%dma_wait3A_128 : memref<160000x128xf32, #tpu.memory_space<hbm>>) dst(%arg12 : memref<128x128xf32, #tpu.memory_space<vmem>>)
      %dma_start3A_129 = arith.constant 2 : i32
      %dma_start3A_130 = arith.constant 0 : i32
      %dma_start3A_131 = tpu.memref_slice %arg9[%dma_start3A_129, %dma_start3A_130] : memref<10x128xi32, #tpu.memory_space<vmem>> -> memref<1x128xi32, #tpu.memory_space<vmem>>
      %dma_start3A_132 = tpu.memref_squeeze %dma_start3A_131 : memref<1x128xi32, #tpu.memory_space<vmem>> -> memref<128xi32, #tpu.memory_space<vmem>>
      %dma_start3A_133 = arith.constant 0 : i32
      %dma_start3A_134 = arith.constant 0 : i32
      %dma_start3A_135 = tpu.memref_slice %arg13[%dma_start3A_133, %dma_start3A_134] : memref<8008x128xf32, #tpu.memory_space<vmem_shared>> -> memref<8008x128xf32, #tpu.memory_space<vmem_shared>>
      tpu.enqueue_indirect_dma source(%arg12 : memref<128x128xf32, #tpu.memory_space<vmem>>) target(%dma_start3A_135 : memref<8008x128xf32, #tpu.memory_space<vmem_shared>>) offsets(%dma_start3A_132 : memref<128xi32, #tpu.memory_space<vmem>>) semaphore(%arg19 : memref<!tpu.dma_semaphore, #tpu.memory_space<semaphore_mem>>) {add = true}
      %dma_wait3A_136 = arith.constant 1 : i32
      %dma_wait3A_137 = arith.constant 0 : i32
      %dma_wait3A_138 = tpu.memref_slice %arg9[%dma_wait3A_136, %dma_wait3A_137] : memref<10x128xi32, #tpu.memory_space<vmem>> -> memref<1x128xi32, #tpu.memory_space<vmem>>
      %dma_wait3A_139 = tpu.memref_squeeze %dma_wait3A_138 : memref<1x128xi32, #tpu.memory_space<vmem>> -> memref<128xi32, #tpu.memory_space<vmem>>
      %dma_wait3A_140 = arith.constant 0 : i32
      %dma_wait3A_141 = arith.constant 0 : i32
      %dma_wait3A_142 = tpu.memref_slice %arg13[%dma_wait3A_140, %dma_wait3A_141] : memref<8008x128xf32, #tpu.memory_space<vmem_shared>> -> memref<8008x128xf32, #tpu.memory_space<vmem_shared>>
      tpu.wait_indirect_dma semaphore(%arg18 : memref<!tpu.dma_semaphore, #tpu.memory_space<semaphore_mem>>) src(%arg11 : memref<128x128xf32, #tpu.memory_space<vmem>>) dst(%dma_wait3A_142 : memref<8008x128xf32, #tpu.memory_space<vmem_shared>>)
      %dma_start3A_143 = arith.constant 4 : i32
      %dma_start3A_144 = arith.constant 0 : i32
      %dma_start3A_145 = tpu.memref_slice %arg8[%dma_start3A_143, %dma_start3A_144] : memref<10x128xi32, #tpu.memory_space<vmem>> -> memref<1x128xi32, #tpu.memory_space<vmem>>
      %dma_start3A_146 = tpu.memref_squeeze %dma_start3A_145 : memref<1x128xi32, #tpu.memory_space<vmem>> -> memref<128xi32, #tpu.memory_space<vmem>>
      %dma_start3A_147 = arith.constant 0 : i32
      %dma_start3A_148 = arith.constant 0 : i32
      %dma_start3A_149 = tpu.memref_slice %arg2[%dma_start3A_147, %dma_start3A_148] : memref<160000x128xf32, #tpu.memory_space<hbm>> -> memref<160000x128xf32, #tpu.memory_space<hbm>>
      tpu.enqueue_indirect_dma source(%dma_start3A_149 : memref<160000x128xf32, #tpu.memory_space<hbm>>) target(%arg11 : memref<128x128xf32, #tpu.memory_space<vmem>>) offsets(%dma_start3A_146 : memref<128xi32, #tpu.memory_space<vmem>>) semaphore(%arg15 : memref<!tpu.dma_semaphore, #tpu.memory_space<semaphore_mem>>)
      %dma_wait3A_150 = arith.constant 3 : i32
      %dma_wait3A_151 = arith.constant 0 : i32
      %dma_wait3A_152 = tpu.memref_slice %arg8[%dma_wait3A_150, %dma_wait3A_151] : memref<10x128xi32, #tpu.memory_space<vmem>> -> memref<1x128xi32, #tpu.memory_space<vmem>>
      %dma_wait3A_153 = tpu.memref_squeeze %dma_wait3A_152 : memref<1x128xi32, #tpu.memory_space<vmem>> -> memref<128xi32, #tpu.memory_space<vmem>>
      %dma_wait3A_154 = arith.constant 0 : i32
      %dma_wait3A_155 = arith.constant 0 : i32
      %dma_wait3A_156 = tpu.memref_slice %arg2[%dma_wait3A_154, %dma_wait3A_155] : memref<160000x128xf32, #tpu.memory_space<hbm>> -> memref<160000x128xf32, #tpu.memory_space<hbm>>
      tpu.wait_indirect_dma semaphore(%arg14 : memref<!tpu.dma_semaphore, #tpu.memory_space<semaphore_mem>>) src(%dma_wait3A_156 : memref<160000x128xf32, #tpu.memory_space<hbm>>) dst(%arg10 : memref<128x128xf32, #tpu.memory_space<vmem>>)
      %dma_start3A_157 = arith.constant 3 : i32
      %dma_start3A_158 = arith.constant 0 : i32
      %dma_start3A_159 = tpu.memref_slice %arg9[%dma_start3A_157, %dma_start3A_158] : memref<10x128xi32, #tpu.memory_space<vmem>> -> memref<1x128xi32, #tpu.memory_space<vmem>>
      %dma_start3A_160 = tpu.memref_squeeze %dma_start3A_159 : memref<1x128xi32, #tpu.memory_space<vmem>> -> memref<128xi32, #tpu.memory_space<vmem>>
      %dma_start3A_161 = arith.constant 0 : i32
      %dma_start3A_162 = arith.constant 0 : i32
      %dma_start3A_163 = tpu.memref_slice %arg13[%dma_start3A_161, %dma_start3A_162] : memref<8008x128xf32, #tpu.memory_space<vmem_shared>> -> memref<8008x128xf32, #tpu.memory_space<vmem_shared>>
      tpu.enqueue_indirect_dma source(%arg10 : memref<128x128xf32, #tpu.memory_space<vmem>>) target(%dma_start3A_163 : memref<8008x128xf32, #tpu.memory_space<vmem_shared>>) offsets(%dma_start3A_160 : memref<128xi32, #tpu.memory_space<vmem>>) semaphore(%arg17 : memref<!tpu.dma_semaphore, #tpu.memory_space<semaphore_mem>>) {add = true}
      %dma_wait3A_164 = arith.constant 2 : i32
      %dma_wait3A_165 = arith.constant 0 : i32
      %dma_wait3A_166 = tpu.memref_slice %arg9[%dma_wait3A_164, %dma_wait3A_165] : memref<10x128xi32, #tpu.memory_space<vmem>> -> memref<1x128xi32, #tpu.memory_space<vmem>>
      %dma_wait3A_167 = tpu.memref_squeeze %dma_wait3A_166 : memref<1x128xi32, #tpu.memory_space<vmem>> -> memref<128xi32, #tpu.memory_space<vmem>>
      %dma_wait3A_168 = arith.constant 0 : i32
      %dma_wait3A_169 = arith.constant 0 : i32
      %dma_wait3A_170 = tpu.memref_slice %arg13[%dma_wait3A_168, %dma_wait3A_169] : memref<8008x128xf32, #tpu.memory_space<vmem_shared>> -> memref<8008x128xf32, #tpu.memory_space<vmem_shared>>
      tpu.wait_indirect_dma semaphore(%arg19 : memref<!tpu.dma_semaphore, #tpu.memory_space<semaphore_mem>>) src(%arg12 : memref<128x128xf32, #tpu.memory_space<vmem>>) dst(%dma_wait3A_170 : memref<8008x128xf32, #tpu.memory_space<vmem_shared>>)
      %dma_start3A_171 = arith.constant 5 : i32
      %dma_start3A_172 = arith.constant 0 : i32
      %dma_start3A_173 = tpu.memref_slice %arg8[%dma_start3A_171, %dma_start3A_172] : memref<10x128xi32, #tpu.memory_space<vmem>> -> memref<1x128xi32, #tpu.memory_space<vmem>>
      %dma_start3A_174 = tpu.memref_squeeze %dma_start3A_173 : memref<1x128xi32, #tpu.memory_space<vmem>> -> memref<128xi32, #tpu.memory_space<vmem>>
      %dma_start3A_175 = arith.constant 0 : i32
      %dma_start3A_176 = arith.constant 0 : i32
      %dma_start3A_177 = tpu.memref_slice %arg2[%dma_start3A_175, %dma_start3A_176] : memref<160000x128xf32, #tpu.memory_space<hbm>> -> memref<160000x128xf32, #tpu.memory_space<hbm>>
      tpu.enqueue_indirect_dma source(%dma_start3A_177 : memref<160000x128xf32, #tpu.memory_space<hbm>>) target(%arg12 : memref<128x128xf32, #tpu.memory_space<vmem>>) offsets(%dma_start3A_174 : memref<128xi32, #tpu.memory_space<vmem>>) semaphore(%arg16 : memref<!tpu.dma_semaphore, #tpu.memory_space<semaphore_mem>>)
      %dma_wait3A_178 = arith.constant 4 : i32
      %dma_wait3A_179 = arith.constant 0 : i32
      %dma_wait3A_180 = tpu.memref_slice %arg8[%dma_wait3A_178, %dma_wait3A_179] : memref<10x128xi32, #tpu.memory_space<vmem>> -> memref<1x128xi32, #tpu.memory_space<vmem>>
      %dma_wait3A_181 = tpu.memref_squeeze %dma_wait3A_180 : memref<1x128xi32, #tpu.memory_space<vmem>> -> memref<128xi32, #tpu.memory_space<vmem>>
      %dma_wait3A_182 = arith.constant 0 : i32
      %dma_wait3A_183 = arith.constant 0 : i32
      %dma_wait3A_184 = tpu.memref_slice %arg2[%dma_wait3A_182, %dma_wait3A_183] : memref<160000x128xf32, #tpu.memory_space<hbm>> -> memref<160000x128xf32, #tpu.memory_space<hbm>>
      tpu.wait_indirect_dma semaphore(%arg15 : memref<!tpu.dma_semaphore, #tpu.memory_space<semaphore_mem>>) src(%dma_wait3A_184 : memref<160000x128xf32, #tpu.memory_space<hbm>>) dst(%arg11 : memref<128x128xf32, #tpu.memory_space<vmem>>)
      %dma_start3A_185 = arith.constant 4 : i32
      %dma_start3A_186 = arith.constant 0 : i32
      %dma_start3A_187 = tpu.memref_slice %arg9[%dma_start3A_185, %dma_start3A_186] : memref<10x128xi32, #tpu.memory_space<vmem>> -> memref<1x128xi32, #tpu.memory_space<vmem>>
      %dma_start3A_188 = tpu.memref_squeeze %dma_start3A_187 : memref<1x128xi32, #tpu.memory_space<vmem>> -> memref<128xi32, #tpu.memory_space<vmem>>
      %dma_start3A_189 = arith.constant 0 : i32
      %dma_start3A_190 = arith.constant 0 : i32
      %dma_start3A_191 = tpu.memref_slice %arg13[%dma_start3A_189, %dma_start3A_190] : memref<8008x128xf32, #tpu.memory_space<vmem_shared>> -> memref<8008x128xf32, #tpu.memory_space<vmem_shared>>
      tpu.enqueue_indirect_dma source(%arg11 : memref<128x128xf32, #tpu.memory_space<vmem>>) target(%dma_start3A_191 : memref<8008x128xf32, #tpu.memory_space<vmem_shared>>) offsets(%dma_start3A_188 : memref<128xi32, #tpu.memory_space<vmem>>) semaphore(%arg18 : memref<!tpu.dma_semaphore, #tpu.memory_space<semaphore_mem>>) {add = true}
      %dma_wait3A_192 = arith.constant 3 : i32
      %dma_wait3A_193 = arith.constant 0 : i32
      %dma_wait3A_194 = tpu.memref_slice %arg9[%dma_wait3A_192, %dma_wait3A_193] : memref<10x128xi32, #tpu.memory_space<vmem>> -> memref<1x128xi32, #tpu.memory_space<vmem>>
      %dma_wait3A_195 = tpu.memref_squeeze %dma_wait3A_194 : memref<1x128xi32, #tpu.memory_space<vmem>> -> memref<128xi32, #tpu.memory_space<vmem>>
      %dma_wait3A_196 = arith.constant 0 : i32
      %dma_wait3A_197 = arith.constant 0 : i32
      %dma_wait3A_198 = tpu.memref_slice %arg13[%dma_wait3A_196, %dma_wait3A_197] : memref<8008x128xf32, #tpu.memory_space<vmem_shared>> -> memref<8008x128xf32, #tpu.memory_space<vmem_shared>>
      tpu.wait_indirect_dma semaphore(%arg17 : memref<!tpu.dma_semaphore, #tpu.memory_space<semaphore_mem>>) src(%arg10 : memref<128x128xf32, #tpu.memory_space<vmem>>) dst(%dma_wait3A_198 : memref<8008x128xf32, #tpu.memory_space<vmem_shared>>)
      %dma_start3A_199 = arith.constant 6 : i32
      %dma_start3A_200 = arith.constant 0 : i32
      %dma_start3A_201 = tpu.memref_slice %arg8[%dma_start3A_199, %dma_start3A_200] : memref<10x128xi32, #tpu.memory_space<vmem>> -> memref<1x128xi32, #tpu.memory_space<vmem>>
      %dma_start3A_202 = tpu.memref_squeeze %dma_start3A_201 : memref<1x128xi32, #tpu.memory_space<vmem>> -> memref<128xi32, #tpu.memory_space<vmem>>
      %dma_start3A_203 = arith.constant 0 : i32
      %dma_start3A_204 = arith.constant 0 : i32
      %dma_start3A_205 = tpu.memref_slice %arg2[%dma_start3A_203, %dma_start3A_204] : memref<160000x128xf32, #tpu.memory_space<hbm>> -> memref<160000x128xf32, #tpu.memory_space<hbm>>
      tpu.enqueue_indirect_dma source(%dma_start3A_205 : memref<160000x128xf32, #tpu.memory_space<hbm>>) target(%arg10 : memref<128x128xf32, #tpu.memory_space<vmem>>) offsets(%dma_start3A_202 : memref<128xi32, #tpu.memory_space<vmem>>) semaphore(%arg14 : memref<!tpu.dma_semaphore, #tpu.memory_space<semaphore_mem>>)
      %dma_wait3A_206 = arith.constant 5 : i32
      %dma_wait3A_207 = arith.constant 0 : i32
      %dma_wait3A_208 = tpu.memref_slice %arg8[%dma_wait3A_206, %dma_wait3A_207] : memref<10x128xi32, #tpu.memory_space<vmem>> -> memref<1x128xi32, #tpu.memory_space<vmem>>
      %dma_wait3A_209 = tpu.memref_squeeze %dma_wait3A_208 : memref<1x128xi32, #tpu.memory_space<vmem>> -> memref<128xi32, #tpu.memory_space<vmem>>
      %dma_wait3A_210 = arith.constant 0 : i32
      %dma_wait3A_211 = arith.constant 0 : i32
      %dma_wait3A_212 = tpu.memref_slice %arg2[%dma_wait3A_210, %dma_wait3A_211] : memref<160000x128xf32, #tpu.memory_space<hbm>> -> memref<160000x128xf32, #tpu.memory_space<hbm>>
      tpu.wait_indirect_dma semaphore(%arg16 : memref<!tpu.dma_semaphore, #tpu.memory_space<semaphore_mem>>) src(%dma_wait3A_212 : memref<160000x128xf32, #tpu.memory_space<hbm>>) dst(%arg12 : memref<128x128xf32, #tpu.memory_space<vmem>>)
      %dma_start3A_213 = arith.constant 5 : i32
      %dma_start3A_214 = arith.constant 0 : i32
      %dma_start3A_215 = tpu.memref_slice %arg9[%dma_start3A_213, %dma_start3A_214] : memref<10x128xi32, #tpu.memory_space<vmem>> -> memref<1x128xi32, #tpu.memory_space<vmem>>
      %dma_start3A_216 = tpu.memref_squeeze %dma_start3A_215 : memref<1x128xi32, #tpu.memory_space<vmem>> -> memref<128xi32, #tpu.memory_space<vmem>>
      %dma_start3A_217 = arith.constant 0 : i32
      %dma_start3A_218 = arith.constant 0 : i32
      %dma_start3A_219 = tpu.memref_slice %arg13[%dma_start3A_217, %dma_start3A_218] : memref<8008x128xf32, #tpu.memory_space<vmem_shared>> -> memref<8008x128xf32, #tpu.memory_space<vmem_shared>>
      tpu.enqueue_indirect_dma source(%arg12 : memref<128x128xf32, #tpu.memory_space<vmem>>) target(%dma_start3A_219 : memref<8008x128xf32, #tpu.memory_space<vmem_shared>>) offsets(%dma_start3A_216 : memref<128xi32, #tpu.memory_space<vmem>>) semaphore(%arg19 : memref<!tpu.dma_semaphore, #tpu.memory_space<semaphore_mem>>) {add = true}
      %dma_wait3A_220 = arith.constant 4 : i32
      %dma_wait3A_221 = arith.constant 0 : i32
      %dma_wait3A_222 = tpu.memref_slice %arg9[%dma_wait3A_220, %dma_wait3A_221] : memref<10x128xi32, #tpu.memory_space<vmem>> -> memref<1x128xi32, #tpu.memory_space<vmem>>
      %dma_wait3A_223 = tpu.memref_squeeze %dma_wait3A_222 : memref<1x128xi32, #tpu.memory_space<vmem>> -> memref<128xi32, #tpu.memory_space<vmem>>
      %dma_wait3A_224 = arith.constant 0 : i32
      %dma_wait3A_225 = arith.constant 0 : i32
      %dma_wait3A_226 = tpu.memref_slice %arg13[%dma_wait3A_224, %dma_wait3A_225] : memref<8008x128xf32, #tpu.memory_space<vmem_shared>> -> memref<8008x128xf32, #tpu.memory_space<vmem_shared>>
      tpu.wait_indirect_dma semaphore(%arg18 : memref<!tpu.dma_semaphore, #tpu.memory_space<semaphore_mem>>) src(%arg11 : memref<128x128xf32, #tpu.memory_space<vmem>>) dst(%dma_wait3A_226 : memref<8008x128xf32, #tpu.memory_space<vmem_shared>>)
      %dma_start3A_227 = arith.constant 7 : i32
      %dma_start3A_228 = arith.constant 0 : i32
      %dma_start3A_229 = tpu.memref_slice %arg8[%dma_start3A_227, %dma_start3A_228] : memref<10x128xi32, #tpu.memory_space<vmem>> -> memref<1x128xi32, #tpu.memory_space<vmem>>
      %dma_start3A_230 = tpu.memref_squeeze %dma_start3A_229 : memref<1x128xi32, #tpu.memory_space<vmem>> -> memref<128xi32, #tpu.memory_space<vmem>>
      %dma_start3A_231 = arith.constant 0 : i32
      %dma_start3A_232 = arith.constant 0 : i32
      %dma_start3A_233 = tpu.memref_slice %arg2[%dma_start3A_231, %dma_start3A_232] : memref<160000x128xf32, #tpu.memory_space<hbm>> -> memref<160000x128xf32, #tpu.memory_space<hbm>>
      tpu.enqueue_indirect_dma source(%dma_start3A_233 : memref<160000x128xf32, #tpu.memory_space<hbm>>) target(%arg11 : memref<128x128xf32, #tpu.memory_space<vmem>>) offsets(%dma_start3A_230 : memref<128xi32, #tpu.memory_space<vmem>>) semaphore(%arg15 : memref<!tpu.dma_semaphore, #tpu.memory_space<semaphore_mem>>)
      %dma_wait3A_234 = arith.constant 6 : i32
      %dma_wait3A_235 = arith.constant 0 : i32
      %dma_wait3A_236 = tpu.memref_slice %arg8[%dma_wait3A_234, %dma_wait3A_235] : memref<10x128xi32, #tpu.memory_space<vmem>> -> memref<1x128xi32, #tpu.memory_space<vmem>>
      %dma_wait3A_237 = tpu.memref_squeeze %dma_wait3A_236 : memref<1x128xi32, #tpu.memory_space<vmem>> -> memref<128xi32, #tpu.memory_space<vmem>>
      %dma_wait3A_238 = arith.constant 0 : i32
      %dma_wait3A_239 = arith.constant 0 : i32
      %dma_wait3A_240 = tpu.memref_slice %arg2[%dma_wait3A_238, %dma_wait3A_239] : memref<160000x128xf32, #tpu.memory_space<hbm>> -> memref<160000x128xf32, #tpu.memory_space<hbm>>
      tpu.wait_indirect_dma semaphore(%arg14 : memref<!tpu.dma_semaphore, #tpu.memory_space<semaphore_mem>>) src(%dma_wait3A_240 : memref<160000x128xf32, #tpu.memory_space<hbm>>) dst(%arg10 : memref<128x128xf32, #tpu.memory_space<vmem>>)
      %dma_start3A_241 = arith.constant 6 : i32
      %dma_start3A_242 = arith.constant 0 : i32
      %dma_start3A_243 = tpu.memref_slice %arg9[%dma_start3A_241, %dma_start3A_242] : memref<10x128xi32, #tpu.memory_space<vmem>> -> memref<1x128xi32, #tpu.memory_space<vmem>>
      %dma_start3A_244 = tpu.memref_squeeze %dma_start3A_243 : memref<1x128xi32, #tpu.memory_space<vmem>> -> memref<128xi32, #tpu.memory_space<vmem>>
      %dma_start3A_245 = arith.constant 0 : i32
      %dma_start3A_246 = arith.constant 0 : i32
      %dma_start3A_247 = tpu.memref_slice %arg13[%dma_start3A_245, %dma_start3A_246] : memref<8008x128xf32, #tpu.memory_space<vmem_shared>> -> memref<8008x128xf32, #tpu.memory_space<vmem_shared>>
      tpu.enqueue_indirect_dma source(%arg10 : memref<128x128xf32, #tpu.memory_space<vmem>>) target(%dma_start3A_247 : memref<8008x128xf32, #tpu.memory_space<vmem_shared>>) offsets(%dma_start3A_244 : memref<128xi32, #tpu.memory_space<vmem>>) semaphore(%arg17 : memref<!tpu.dma_semaphore, #tpu.memory_space<semaphore_mem>>) {add = true}
      %dma_wait3A_248 = arith.constant 5 : i32
      %dma_wait3A_249 = arith.constant 0 : i32
      %dma_wait3A_250 = tpu.memref_slice %arg9[%dma_wait3A_248, %dma_wait3A_249] : memref<10x128xi32, #tpu.memory_space<vmem>> -> memref<1x128xi32, #tpu.memory_space<vmem>>
      %dma_wait3A_251 = tpu.memref_squeeze %dma_wait3A_250 : memref<1x128xi32, #tpu.memory_space<vmem>> -> memref<128xi32, #tpu.memory_space<vmem>>
      %dma_wait3A_252 = arith.constant 0 : i32
      %dma_wait3A_253 = arith.constant 0 : i32
      %dma_wait3A_254 = tpu.memref_slice %arg13[%dma_wait3A_252, %dma_wait3A_253] : memref<8008x128xf32, #tpu.memory_space<vmem_shared>> -> memref<8008x128xf32, #tpu.memory_space<vmem_shared>>
      tpu.wait_indirect_dma semaphore(%arg19 : memref<!tpu.dma_semaphore, #tpu.memory_space<semaphore_mem>>) src(%arg12 : memref<128x128xf32, #tpu.memory_space<vmem>>) dst(%dma_wait3A_254 : memref<8008x128xf32, #tpu.memory_space<vmem_shared>>)
      %dma_start3A_255 = arith.constant 8 : i32
      %dma_start3A_256 = arith.constant 0 : i32
      %dma_start3A_257 = tpu.memref_slice %arg8[%dma_start3A_255, %dma_start3A_256] : memref<10x128xi32, #tpu.memory_space<vmem>> -> memref<1x128xi32, #tpu.memory_space<vmem>>
      %dma_start3A_258 = tpu.memref_squeeze %dma_start3A_257 : memref<1x128xi32, #tpu.memory_space<vmem>> -> memref<128xi32, #tpu.memory_space<vmem>>
      %dma_start3A_259 = arith.constant 0 : i32
      %dma_start3A_260 = arith.constant 0 : i32
      %dma_start3A_261 = tpu.memref_slice %arg2[%dma_start3A_259, %dma_start3A_260] : memref<160000x128xf32, #tpu.memory_space<hbm>> -> memref<160000x128xf32, #tpu.memory_space<hbm>>
      tpu.enqueue_indirect_dma source(%dma_start3A_261 : memref<160000x128xf32, #tpu.memory_space<hbm>>) target(%arg12 : memref<128x128xf32, #tpu.memory_space<vmem>>) offsets(%dma_start3A_258 : memref<128xi32, #tpu.memory_space<vmem>>) semaphore(%arg16 : memref<!tpu.dma_semaphore, #tpu.memory_space<semaphore_mem>>)
      %dma_wait3A_262 = arith.constant 7 : i32
      %dma_wait3A_263 = arith.constant 0 : i32
      %dma_wait3A_264 = tpu.memref_slice %arg8[%dma_wait3A_262, %dma_wait3A_263] : memref<10x128xi32, #tpu.memory_space<vmem>> -> memref<1x128xi32, #tpu.memory_space<vmem>>
      %dma_wait3A_265 = tpu.memref_squeeze %dma_wait3A_264 : memref<1x128xi32, #tpu.memory_space<vmem>> -> memref<128xi32, #tpu.memory_space<vmem>>
      %dma_wait3A_266 = arith.constant 0 : i32
      %dma_wait3A_267 = arith.constant 0 : i32
      %dma_wait3A_268 = tpu.memref_slice %arg2[%dma_wait3A_266, %dma_wait3A_267] : memref<160000x128xf32, #tpu.memory_space<hbm>> -> memref<160000x128xf32, #tpu.memory_space<hbm>>
      tpu.wait_indirect_dma semaphore(%arg15 : memref<!tpu.dma_semaphore, #tpu.memory_space<semaphore_mem>>) src(%dma_wait3A_268 : memref<160000x128xf32, #tpu.memory_space<hbm>>) dst(%arg11 : memref<128x128xf32, #tpu.memory_space<vmem>>)
      %dma_start3A_269 = arith.constant 7 : i32
      %dma_start3A_270 = arith.constant 0 : i32
      %dma_start3A_271 = tpu.memref_slice %arg9[%dma_start3A_269, %dma_start3A_270] : memref<10x128xi32, #tpu.memory_space<vmem>> -> memref<1x128xi32, #tpu.memory_space<vmem>>
      %dma_start3A_272 = tpu.memref_squeeze %dma_start3A_271 : memref<1x128xi32, #tpu.memory_space<vmem>> -> memref<128xi32, #tpu.memory_space<vmem>>
      %dma_start3A_273 = arith.constant 0 : i32
      %dma_start3A_274 = arith.constant 0 : i32
      %dma_start3A_275 = tpu.memref_slice %arg13[%dma_start3A_273, %dma_start3A_274] : memref<8008x128xf32, #tpu.memory_space<vmem_shared>> -> memref<8008x128xf32, #tpu.memory_space<vmem_shared>>
      tpu.enqueue_indirect_dma source(%arg11 : memref<128x128xf32, #tpu.memory_space<vmem>>) target(%dma_start3A_275 : memref<8008x128xf32, #tpu.memory_space<vmem_shared>>) offsets(%dma_start3A_272 : memref<128xi32, #tpu.memory_space<vmem>>) semaphore(%arg18 : memref<!tpu.dma_semaphore, #tpu.memory_space<semaphore_mem>>) {add = true}
      %dma_wait3A_276 = arith.constant 6 : i32
      %dma_wait3A_277 = arith.constant 0 : i32
      %dma_wait3A_278 = tpu.memref_slice %arg9[%dma_wait3A_276, %dma_wait3A_277] : memref<10x128xi32, #tpu.memory_space<vmem>> -> memref<1x128xi32, #tpu.memory_space<vmem>>
      %dma_wait3A_279 = tpu.memref_squeeze %dma_wait3A_278 : memref<1x128xi32, #tpu.memory_space<vmem>> -> memref<128xi32, #tpu.memory_space<vmem>>
      %dma_wait3A_280 = arith.constant 0 : i32
      %dma_wait3A_281 = arith.constant 0 : i32
      %dma_wait3A_282 = tpu.memref_slice %arg13[%dma_wait3A_280, %dma_wait3A_281] : memref<8008x128xf32, #tpu.memory_space<vmem_shared>> -> memref<8008x128xf32, #tpu.memory_space<vmem_shared>>
      tpu.wait_indirect_dma semaphore(%arg17 : memref<!tpu.dma_semaphore, #tpu.memory_space<semaphore_mem>>) src(%arg10 : memref<128x128xf32, #tpu.memory_space<vmem>>) dst(%dma_wait3A_282 : memref<8008x128xf32, #tpu.memory_space<vmem_shared>>)
      %dma_start3A_283 = arith.constant 9 : i32
      %dma_start3A_284 = arith.constant 0 : i32
      %dma_start3A_285 = tpu.memref_slice %arg8[%dma_start3A_283, %dma_start3A_284] : memref<10x128xi32, #tpu.memory_space<vmem>> -> memref<1x128xi32, #tpu.memory_space<vmem>>
      %dma_start3A_286 = tpu.memref_squeeze %dma_start3A_285 : memref<1x128xi32, #tpu.memory_space<vmem>> -> memref<128xi32, #tpu.memory_space<vmem>>
      %dma_start3A_287 = arith.constant 0 : i32
      %dma_start3A_288 = arith.constant 0 : i32
      %dma_start3A_289 = tpu.memref_slice %arg2[%dma_start3A_287, %dma_start3A_288] : memref<160000x128xf32, #tpu.memory_space<hbm>> -> memref<160000x128xf32, #tpu.memory_space<hbm>>
      tpu.enqueue_indirect_dma source(%dma_start3A_289 : memref<160000x128xf32, #tpu.memory_space<hbm>>) target(%arg10 : memref<128x128xf32, #tpu.memory_space<vmem>>) offsets(%dma_start3A_286 : memref<128xi32, #tpu.memory_space<vmem>>) semaphore(%arg14 : memref<!tpu.dma_semaphore, #tpu.memory_space<semaphore_mem>>)
      %dma_wait3A_290 = arith.constant 8 : i32
      %dma_wait3A_291 = arith.constant 0 : i32
      %dma_wait3A_292 = tpu.memref_slice %arg8[%dma_wait3A_290, %dma_wait3A_291] : memref<10x128xi32, #tpu.memory_space<vmem>> -> memref<1x128xi32, #tpu.memory_space<vmem>>
      %dma_wait3A_293 = tpu.memref_squeeze %dma_wait3A_292 : memref<1x128xi32, #tpu.memory_space<vmem>> -> memref<128xi32, #tpu.memory_space<vmem>>
      %dma_wait3A_294 = arith.constant 0 : i32
      %dma_wait3A_295 = arith.constant 0 : i32
      %dma_wait3A_296 = tpu.memref_slice %arg2[%dma_wait3A_294, %dma_wait3A_295] : memref<160000x128xf32, #tpu.memory_space<hbm>> -> memref<160000x128xf32, #tpu.memory_space<hbm>>
      tpu.wait_indirect_dma semaphore(%arg16 : memref<!tpu.dma_semaphore, #tpu.memory_space<semaphore_mem>>) src(%dma_wait3A_296 : memref<160000x128xf32, #tpu.memory_space<hbm>>) dst(%arg12 : memref<128x128xf32, #tpu.memory_space<vmem>>)
      %dma_start3A_297 = arith.constant 8 : i32
      %dma_start3A_298 = arith.constant 0 : i32
      %dma_start3A_299 = tpu.memref_slice %arg9[%dma_start3A_297, %dma_start3A_298] : memref<10x128xi32, #tpu.memory_space<vmem>> -> memref<1x128xi32, #tpu.memory_space<vmem>>
      %dma_start3A_300 = tpu.memref_squeeze %dma_start3A_299 : memref<1x128xi32, #tpu.memory_space<vmem>> -> memref<128xi32, #tpu.memory_space<vmem>>
      %dma_start3A_301 = arith.constant 0 : i32
      %dma_start3A_302 = arith.constant 0 : i32
      %dma_start3A_303 = tpu.memref_slice %arg13[%dma_start3A_301, %dma_start3A_302] : memref<8008x128xf32, #tpu.memory_space<vmem_shared>> -> memref<8008x128xf32, #tpu.memory_space<vmem_shared>>
      tpu.enqueue_indirect_dma source(%arg12 : memref<128x128xf32, #tpu.memory_space<vmem>>) target(%dma_start3A_303 : memref<8008x128xf32, #tpu.memory_space<vmem_shared>>) offsets(%dma_start3A_300 : memref<128xi32, #tpu.memory_space<vmem>>) semaphore(%arg19 : memref<!tpu.dma_semaphore, #tpu.memory_space<semaphore_mem>>) {add = true}
      %dma_wait3A_304 = arith.constant 9 : i32
      %dma_wait3A_305 = arith.constant 0 : i32
      %dma_wait3A_306 = tpu.memref_slice %arg8[%dma_wait3A_304, %dma_wait3A_305] : memref<10x128xi32, #tpu.memory_space<vmem>> -> memref<1x128xi32, #tpu.memory_space<vmem>>
      %dma_wait3A_307 = tpu.memref_squeeze %dma_wait3A_306 : memref<1x128xi32, #tpu.memory_space<vmem>> -> memref<128xi32, #tpu.memory_space<vmem>>
      %dma_wait3A_308 = arith.constant 0 : i32
      %dma_wait3A_309 = arith.constant 0 : i32
      %dma_wait3A_310 = tpu.memref_slice %arg2[%dma_wait3A_308, %dma_wait3A_309] : memref<160000x128xf32, #tpu.memory_space<hbm>> -> memref<160000x128xf32, #tpu.memory_space<hbm>>
      tpu.wait_indirect_dma semaphore(%arg14 : memref<!tpu.dma_semaphore, #tpu.memory_space<semaphore_mem>>) src(%dma_wait3A_310 : memref<160000x128xf32, #tpu.memory_space<hbm>>) dst(%arg10 : memref<128x128xf32, #tpu.memory_space<vmem>>)
      %dma_start3A_311 = arith.constant 9 : i32
      %dma_start3A_312 = arith.constant 0 : i32
      %dma_start3A_313 = tpu.memref_slice %arg9[%dma_start3A_311, %dma_start3A_312] : memref<10x128xi32, #tpu.memory_space<vmem>> -> memref<1x128xi32, #tpu.memory_space<vmem>>
      %dma_start3A_314 = tpu.memref_squeeze %dma_start3A_313 : memref<1x128xi32, #tpu.memory_space<vmem>> -> memref<128xi32, #tpu.memory_space<vmem>>
      %dma_start3A_315 = arith.constant 0 : i32
      %dma_start3A_316 = arith.constant 0 : i32
      %dma_start3A_317 = tpu.memref_slice %arg13[%dma_start3A_315, %dma_start3A_316] : memref<8008x128xf32, #tpu.memory_space<vmem_shared>> -> memref<8008x128xf32, #tpu.memory_space<vmem_shared>>
      tpu.enqueue_indirect_dma source(%arg10 : memref<128x128xf32, #tpu.memory_space<vmem>>) target(%dma_start3A_317 : memref<8008x128xf32, #tpu.memory_space<vmem_shared>>) offsets(%dma_start3A_314 : memref<128xi32, #tpu.memory_space<vmem>>) semaphore(%arg17 : memref<!tpu.dma_semaphore, #tpu.memory_space<semaphore_mem>>) {add = true}
      %dma_wait3A_318 = arith.constant 7 : i32
      %dma_wait3A_319 = arith.constant 0 : i32
      %dma_wait3A_320 = tpu.memref_slice %arg9[%dma_wait3A_318, %dma_wait3A_319] : memref<10x128xi32, #tpu.memory_space<vmem>> -> memref<1x128xi32, #tpu.memory_space<vmem>>
      %dma_wait3A_321 = tpu.memref_squeeze %dma_wait3A_320 : memref<1x128xi32, #tpu.memory_space<vmem>> -> memref<128xi32, #tpu.memory_space<vmem>>
      %dma_wait3A_322 = arith.constant 0 : i32
      %dma_wait3A_323 = arith.constant 0 : i32
      %dma_wait3A_324 = tpu.memref_slice %arg13[%dma_wait3A_322, %dma_wait3A_323] : memref<8008x128xf32, #tpu.memory_space<vmem_shared>> -> memref<8008x128xf32, #tpu.memory_space<vmem_shared>>
      tpu.wait_indirect_dma semaphore(%arg18 : memref<!tpu.dma_semaphore, #tpu.memory_space<semaphore_mem>>) src(%arg11 : memref<128x128xf32, #tpu.memory_space<vmem>>) dst(%dma_wait3A_324 : memref<8008x128xf32, #tpu.memory_space<vmem_shared>>)
      %dma_wait3A_325 = arith.constant 8 : i32
      %dma_wait3A_326 = arith.constant 0 : i32
      %dma_wait3A_327 = tpu.memref_slice %arg9[%dma_wait3A_325, %dma_wait3A_326] : memref<10x128xi32, #tpu.memory_space<vmem>> -> memref<1x128xi32, #tpu.memory_space<vmem>>
      %dma_wait3A_328 = tpu.memref_squeeze %dma_wait3A_327 : memref<1x128xi32, #tpu.memory_space<vmem>> -> memref<128xi32, #tpu.memory_space<vmem>>
      %dma_wait3A_329 = arith.constant 0 : i32
      %dma_wait3A_330 = arith.constant 0 : i32
      %dma_wait3A_331 = tpu.memref_slice %arg13[%dma_wait3A_329, %dma_wait3A_330] : memref<8008x128xf32, #tpu.memory_space<vmem_shared>> -> memref<8008x128xf32, #tpu.memory_space<vmem_shared>>
      tpu.wait_indirect_dma semaphore(%arg19 : memref<!tpu.dma_semaphore, #tpu.memory_space<semaphore_mem>>) src(%arg12 : memref<128x128xf32, #tpu.memory_space<vmem>>) dst(%dma_wait3A_331 : memref<8008x128xf32, #tpu.memory_space<vmem_shared>>)
      %dma_wait3A_332 = arith.constant 9 : i32
      %dma_wait3A_333 = arith.constant 0 : i32
      %dma_wait3A_334 = tpu.memref_slice %arg9[%dma_wait3A_332, %dma_wait3A_333] : memref<10x128xi32, #tpu.memory_space<vmem>> -> memref<1x128xi32, #tpu.memory_space<vmem>>
      %dma_wait3A_335 = tpu.memref_squeeze %dma_wait3A_334 : memref<1x128xi32, #tpu.memory_space<vmem>> -> memref<128xi32, #tpu.memory_space<vmem>>
      %dma_wait3A_336 = arith.constant 0 : i32
      %dma_wait3A_337 = arith.constant 0 : i32
      %dma_wait3A_338 = tpu.memref_slice %arg13[%dma_wait3A_336, %dma_wait3A_337] : memref<8008x128xf32, #tpu.memory_space<vmem_shared>> -> memref<8008x128xf32, #tpu.memory_space<vmem_shared>>
      tpu.wait_indirect_dma semaphore(%arg17 : memref<!tpu.dma_semaphore, #tpu.memory_space<semaphore_mem>>) src(%arg10 : memref<128x128xf32, #tpu.memory_space<vmem>>) dst(%dma_wait3A_338 : memref<8008x128xf32, #tpu.memory_space<vmem_shared>>)
    }
    %while3A_26 = arith.constant 1 : i32
    scf.for %while3A_59 = %while3A_24 to %while3A_20 step %while3A_26  : i32 {
      %add3A_60 = arith.addi %add3A_8, %while3A_59 : i32
      "tpu.region"() ({
        %run_scoped3A = tpu.sem_alloc : memref<!tpu.dma_semaphore, #tpu.memory_space<semaphore_mem>>
        %dma_start3A_339 = arith.constant 0 : i32
        %dma_start3A_340 = arith.constant 0 : i32
        %dma_start3A_341 = tpu.memref_slice %arg3[%add3A_60, %dma_start3A_339, %dma_start3A_340] : memref<250x10x128xi32, #tpu.memory_space<hbm>> -> memref<1x10x128xi32, #tpu.memory_space<hbm>>
        %dma_start3A_342 = tpu.memref_squeeze %dma_start3A_341 : memref<1x10x128xi32, #tpu.memory_space<hbm>> -> memref<10x128xi32, #tpu.memory_space<hbm>>
        %dma_start3A_343 = arith.constant 0 : i32
        %dma_start3A_344 = arith.constant 0 : i32
        %dma_start3A_345 = tpu.memref_slice %arg3[%add3A_60, %dma_start3A_343, %dma_start3A_344] : memref<250x10x128xi32, #tpu.memory_space<hbm>> -> memref<1x10x128xi32, #tpu.memory_space<hbm>>
        %dma_start3A_346 = tpu.memref_squeeze %dma_start3A_345 : memref<1x10x128xi32, #tpu.memory_space<hbm>> -> memref<10x128xi32, #tpu.memory_space<hbm>>
        tpu.enqueue_dma source(%dma_start3A_346 : memref<10x128xi32, #tpu.memory_space<hbm>>) target(%arg8 : memref<10x128xi32, #tpu.memory_space<vmem>>) target_semaphore(%run_scoped3A : memref<!tpu.dma_semaphore, #tpu.memory_space<semaphore_mem>>)
        %dma_wait3A_347 = arith.constant 0 : i32
        %dma_wait3A_348 = arith.constant 0 : i32
        %dma_wait3A_349 = tpu.memref_slice %arg3[%add3A_60, %dma_wait3A_347, %dma_wait3A_348] : memref<250x10x128xi32, #tpu.memory_space<hbm>> -> memref<1x10x128xi32, #tpu.memory_space<hbm>>
        %dma_wait3A_350 = tpu.memref_squeeze %dma_wait3A_349 : memref<1x10x128xi32, #tpu.memory_space<hbm>> -> memref<10x128xi32, #tpu.memory_space<hbm>>
        %dma_wait3A_351 = arith.constant 0 : i32
        %dma_wait3A_352 = arith.constant 0 : i32
        %dma_wait3A_353 = tpu.memref_slice %arg3[%add3A_60, %dma_wait3A_351, %dma_wait3A_352] : memref<250x10x128xi32, #tpu.memory_space<hbm>> -> memref<1x10x128xi32, #tpu.memory_space<hbm>>
        %dma_wait3A_354 = tpu.memref_squeeze %dma_wait3A_353 : memref<1x10x128xi32, #tpu.memory_space<hbm>> -> memref<10x128xi32, #tpu.memory_space<hbm>>
        tpu.wait_dma2 semaphore(%run_scoped3A : memref<!tpu.dma_semaphore, #tpu.memory_space<semaphore_mem>>) src(%dma_wait3A_354 : memref<10x128xi32, #tpu.memory_space<hbm>>) dst(%arg8 : memref<10x128xi32, #tpu.memory_space<vmem>>)
        tpu.yield
      }) : () -> ()
      "tpu.region"() ({
        %run_scoped3A = tpu.sem_alloc : memref<!tpu.dma_semaphore, #tpu.memory_space<semaphore_mem>>
        %dma_start3A_339 = arith.constant 0 : i32
        %dma_start3A_340 = arith.constant 0 : i32
        %dma_start3A_341 = tpu.memref_slice %arg4[%add3A_60, %dma_start3A_339, %dma_start3A_340] : memref<250x10x128xi32, #tpu.memory_space<hbm>> -> memref<1x10x128xi32, #tpu.memory_space<hbm>>
        %dma_start3A_342 = tpu.memref_squeeze %dma_start3A_341 : memref<1x10x128xi32, #tpu.memory_space<hbm>> -> memref<10x128xi32, #tpu.memory_space<hbm>>
        %dma_start3A_343 = arith.constant 0 : i32
        %dma_start3A_344 = arith.constant 0 : i32
        %dma_start3A_345 = tpu.memref_slice %arg4[%add3A_60, %dma_start3A_343, %dma_start3A_344] : memref<250x10x128xi32, #tpu.memory_space<hbm>> -> memref<1x10x128xi32, #tpu.memory_space<hbm>>
        %dma_start3A_346 = tpu.memref_squeeze %dma_start3A_345 : memref<1x10x128xi32, #tpu.memory_space<hbm>> -> memref<10x128xi32, #tpu.memory_space<hbm>>
        tpu.enqueue_dma source(%dma_start3A_346 : memref<10x128xi32, #tpu.memory_space<hbm>>) target(%arg9 : memref<10x128xi32, #tpu.memory_space<vmem>>) target_semaphore(%run_scoped3A : memref<!tpu.dma_semaphore, #tpu.memory_space<semaphore_mem>>)
        %dma_wait3A_347 = arith.constant 0 : i32
        %dma_wait3A_348 = arith.constant 0 : i32
        %dma_wait3A_349 = tpu.memref_slice %arg4[%add3A_60, %dma_wait3A_347, %dma_wait3A_348] : memref<250x10x128xi32, #tpu.memory_space<hbm>> -> memref<1x10x128xi32, #tpu.memory_space<hbm>>
        %dma_wait3A_350 = tpu.memref_squeeze %dma_wait3A_349 : memref<1x10x128xi32, #tpu.memory_space<hbm>> -> memref<10x128xi32, #tpu.memory_space<hbm>>
        %dma_wait3A_351 = arith.constant 0 : i32
        %dma_wait3A_352 = arith.constant 0 : i32
        %dma_wait3A_353 = tpu.memref_slice %arg4[%add3A_60, %dma_wait3A_351, %dma_wait3A_352] : memref<250x10x128xi32, #tpu.memory_space<hbm>> -> memref<1x10x128xi32, #tpu.memory_space<hbm>>
        %dma_wait3A_354 = tpu.memref_squeeze %dma_wait3A_353 : memref<1x10x128xi32, #tpu.memory_space<hbm>> -> memref<10x128xi32, #tpu.memory_space<hbm>>
        tpu.wait_dma2 semaphore(%run_scoped3A : memref<!tpu.dma_semaphore, #tpu.memory_space<semaphore_mem>>) src(%dma_wait3A_354 : memref<10x128xi32, #tpu.memory_space<hbm>>) dst(%arg9 : memref<10x128xi32, #tpu.memory_space<vmem>>)
        tpu.yield
      }) : () -> ()
      %dma_start3A = arith.constant 0 : i32
      %dma_start3A_61 = arith.constant 0 : i32
      %dma_start3A_62 = tpu.memref_slice %arg8[%dma_start3A, %dma_start3A_61] : memref<10x128xi32, #tpu.memory_space<vmem>> -> memref<1x128xi32, #tpu.memory_space<vmem>>
      %dma_start3A_63 = tpu.memref_squeeze %dma_start3A_62 : memref<1x128xi32, #tpu.memory_space<vmem>> -> memref<128xi32, #tpu.memory_space<vmem>>
      %dma_start3A_64 = arith.constant 0 : i32
      %dma_start3A_65 = arith.constant 0 : i32
      %dma_start3A_66 = tpu.memref_slice %arg2[%dma_start3A_64, %dma_start3A_65] : memref<160000x128xf32, #tpu.memory_space<hbm>> -> memref<160000x128xf32, #tpu.memory_space<hbm>>
      tpu.enqueue_indirect_dma source(%dma_start3A_66 : memref<160000x128xf32, #tpu.memory_space<hbm>>) target(%arg10 : memref<128x128xf32, #tpu.memory_space<vmem>>) offsets(%dma_start3A_63 : memref<128xi32, #tpu.memory_space<vmem>>) semaphore(%arg14 : memref<!tpu.dma_semaphore, #tpu.memory_space<semaphore_mem>>)
      %dma_start3A_67 = arith.constant 1 : i32
      %dma_start3A_68 = arith.constant 0 : i32
      %dma_start3A_69 = tpu.memref_slice %arg8[%dma_start3A_67, %dma_start3A_68] : memref<10x128xi32, #tpu.memory_space<vmem>> -> memref<1x128xi32, #tpu.memory_space<vmem>>
      %dma_start3A_70 = tpu.memref_squeeze %dma_start3A_69 : memref<1x128xi32, #tpu.memory_space<vmem>> -> memref<128xi32, #tpu.memory_space<vmem>>
      %dma_start3A_71 = arith.constant 0 : i32
      %dma_start3A_72 = arith.constant 0 : i32
      %dma_start3A_73 = tpu.memref_slice %arg2[%dma_start3A_71, %dma_start3A_72] : memref<160000x128xf32, #tpu.memory_space<hbm>> -> memref<160000x128xf32, #tpu.memory_space<hbm>>
      tpu.enqueue_indirect_dma source(%dma_start3A_73 : memref<160000x128xf32, #tpu.memory_space<hbm>>) target(%arg11 : memref<128x128xf32, #tpu.memory_space<vmem>>) offsets(%dma_start3A_70 : memref<128xi32, #tpu.memory_space<vmem>>) semaphore(%arg15 : memref<!tpu.dma_semaphore, #tpu.memory_space<semaphore_mem>>)
      %dma_wait3A = arith.constant 0 : i32
      %dma_wait3A_74 = arith.constant 0 : i32
      %dma_wait3A_75 = tpu.memref_slice %arg8[%dma_wait3A, %dma_wait3A_74] : memref<10x128xi32, #tpu.memory_space<vmem>> -> memref<1x128xi32, #tpu.memory_space<vmem>>
      %dma_wait3A_76 = tpu.memref_squeeze %dma_wait3A_75 : memref<1x128xi32, #tpu.memory_space<vmem>> -> memref<128xi32, #tpu.memory_space<vmem>>
      %dma_wait3A_77 = arith.constant 0 : i32
      %dma_wait3A_78 = arith.constant 0 : i32
      %dma_wait3A_79 = tpu.memref_slice %arg2[%dma_wait3A_77, %dma_wait3A_78] : memref<160000x128xf32, #tpu.memory_space<hbm>> -> memref<160000x128xf32, #tpu.memory_space<hbm>>
      tpu.wait_indirect_dma semaphore(%arg14 : memref<!tpu.dma_semaphore, #tpu.memory_space<semaphore_mem>>) src(%dma_wait3A_79 : memref<160000x128xf32, #tpu.memory_space<hbm>>) dst(%arg10 : memref<128x128xf32, #tpu.memory_space<vmem>>)
      %dma_start3A_80 = arith.constant 0 : i32
      %dma_start3A_81 = arith.constant 0 : i32
      %dma_start3A_82 = tpu.memref_slice %arg9[%dma_start3A_80, %dma_start3A_81] : memref<10x128xi32, #tpu.memory_space<vmem>> -> memref<1x128xi32, #tpu.memory_space<vmem>>
      %dma_start3A_83 = tpu.memref_squeeze %dma_start3A_82 : memref<1x128xi32, #tpu.memory_space<vmem>> -> memref<128xi32, #tpu.memory_space<vmem>>
      %dma_start3A_84 = arith.constant 0 : i32
      %dma_start3A_85 = arith.constant 0 : i32
      %dma_start3A_86 = tpu.memref_slice %arg13[%dma_start3A_84, %dma_start3A_85] : memref<8008x128xf32, #tpu.memory_space<vmem_shared>> -> memref<8008x128xf32, #tpu.memory_space<vmem_shared>>
      tpu.enqueue_indirect_dma source(%arg10 : memref<128x128xf32, #tpu.memory_space<vmem>>) target(%dma_start3A_86 : memref<8008x128xf32, #tpu.memory_space<vmem_shared>>) offsets(%dma_start3A_83 : memref<128xi32, #tpu.memory_space<vmem>>) semaphore(%arg17 : memref<!tpu.dma_semaphore, #tpu.memory_space<semaphore_mem>>) {add = true}
      %dma_start3A_87 = arith.constant 2 : i32
      %dma_start3A_88 = arith.constant 0 : i32
      %dma_start3A_89 = tpu.memref_slice %arg8[%dma_start3A_87, %dma_start3A_88] : memref<10x128xi32, #tpu.memory_space<vmem>> -> memref<1x128xi32, #tpu.memory_space<vmem>>
      %dma_start3A_90 = tpu.memref_squeeze %dma_start3A_89 : memref<1x128xi32, #tpu.memory_space<vmem>> -> memref<128xi32, #tpu.memory_space<vmem>>
      %dma_start3A_91 = arith.constant 0 : i32
      %dma_start3A_92 = arith.constant 0 : i32
      %dma_start3A_93 = tpu.memref_slice %arg2[%dma_start3A_91, %dma_start3A_92] : memref<160000x128xf32, #tpu.memory_space<hbm>> -> memref<160000x128xf32, #tpu.memory_space<hbm>>
      tpu.enqueue_indirect_dma source(%dma_start3A_93 : memref<160000x128xf32, #tpu.memory_space<hbm>>) target(%arg12 : memref<128x128xf32, #tpu.memory_space<vmem>>) offsets(%dma_start3A_90 : memref<128xi32, #tpu.memory_space<vmem>>) semaphore(%arg16 : memref<!tpu.dma_semaphore, #tpu.memory_space<semaphore_mem>>)
      %dma_wait3A_94 = arith.constant 1 : i32
      %dma_wait3A_95 = arith.constant 0 : i32
      %dma_wait3A_96 = tpu.memref_slice %arg8[%dma_wait3A_94, %dma_wait3A_95] : memref<10x128xi32, #tpu.memory_space<vmem>> -> memref<1x128xi32, #tpu.memory_space<vmem>>
      %dma_wait3A_97 = tpu.memref_squeeze %dma_wait3A_96 : memref<1x128xi32, #tpu.memory_space<vmem>> -> memref<128xi32, #tpu.memory_space<vmem>>
      %dma_wait3A_98 = arith.constant 0 : i32
      %dma_wait3A_99 = arith.constant 0 : i32
      %dma_wait3A_100 = tpu.memref_slice %arg2[%dma_wait3A_98, %dma_wait3A_99] : memref<160000x128xf32, #tpu.memory_space<hbm>> -> memref<160000x128xf32, #tpu.memory_space<hbm>>
      tpu.wait_indirect_dma semaphore(%arg15 : memref<!tpu.dma_semaphore, #tpu.memory_space<semaphore_mem>>) src(%dma_wait3A_100 : memref<160000x128xf32, #tpu.memory_space<hbm>>) dst(%arg11 : memref<128x128xf32, #tpu.memory_space<vmem>>)
      %dma_start3A_101 = arith.constant 1 : i32
      %dma_start3A_102 = arith.constant 0 : i32
      %dma_start3A_103 = tpu.memref_slice %arg9[%dma_start3A_101, %dma_start3A_102] : memref<10x128xi32, #tpu.memory_space<vmem>> -> memref<1x128xi32, #tpu.memory_space<vmem>>
      %dma_start3A_104 = tpu.memref_squeeze %dma_start3A_103 : memref<1x128xi32, #tpu.memory_space<vmem>> -> memref<128xi32, #tpu.memory_space<vmem>>
      %dma_start3A_105 = arith.constant 0 : i32
      %dma_start3A_106 = arith.constant 0 : i32
      %dma_start3A_107 = tpu.memref_slice %arg13[%dma_start3A_105, %dma_start3A_106] : memref<8008x128xf32, #tpu.memory_space<vmem_shared>> -> memref<8008x128xf32, #tpu.memory_space<vmem_shared>>
      tpu.enqueue_indirect_dma source(%arg11 : memref<128x128xf32, #tpu.memory_space<vmem>>) target(%dma_start3A_107 : memref<8008x128xf32, #tpu.memory_space<vmem_shared>>) offsets(%dma_start3A_104 : memref<128xi32, #tpu.memory_space<vmem>>) semaphore(%arg18 : memref<!tpu.dma_semaphore, #tpu.memory_space<semaphore_mem>>) {add = true}
      %dma_wait3A_108 = arith.constant 0 : i32
      %dma_wait3A_109 = arith.constant 0 : i32
      %dma_wait3A_110 = tpu.memref_slice %arg9[%dma_wait3A_108, %dma_wait3A_109] : memref<10x128xi32, #tpu.memory_space<vmem>> -> memref<1x128xi32, #tpu.memory_space<vmem>>
      %dma_wait3A_111 = tpu.memref_squeeze %dma_wait3A_110 : memref<1x128xi32, #tpu.memory_space<vmem>> -> memref<128xi32, #tpu.memory_space<vmem>>
      %dma_wait3A_112 = arith.constant 0 : i32
      %dma_wait3A_113 = arith.constant 0 : i32
      %dma_wait3A_114 = tpu.memref_slice %arg13[%dma_wait3A_112, %dma_wait3A_113] : memref<8008x128xf32, #tpu.memory_space<vmem_shared>> -> memref<8008x128xf32, #tpu.memory_space<vmem_shared>>
      tpu.wait_indirect_dma semaphore(%arg17 : memref<!tpu.dma_semaphore, #tpu.memory_space<semaphore_mem>>) src(%arg10 : memref<128x128xf32, #tpu.memory_space<vmem>>) dst(%dma_wait3A_114 : memref<8008x128xf32, #tpu.memory_space<vmem_shared>>)
      %dma_start3A_115 = arith.constant 3 : i32
      %dma_start3A_116 = arith.constant 0 : i32
      %dma_start3A_117 = tpu.memref_slice %arg8[%dma_start3A_115, %dma_start3A_116] : memref<10x128xi32, #tpu.memory_space<vmem>> -> memref<1x128xi32, #tpu.memory_space<vmem>>
      %dma_start3A_118 = tpu.memref_squeeze %dma_start3A_117 : memref<1x128xi32, #tpu.memory_space<vmem>> -> memref<128xi32, #tpu.memory_space<vmem>>
      %dma_start3A_119 = arith.constant 0 : i32
      %dma_start3A_120 = arith.constant 0 : i32
      %dma_start3A_121 = tpu.memref_slice %arg2[%dma_start3A_119, %dma_start3A_120] : memref<160000x128xf32, #tpu.memory_space<hbm>> -> memref<160000x128xf32, #tpu.memory_space<hbm>>
      tpu.enqueue_indirect_dma source(%dma_start3A_121 : memref<160000x128xf32, #tpu.memory_space<hbm>>) target(%arg10 : memref<128x128xf32, #tpu.memory_space<vmem>>) offsets(%dma_start3A_118 : memref<128xi32, #tpu.memory_space<vmem>>) semaphore(%arg14 : memref<!tpu.dma_semaphore, #tpu.memory_space<semaphore_mem>>)
      %dma_wait3A_122 = arith.constant 2 : i32
      %dma_wait3A_123 = arith.constant 0 : i32
      %dma_wait3A_124 = tpu.memref_slice %arg8[%dma_wait3A_122, %dma_wait3A_123] : memref<10x128xi32, #tpu.memory_space<vmem>> -> memref<1x128xi32, #tpu.memory_space<vmem>>
      %dma_wait3A_125 = tpu.memref_squeeze %dma_wait3A_124 : memref<1x128xi32, #tpu.memory_space<vmem>> -> memref<128xi32, #tpu.memory_space<vmem>>
      %dma_wait3A_126 = arith.constant 0 : i32
      %dma_wait3A_127 = arith.constant 0 : i32
      %dma_wait3A_128 = tpu.memref_slice %arg2[%dma_wait3A_126, %dma_wait3A_127] : memref<160000x128xf32, #tpu.memory_space<hbm>> -> memref<160000x128xf32, #tpu.memory_space<hbm>>
      tpu.wait_indirect_dma semaphore(%arg16 : memref<!tpu.dma_semaphore, #tpu.memory_space<semaphore_mem>>) src(%dma_wait3A_128 : memref<160000x128xf32, #tpu.memory_space<hbm>>) dst(%arg12 : memref<128x128xf32, #tpu.memory_space<vmem>>)
      %dma_start3A_129 = arith.constant 2 : i32
      %dma_start3A_130 = arith.constant 0 : i32
      %dma_start3A_131 = tpu.memref_slice %arg9[%dma_start3A_129, %dma_start3A_130] : memref<10x128xi32, #tpu.memory_space<vmem>> -> memref<1x128xi32, #tpu.memory_space<vmem>>
      %dma_start3A_132 = tpu.memref_squeeze %dma_start3A_131 : memref<1x128xi32, #tpu.memory_space<vmem>> -> memref<128xi32, #tpu.memory_space<vmem>>
      %dma_start3A_133 = arith.constant 0 : i32
      %dma_start3A_134 = arith.constant 0 : i32
      %dma_start3A_135 = tpu.memref_slice %arg13[%dma_start3A_133, %dma_start3A_134] : memref<8008x128xf32, #tpu.memory_space<vmem_shared>> -> memref<8008x128xf32, #tpu.memory_space<vmem_shared>>
      tpu.enqueue_indirect_dma source(%arg12 : memref<128x128xf32, #tpu.memory_space<vmem>>) target(%dma_start3A_135 : memref<8008x128xf32, #tpu.memory_space<vmem_shared>>) offsets(%dma_start3A_132 : memref<128xi32, #tpu.memory_space<vmem>>) semaphore(%arg19 : memref<!tpu.dma_semaphore, #tpu.memory_space<semaphore_mem>>) {add = true}
      %dma_wait3A_136 = arith.constant 1 : i32
      %dma_wait3A_137 = arith.constant 0 : i32
      %dma_wait3A_138 = tpu.memref_slice %arg9[%dma_wait3A_136, %dma_wait3A_137] : memref<10x128xi32, #tpu.memory_space<vmem>> -> memref<1x128xi32, #tpu.memory_space<vmem>>
      %dma_wait3A_139 = tpu.memref_squeeze %dma_wait3A_138 : memref<1x128xi32, #tpu.memory_space<vmem>> -> memref<128xi32, #tpu.memory_space<vmem>>
      %dma_wait3A_140 = arith.constant 0 : i32
      %dma_wait3A_141 = arith.constant 0 : i32
      %dma_wait3A_142 = tpu.memref_slice %arg13[%dma_wait3A_140, %dma_wait3A_141] : memref<8008x128xf32, #tpu.memory_space<vmem_shared>> -> memref<8008x128xf32, #tpu.memory_space<vmem_shared>>
      tpu.wait_indirect_dma semaphore(%arg18 : memref<!tpu.dma_semaphore, #tpu.memory_space<semaphore_mem>>) src(%arg11 : memref<128x128xf32, #tpu.memory_space<vmem>>) dst(%dma_wait3A_142 : memref<8008x128xf32, #tpu.memory_space<vmem_shared>>)
      %dma_start3A_143 = arith.constant 4 : i32
      %dma_start3A_144 = arith.constant 0 : i32
      %dma_start3A_145 = tpu.memref_slice %arg8[%dma_start3A_143, %dma_start3A_144] : memref<10x128xi32, #tpu.memory_space<vmem>> -> memref<1x128xi32, #tpu.memory_space<vmem>>
      %dma_start3A_146 = tpu.memref_squeeze %dma_start3A_145 : memref<1x128xi32, #tpu.memory_space<vmem>> -> memref<128xi32, #tpu.memory_space<vmem>>
      %dma_start3A_147 = arith.constant 0 : i32
      %dma_start3A_148 = arith.constant 0 : i32
      %dma_start3A_149 = tpu.memref_slice %arg2[%dma_start3A_147, %dma_start3A_148] : memref<160000x128xf32, #tpu.memory_space<hbm>> -> memref<160000x128xf32, #tpu.memory_space<hbm>>
      tpu.enqueue_indirect_dma source(%dma_start3A_149 : memref<160000x128xf32, #tpu.memory_space<hbm>>) target(%arg11 : memref<128x128xf32, #tpu.memory_space<vmem>>) offsets(%dma_start3A_146 : memref<128xi32, #tpu.memory_space<vmem>>) semaphore(%arg15 : memref<!tpu.dma_semaphore, #tpu.memory_space<semaphore_mem>>)
      %dma_wait3A_150 = arith.constant 3 : i32
      %dma_wait3A_151 = arith.constant 0 : i32
      %dma_wait3A_152 = tpu.memref_slice %arg8[%dma_wait3A_150, %dma_wait3A_151] : memref<10x128xi32, #tpu.memory_space<vmem>> -> memref<1x128xi32, #tpu.memory_space<vmem>>
      %dma_wait3A_153 = tpu.memref_squeeze %dma_wait3A_152 : memref<1x128xi32, #tpu.memory_space<vmem>> -> memref<128xi32, #tpu.memory_space<vmem>>
      %dma_wait3A_154 = arith.constant 0 : i32
      %dma_wait3A_155 = arith.constant 0 : i32
      %dma_wait3A_156 = tpu.memref_slice %arg2[%dma_wait3A_154, %dma_wait3A_155] : memref<160000x128xf32, #tpu.memory_space<hbm>> -> memref<160000x128xf32, #tpu.memory_space<hbm>>
      tpu.wait_indirect_dma semaphore(%arg14 : memref<!tpu.dma_semaphore, #tpu.memory_space<semaphore_mem>>) src(%dma_wait3A_156 : memref<160000x128xf32, #tpu.memory_space<hbm>>) dst(%arg10 : memref<128x128xf32, #tpu.memory_space<vmem>>)
      %dma_start3A_157 = arith.constant 3 : i32
      %dma_start3A_158 = arith.constant 0 : i32
      %dma_start3A_159 = tpu.memref_slice %arg9[%dma_start3A_157, %dma_start3A_158] : memref<10x128xi32, #tpu.memory_space<vmem>> -> memref<1x128xi32, #tpu.memory_space<vmem>>
      %dma_start3A_160 = tpu.memref_squeeze %dma_start3A_159 : memref<1x128xi32, #tpu.memory_space<vmem>> -> memref<128xi32, #tpu.memory_space<vmem>>
      %dma_start3A_161 = arith.constant 0 : i32
      %dma_start3A_162 = arith.constant 0 : i32
      %dma_start3A_163 = tpu.memref_slice %arg13[%dma_start3A_161, %dma_start3A_162] : memref<8008x128xf32, #tpu.memory_space<vmem_shared>> -> memref<8008x128xf32, #tpu.memory_space<vmem_shared>>
      tpu.enqueue_indirect_dma source(%arg10 : memref<128x128xf32, #tpu.memory_space<vmem>>) target(%dma_start3A_163 : memref<8008x128xf32, #tpu.memory_space<vmem_shared>>) offsets(%dma_start3A_160 : memref<128xi32, #tpu.memory_space<vmem>>) semaphore(%arg17 : memref<!tpu.dma_semaphore, #tpu.memory_space<semaphore_mem>>) {add = true}
      %dma_wait3A_164 = arith.constant 2 : i32
      %dma_wait3A_165 = arith.constant 0 : i32
      %dma_wait3A_166 = tpu.memref_slice %arg9[%dma_wait3A_164, %dma_wait3A_165] : memref<10x128xi32, #tpu.memory_space<vmem>> -> memref<1x128xi32, #tpu.memory_space<vmem>>
      %dma_wait3A_167 = tpu.memref_squeeze %dma_wait3A_166 : memref<1x128xi32, #tpu.memory_space<vmem>> -> memref<128xi32, #tpu.memory_space<vmem>>
      %dma_wait3A_168 = arith.constant 0 : i32
      %dma_wait3A_169 = arith.constant 0 : i32
      %dma_wait3A_170 = tpu.memref_slice %arg13[%dma_wait3A_168, %dma_wait3A_169] : memref<8008x128xf32, #tpu.memory_space<vmem_shared>> -> memref<8008x128xf32, #tpu.memory_space<vmem_shared>>
      tpu.wait_indirect_dma semaphore(%arg19 : memref<!tpu.dma_semaphore, #tpu.memory_space<semaphore_mem>>) src(%arg12 : memref<128x128xf32, #tpu.memory_space<vmem>>) dst(%dma_wait3A_170 : memref<8008x128xf32, #tpu.memory_space<vmem_shared>>)
      %dma_start3A_171 = arith.constant 5 : i32
      %dma_start3A_172 = arith.constant 0 : i32
      %dma_start3A_173 = tpu.memref_slice %arg8[%dma_start3A_171, %dma_start3A_172] : memref<10x128xi32, #tpu.memory_space<vmem>> -> memref<1x128xi32, #tpu.memory_space<vmem>>
      %dma_start3A_174 = tpu.memref_squeeze %dma_start3A_173 : memref<1x128xi32, #tpu.memory_space<vmem>> -> memref<128xi32, #tpu.memory_space<vmem>>
      %dma_start3A_175 = arith.constant 0 : i32
      %dma_start3A_176 = arith.constant 0 : i32
      %dma_start3A_177 = tpu.memref_slice %arg2[%dma_start3A_175, %dma_start3A_176] : memref<160000x128xf32, #tpu.memory_space<hbm>> -> memref<160000x128xf32, #tpu.memory_space<hbm>>
      tpu.enqueue_indirect_dma source(%dma_start3A_177 : memref<160000x128xf32, #tpu.memory_space<hbm>>) target(%arg12 : memref<128x128xf32, #tpu.memory_space<vmem>>) offsets(%dma_start3A_174 : memref<128xi32, #tpu.memory_space<vmem>>) semaphore(%arg16 : memref<!tpu.dma_semaphore, #tpu.memory_space<semaphore_mem>>)
      %dma_wait3A_178 = arith.constant 4 : i32
      %dma_wait3A_179 = arith.constant 0 : i32
      %dma_wait3A_180 = tpu.memref_slice %arg8[%dma_wait3A_178, %dma_wait3A_179] : memref<10x128xi32, #tpu.memory_space<vmem>> -> memref<1x128xi32, #tpu.memory_space<vmem>>
      %dma_wait3A_181 = tpu.memref_squeeze %dma_wait3A_180 : memref<1x128xi32, #tpu.memory_space<vmem>> -> memref<128xi32, #tpu.memory_space<vmem>>
      %dma_wait3A_182 = arith.constant 0 : i32
      %dma_wait3A_183 = arith.constant 0 : i32
      %dma_wait3A_184 = tpu.memref_slice %arg2[%dma_wait3A_182, %dma_wait3A_183] : memref<160000x128xf32, #tpu.memory_space<hbm>> -> memref<160000x128xf32, #tpu.memory_space<hbm>>
      tpu.wait_indirect_dma semaphore(%arg15 : memref<!tpu.dma_semaphore, #tpu.memory_space<semaphore_mem>>) src(%dma_wait3A_184 : memref<160000x128xf32, #tpu.memory_space<hbm>>) dst(%arg11 : memref<128x128xf32, #tpu.memory_space<vmem>>)
      %dma_start3A_185 = arith.constant 4 : i32
      %dma_start3A_186 = arith.constant 0 : i32
      %dma_start3A_187 = tpu.memref_slice %arg9[%dma_start3A_185, %dma_start3A_186] : memref<10x128xi32, #tpu.memory_space<vmem>> -> memref<1x128xi32, #tpu.memory_space<vmem>>
      %dma_start3A_188 = tpu.memref_squeeze %dma_start3A_187 : memref<1x128xi32, #tpu.memory_space<vmem>> -> memref<128xi32, #tpu.memory_space<vmem>>
      %dma_start3A_189 = arith.constant 0 : i32
      %dma_start3A_190 = arith.constant 0 : i32
      %dma_start3A_191 = tpu.memref_slice %arg13[%dma_start3A_189, %dma_start3A_190] : memref<8008x128xf32, #tpu.memory_space<vmem_shared>> -> memref<8008x128xf32, #tpu.memory_space<vmem_shared>>
      tpu.enqueue_indirect_dma source(%arg11 : memref<128x128xf32, #tpu.memory_space<vmem>>) target(%dma_start3A_191 : memref<8008x128xf32, #tpu.memory_space<vmem_shared>>) offsets(%dma_start3A_188 : memref<128xi32, #tpu.memory_space<vmem>>) semaphore(%arg18 : memref<!tpu.dma_semaphore, #tpu.memory_space<semaphore_mem>>) {add = true}
      %dma_wait3A_192 = arith.constant 3 : i32
      %dma_wait3A_193 = arith.constant 0 : i32
      %dma_wait3A_194 = tpu.memref_slice %arg9[%dma_wait3A_192, %dma_wait3A_193] : memref<10x128xi32, #tpu.memory_space<vmem>> -> memref<1x128xi32, #tpu.memory_space<vmem>>
      %dma_wait3A_195 = tpu.memref_squeeze %dma_wait3A_194 : memref<1x128xi32, #tpu.memory_space<vmem>> -> memref<128xi32, #tpu.memory_space<vmem>>
      %dma_wait3A_196 = arith.constant 0 : i32
      %dma_wait3A_197 = arith.constant 0 : i32
      %dma_wait3A_198 = tpu.memref_slice %arg13[%dma_wait3A_196, %dma_wait3A_197] : memref<8008x128xf32, #tpu.memory_space<vmem_shared>> -> memref<8008x128xf32, #tpu.memory_space<vmem_shared>>
      tpu.wait_indirect_dma semaphore(%arg17 : memref<!tpu.dma_semaphore, #tpu.memory_space<semaphore_mem>>) src(%arg10 : memref<128x128xf32, #tpu.memory_space<vmem>>) dst(%dma_wait3A_198 : memref<8008x128xf32, #tpu.memory_space<vmem_shared>>)
      %dma_start3A_199 = arith.constant 6 : i32
      %dma_start3A_200 = arith.constant 0 : i32
      %dma_start3A_201 = tpu.memref_slice %arg8[%dma_start3A_199, %dma_start3A_200] : memref<10x128xi32, #tpu.memory_space<vmem>> -> memref<1x128xi32, #tpu.memory_space<vmem>>
      %dma_start3A_202 = tpu.memref_squeeze %dma_start3A_201 : memref<1x128xi32, #tpu.memory_space<vmem>> -> memref<128xi32, #tpu.memory_space<vmem>>
      %dma_start3A_203 = arith.constant 0 : i32
      %dma_start3A_204 = arith.constant 0 : i32
      %dma_start3A_205 = tpu.memref_slice %arg2[%dma_start3A_203, %dma_start3A_204] : memref<160000x128xf32, #tpu.memory_space<hbm>> -> memref<160000x128xf32, #tpu.memory_space<hbm>>
      tpu.enqueue_indirect_dma source(%dma_start3A_205 : memref<160000x128xf32, #tpu.memory_space<hbm>>) target(%arg10 : memref<128x128xf32, #tpu.memory_space<vmem>>) offsets(%dma_start3A_202 : memref<128xi32, #tpu.memory_space<vmem>>) semaphore(%arg14 : memref<!tpu.dma_semaphore, #tpu.memory_space<semaphore_mem>>)
      %dma_wait3A_206 = arith.constant 5 : i32
      %dma_wait3A_207 = arith.constant 0 : i32
      %dma_wait3A_208 = tpu.memref_slice %arg8[%dma_wait3A_206, %dma_wait3A_207] : memref<10x128xi32, #tpu.memory_space<vmem>> -> memref<1x128xi32, #tpu.memory_space<vmem>>
      %dma_wait3A_209 = tpu.memref_squeeze %dma_wait3A_208 : memref<1x128xi32, #tpu.memory_space<vmem>> -> memref<128xi32, #tpu.memory_space<vmem>>
      %dma_wait3A_210 = arith.constant 0 : i32
      %dma_wait3A_211 = arith.constant 0 : i32
      %dma_wait3A_212 = tpu.memref_slice %arg2[%dma_wait3A_210, %dma_wait3A_211] : memref<160000x128xf32, #tpu.memory_space<hbm>> -> memref<160000x128xf32, #tpu.memory_space<hbm>>
      tpu.wait_indirect_dma semaphore(%arg16 : memref<!tpu.dma_semaphore, #tpu.memory_space<semaphore_mem>>) src(%dma_wait3A_212 : memref<160000x128xf32, #tpu.memory_space<hbm>>) dst(%arg12 : memref<128x128xf32, #tpu.memory_space<vmem>>)
      %dma_start3A_213 = arith.constant 5 : i32
      %dma_start3A_214 = arith.constant 0 : i32
      %dma_start3A_215 = tpu.memref_slice %arg9[%dma_start3A_213, %dma_start3A_214] : memref<10x128xi32, #tpu.memory_space<vmem>> -> memref<1x128xi32, #tpu.memory_space<vmem>>
      %dma_start3A_216 = tpu.memref_squeeze %dma_start3A_215 : memref<1x128xi32, #tpu.memory_space<vmem>> -> memref<128xi32, #tpu.memory_space<vmem>>
      %dma_start3A_217 = arith.constant 0 : i32
      %dma_start3A_218 = arith.constant 0 : i32
      %dma_start3A_219 = tpu.memref_slice %arg13[%dma_start3A_217, %dma_start3A_218] : memref<8008x128xf32, #tpu.memory_space<vmem_shared>> -> memref<8008x128xf32, #tpu.memory_space<vmem_shared>>
      tpu.enqueue_indirect_dma source(%arg12 : memref<128x128xf32, #tpu.memory_space<vmem>>) target(%dma_start3A_219 : memref<8008x128xf32, #tpu.memory_space<vmem_shared>>) offsets(%dma_start3A_216 : memref<128xi32, #tpu.memory_space<vmem>>) semaphore(%arg19 : memref<!tpu.dma_semaphore, #tpu.memory_space<semaphore_mem>>) {add = true}
      %dma_wait3A_220 = arith.constant 4 : i32
      %dma_wait3A_221 = arith.constant 0 : i32
      %dma_wait3A_222 = tpu.memref_slice %arg9[%dma_wait3A_220, %dma_wait3A_221] : memref<10x128xi32, #tpu.memory_space<vmem>> -> memref<1x128xi32, #tpu.memory_space<vmem>>
      %dma_wait3A_223 = tpu.memref_squeeze %dma_wait3A_222 : memref<1x128xi32, #tpu.memory_space<vmem>> -> memref<128xi32, #tpu.memory_space<vmem>>
      %dma_wait3A_224 = arith.constant 0 : i32
      %dma_wait3A_225 = arith.constant 0 : i32
      %dma_wait3A_226 = tpu.memref_slice %arg13[%dma_wait3A_224, %dma_wait3A_225] : memref<8008x128xf32, #tpu.memory_space<vmem_shared>> -> memref<8008x128xf32, #tpu.memory_space<vmem_shared>>
      tpu.wait_indirect_dma semaphore(%arg18 : memref<!tpu.dma_semaphore, #tpu.memory_space<semaphore_mem>>) src(%arg11 : memref<128x128xf32, #tpu.memory_space<vmem>>) dst(%dma_wait3A_226 : memref<8008x128xf32, #tpu.memory_space<vmem_shared>>)
      %dma_start3A_227 = arith.constant 7 : i32
      %dma_start3A_228 = arith.constant 0 : i32
      %dma_start3A_229 = tpu.memref_slice %arg8[%dma_start3A_227, %dma_start3A_228] : memref<10x128xi32, #tpu.memory_space<vmem>> -> memref<1x128xi32, #tpu.memory_space<vmem>>
      %dma_start3A_230 = tpu.memref_squeeze %dma_start3A_229 : memref<1x128xi32, #tpu.memory_space<vmem>> -> memref<128xi32, #tpu.memory_space<vmem>>
      %dma_start3A_231 = arith.constant 0 : i32
      %dma_start3A_232 = arith.constant 0 : i32
      %dma_start3A_233 = tpu.memref_slice %arg2[%dma_start3A_231, %dma_start3A_232] : memref<160000x128xf32, #tpu.memory_space<hbm>> -> memref<160000x128xf32, #tpu.memory_space<hbm>>
      tpu.enqueue_indirect_dma source(%dma_start3A_233 : memref<160000x128xf32, #tpu.memory_space<hbm>>) target(%arg11 : memref<128x128xf32, #tpu.memory_space<vmem>>) offsets(%dma_start3A_230 : memref<128xi32, #tpu.memory_space<vmem>>) semaphore(%arg15 : memref<!tpu.dma_semaphore, #tpu.memory_space<semaphore_mem>>)
      %dma_wait3A_234 = arith.constant 6 : i32
      %dma_wait3A_235 = arith.constant 0 : i32
      %dma_wait3A_236 = tpu.memref_slice %arg8[%dma_wait3A_234, %dma_wait3A_235] : memref<10x128xi32, #tpu.memory_space<vmem>> -> memref<1x128xi32, #tpu.memory_space<vmem>>
      %dma_wait3A_237 = tpu.memref_squeeze %dma_wait3A_236 : memref<1x128xi32, #tpu.memory_space<vmem>> -> memref<128xi32, #tpu.memory_space<vmem>>
      %dma_wait3A_238 = arith.constant 0 : i32
      %dma_wait3A_239 = arith.constant 0 : i32
      %dma_wait3A_240 = tpu.memref_slice %arg2[%dma_wait3A_238, %dma_wait3A_239] : memref<160000x128xf32, #tpu.memory_space<hbm>> -> memref<160000x128xf32, #tpu.memory_space<hbm>>
      tpu.wait_indirect_dma semaphore(%arg14 : memref<!tpu.dma_semaphore, #tpu.memory_space<semaphore_mem>>) src(%dma_wait3A_240 : memref<160000x128xf32, #tpu.memory_space<hbm>>) dst(%arg10 : memref<128x128xf32, #tpu.memory_space<vmem>>)
      %dma_start3A_241 = arith.constant 6 : i32
      %dma_start3A_242 = arith.constant 0 : i32
      %dma_start3A_243 = tpu.memref_slice %arg9[%dma_start3A_241, %dma_start3A_242] : memref<10x128xi32, #tpu.memory_space<vmem>> -> memref<1x128xi32, #tpu.memory_space<vmem>>
      %dma_start3A_244 = tpu.memref_squeeze %dma_start3A_243 : memref<1x128xi32, #tpu.memory_space<vmem>> -> memref<128xi32, #tpu.memory_space<vmem>>
      %dma_start3A_245 = arith.constant 0 : i32
      %dma_start3A_246 = arith.constant 0 : i32
      %dma_start3A_247 = tpu.memref_slice %arg13[%dma_start3A_245, %dma_start3A_246] : memref<8008x128xf32, #tpu.memory_space<vmem_shared>> -> memref<8008x128xf32, #tpu.memory_space<vmem_shared>>
      tpu.enqueue_indirect_dma source(%arg10 : memref<128x128xf32, #tpu.memory_space<vmem>>) target(%dma_start3A_247 : memref<8008x128xf32, #tpu.memory_space<vmem_shared>>) offsets(%dma_start3A_244 : memref<128xi32, #tpu.memory_space<vmem>>) semaphore(%arg17 : memref<!tpu.dma_semaphore, #tpu.memory_space<semaphore_mem>>) {add = true}
      %dma_wait3A_248 = arith.constant 5 : i32
      %dma_wait3A_249 = arith.constant 0 : i32
      %dma_wait3A_250 = tpu.memref_slice %arg9[%dma_wait3A_248, %dma_wait3A_249] : memref<10x128xi32, #tpu.memory_space<vmem>> -> memref<1x128xi32, #tpu.memory_space<vmem>>
      %dma_wait3A_251 = tpu.memref_squeeze %dma_wait3A_250 : memref<1x128xi32, #tpu.memory_space<vmem>> -> memref<128xi32, #tpu.memory_space<vmem>>
      %dma_wait3A_252 = arith.constant 0 : i32
      %dma_wait3A_253 = arith.constant 0 : i32
      %dma_wait3A_254 = tpu.memref_slice %arg13[%dma_wait3A_252, %dma_wait3A_253] : memref<8008x128xf32, #tpu.memory_space<vmem_shared>> -> memref<8008x128xf32, #tpu.memory_space<vmem_shared>>
      tpu.wait_indirect_dma semaphore(%arg19 : memref<!tpu.dma_semaphore, #tpu.memory_space<semaphore_mem>>) src(%arg12 : memref<128x128xf32, #tpu.memory_space<vmem>>) dst(%dma_wait3A_254 : memref<8008x128xf32, #tpu.memory_space<vmem_shared>>)
      %dma_start3A_255 = arith.constant 8 : i32
      %dma_start3A_256 = arith.constant 0 : i32
      %dma_start3A_257 = tpu.memref_slice %arg8[%dma_start3A_255, %dma_start3A_256] : memref<10x128xi32, #tpu.memory_space<vmem>> -> memref<1x128xi32, #tpu.memory_space<vmem>>
      %dma_start3A_258 = tpu.memref_squeeze %dma_start3A_257 : memref<1x128xi32, #tpu.memory_space<vmem>> -> memref<128xi32, #tpu.memory_space<vmem>>
      %dma_start3A_259 = arith.constant 0 : i32
      %dma_start3A_260 = arith.constant 0 : i32
      %dma_start3A_261 = tpu.memref_slice %arg2[%dma_start3A_259, %dma_start3A_260] : memref<160000x128xf32, #tpu.memory_space<hbm>> -> memref<160000x128xf32, #tpu.memory_space<hbm>>
      tpu.enqueue_indirect_dma source(%dma_start3A_261 : memref<160000x128xf32, #tpu.memory_space<hbm>>) target(%arg12 : memref<128x128xf32, #tpu.memory_space<vmem>>) offsets(%dma_start3A_258 : memref<128xi32, #tpu.memory_space<vmem>>) semaphore(%arg16 : memref<!tpu.dma_semaphore, #tpu.memory_space<semaphore_mem>>)
      %dma_wait3A_262 = arith.constant 7 : i32
      %dma_wait3A_263 = arith.constant 0 : i32
      %dma_wait3A_264 = tpu.memref_slice %arg8[%dma_wait3A_262, %dma_wait3A_263] : memref<10x128xi32, #tpu.memory_space<vmem>> -> memref<1x128xi32, #tpu.memory_space<vmem>>
      %dma_wait3A_265 = tpu.memref_squeeze %dma_wait3A_264 : memref<1x128xi32, #tpu.memory_space<vmem>> -> memref<128xi32, #tpu.memory_space<vmem>>
      %dma_wait3A_266 = arith.constant 0 : i32
      %dma_wait3A_267 = arith.constant 0 : i32
      %dma_wait3A_268 = tpu.memref_slice %arg2[%dma_wait3A_266, %dma_wait3A_267] : memref<160000x128xf32, #tpu.memory_space<hbm>> -> memref<160000x128xf32, #tpu.memory_space<hbm>>
      tpu.wait_indirect_dma semaphore(%arg15 : memref<!tpu.dma_semaphore, #tpu.memory_space<semaphore_mem>>) src(%dma_wait3A_268 : memref<160000x128xf32, #tpu.memory_space<hbm>>) dst(%arg11 : memref<128x128xf32, #tpu.memory_space<vmem>>)
      %dma_start3A_269 = arith.constant 7 : i32
      %dma_start3A_270 = arith.constant 0 : i32
      %dma_start3A_271 = tpu.memref_slice %arg9[%dma_start3A_269, %dma_start3A_270] : memref<10x128xi32, #tpu.memory_space<vmem>> -> memref<1x128xi32, #tpu.memory_space<vmem>>
      %dma_start3A_272 = tpu.memref_squeeze %dma_start3A_271 : memref<1x128xi32, #tpu.memory_space<vmem>> -> memref<128xi32, #tpu.memory_space<vmem>>
      %dma_start3A_273 = arith.constant 0 : i32
      %dma_start3A_274 = arith.constant 0 : i32
      %dma_start3A_275 = tpu.memref_slice %arg13[%dma_start3A_273, %dma_start3A_274] : memref<8008x128xf32, #tpu.memory_space<vmem_shared>> -> memref<8008x128xf32, #tpu.memory_space<vmem_shared>>
      tpu.enqueue_indirect_dma source(%arg11 : memref<128x128xf32, #tpu.memory_space<vmem>>) target(%dma_start3A_275 : memref<8008x128xf32, #tpu.memory_space<vmem_shared>>) offsets(%dma_start3A_272 : memref<128xi32, #tpu.memory_space<vmem>>) semaphore(%arg18 : memref<!tpu.dma_semaphore, #tpu.memory_space<semaphore_mem>>) {add = true}
      %dma_wait3A_276 = arith.constant 6 : i32
      %dma_wait3A_277 = arith.constant 0 : i32
      %dma_wait3A_278 = tpu.memref_slice %arg9[%dma_wait3A_276, %dma_wait3A_277] : memref<10x128xi32, #tpu.memory_space<vmem>> -> memref<1x128xi32, #tpu.memory_space<vmem>>
      %dma_wait3A_279 = tpu.memref_squeeze %dma_wait3A_278 : memref<1x128xi32, #tpu.memory_space<vmem>> -> memref<128xi32, #tpu.memory_space<vmem>>
      %dma_wait3A_280 = arith.constant 0 : i32
      %dma_wait3A_281 = arith.constant 0 : i32
      %dma_wait3A_282 = tpu.memref_slice %arg13[%dma_wait3A_280, %dma_wait3A_281] : memref<8008x128xf32, #tpu.memory_space<vmem_shared>> -> memref<8008x128xf32, #tpu.memory_space<vmem_shared>>
      tpu.wait_indirect_dma semaphore(%arg17 : memref<!tpu.dma_semaphore, #tpu.memory_space<semaphore_mem>>) src(%arg10 : memref<128x128xf32, #tpu.memory_space<vmem>>) dst(%dma_wait3A_282 : memref<8008x128xf32, #tpu.memory_space<vmem_shared>>)
      %dma_start3A_283 = arith.constant 9 : i32
      %dma_start3A_284 = arith.constant 0 : i32
      %dma_start3A_285 = tpu.memref_slice %arg8[%dma_start3A_283, %dma_start3A_284] : memref<10x128xi32, #tpu.memory_space<vmem>> -> memref<1x128xi32, #tpu.memory_space<vmem>>
      %dma_start3A_286 = tpu.memref_squeeze %dma_start3A_285 : memref<1x128xi32, #tpu.memory_space<vmem>> -> memref<128xi32, #tpu.memory_space<vmem>>
      %dma_start3A_287 = arith.constant 0 : i32
      %dma_start3A_288 = arith.constant 0 : i32
      %dma_start3A_289 = tpu.memref_slice %arg2[%dma_start3A_287, %dma_start3A_288] : memref<160000x128xf32, #tpu.memory_space<hbm>> -> memref<160000x128xf32, #tpu.memory_space<hbm>>
      tpu.enqueue_indirect_dma source(%dma_start3A_289 : memref<160000x128xf32, #tpu.memory_space<hbm>>) target(%arg10 : memref<128x128xf32, #tpu.memory_space<vmem>>) offsets(%dma_start3A_286 : memref<128xi32, #tpu.memory_space<vmem>>) semaphore(%arg14 : memref<!tpu.dma_semaphore, #tpu.memory_space<semaphore_mem>>)
      %dma_wait3A_290 = arith.constant 8 : i32
      %dma_wait3A_291 = arith.constant 0 : i32
      %dma_wait3A_292 = tpu.memref_slice %arg8[%dma_wait3A_290, %dma_wait3A_291] : memref<10x128xi32, #tpu.memory_space<vmem>> -> memref<1x128xi32, #tpu.memory_space<vmem>>
      %dma_wait3A_293 = tpu.memref_squeeze %dma_wait3A_292 : memref<1x128xi32, #tpu.memory_space<vmem>> -> memref<128xi32, #tpu.memory_space<vmem>>
      %dma_wait3A_294 = arith.constant 0 : i32
      %dma_wait3A_295 = arith.constant 0 : i32
      %dma_wait3A_296 = tpu.memref_slice %arg2[%dma_wait3A_294, %dma_wait3A_295] : memref<160000x128xf32, #tpu.memory_space<hbm>> -> memref<160000x128xf32, #tpu.memory_space<hbm>>
      tpu.wait_indirect_dma semaphore(%arg16 : memref<!tpu.dma_semaphore, #tpu.memory_space<semaphore_mem>>) src(%dma_wait3A_296 : memref<160000x128xf32, #tpu.memory_space<hbm>>) dst(%arg12 : memref<128x128xf32, #tpu.memory_space<vmem>>)
      %dma_start3A_297 = arith.constant 8 : i32
      %dma_start3A_298 = arith.constant 0 : i32
      %dma_start3A_299 = tpu.memref_slice %arg9[%dma_start3A_297, %dma_start3A_298] : memref<10x128xi32, #tpu.memory_space<vmem>> -> memref<1x128xi32, #tpu.memory_space<vmem>>
      %dma_start3A_300 = tpu.memref_squeeze %dma_start3A_299 : memref<1x128xi32, #tpu.memory_space<vmem>> -> memref<128xi32, #tpu.memory_space<vmem>>
      %dma_start3A_301 = arith.constant 0 : i32
      %dma_start3A_302 = arith.constant 0 : i32
      %dma_start3A_303 = tpu.memref_slice %arg13[%dma_start3A_301, %dma_start3A_302] : memref<8008x128xf32, #tpu.memory_space<vmem_shared>> -> memref<8008x128xf32, #tpu.memory_space<vmem_shared>>
      tpu.enqueue_indirect_dma source(%arg12 : memref<128x128xf32, #tpu.memory_space<vmem>>) target(%dma_start3A_303 : memref<8008x128xf32, #tpu.memory_space<vmem_shared>>) offsets(%dma_start3A_300 : memref<128xi32, #tpu.memory_space<vmem>>) semaphore(%arg19 : memref<!tpu.dma_semaphore, #tpu.memory_space<semaphore_mem>>) {add = true}
      %dma_wait3A_304 = arith.constant 9 : i32
      %dma_wait3A_305 = arith.constant 0 : i32
      %dma_wait3A_306 = tpu.memref_slice %arg8[%dma_wait3A_304, %dma_wait3A_305] : memref<10x128xi32, #tpu.memory_space<vmem>> -> memref<1x128xi32, #tpu.memory_space<vmem>>
      %dma_wait3A_307 = tpu.memref_squeeze %dma_wait3A_306 : memref<1x128xi32, #tpu.memory_space<vmem>> -> memref<128xi32, #tpu.memory_space<vmem>>
      %dma_wait3A_308 = arith.constant 0 : i32
      %dma_wait3A_309 = arith.constant 0 : i32
      %dma_wait3A_310 = tpu.memref_slice %arg2[%dma_wait3A_308, %dma_wait3A_309] : memref<160000x128xf32, #tpu.memory_space<hbm>> -> memref<160000x128xf32, #tpu.memory_space<hbm>>
      tpu.wait_indirect_dma semaphore(%arg14 : memref<!tpu.dma_semaphore, #tpu.memory_space<semaphore_mem>>) src(%dma_wait3A_310 : memref<160000x128xf32, #tpu.memory_space<hbm>>) dst(%arg10 : memref<128x128xf32, #tpu.memory_space<vmem>>)
      %dma_start3A_311 = arith.constant 9 : i32
      %dma_start3A_312 = arith.constant 0 : i32
      %dma_start3A_313 = tpu.memref_slice %arg9[%dma_start3A_311, %dma_start3A_312] : memref<10x128xi32, #tpu.memory_space<vmem>> -> memref<1x128xi32, #tpu.memory_space<vmem>>
      %dma_start3A_314 = tpu.memref_squeeze %dma_start3A_313 : memref<1x128xi32, #tpu.memory_space<vmem>> -> memref<128xi32, #tpu.memory_space<vmem>>
      %dma_start3A_315 = arith.constant 0 : i32
      %dma_start3A_316 = arith.constant 0 : i32
      %dma_start3A_317 = tpu.memref_slice %arg13[%dma_start3A_315, %dma_start3A_316] : memref<8008x128xf32, #tpu.memory_space<vmem_shared>> -> memref<8008x128xf32, #tpu.memory_space<vmem_shared>>
      tpu.enqueue_indirect_dma source(%arg10 : memref<128x128xf32, #tpu.memory_space<vmem>>) target(%dma_start3A_317 : memref<8008x128xf32, #tpu.memory_space<vmem_shared>>) offsets(%dma_start3A_314 : memref<128xi32, #tpu.memory_space<vmem>>) semaphore(%arg17 : memref<!tpu.dma_semaphore, #tpu.memory_space<semaphore_mem>>) {add = true}
      %dma_wait3A_318 = arith.constant 7 : i32
      %dma_wait3A_319 = arith.constant 0 : i32
      %dma_wait3A_320 = tpu.memref_slice %arg9[%dma_wait3A_318, %dma_wait3A_319] : memref<10x128xi32, #tpu.memory_space<vmem>> -> memref<1x128xi32, #tpu.memory_space<vmem>>
      %dma_wait3A_321 = tpu.memref_squeeze %dma_wait3A_320 : memref<1x128xi32, #tpu.memory_space<vmem>> -> memref<128xi32, #tpu.memory_space<vmem>>
      %dma_wait3A_322 = arith.constant 0 : i32
      %dma_wait3A_323 = arith.constant 0 : i32
      %dma_wait3A_324 = tpu.memref_slice %arg13[%dma_wait3A_322, %dma_wait3A_323] : memref<8008x128xf32, #tpu.memory_space<vmem_shared>> -> memref<8008x128xf32, #tpu.memory_space<vmem_shared>>
      tpu.wait_indirect_dma semaphore(%arg18 : memref<!tpu.dma_semaphore, #tpu.memory_space<semaphore_mem>>) src(%arg11 : memref<128x128xf32, #tpu.memory_space<vmem>>) dst(%dma_wait3A_324 : memref<8008x128xf32, #tpu.memory_space<vmem_shared>>)
      %dma_wait3A_325 = arith.constant 8 : i32
      %dma_wait3A_326 = arith.constant 0 : i32
      %dma_wait3A_327 = tpu.memref_slice %arg9[%dma_wait3A_325, %dma_wait3A_326] : memref<10x128xi32, #tpu.memory_space<vmem>> -> memref<1x128xi32, #tpu.memory_space<vmem>>
      %dma_wait3A_328 = tpu.memref_squeeze %dma_wait3A_327 : memref<1x128xi32, #tpu.memory_space<vmem>> -> memref<128xi32, #tpu.memory_space<vmem>>
      %dma_wait3A_329 = arith.constant 0 : i32
      %dma_wait3A_330 = arith.constant 0 : i32
      %dma_wait3A_331 = tpu.memref_slice %arg13[%dma_wait3A_329, %dma_wait3A_330] : memref<8008x128xf32, #tpu.memory_space<vmem_shared>> -> memref<8008x128xf32, #tpu.memory_space<vmem_shared>>
      tpu.wait_indirect_dma semaphore(%arg19 : memref<!tpu.dma_semaphore, #tpu.memory_space<semaphore_mem>>) src(%arg12 : memref<128x128xf32, #tpu.memory_space<vmem>>) dst(%dma_wait3A_331 : memref<8008x128xf32, #tpu.memory_space<vmem_shared>>)
      %dma_wait3A_332 = arith.constant 9 : i32
      %dma_wait3A_333 = arith.constant 0 : i32
      %dma_wait3A_334 = tpu.memref_slice %arg9[%dma_wait3A_332, %dma_wait3A_333] : memref<10x128xi32, #tpu.memory_space<vmem>> -> memref<1x128xi32, #tpu.memory_space<vmem>>
      %dma_wait3A_335 = tpu.memref_squeeze %dma_wait3A_334 : memref<1x128xi32, #tpu.memory_space<vmem>> -> memref<128xi32, #tpu.memory_space<vmem>>
      %dma_wait3A_336 = arith.constant 0 : i32
      %dma_wait3A_337 = arith.constant 0 : i32
      %dma_wait3A_338 = tpu.memref_slice %arg13[%dma_wait3A_336, %dma_wait3A_337] : memref<8008x128xf32, #tpu.memory_space<vmem_shared>> -> memref<8008x128xf32, #tpu.memory_space<vmem_shared>>
      tpu.wait_indirect_dma semaphore(%arg17 : memref<!tpu.dma_semaphore, #tpu.memory_space<semaphore_mem>>) src(%arg10 : memref<128x128xf32, #tpu.memory_space<vmem>>) dst(%dma_wait3A_338 : memref<8008x128xf32, #tpu.memory_space<vmem_shared>>)
    }
    %barrier3A_27 = arith.constant 0 : index
    tpu.barrier barrier_id(%barrier3A_27)
    %eq3A_28 = arith.constant 0 : i32
    %eq3A_29 = arith.cmpi eq, %arg0, %eq3A_28 : i32
    %lt3A_30 = arith.constant 15 : i32
    %lt3A_31 = arith.cmpi slt, %arg1, %lt3A_30 : i32
    %and3A = arith.andi %eq3A_29, %lt3A_31 : i1
    %convert_element_type3A_32 = arith.extui %and3A : i1 to i32
    %cond3A_33 = arith.constant 0 : i32
    %cond3A_34 = arith.cmpi ne, %convert_element_type3A_32, %cond3A_33 : i32
    scf.if %cond3A_34 {
      %mul3A_59 = arith.constant 496 : i32
      %mul3A_60 = arith.muli %arg1, %mul3A_59 : i32
      "tpu.region"() ({
        %run_scoped3A = tpu.sem_alloc : memref<!tpu.dma_semaphore, #tpu.memory_space<semaphore_mem>>
        %dma_start3A = arith.constant 0 : i32
        %dma_start3A_61 = tpu.memref_slice %arg6[%mul3A_60, %dma_start3A] : memref<8008x128xf32, #tpu.memory_space<hbm>> -> memref<496x128xf32, #tpu.memory_space<hbm>>
        %dma_start3A_62 = arith.constant 0 : i32
        %dma_start3A_63 = tpu.memref_slice %arg13[%mul3A_60, %dma_start3A_62] : memref<8008x128xf32, #tpu.memory_space<vmem_shared>> -> memref<496x128xf32, #tpu.memory_space<vmem_shared>>
        tpu.enqueue_dma source(%dma_start3A_63 : memref<496x128xf32, #tpu.memory_space<vmem_shared>>) target(%dma_start3A_61 : memref<496x128xf32, #tpu.memory_space<hbm>>) target_semaphore(%run_scoped3A : memref<!tpu.dma_semaphore, #tpu.memory_space<semaphore_mem>>)
        %dma_wait3A = arith.constant 0 : i32
        %dma_wait3A_64 = tpu.memref_slice %arg6[%mul3A_60, %dma_wait3A] : memref<8008x128xf32, #tpu.memory_space<hbm>> -> memref<496x128xf32, #tpu.memory_space<hbm>>
        %dma_wait3A_65 = arith.constant 0 : i32
        %dma_wait3A_66 = tpu.memref_slice %arg13[%mul3A_60, %dma_wait3A_65] : memref<8008x128xf32, #tpu.memory_space<vmem_shared>> -> memref<496x128xf32, #tpu.memory_space<vmem_shared>>
        tpu.wait_dma2 semaphore(%run_scoped3A : memref<!tpu.dma_semaphore, #tpu.memory_space<semaphore_mem>>) src(%dma_wait3A_66 : memref<496x128xf32, #tpu.memory_space<vmem_shared>>) dst(%dma_wait3A_64 : memref<496x128xf32, #tpu.memory_space<hbm>>)
        tpu.yield
      }) : () -> ()
    } else {
    }
    %eq3A_35 = arith.constant 0 : i32
    %eq3A_36 = arith.cmpi eq, %arg0, %eq3A_35 : i32
    %eq3A_37 = arith.constant 15 : i32
    %eq3A_38 = arith.cmpi eq, %arg1, %eq3A_37 : i32
    %and3A_39 = arith.andi %eq3A_36, %eq3A_38 : i1
    %convert_element_type3A_40 = arith.extui %and3A_39 : i1 to i32
    %cond3A_41 = arith.constant 0 : i32
    %cond3A_42 = arith.cmpi ne, %convert_element_type3A_40, %cond3A_41 : i32
    scf.if %cond3A_42 {
      "tpu.region"() ({
        %run_scoped3A = tpu.sem_alloc : memref<!tpu.dma_semaphore, #tpu.memory_space<semaphore_mem>>
        %dma_start3A = arith.constant 7440 : i32
        %dma_start3A_59 = arith.constant 0 : i32
        %dma_start3A_60 = tpu.memref_slice %arg6[%dma_start3A, %dma_start3A_59] : memref<8008x128xf32, #tpu.memory_space<hbm>> -> memref<568x128xf32, #tpu.memory_space<hbm>>
        %dma_start3A_61 = arith.constant 7440 : i32
        %dma_start3A_62 = arith.constant 0 : i32
        %dma_start3A_63 = tpu.memref_slice %arg13[%dma_start3A_61, %dma_start3A_62] : memref<8008x128xf32, #tpu.memory_space<vmem_shared>> -> memref<568x128xf32, #tpu.memory_space<vmem_shared>>
        tpu.enqueue_dma source(%dma_start3A_63 : memref<568x128xf32, #tpu.memory_space<vmem_shared>>) target(%dma_start3A_60 : memref<568x128xf32, #tpu.memory_space<hbm>>) target_semaphore(%run_scoped3A : memref<!tpu.dma_semaphore, #tpu.memory_space<semaphore_mem>>)
        %dma_wait3A = arith.constant 7440 : i32
        %dma_wait3A_64 = arith.constant 0 : i32
        %dma_wait3A_65 = tpu.memref_slice %arg6[%dma_wait3A, %dma_wait3A_64] : memref<8008x128xf32, #tpu.memory_space<hbm>> -> memref<568x128xf32, #tpu.memory_space<hbm>>
        %dma_wait3A_66 = arith.constant 7440 : i32
        %dma_wait3A_67 = arith.constant 0 : i32
        %dma_wait3A_68 = tpu.memref_slice %arg13[%dma_wait3A_66, %dma_wait3A_67] : memref<8008x128xf32, #tpu.memory_space<vmem_shared>> -> memref<568x128xf32, #tpu.memory_space<vmem_shared>>
        tpu.wait_dma2 semaphore(%run_scoped3A : memref<!tpu.dma_semaphore, #tpu.memory_space<semaphore_mem>>) src(%dma_wait3A_68 : memref<568x128xf32, #tpu.memory_space<vmem_shared>>) dst(%dma_wait3A_65 : memref<568x128xf32, #tpu.memory_space<hbm>>)
        tpu.yield
      }) : () -> ()
    } else {
    }
    %eq3A_43 = arith.constant 1 : i32
    %eq3A_44 = arith.cmpi eq, %arg0, %eq3A_43 : i32
    %lt3A_45 = arith.constant 15 : i32
    %lt3A_46 = arith.cmpi slt, %arg1, %lt3A_45 : i32
    %and3A_47 = arith.andi %eq3A_44, %lt3A_46 : i1
    %convert_element_type3A_48 = arith.extui %and3A_47 : i1 to i32
    %cond3A_49 = arith.constant 0 : i32
    %cond3A_50 = arith.cmpi ne, %convert_element_type3A_48, %cond3A_49 : i32
    scf.if %cond3A_50 {
      %mul3A_59 = arith.constant 496 : i32
      %mul3A_60 = arith.muli %arg1, %mul3A_59 : i32
      "tpu.region"() ({
        %run_scoped3A = tpu.sem_alloc : memref<!tpu.dma_semaphore, #tpu.memory_space<semaphore_mem>>
        %dma_start3A = arith.constant 0 : i32
        %dma_start3A_61 = tpu.memref_slice %arg7[%mul3A_60, %dma_start3A] : memref<8008x128xf32, #tpu.memory_space<hbm>> -> memref<496x128xf32, #tpu.memory_space<hbm>>
        %dma_start3A_62 = arith.constant 0 : i32
        %dma_start3A_63 = tpu.memref_slice %arg13[%mul3A_60, %dma_start3A_62] : memref<8008x128xf32, #tpu.memory_space<vmem_shared>> -> memref<496x128xf32, #tpu.memory_space<vmem_shared>>
        tpu.enqueue_dma source(%dma_start3A_63 : memref<496x128xf32, #tpu.memory_space<vmem_shared>>) target(%dma_start3A_61 : memref<496x128xf32, #tpu.memory_space<hbm>>) target_semaphore(%run_scoped3A : memref<!tpu.dma_semaphore, #tpu.memory_space<semaphore_mem>>)
        %dma_wait3A = arith.constant 0 : i32
        %dma_wait3A_64 = tpu.memref_slice %arg7[%mul3A_60, %dma_wait3A] : memref<8008x128xf32, #tpu.memory_space<hbm>> -> memref<496x128xf32, #tpu.memory_space<hbm>>
        %dma_wait3A_65 = arith.constant 0 : i32
        %dma_wait3A_66 = tpu.memref_slice %arg13[%mul3A_60, %dma_wait3A_65] : memref<8008x128xf32, #tpu.memory_space<vmem_shared>> -> memref<496x128xf32, #tpu.memory_space<vmem_shared>>
        tpu.wait_dma2 semaphore(%run_scoped3A : memref<!tpu.dma_semaphore, #tpu.memory_space<semaphore_mem>>) src(%dma_wait3A_66 : memref<496x128xf32, #tpu.memory_space<vmem_shared>>) dst(%dma_wait3A_64 : memref<496x128xf32, #tpu.memory_space<hbm>>)
        tpu.yield
      }) : () -> ()
    } else {
    }
    %eq3A_51 = arith.constant 1 : i32
    %eq3A_52 = arith.cmpi eq, %arg0, %eq3A_51 : i32
    %eq3A_53 = arith.constant 15 : i32
    %eq3A_54 = arith.cmpi eq, %arg1, %eq3A_53 : i32
    %and3A_55 = arith.andi %eq3A_52, %eq3A_54 : i1
    %convert_element_type3A_56 = arith.extui %and3A_55 : i1 to i32
    %cond3A_57 = arith.constant 0 : i32
    %cond3A_58 = arith.cmpi ne, %convert_element_type3A_56, %cond3A_57 : i32
    scf.if %cond3A_58 {
      "tpu.region"() ({
        %run_scoped3A = tpu.sem_alloc : memref<!tpu.dma_semaphore, #tpu.memory_space<semaphore_mem>>
        %dma_start3A = arith.constant 7440 : i32
        %dma_start3A_59 = arith.constant 0 : i32
        %dma_start3A_60 = tpu.memref_slice %arg7[%dma_start3A, %dma_start3A_59] : memref<8008x128xf32, #tpu.memory_space<hbm>> -> memref<568x128xf32, #tpu.memory_space<hbm>>
        %dma_start3A_61 = arith.constant 7440 : i32
        %dma_start3A_62 = arith.constant 0 : i32
        %dma_start3A_63 = tpu.memref_slice %arg13[%dma_start3A_61, %dma_start3A_62] : memref<8008x128xf32, #tpu.memory_space<vmem_shared>> -> memref<568x128xf32, #tpu.memory_space<vmem_shared>>
        tpu.enqueue_dma source(%dma_start3A_63 : memref<568x128xf32, #tpu.memory_space<vmem_shared>>) target(%dma_start3A_60 : memref<568x128xf32, #tpu.memory_space<hbm>>) target_semaphore(%run_scoped3A : memref<!tpu.dma_semaphore, #tpu.memory_space<semaphore_mem>>)
        %dma_wait3A = arith.constant 7440 : i32
        %dma_wait3A_64 = arith.constant 0 : i32
        %dma_wait3A_65 = tpu.memref_slice %arg7[%dma_wait3A, %dma_wait3A_64] : memref<8008x128xf32, #tpu.memory_space<hbm>> -> memref<568x128xf32, #tpu.memory_space<hbm>>
        %dma_wait3A_66 = arith.constant 7440 : i32
        %dma_wait3A_67 = arith.constant 0 : i32
        %dma_wait3A_68 = tpu.memref_slice %arg13[%dma_wait3A_66, %dma_wait3A_67] : memref<8008x128xf32, #tpu.memory_space<vmem_shared>> -> memref<568x128xf32, #tpu.memory_space<vmem_shared>>
        tpu.wait_dma2 semaphore(%run_scoped3A : memref<!tpu.dma_semaphore, #tpu.memory_space<semaphore_mem>>) src(%dma_wait3A_68 : memref<568x128xf32, #tpu.memory_space<vmem_shared>>) dst(%dma_wait3A_65 : memref<568x128xf32, #tpu.memory_space<hbm>>)
        tpu.yield
      }) : () -> ()
    } else {
    }
    return
  }
}

#map = affine_map<(d0, d1) -> (0, 0)>
#map1 = affine_map<(d0, d1) -> (0, 0, 0)>
module attributes {stable_mosaic.version = 14 : i64} {
  func.func @_sc_agg_body(%arg0: i32, %arg1: i32, %arg2: memref<160000x128xf32, #tpu.memory_space<hbm>>, %arg3: memref<250x10x128xi32, #tpu.memory_space<hbm>>, %arg4: memref<250x10x128xi32, #tpu.memory_space<hbm>>, %arg5: memref<568x128xf32, #tpu.memory_space<hbm>>, %arg6: memref<8008x128xf32, #tpu.memory_space<hbm>>, %arg7: memref<8008x128xf32, #tpu.memory_space<hbm>>, %arg8: memref<10x128xi32, #tpu.memory_space<vmem>>, %arg9: memref<10x128xi32, #tpu.memory_space<vmem>>, %arg10: memref<128x128xf32, #tpu.memory_space<vmem>>, %arg11: memref<128x128xf32, #tpu.memory_space<vmem>>, %arg12: memref<128x128xf32, #tpu.memory_space<vmem>>, %arg13: memref<8008x128xf32, #tpu.memory_space<vmem_shared>>, %arg14: memref<!tpu.dma_semaphore, #tpu.memory_space<semaphore_mem>>, %arg15: memref<!tpu.dma_semaphore, #tpu.memory_space<semaphore_mem>>, %arg16: memref<!tpu.dma_semaphore, #tpu.memory_space<semaphore_mem>>, %arg17: memref<!tpu.dma_semaphore, #tpu.memory_space<semaphore_mem>>, %arg18: memref<!tpu.dma_semaphore, #tpu.memory_space<semaphore_mem>>, %arg19: memref<!tpu.dma_semaphore, #tpu.memory_space<semaphore_mem>>) attributes {dimension_semantics = [#tpu.dimension_semantics<core_parallel>, #tpu.dimension_semantics<subcore_parallel>], iteration_bounds = array<i64: 2, 16>, scalar_prefetch = 0 : i64, scratch_operands = 12 : i64, tpu.core_type = #tpu.core_type<sc_vector_subcore>, window_params = [{transform_indices = #map}, {transform_indices = #map1}, {transform_indices = #map1}, {transform_indices = #map}, {transform_indices = #map}, {transform_indices = #map}]} {
    %mul3A = arith.constant 125 : i32
    %mul3A_0 = arith.muli %arg0, %mul3A : i32
    %min3A = arith.constant 13 : i32
    %min3A_1 = arith.minsi %arg1, %min3A : i32
    %mul3A_2 = arith.constant 8 : i32
    %mul3A_3 = arith.muli %min3A_1, %mul3A_2 : i32
    %add3A = arith.addi %mul3A_0, %mul3A_3 : i32
    %sub3A = arith.constant 13 : i32
    %sub3A_4 = arith.subi %arg1, %sub3A : i32
    %max3A = arith.constant 0 : i32
    %max3A_5 = arith.maxsi %sub3A_4, %max3A : i32
    %mul3A_6 = arith.constant 7 : i32
    %mul3A_7 = arith.muli %max3A_5, %mul3A_6 : i32
    %add3A_8 = arith.addi %add3A, %mul3A_7 : i32
    %lt3A = arith.constant 13 : i32
    %lt3A_9 = arith.cmpi slt, %arg1, %lt3A : i32
    %jit3A = arith.constant 8 : i32
    %jit3A_10 = arith.constant 7 : i32
    %select_n3A = arith.select %lt3A_9, %jit3A, %jit3A_10 : i32
    %lt3A_11 = arith.constant 15 : i32
    %lt3A_12 = arith.cmpi slt, %arg1, %lt3A_11 : i32
    %convert_element_type3A = arith.extui %lt3A_12 : i1 to i32
    %cond3A = arith.constant 0 : i32
    %cond3A_13 = arith.cmpi ne, %convert_element_type3A, %cond3A : i32
    scf.if %cond3A_13 {
      %mul3A_59 = arith.constant 496 : i32
      %mul3A_60 = arith.muli %arg1, %mul3A_59 : i32
      "tpu.region"() ({
        %run_scoped3A = tpu.sem_alloc : memref<!tpu.dma_semaphore, #tpu.memory_space<semaphore_mem>>
        %dma_start3A = arith.constant 0 : i32
        %dma_start3A_61 = tpu.memref_slice %arg13[%mul3A_60, %dma_start3A] : memref<8008x128xf32, #tpu.memory_space<vmem_shared>> -> memref<496x128xf32, #tpu.memory_space<vmem_shared>>
        %dma_start3A_62 = arith.constant 0 : i32
        %dma_start3A_63 = arith.constant 0 : i32
        %dma_start3A_64 = tpu.memref_slice %arg5[%dma_start3A_62, %dma_start3A_63] : memref<568x128xf32, #tpu.memory_space<hbm>> -> memref<496x128xf32, #tpu.memory_space<hbm>>
        tpu.enqueue_dma source(%dma_start3A_64 : memref<496x128xf32, #tpu.memory_space<hbm>>) target(%dma_start3A_61 : memref<496x128xf32, #tpu.memory_space<vmem_shared>>) target_semaphore(%run_scoped3A : memref<!tpu.dma_semaphore, #tpu.memory_space<semaphore_mem>>)
        %dma_wait3A = arith.constant 0 : i32
        %dma_wait3A_65 = tpu.memref_slice %arg13[%mul3A_60, %dma_wait3A] : memref<8008x128xf32, #tpu.memory_space<vmem_shared>> -> memref<496x128xf32, #tpu.memory_space<vmem_shared>>
        %dma_wait3A_66 = arith.constant 0 : i32
        %dma_wait3A_67 = arith.constant 0 : i32
        %dma_wait3A_68 = tpu.memref_slice %arg5[%dma_wait3A_66, %dma_wait3A_67] : memref<568x128xf32, #tpu.memory_space<hbm>> -> memref<496x128xf32, #tpu.memory_space<hbm>>
        tpu.wait_dma2 semaphore(%run_scoped3A : memref<!tpu.dma_semaphore, #tpu.memory_space<semaphore_mem>>) src(%dma_wait3A_68 : memref<496x128xf32, #tpu.memory_space<hbm>>) dst(%dma_wait3A_65 : memref<496x128xf32, #tpu.memory_space<vmem_shared>>)
        tpu.yield
      }) : () -> ()
    } else {
    }
    %eq3A = arith.constant 15 : i32
    %eq3A_14 = arith.cmpi eq, %arg1, %eq3A : i32
    %convert_element_type3A_15 = arith.extui %eq3A_14 : i1 to i32
    %cond3A_16 = arith.constant 0 : i32
    %cond3A_17 = arith.cmpi ne, %convert_element_type3A_15, %cond3A_16 : i32
    scf.if %cond3A_17 {
      "tpu.region"() ({
        %run_scoped3A = tpu.sem_alloc : memref<!tpu.dma_semaphore, #tpu.memory_space<semaphore_mem>>
        %dma_start3A = arith.constant 7440 : i32
        %dma_start3A_59 = arith.constant 0 : i32
        %dma_start3A_60 = tpu.memref_slice %arg13[%dma_start3A, %dma_start3A_59] : memref<8008x128xf32, #tpu.memory_space<vmem_shared>> -> memref<568x128xf32, #tpu.memory_space<vmem_shared>>
        tpu.enqueue_dma source(%arg5 : memref<568x128xf32, #tpu.memory_space<hbm>>) target(%dma_start3A_60 : memref<568x128xf32, #tpu.memory_space<vmem_shared>>) target_semaphore(%run_scoped3A : memref<!tpu.dma_semaphore, #tpu.memory_space<semaphore_mem>>)
        %dma_wait3A = arith.constant 7440 : i32
        %dma_wait3A_61 = arith.constant 0 : i32
        %dma_wait3A_62 = tpu.memref_slice %arg13[%dma_wait3A, %dma_wait3A_61] : memref<8008x128xf32, #tpu.memory_space<vmem_shared>> -> memref<568x128xf32, #tpu.memory_space<vmem_shared>>
        tpu.wait_dma2 semaphore(%run_scoped3A : memref<!tpu.dma_semaphore, #tpu.memory_space<semaphore_mem>>) src(%arg5 : memref<568x128xf32, #tpu.memory_space<hbm>>) dst(%dma_wait3A_62 : memref<568x128xf32, #tpu.memory_space<vmem_shared>>)
        tpu.yield
      }) : () -> ()
    } else {
    }
    %barrier3A = arith.constant 0 : index
    tpu.barrier barrier_id(%barrier3A)
    %while3A = arith.constant 0 : i32
    %while3A_18 = arith.constant 0 : i32
    %while3A_19 = arith.subi %select_n3A, %while3A_18 : i32
    %while3A_20 = arith.addi %while3A_18, %while3A_19 : i32
    %while3A_21 = arith.constant 1 : i32
    %while3A_22 = arith.divsi %while3A_19, %while3A_21 : i32
    %while3A_23 = arith.muli %while3A_22, %while3A_21 : i32
    %while3A_24 = arith.addi %while3A_18, %while3A_23 : i32
    %while3A_25 = arith.constant 1 : i32
    scf.for %while3A_59 = %while3A_18 to %while3A_24 step %while3A_25  : i32 {
      %add3A_60 = arith.addi %add3A_8, %while3A_59 : i32
      "tpu.region"() ({
        %run_scoped3A = tpu.sem_alloc : memref<!tpu.dma_semaphore, #tpu.memory_space<semaphore_mem>>
        %dma_start3A_339 = arith.constant 0 : i32
        %dma_start3A_340 = arith.constant 0 : i32
        %dma_start3A_341 = tpu.memref_slice %arg3[%add3A_60, %dma_start3A_339, %dma_start3A_340] : memref<250x10x128xi32, #tpu.memory_space<hbm>> -> memref<1x10x128xi32, #tpu.memory_space<hbm>>
        %dma_start3A_342 = tpu.memref_squeeze %dma_start3A_341 : memref<1x10x128xi32, #tpu.memory_space<hbm>> -> memref<10x128xi32, #tpu.memory_space<hbm>>
        %dma_start3A_343 = arith.constant 0 : i32
        %dma_start3A_344 = arith.constant 0 : i32
        %dma_start3A_345 = tpu.memref_slice %arg3[%add3A_60, %dma_start3A_343, %dma_start3A_344] : memref<250x10x128xi32, #tpu.memory_space<hbm>> -> memref<1x10x128xi32, #tpu.memory_space<hbm>>
        %dma_start3A_346 = tpu.memref_squeeze %dma_start3A_345 : memref<1x10x128xi32, #tpu.memory_space<hbm>> -> memref<10x128xi32, #tpu.memory_space<hbm>>
        tpu.enqueue_dma source(%dma_start3A_346 : memref<10x128xi32, #tpu.memory_space<hbm>>) target(%arg8 : memref<10x128xi32, #tpu.memory_space<vmem>>) target_semaphore(%run_scoped3A : memref<!tpu.dma_semaphore, #tpu.memory_space<semaphore_mem>>)
        %dma_wait3A_347 = arith.constant 0 : i32
        %dma_wait3A_348 = arith.constant 0 : i32
        %dma_wait3A_349 = tpu.memref_slice %arg3[%add3A_60, %dma_wait3A_347, %dma_wait3A_348] : memref<250x10x128xi32, #tpu.memory_space<hbm>> -> memref<1x10x128xi32, #tpu.memory_space<hbm>>
        %dma_wait3A_350 = tpu.memref_squeeze %dma_wait3A_349 : memref<1x10x128xi32, #tpu.memory_space<hbm>> -> memref<10x128xi32, #tpu.memory_space<hbm>>
        %dma_wait3A_351 = arith.constant 0 : i32
        %dma_wait3A_352 = arith.constant 0 : i32
        %dma_wait3A_353 = tpu.memref_slice %arg3[%add3A_60, %dma_wait3A_351, %dma_wait3A_352] : memref<250x10x128xi32, #tpu.memory_space<hbm>> -> memref<1x10x128xi32, #tpu.memory_space<hbm>>
        %dma_wait3A_354 = tpu.memref_squeeze %dma_wait3A_353 : memref<1x10x128xi32, #tpu.memory_space<hbm>> -> memref<10x128xi32, #tpu.memory_space<hbm>>
        tpu.wait_dma2 semaphore(%run_scoped3A : memref<!tpu.dma_semaphore, #tpu.memory_space<semaphore_mem>>) src(%dma_wait3A_354 : memref<10x128xi32, #tpu.memory_space<hbm>>) dst(%arg8 : memref<10x128xi32, #tpu.memory_space<vmem>>)
        tpu.yield
      }) : () -> ()
      "tpu.region"() ({
        %run_scoped3A = tpu.sem_alloc : memref<!tpu.dma_semaphore, #tpu.memory_space<semaphore_mem>>
        %dma_start3A_339 = arith.constant 0 : i32
        %dma_start3A_340 = arith.constant 0 : i32
        %dma_start3A_341 = tpu.memref_slice %arg4[%add3A_60, %dma_start3A_339, %dma_start3A_340] : memref<250x10x128xi32, #tpu.memory_space<hbm>> -> memref<1x10x128xi32, #tpu.memory_space<hbm>>
        %dma_start3A_342 = tpu.memref_squeeze %dma_start3A_341 : memref<1x10x128xi32, #tpu.memory_space<hbm>> -> memref<10x128xi32, #tpu.memory_space<hbm>>
        %dma_start3A_343 = arith.constant 0 : i32
        %dma_start3A_344 = arith.constant 0 : i32
        %dma_start3A_345 = tpu.memref_slice %arg4[%add3A_60, %dma_start3A_343, %dma_start3A_344] : memref<250x10x128xi32, #tpu.memory_space<hbm>> -> memref<1x10x128xi32, #tpu.memory_space<hbm>>
        %dma_start3A_346 = tpu.memref_squeeze %dma_start3A_345 : memref<1x10x128xi32, #tpu.memory_space<hbm>> -> memref<10x128xi32, #tpu.memory_space<hbm>>
        tpu.enqueue_dma source(%dma_start3A_346 : memref<10x128xi32, #tpu.memory_space<hbm>>) target(%arg9 : memref<10x128xi32, #tpu.memory_space<vmem>>) target_semaphore(%run_scoped3A : memref<!tpu.dma_semaphore, #tpu.memory_space<semaphore_mem>>)
        %dma_wait3A_347 = arith.constant 0 : i32
        %dma_wait3A_348 = arith.constant 0 : i32
        %dma_wait3A_349 = tpu.memref_slice %arg4[%add3A_60, %dma_wait3A_347, %dma_wait3A_348] : memref<250x10x128xi32, #tpu.memory_space<hbm>> -> memref<1x10x128xi32, #tpu.memory_space<hbm>>
        %dma_wait3A_350 = tpu.memref_squeeze %dma_wait3A_349 : memref<1x10x128xi32, #tpu.memory_space<hbm>> -> memref<10x128xi32, #tpu.memory_space<hbm>>
        %dma_wait3A_351 = arith.constant 0 : i32
        %dma_wait3A_352 = arith.constant 0 : i32
        %dma_wait3A_353 = tpu.memref_slice %arg4[%add3A_60, %dma_wait3A_351, %dma_wait3A_352] : memref<250x10x128xi32, #tpu.memory_space<hbm>> -> memref<1x10x128xi32, #tpu.memory_space<hbm>>
        %dma_wait3A_354 = tpu.memref_squeeze %dma_wait3A_353 : memref<1x10x128xi32, #tpu.memory_space<hbm>> -> memref<10x128xi32, #tpu.memory_space<hbm>>
        tpu.wait_dma2 semaphore(%run_scoped3A : memref<!tpu.dma_semaphore, #tpu.memory_space<semaphore_mem>>) src(%dma_wait3A_354 : memref<10x128xi32, #tpu.memory_space<hbm>>) dst(%arg9 : memref<10x128xi32, #tpu.memory_space<vmem>>)
        tpu.yield
      }) : () -> ()
      %dma_start3A = arith.constant 0 : i32
      %dma_start3A_61 = arith.constant 0 : i32
      %dma_start3A_62 = tpu.memref_slice %arg8[%dma_start3A, %dma_start3A_61] : memref<10x128xi32, #tpu.memory_space<vmem>> -> memref<1x128xi32, #tpu.memory_space<vmem>>
      %dma_start3A_63 = tpu.memref_squeeze %dma_start3A_62 : memref<1x128xi32, #tpu.memory_space<vmem>> -> memref<128xi32, #tpu.memory_space<vmem>>
      %dma_start3A_64 = arith.constant 0 : i32
      %dma_start3A_65 = arith.constant 0 : i32
      %dma_start3A_66 = tpu.memref_slice %arg2[%dma_start3A_64, %dma_start3A_65] : memref<160000x128xf32, #tpu.memory_space<hbm>> -> memref<160000x128xf32, #tpu.memory_space<hbm>>
      tpu.enqueue_indirect_dma source(%dma_start3A_66 : memref<160000x128xf32, #tpu.memory_space<hbm>>) target(%arg10 : memref<128x128xf32, #tpu.memory_space<vmem>>) offsets(%dma_start3A_63 : memref<128xi32, #tpu.memory_space<vmem>>) semaphore(%arg14 : memref<!tpu.dma_semaphore, #tpu.memory_space<semaphore_mem>>)
      %dma_start3A_67 = arith.constant 1 : i32
      %dma_start3A_68 = arith.constant 0 : i32
      %dma_start3A_69 = tpu.memref_slice %arg8[%dma_start3A_67, %dma_start3A_68] : memref<10x128xi32, #tpu.memory_space<vmem>> -> memref<1x128xi32, #tpu.memory_space<vmem>>
      %dma_start3A_70 = tpu.memref_squeeze %dma_start3A_69 : memref<1x128xi32, #tpu.memory_space<vmem>> -> memref<128xi32, #tpu.memory_space<vmem>>
      %dma_start3A_71 = arith.constant 0 : i32
      %dma_start3A_72 = arith.constant 0 : i32
      %dma_start3A_73 = tpu.memref_slice %arg2[%dma_start3A_71, %dma_start3A_72] : memref<160000x128xf32, #tpu.memory_space<hbm>> -> memref<160000x128xf32, #tpu.memory_space<hbm>>
      tpu.enqueue_indirect_dma source(%dma_start3A_73 : memref<160000x128xf32, #tpu.memory_space<hbm>>) target(%arg11 : memref<128x128xf32, #tpu.memory_space<vmem>>) offsets(%dma_start3A_70 : memref<128xi32, #tpu.memory_space<vmem>>) semaphore(%arg15 : memref<!tpu.dma_semaphore, #tpu.memory_space<semaphore_mem>>)
      %dma_wait3A = arith.constant 0 : i32
      %dma_wait3A_74 = arith.constant 0 : i32
      %dma_wait3A_75 = tpu.memref_slice %arg8[%dma_wait3A, %dma_wait3A_74] : memref<10x128xi32, #tpu.memory_space<vmem>> -> memref<1x128xi32, #tpu.memory_space<vmem>>
      %dma_wait3A_76 = tpu.memref_squeeze %dma_wait3A_75 : memref<1x128xi32, #tpu.memory_space<vmem>> -> memref<128xi32, #tpu.memory_space<vmem>>
      %dma_wait3A_77 = arith.constant 0 : i32
      %dma_wait3A_78 = arith.constant 0 : i32
      %dma_wait3A_79 = tpu.memref_slice %arg2[%dma_wait3A_77, %dma_wait3A_78] : memref<160000x128xf32, #tpu.memory_space<hbm>> -> memref<160000x128xf32, #tpu.memory_space<hbm>>
      tpu.wait_indirect_dma semaphore(%arg14 : memref<!tpu.dma_semaphore, #tpu.memory_space<semaphore_mem>>) src(%dma_wait3A_79 : memref<160000x128xf32, #tpu.memory_space<hbm>>) dst(%arg10 : memref<128x128xf32, #tpu.memory_space<vmem>>)
      %dma_start3A_80 = arith.constant 0 : i32
      %dma_start3A_81 = arith.constant 0 : i32
      %dma_start3A_82 = tpu.memref_slice %arg9[%dma_start3A_80, %dma_start3A_81] : memref<10x128xi32, #tpu.memory_space<vmem>> -> memref<1x128xi32, #tpu.memory_space<vmem>>
      %dma_start3A_83 = tpu.memref_squeeze %dma_start3A_82 : memref<1x128xi32, #tpu.memory_space<vmem>> -> memref<128xi32, #tpu.memory_space<vmem>>
      %dma_start3A_84 = arith.constant 0 : i32
      %dma_start3A_85 = arith.constant 0 : i32
      %dma_start3A_86 = tpu.memref_slice %arg13[%dma_start3A_84, %dma_start3A_85] : memref<8008x128xf32, #tpu.memory_space<vmem_shared>> -> memref<8008x128xf32, #tpu.memory_space<vmem_shared>>
      tpu.enqueue_indirect_dma source(%arg10 : memref<128x128xf32, #tpu.memory_space<vmem>>) target(%dma_start3A_86 : memref<8008x128xf32, #tpu.memory_space<vmem_shared>>) offsets(%dma_start3A_83 : memref<128xi32, #tpu.memory_space<vmem>>) semaphore(%arg17 : memref<!tpu.dma_semaphore, #tpu.memory_space<semaphore_mem>>) {add = true}
      %dma_start3A_87 = arith.constant 2 : i32
      %dma_start3A_88 = arith.constant 0 : i32
      %dma_start3A_89 = tpu.memref_slice %arg8[%dma_start3A_87, %dma_start3A_88] : memref<10x128xi32, #tpu.memory_space<vmem>> -> memref<1x128xi32, #tpu.memory_space<vmem>>
      %dma_start3A_90 = tpu.memref_squeeze %dma_start3A_89 : memref<1x128xi32, #tpu.memory_space<vmem>> -> memref<128xi32, #tpu.memory_space<vmem>>
      %dma_start3A_91 = arith.constant 0 : i32
      %dma_start3A_92 = arith.constant 0 : i32
      %dma_start3A_93 = tpu.memref_slice %arg2[%dma_start3A_91, %dma_start3A_92] : memref<160000x128xf32, #tpu.memory_space<hbm>> -> memref<160000x128xf32, #tpu.memory_space<hbm>>
      tpu.enqueue_indirect_dma source(%dma_start3A_93 : memref<160000x128xf32, #tpu.memory_space<hbm>>) target(%arg12 : memref<128x128xf32, #tpu.memory_space<vmem>>) offsets(%dma_start3A_90 : memref<128xi32, #tpu.memory_space<vmem>>) semaphore(%arg16 : memref<!tpu.dma_semaphore, #tpu.memory_space<semaphore_mem>>)
      %dma_wait3A_94 = arith.constant 1 : i32
      %dma_wait3A_95 = arith.constant 0 : i32
      %dma_wait3A_96 = tpu.memref_slice %arg8[%dma_wait3A_94, %dma_wait3A_95] : memref<10x128xi32, #tpu.memory_space<vmem>> -> memref<1x128xi32, #tpu.memory_space<vmem>>
      %dma_wait3A_97 = tpu.memref_squeeze %dma_wait3A_96 : memref<1x128xi32, #tpu.memory_space<vmem>> -> memref<128xi32, #tpu.memory_space<vmem>>
      %dma_wait3A_98 = arith.constant 0 : i32
      %dma_wait3A_99 = arith.constant 0 : i32
      %dma_wait3A_100 = tpu.memref_slice %arg2[%dma_wait3A_98, %dma_wait3A_99] : memref<160000x128xf32, #tpu.memory_space<hbm>> -> memref<160000x128xf32, #tpu.memory_space<hbm>>
      tpu.wait_indirect_dma semaphore(%arg15 : memref<!tpu.dma_semaphore, #tpu.memory_space<semaphore_mem>>) src(%dma_wait3A_100 : memref<160000x128xf32, #tpu.memory_space<hbm>>) dst(%arg11 : memref<128x128xf32, #tpu.memory_space<vmem>>)
      %dma_start3A_101 = arith.constant 1 : i32
      %dma_start3A_102 = arith.constant 0 : i32
      %dma_start3A_103 = tpu.memref_slice %arg9[%dma_start3A_101, %dma_start3A_102] : memref<10x128xi32, #tpu.memory_space<vmem>> -> memref<1x128xi32, #tpu.memory_space<vmem>>
      %dma_start3A_104 = tpu.memref_squeeze %dma_start3A_103 : memref<1x128xi32, #tpu.memory_space<vmem>> -> memref<128xi32, #tpu.memory_space<vmem>>
      %dma_start3A_105 = arith.constant 0 : i32
      %dma_start3A_106 = arith.constant 0 : i32
      %dma_start3A_107 = tpu.memref_slice %arg13[%dma_start3A_105, %dma_start3A_106] : memref<8008x128xf32, #tpu.memory_space<vmem_shared>> -> memref<8008x128xf32, #tpu.memory_space<vmem_shared>>
      tpu.enqueue_indirect_dma source(%arg11 : memref<128x128xf32, #tpu.memory_space<vmem>>) target(%dma_start3A_107 : memref<8008x128xf32, #tpu.memory_space<vmem_shared>>) offsets(%dma_start3A_104 : memref<128xi32, #tpu.memory_space<vmem>>) semaphore(%arg18 : memref<!tpu.dma_semaphore, #tpu.memory_space<semaphore_mem>>) {add = true}
      %dma_wait3A_108 = arith.constant 0 : i32
      %dma_wait3A_109 = arith.constant 0 : i32
      %dma_wait3A_110 = tpu.memref_slice %arg9[%dma_wait3A_108, %dma_wait3A_109] : memref<10x128xi32, #tpu.memory_space<vmem>> -> memref<1x128xi32, #tpu.memory_space<vmem>>
      %dma_wait3A_111 = tpu.memref_squeeze %dma_wait3A_110 : memref<1x128xi32, #tpu.memory_space<vmem>> -> memref<128xi32, #tpu.memory_space<vmem>>
      %dma_wait3A_112 = arith.constant 0 : i32
      %dma_wait3A_113 = arith.constant 0 : i32
      %dma_wait3A_114 = tpu.memref_slice %arg13[%dma_wait3A_112, %dma_wait3A_113] : memref<8008x128xf32, #tpu.memory_space<vmem_shared>> -> memref<8008x128xf32, #tpu.memory_space<vmem_shared>>
      tpu.wait_indirect_dma semaphore(%arg17 : memref<!tpu.dma_semaphore, #tpu.memory_space<semaphore_mem>>) src(%arg10 : memref<128x128xf32, #tpu.memory_space<vmem>>) dst(%dma_wait3A_114 : memref<8008x128xf32, #tpu.memory_space<vmem_shared>>)
      %dma_start3A_115 = arith.constant 3 : i32
      %dma_start3A_116 = arith.constant 0 : i32
      %dma_start3A_117 = tpu.memref_slice %arg8[%dma_start3A_115, %dma_start3A_116] : memref<10x128xi32, #tpu.memory_space<vmem>> -> memref<1x128xi32, #tpu.memory_space<vmem>>
      %dma_start3A_118 = tpu.memref_squeeze %dma_start3A_117 : memref<1x128xi32, #tpu.memory_space<vmem>> -> memref<128xi32, #tpu.memory_space<vmem>>
      %dma_start3A_119 = arith.constant 0 : i32
      %dma_start3A_120 = arith.constant 0 : i32
      %dma_start3A_121 = tpu.memref_slice %arg2[%dma_start3A_119, %dma_start3A_120] : memref<160000x128xf32, #tpu.memory_space<hbm>> -> memref<160000x128xf32, #tpu.memory_space<hbm>>
      tpu.enqueue_indirect_dma source(%dma_start3A_121 : memref<160000x128xf32, #tpu.memory_space<hbm>>) target(%arg10 : memref<128x128xf32, #tpu.memory_space<vmem>>) offsets(%dma_start3A_118 : memref<128xi32, #tpu.memory_space<vmem>>) semaphore(%arg14 : memref<!tpu.dma_semaphore, #tpu.memory_space<semaphore_mem>>)
      %dma_wait3A_122 = arith.constant 2 : i32
      %dma_wait3A_123 = arith.constant 0 : i32
      %dma_wait3A_124 = tpu.memref_slice %arg8[%dma_wait3A_122, %dma_wait3A_123] : memref<10x128xi32, #tpu.memory_space<vmem>> -> memref<1x128xi32, #tpu.memory_space<vmem>>
      %dma_wait3A_125 = tpu.memref_squeeze %dma_wait3A_124 : memref<1x128xi32, #tpu.memory_space<vmem>> -> memref<128xi32, #tpu.memory_space<vmem>>
      %dma_wait3A_126 = arith.constant 0 : i32
      %dma_wait3A_127 = arith.constant 0 : i32
      %dma_wait3A_128 = tpu.memref_slice %arg2[%dma_wait3A_126, %dma_wait3A_127] : memref<160000x128xf32, #tpu.memory_space<hbm>> -> memref<160000x128xf32, #tpu.memory_space<hbm>>
      tpu.wait_indirect_dma semaphore(%arg16 : memref<!tpu.dma_semaphore, #tpu.memory_space<semaphore_mem>>) src(%dma_wait3A_128 : memref<160000x128xf32, #tpu.memory_space<hbm>>) dst(%arg12 : memref<128x128xf32, #tpu.memory_space<vmem>>)
      %dma_start3A_129 = arith.constant 2 : i32
      %dma_start3A_130 = arith.constant 0 : i32
      %dma_start3A_131 = tpu.memref_slice %arg9[%dma_start3A_129, %dma_start3A_130] : memref<10x128xi32, #tpu.memory_space<vmem>> -> memref<1x128xi32, #tpu.memory_space<vmem>>
      %dma_start3A_132 = tpu.memref_squeeze %dma_start3A_131 : memref<1x128xi32, #tpu.memory_space<vmem>> -> memref<128xi32, #tpu.memory_space<vmem>>
      %dma_start3A_133 = arith.constant 0 : i32
      %dma_start3A_134 = arith.constant 0 : i32
      %dma_start3A_135 = tpu.memref_slice %arg13[%dma_start3A_133, %dma_start3A_134] : memref<8008x128xf32, #tpu.memory_space<vmem_shared>> -> memref<8008x128xf32, #tpu.memory_space<vmem_shared>>
      tpu.enqueue_indirect_dma source(%arg12 : memref<128x128xf32, #tpu.memory_space<vmem>>) target(%dma_start3A_135 : memref<8008x128xf32, #tpu.memory_space<vmem_shared>>) offsets(%dma_start3A_132 : memref<128xi32, #tpu.memory_space<vmem>>) semaphore(%arg19 : memref<!tpu.dma_semaphore, #tpu.memory_space<semaphore_mem>>) {add = true}
      %dma_wait3A_136 = arith.constant 1 : i32
      %dma_wait3A_137 = arith.constant 0 : i32
      %dma_wait3A_138 = tpu.memref_slice %arg9[%dma_wait3A_136, %dma_wait3A_137] : memref<10x128xi32, #tpu.memory_space<vmem>> -> memref<1x128xi32, #tpu.memory_space<vmem>>
      %dma_wait3A_139 = tpu.memref_squeeze %dma_wait3A_138 : memref<1x128xi32, #tpu.memory_space<vmem>> -> memref<128xi32, #tpu.memory_space<vmem>>
      %dma_wait3A_140 = arith.constant 0 : i32
      %dma_wait3A_141 = arith.constant 0 : i32
      %dma_wait3A_142 = tpu.memref_slice %arg13[%dma_wait3A_140, %dma_wait3A_141] : memref<8008x128xf32, #tpu.memory_space<vmem_shared>> -> memref<8008x128xf32, #tpu.memory_space<vmem_shared>>
      tpu.wait_indirect_dma semaphore(%arg18 : memref<!tpu.dma_semaphore, #tpu.memory_space<semaphore_mem>>) src(%arg11 : memref<128x128xf32, #tpu.memory_space<vmem>>) dst(%dma_wait3A_142 : memref<8008x128xf32, #tpu.memory_space<vmem_shared>>)
      %dma_start3A_143 = arith.constant 4 : i32
      %dma_start3A_144 = arith.constant 0 : i32
      %dma_start3A_145 = tpu.memref_slice %arg8[%dma_start3A_143, %dma_start3A_144] : memref<10x128xi32, #tpu.memory_space<vmem>> -> memref<1x128xi32, #tpu.memory_space<vmem>>
      %dma_start3A_146 = tpu.memref_squeeze %dma_start3A_145 : memref<1x128xi32, #tpu.memory_space<vmem>> -> memref<128xi32, #tpu.memory_space<vmem>>
      %dma_start3A_147 = arith.constant 0 : i32
      %dma_start3A_148 = arith.constant 0 : i32
      %dma_start3A_149 = tpu.memref_slice %arg2[%dma_start3A_147, %dma_start3A_148] : memref<160000x128xf32, #tpu.memory_space<hbm>> -> memref<160000x128xf32, #tpu.memory_space<hbm>>
      tpu.enqueue_indirect_dma source(%dma_start3A_149 : memref<160000x128xf32, #tpu.memory_space<hbm>>) target(%arg11 : memref<128x128xf32, #tpu.memory_space<vmem>>) offsets(%dma_start3A_146 : memref<128xi32, #tpu.memory_space<vmem>>) semaphore(%arg15 : memref<!tpu.dma_semaphore, #tpu.memory_space<semaphore_mem>>)
      %dma_wait3A_150 = arith.constant 3 : i32
      %dma_wait3A_151 = arith.constant 0 : i32
      %dma_wait3A_152 = tpu.memref_slice %arg8[%dma_wait3A_150, %dma_wait3A_151] : memref<10x128xi32, #tpu.memory_space<vmem>> -> memref<1x128xi32, #tpu.memory_space<vmem>>
      %dma_wait3A_153 = tpu.memref_squeeze %dma_wait3A_152 : memref<1x128xi32, #tpu.memory_space<vmem>> -> memref<128xi32, #tpu.memory_space<vmem>>
      %dma_wait3A_154 = arith.constant 0 : i32
      %dma_wait3A_155 = arith.constant 0 : i32
      %dma_wait3A_156 = tpu.memref_slice %arg2[%dma_wait3A_154, %dma_wait3A_155] : memref<160000x128xf32, #tpu.memory_space<hbm>> -> memref<160000x128xf32, #tpu.memory_space<hbm>>
      tpu.wait_indirect_dma semaphore(%arg14 : memref<!tpu.dma_semaphore, #tpu.memory_space<semaphore_mem>>) src(%dma_wait3A_156 : memref<160000x128xf32, #tpu.memory_space<hbm>>) dst(%arg10 : memref<128x128xf32, #tpu.memory_space<vmem>>)
      %dma_start3A_157 = arith.constant 3 : i32
      %dma_start3A_158 = arith.constant 0 : i32
      %dma_start3A_159 = tpu.memref_slice %arg9[%dma_start3A_157, %dma_start3A_158] : memref<10x128xi32, #tpu.memory_space<vmem>> -> memref<1x128xi32, #tpu.memory_space<vmem>>
      %dma_start3A_160 = tpu.memref_squeeze %dma_start3A_159 : memref<1x128xi32, #tpu.memory_space<vmem>> -> memref<128xi32, #tpu.memory_space<vmem>>
      %dma_start3A_161 = arith.constant 0 : i32
      %dma_start3A_162 = arith.constant 0 : i32
      %dma_start3A_163 = tpu.memref_slice %arg13[%dma_start3A_161, %dma_start3A_162] : memref<8008x128xf32, #tpu.memory_space<vmem_shared>> -> memref<8008x128xf32, #tpu.memory_space<vmem_shared>>
      tpu.enqueue_indirect_dma source(%arg10 : memref<128x128xf32, #tpu.memory_space<vmem>>) target(%dma_start3A_163 : memref<8008x128xf32, #tpu.memory_space<vmem_shared>>) offsets(%dma_start3A_160 : memref<128xi32, #tpu.memory_space<vmem>>) semaphore(%arg17 : memref<!tpu.dma_semaphore, #tpu.memory_space<semaphore_mem>>) {add = true}
      %dma_wait3A_164 = arith.constant 2 : i32
      %dma_wait3A_165 = arith.constant 0 : i32
      %dma_wait3A_166 = tpu.memref_slice %arg9[%dma_wait3A_164, %dma_wait3A_165] : memref<10x128xi32, #tpu.memory_space<vmem>> -> memref<1x128xi32, #tpu.memory_space<vmem>>
      %dma_wait3A_167 = tpu.memref_squeeze %dma_wait3A_166 : memref<1x128xi32, #tpu.memory_space<vmem>> -> memref<128xi32, #tpu.memory_space<vmem>>
      %dma_wait3A_168 = arith.constant 0 : i32
      %dma_wait3A_169 = arith.constant 0 : i32
      %dma_wait3A_170 = tpu.memref_slice %arg13[%dma_wait3A_168, %dma_wait3A_169] : memref<8008x128xf32, #tpu.memory_space<vmem_shared>> -> memref<8008x128xf32, #tpu.memory_space<vmem_shared>>
      tpu.wait_indirect_dma semaphore(%arg19 : memref<!tpu.dma_semaphore, #tpu.memory_space<semaphore_mem>>) src(%arg12 : memref<128x128xf32, #tpu.memory_space<vmem>>) dst(%dma_wait3A_170 : memref<8008x128xf32, #tpu.memory_space<vmem_shared>>)
      %dma_start3A_171 = arith.constant 5 : i32
      %dma_start3A_172 = arith.constant 0 : i32
      %dma_start3A_173 = tpu.memref_slice %arg8[%dma_start3A_171, %dma_start3A_172] : memref<10x128xi32, #tpu.memory_space<vmem>> -> memref<1x128xi32, #tpu.memory_space<vmem>>
      %dma_start3A_174 = tpu.memref_squeeze %dma_start3A_173 : memref<1x128xi32, #tpu.memory_space<vmem>> -> memref<128xi32, #tpu.memory_space<vmem>>
      %dma_start3A_175 = arith.constant 0 : i32
      %dma_start3A_176 = arith.constant 0 : i32
      %dma_start3A_177 = tpu.memref_slice %arg2[%dma_start3A_175, %dma_start3A_176] : memref<160000x128xf32, #tpu.memory_space<hbm>> -> memref<160000x128xf32, #tpu.memory_space<hbm>>
      tpu.enqueue_indirect_dma source(%dma_start3A_177 : memref<160000x128xf32, #tpu.memory_space<hbm>>) target(%arg12 : memref<128x128xf32, #tpu.memory_space<vmem>>) offsets(%dma_start3A_174 : memref<128xi32, #tpu.memory_space<vmem>>) semaphore(%arg16 : memref<!tpu.dma_semaphore, #tpu.memory_space<semaphore_mem>>)
      %dma_wait3A_178 = arith.constant 4 : i32
      %dma_wait3A_179 = arith.constant 0 : i32
      %dma_wait3A_180 = tpu.memref_slice %arg8[%dma_wait3A_178, %dma_wait3A_179] : memref<10x128xi32, #tpu.memory_space<vmem>> -> memref<1x128xi32, #tpu.memory_space<vmem>>
      %dma_wait3A_181 = tpu.memref_squeeze %dma_wait3A_180 : memref<1x128xi32, #tpu.memory_space<vmem>> -> memref<128xi32, #tpu.memory_space<vmem>>
      %dma_wait3A_182 = arith.constant 0 : i32
      %dma_wait3A_183 = arith.constant 0 : i32
      %dma_wait3A_184 = tpu.memref_slice %arg2[%dma_wait3A_182, %dma_wait3A_183] : memref<160000x128xf32, #tpu.memory_space<hbm>> -> memref<160000x128xf32, #tpu.memory_space<hbm>>
      tpu.wait_indirect_dma semaphore(%arg15 : memref<!tpu.dma_semaphore, #tpu.memory_space<semaphore_mem>>) src(%dma_wait3A_184 : memref<160000x128xf32, #tpu.memory_space<hbm>>) dst(%arg11 : memref<128x128xf32, #tpu.memory_space<vmem>>)
      %dma_start3A_185 = arith.constant 4 : i32
      %dma_start3A_186 = arith.constant 0 : i32
      %dma_start3A_187 = tpu.memref_slice %arg9[%dma_start3A_185, %dma_start3A_186] : memref<10x128xi32, #tpu.memory_space<vmem>> -> memref<1x128xi32, #tpu.memory_space<vmem>>
      %dma_start3A_188 = tpu.memref_squeeze %dma_start3A_187 : memref<1x128xi32, #tpu.memory_space<vmem>> -> memref<128xi32, #tpu.memory_space<vmem>>
      %dma_start3A_189 = arith.constant 0 : i32
      %dma_start3A_190 = arith.constant 0 : i32
      %dma_start3A_191 = tpu.memref_slice %arg13[%dma_start3A_189, %dma_start3A_190] : memref<8008x128xf32, #tpu.memory_space<vmem_shared>> -> memref<8008x128xf32, #tpu.memory_space<vmem_shared>>
      tpu.enqueue_indirect_dma source(%arg11 : memref<128x128xf32, #tpu.memory_space<vmem>>) target(%dma_start3A_191 : memref<8008x128xf32, #tpu.memory_space<vmem_shared>>) offsets(%dma_start3A_188 : memref<128xi32, #tpu.memory_space<vmem>>) semaphore(%arg18 : memref<!tpu.dma_semaphore, #tpu.memory_space<semaphore_mem>>) {add = true}
      %dma_wait3A_192 = arith.constant 3 : i32
      %dma_wait3A_193 = arith.constant 0 : i32
      %dma_wait3A_194 = tpu.memref_slice %arg9[%dma_wait3A_192, %dma_wait3A_193] : memref<10x128xi32, #tpu.memory_space<vmem>> -> memref<1x128xi32, #tpu.memory_space<vmem>>
      %dma_wait3A_195 = tpu.memref_squeeze %dma_wait3A_194 : memref<1x128xi32, #tpu.memory_space<vmem>> -> memref<128xi32, #tpu.memory_space<vmem>>
      %dma_wait3A_196 = arith.constant 0 : i32
      %dma_wait3A_197 = arith.constant 0 : i32
      %dma_wait3A_198 = tpu.memref_slice %arg13[%dma_wait3A_196, %dma_wait3A_197] : memref<8008x128xf32, #tpu.memory_space<vmem_shared>> -> memref<8008x128xf32, #tpu.memory_space<vmem_shared>>
      tpu.wait_indirect_dma semaphore(%arg17 : memref<!tpu.dma_semaphore, #tpu.memory_space<semaphore_mem>>) src(%arg10 : memref<128x128xf32, #tpu.memory_space<vmem>>) dst(%dma_wait3A_198 : memref<8008x128xf32, #tpu.memory_space<vmem_shared>>)
      %dma_start3A_199 = arith.constant 6 : i32
      %dma_start3A_200 = arith.constant 0 : i32
      %dma_start3A_201 = tpu.memref_slice %arg8[%dma_start3A_199, %dma_start3A_200] : memref<10x128xi32, #tpu.memory_space<vmem>> -> memref<1x128xi32, #tpu.memory_space<vmem>>
      %dma_start3A_202 = tpu.memref_squeeze %dma_start3A_201 : memref<1x128xi32, #tpu.memory_space<vmem>> -> memref<128xi32, #tpu.memory_space<vmem>>
      %dma_start3A_203 = arith.constant 0 : i32
      %dma_start3A_204 = arith.constant 0 : i32
      %dma_start3A_205 = tpu.memref_slice %arg2[%dma_start3A_203, %dma_start3A_204] : memref<160000x128xf32, #tpu.memory_space<hbm>> -> memref<160000x128xf32, #tpu.memory_space<hbm>>
      tpu.enqueue_indirect_dma source(%dma_start3A_205 : memref<160000x128xf32, #tpu.memory_space<hbm>>) target(%arg10 : memref<128x128xf32, #tpu.memory_space<vmem>>) offsets(%dma_start3A_202 : memref<128xi32, #tpu.memory_space<vmem>>) semaphore(%arg14 : memref<!tpu.dma_semaphore, #tpu.memory_space<semaphore_mem>>)
      %dma_wait3A_206 = arith.constant 5 : i32
      %dma_wait3A_207 = arith.constant 0 : i32
      %dma_wait3A_208 = tpu.memref_slice %arg8[%dma_wait3A_206, %dma_wait3A_207] : memref<10x128xi32, #tpu.memory_space<vmem>> -> memref<1x128xi32, #tpu.memory_space<vmem>>
      %dma_wait3A_209 = tpu.memref_squeeze %dma_wait3A_208 : memref<1x128xi32, #tpu.memory_space<vmem>> -> memref<128xi32, #tpu.memory_space<vmem>>
      %dma_wait3A_210 = arith.constant 0 : i32
      %dma_wait3A_211 = arith.constant 0 : i32
      %dma_wait3A_212 = tpu.memref_slice %arg2[%dma_wait3A_210, %dma_wait3A_211] : memref<160000x128xf32, #tpu.memory_space<hbm>> -> memref<160000x128xf32, #tpu.memory_space<hbm>>
      tpu.wait_indirect_dma semaphore(%arg16 : memref<!tpu.dma_semaphore, #tpu.memory_space<semaphore_mem>>) src(%dma_wait3A_212 : memref<160000x128xf32, #tpu.memory_space<hbm>>) dst(%arg12 : memref<128x128xf32, #tpu.memory_space<vmem>>)
      %dma_start3A_213 = arith.constant 5 : i32
      %dma_start3A_214 = arith.constant 0 : i32
      %dma_start3A_215 = tpu.memref_slice %arg9[%dma_start3A_213, %dma_start3A_214] : memref<10x128xi32, #tpu.memory_space<vmem>> -> memref<1x128xi32, #tpu.memory_space<vmem>>
      %dma_start3A_216 = tpu.memref_squeeze %dma_start3A_215 : memref<1x128xi32, #tpu.memory_space<vmem>> -> memref<128xi32, #tpu.memory_space<vmem>>
      %dma_start3A_217 = arith.constant 0 : i32
      %dma_start3A_218 = arith.constant 0 : i32
      %dma_start3A_219 = tpu.memref_slice %arg13[%dma_start3A_217, %dma_start3A_218] : memref<8008x128xf32, #tpu.memory_space<vmem_shared>> -> memref<8008x128xf32, #tpu.memory_space<vmem_shared>>
      tpu.enqueue_indirect_dma source(%arg12 : memref<128x128xf32, #tpu.memory_space<vmem>>) target(%dma_start3A_219 : memref<8008x128xf32, #tpu.memory_space<vmem_shared>>) offsets(%dma_start3A_216 : memref<128xi32, #tpu.memory_space<vmem>>) semaphore(%arg19 : memref<!tpu.dma_semaphore, #tpu.memory_space<semaphore_mem>>) {add = true}
      %dma_wait3A_220 = arith.constant 4 : i32
      %dma_wait3A_221 = arith.constant 0 : i32
      %dma_wait3A_222 = tpu.memref_slice %arg9[%dma_wait3A_220, %dma_wait3A_221] : memref<10x128xi32, #tpu.memory_space<vmem>> -> memref<1x128xi32, #tpu.memory_space<vmem>>
      %dma_wait3A_223 = tpu.memref_squeeze %dma_wait3A_222 : memref<1x128xi32, #tpu.memory_space<vmem>> -> memref<128xi32, #tpu.memory_space<vmem>>
      %dma_wait3A_224 = arith.constant 0 : i32
      %dma_wait3A_225 = arith.constant 0 : i32
      %dma_wait3A_226 = tpu.memref_slice %arg13[%dma_wait3A_224, %dma_wait3A_225] : memref<8008x128xf32, #tpu.memory_space<vmem_shared>> -> memref<8008x128xf32, #tpu.memory_space<vmem_shared>>
      tpu.wait_indirect_dma semaphore(%arg18 : memref<!tpu.dma_semaphore, #tpu.memory_space<semaphore_mem>>) src(%arg11 : memref<128x128xf32, #tpu.memory_space<vmem>>) dst(%dma_wait3A_226 : memref<8008x128xf32, #tpu.memory_space<vmem_shared>>)
      %dma_start3A_227 = arith.constant 7 : i32
      %dma_start3A_228 = arith.constant 0 : i32
      %dma_start3A_229 = tpu.memref_slice %arg8[%dma_start3A_227, %dma_start3A_228] : memref<10x128xi32, #tpu.memory_space<vmem>> -> memref<1x128xi32, #tpu.memory_space<vmem>>
      %dma_start3A_230 = tpu.memref_squeeze %dma_start3A_229 : memref<1x128xi32, #tpu.memory_space<vmem>> -> memref<128xi32, #tpu.memory_space<vmem>>
      %dma_start3A_231 = arith.constant 0 : i32
      %dma_start3A_232 = arith.constant 0 : i32
      %dma_start3A_233 = tpu.memref_slice %arg2[%dma_start3A_231, %dma_start3A_232] : memref<160000x128xf32, #tpu.memory_space<hbm>> -> memref<160000x128xf32, #tpu.memory_space<hbm>>
      tpu.enqueue_indirect_dma source(%dma_start3A_233 : memref<160000x128xf32, #tpu.memory_space<hbm>>) target(%arg11 : memref<128x128xf32, #tpu.memory_space<vmem>>) offsets(%dma_start3A_230 : memref<128xi32, #tpu.memory_space<vmem>>) semaphore(%arg15 : memref<!tpu.dma_semaphore, #tpu.memory_space<semaphore_mem>>)
      %dma_wait3A_234 = arith.constant 6 : i32
      %dma_wait3A_235 = arith.constant 0 : i32
      %dma_wait3A_236 = tpu.memref_slice %arg8[%dma_wait3A_234, %dma_wait3A_235] : memref<10x128xi32, #tpu.memory_space<vmem>> -> memref<1x128xi32, #tpu.memory_space<vmem>>
      %dma_wait3A_237 = tpu.memref_squeeze %dma_wait3A_236 : memref<1x128xi32, #tpu.memory_space<vmem>> -> memref<128xi32, #tpu.memory_space<vmem>>
      %dma_wait3A_238 = arith.constant 0 : i32
      %dma_wait3A_239 = arith.constant 0 : i32
      %dma_wait3A_240 = tpu.memref_slice %arg2[%dma_wait3A_238, %dma_wait3A_239] : memref<160000x128xf32, #tpu.memory_space<hbm>> -> memref<160000x128xf32, #tpu.memory_space<hbm>>
      tpu.wait_indirect_dma semaphore(%arg14 : memref<!tpu.dma_semaphore, #tpu.memory_space<semaphore_mem>>) src(%dma_wait3A_240 : memref<160000x128xf32, #tpu.memory_space<hbm>>) dst(%arg10 : memref<128x128xf32, #tpu.memory_space<vmem>>)
      %dma_start3A_241 = arith.constant 6 : i32
      %dma_start3A_242 = arith.constant 0 : i32
      %dma_start3A_243 = tpu.memref_slice %arg9[%dma_start3A_241, %dma_start3A_242] : memref<10x128xi32, #tpu.memory_space<vmem>> -> memref<1x128xi32, #tpu.memory_space<vmem>>
      %dma_start3A_244 = tpu.memref_squeeze %dma_start3A_243 : memref<1x128xi32, #tpu.memory_space<vmem>> -> memref<128xi32, #tpu.memory_space<vmem>>
      %dma_start3A_245 = arith.constant 0 : i32
      %dma_start3A_246 = arith.constant 0 : i32
      %dma_start3A_247 = tpu.memref_slice %arg13[%dma_start3A_245, %dma_start3A_246] : memref<8008x128xf32, #tpu.memory_space<vmem_shared>> -> memref<8008x128xf32, #tpu.memory_space<vmem_shared>>
      tpu.enqueue_indirect_dma source(%arg10 : memref<128x128xf32, #tpu.memory_space<vmem>>) target(%dma_start3A_247 : memref<8008x128xf32, #tpu.memory_space<vmem_shared>>) offsets(%dma_start3A_244 : memref<128xi32, #tpu.memory_space<vmem>>) semaphore(%arg17 : memref<!tpu.dma_semaphore, #tpu.memory_space<semaphore_mem>>) {add = true}
      %dma_wait3A_248 = arith.constant 5 : i32
      %dma_wait3A_249 = arith.constant 0 : i32
      %dma_wait3A_250 = tpu.memref_slice %arg9[%dma_wait3A_248, %dma_wait3A_249] : memref<10x128xi32, #tpu.memory_space<vmem>> -> memref<1x128xi32, #tpu.memory_space<vmem>>
      %dma_wait3A_251 = tpu.memref_squeeze %dma_wait3A_250 : memref<1x128xi32, #tpu.memory_space<vmem>> -> memref<128xi32, #tpu.memory_space<vmem>>
      %dma_wait3A_252 = arith.constant 0 : i32
      %dma_wait3A_253 = arith.constant 0 : i32
      %dma_wait3A_254 = tpu.memref_slice %arg13[%dma_wait3A_252, %dma_wait3A_253] : memref<8008x128xf32, #tpu.memory_space<vmem_shared>> -> memref<8008x128xf32, #tpu.memory_space<vmem_shared>>
      tpu.wait_indirect_dma semaphore(%arg19 : memref<!tpu.dma_semaphore, #tpu.memory_space<semaphore_mem>>) src(%arg12 : memref<128x128xf32, #tpu.memory_space<vmem>>) dst(%dma_wait3A_254 : memref<8008x128xf32, #tpu.memory_space<vmem_shared>>)
      %dma_start3A_255 = arith.constant 8 : i32
      %dma_start3A_256 = arith.constant 0 : i32
      %dma_start3A_257 = tpu.memref_slice %arg8[%dma_start3A_255, %dma_start3A_256] : memref<10x128xi32, #tpu.memory_space<vmem>> -> memref<1x128xi32, #tpu.memory_space<vmem>>
      %dma_start3A_258 = tpu.memref_squeeze %dma_start3A_257 : memref<1x128xi32, #tpu.memory_space<vmem>> -> memref<128xi32, #tpu.memory_space<vmem>>
      %dma_start3A_259 = arith.constant 0 : i32
      %dma_start3A_260 = arith.constant 0 : i32
      %dma_start3A_261 = tpu.memref_slice %arg2[%dma_start3A_259, %dma_start3A_260] : memref<160000x128xf32, #tpu.memory_space<hbm>> -> memref<160000x128xf32, #tpu.memory_space<hbm>>
      tpu.enqueue_indirect_dma source(%dma_start3A_261 : memref<160000x128xf32, #tpu.memory_space<hbm>>) target(%arg12 : memref<128x128xf32, #tpu.memory_space<vmem>>) offsets(%dma_start3A_258 : memref<128xi32, #tpu.memory_space<vmem>>) semaphore(%arg16 : memref<!tpu.dma_semaphore, #tpu.memory_space<semaphore_mem>>)
      %dma_wait3A_262 = arith.constant 7 : i32
      %dma_wait3A_263 = arith.constant 0 : i32
      %dma_wait3A_264 = tpu.memref_slice %arg8[%dma_wait3A_262, %dma_wait3A_263] : memref<10x128xi32, #tpu.memory_space<vmem>> -> memref<1x128xi32, #tpu.memory_space<vmem>>
      %dma_wait3A_265 = tpu.memref_squeeze %dma_wait3A_264 : memref<1x128xi32, #tpu.memory_space<vmem>> -> memref<128xi32, #tpu.memory_space<vmem>>
      %dma_wait3A_266 = arith.constant 0 : i32
      %dma_wait3A_267 = arith.constant 0 : i32
      %dma_wait3A_268 = tpu.memref_slice %arg2[%dma_wait3A_266, %dma_wait3A_267] : memref<160000x128xf32, #tpu.memory_space<hbm>> -> memref<160000x128xf32, #tpu.memory_space<hbm>>
      tpu.wait_indirect_dma semaphore(%arg15 : memref<!tpu.dma_semaphore, #tpu.memory_space<semaphore_mem>>) src(%dma_wait3A_268 : memref<160000x128xf32, #tpu.memory_space<hbm>>) dst(%arg11 : memref<128x128xf32, #tpu.memory_space<vmem>>)
      %dma_start3A_269 = arith.constant 7 : i32
      %dma_start3A_270 = arith.constant 0 : i32
      %dma_start3A_271 = tpu.memref_slice %arg9[%dma_start3A_269, %dma_start3A_270] : memref<10x128xi32, #tpu.memory_space<vmem>> -> memref<1x128xi32, #tpu.memory_space<vmem>>
      %dma_start3A_272 = tpu.memref_squeeze %dma_start3A_271 : memref<1x128xi32, #tpu.memory_space<vmem>> -> memref<128xi32, #tpu.memory_space<vmem>>
      %dma_start3A_273 = arith.constant 0 : i32
      %dma_start3A_274 = arith.constant 0 : i32
      %dma_start3A_275 = tpu.memref_slice %arg13[%dma_start3A_273, %dma_start3A_274] : memref<8008x128xf32, #tpu.memory_space<vmem_shared>> -> memref<8008x128xf32, #tpu.memory_space<vmem_shared>>
      tpu.enqueue_indirect_dma source(%arg11 : memref<128x128xf32, #tpu.memory_space<vmem>>) target(%dma_start3A_275 : memref<8008x128xf32, #tpu.memory_space<vmem_shared>>) offsets(%dma_start3A_272 : memref<128xi32, #tpu.memory_space<vmem>>) semaphore(%arg18 : memref<!tpu.dma_semaphore, #tpu.memory_space<semaphore_mem>>) {add = true}
      %dma_wait3A_276 = arith.constant 6 : i32
      %dma_wait3A_277 = arith.constant 0 : i32
      %dma_wait3A_278 = tpu.memref_slice %arg9[%dma_wait3A_276, %dma_wait3A_277] : memref<10x128xi32, #tpu.memory_space<vmem>> -> memref<1x128xi32, #tpu.memory_space<vmem>>
      %dma_wait3A_279 = tpu.memref_squeeze %dma_wait3A_278 : memref<1x128xi32, #tpu.memory_space<vmem>> -> memref<128xi32, #tpu.memory_space<vmem>>
      %dma_wait3A_280 = arith.constant 0 : i32
      %dma_wait3A_281 = arith.constant 0 : i32
      %dma_wait3A_282 = tpu.memref_slice %arg13[%dma_wait3A_280, %dma_wait3A_281] : memref<8008x128xf32, #tpu.memory_space<vmem_shared>> -> memref<8008x128xf32, #tpu.memory_space<vmem_shared>>
      tpu.wait_indirect_dma semaphore(%arg17 : memref<!tpu.dma_semaphore, #tpu.memory_space<semaphore_mem>>) src(%arg10 : memref<128x128xf32, #tpu.memory_space<vmem>>) dst(%dma_wait3A_282 : memref<8008x128xf32, #tpu.memory_space<vmem_shared>>)
      %dma_start3A_283 = arith.constant 9 : i32
      %dma_start3A_284 = arith.constant 0 : i32
      %dma_start3A_285 = tpu.memref_slice %arg8[%dma_start3A_283, %dma_start3A_284] : memref<10x128xi32, #tpu.memory_space<vmem>> -> memref<1x128xi32, #tpu.memory_space<vmem>>
      %dma_start3A_286 = tpu.memref_squeeze %dma_start3A_285 : memref<1x128xi32, #tpu.memory_space<vmem>> -> memref<128xi32, #tpu.memory_space<vmem>>
      %dma_start3A_287 = arith.constant 0 : i32
      %dma_start3A_288 = arith.constant 0 : i32
      %dma_start3A_289 = tpu.memref_slice %arg2[%dma_start3A_287, %dma_start3A_288] : memref<160000x128xf32, #tpu.memory_space<hbm>> -> memref<160000x128xf32, #tpu.memory_space<hbm>>
      tpu.enqueue_indirect_dma source(%dma_start3A_289 : memref<160000x128xf32, #tpu.memory_space<hbm>>) target(%arg10 : memref<128x128xf32, #tpu.memory_space<vmem>>) offsets(%dma_start3A_286 : memref<128xi32, #tpu.memory_space<vmem>>) semaphore(%arg14 : memref<!tpu.dma_semaphore, #tpu.memory_space<semaphore_mem>>)
      %dma_wait3A_290 = arith.constant 8 : i32
      %dma_wait3A_291 = arith.constant 0 : i32
      %dma_wait3A_292 = tpu.memref_slice %arg8[%dma_wait3A_290, %dma_wait3A_291] : memref<10x128xi32, #tpu.memory_space<vmem>> -> memref<1x128xi32, #tpu.memory_space<vmem>>
      %dma_wait3A_293 = tpu.memref_squeeze %dma_wait3A_292 : memref<1x128xi32, #tpu.memory_space<vmem>> -> memref<128xi32, #tpu.memory_space<vmem>>
      %dma_wait3A_294 = arith.constant 0 : i32
      %dma_wait3A_295 = arith.constant 0 : i32
      %dma_wait3A_296 = tpu.memref_slice %arg2[%dma_wait3A_294, %dma_wait3A_295] : memref<160000x128xf32, #tpu.memory_space<hbm>> -> memref<160000x128xf32, #tpu.memory_space<hbm>>
      tpu.wait_indirect_dma semaphore(%arg16 : memref<!tpu.dma_semaphore, #tpu.memory_space<semaphore_mem>>) src(%dma_wait3A_296 : memref<160000x128xf32, #tpu.memory_space<hbm>>) dst(%arg12 : memref<128x128xf32, #tpu.memory_space<vmem>>)
      %dma_start3A_297 = arith.constant 8 : i32
      %dma_start3A_298 = arith.constant 0 : i32
      %dma_start3A_299 = tpu.memref_slice %arg9[%dma_start3A_297, %dma_start3A_298] : memref<10x128xi32, #tpu.memory_space<vmem>> -> memref<1x128xi32, #tpu.memory_space<vmem>>
      %dma_start3A_300 = tpu.memref_squeeze %dma_start3A_299 : memref<1x128xi32, #tpu.memory_space<vmem>> -> memref<128xi32, #tpu.memory_space<vmem>>
      %dma_start3A_301 = arith.constant 0 : i32
      %dma_start3A_302 = arith.constant 0 : i32
      %dma_start3A_303 = tpu.memref_slice %arg13[%dma_start3A_301, %dma_start3A_302] : memref<8008x128xf32, #tpu.memory_space<vmem_shared>> -> memref<8008x128xf32, #tpu.memory_space<vmem_shared>>
      tpu.enqueue_indirect_dma source(%arg12 : memref<128x128xf32, #tpu.memory_space<vmem>>) target(%dma_start3A_303 : memref<8008x128xf32, #tpu.memory_space<vmem_shared>>) offsets(%dma_start3A_300 : memref<128xi32, #tpu.memory_space<vmem>>) semaphore(%arg19 : memref<!tpu.dma_semaphore, #tpu.memory_space<semaphore_mem>>) {add = true}
      %dma_wait3A_304 = arith.constant 9 : i32
      %dma_wait3A_305 = arith.constant 0 : i32
      %dma_wait3A_306 = tpu.memref_slice %arg8[%dma_wait3A_304, %dma_wait3A_305] : memref<10x128xi32, #tpu.memory_space<vmem>> -> memref<1x128xi32, #tpu.memory_space<vmem>>
      %dma_wait3A_307 = tpu.memref_squeeze %dma_wait3A_306 : memref<1x128xi32, #tpu.memory_space<vmem>> -> memref<128xi32, #tpu.memory_space<vmem>>
      %dma_wait3A_308 = arith.constant 0 : i32
      %dma_wait3A_309 = arith.constant 0 : i32
      %dma_wait3A_310 = tpu.memref_slice %arg2[%dma_wait3A_308, %dma_wait3A_309] : memref<160000x128xf32, #tpu.memory_space<hbm>> -> memref<160000x128xf32, #tpu.memory_space<hbm>>
      tpu.wait_indirect_dma semaphore(%arg14 : memref<!tpu.dma_semaphore, #tpu.memory_space<semaphore_mem>>) src(%dma_wait3A_310 : memref<160000x128xf32, #tpu.memory_space<hbm>>) dst(%arg10 : memref<128x128xf32, #tpu.memory_space<vmem>>)
      %dma_start3A_311 = arith.constant 9 : i32
      %dma_start3A_312 = arith.constant 0 : i32
      %dma_start3A_313 = tpu.memref_slice %arg9[%dma_start3A_311, %dma_start3A_312] : memref<10x128xi32, #tpu.memory_space<vmem>> -> memref<1x128xi32, #tpu.memory_space<vmem>>
      %dma_start3A_314 = tpu.memref_squeeze %dma_start3A_313 : memref<1x128xi32, #tpu.memory_space<vmem>> -> memref<128xi32, #tpu.memory_space<vmem>>
      %dma_start3A_315 = arith.constant 0 : i32
      %dma_start3A_316 = arith.constant 0 : i32
      %dma_start3A_317 = tpu.memref_slice %arg13[%dma_start3A_315, %dma_start3A_316] : memref<8008x128xf32, #tpu.memory_space<vmem_shared>> -> memref<8008x128xf32, #tpu.memory_space<vmem_shared>>
      tpu.enqueue_indirect_dma source(%arg10 : memref<128x128xf32, #tpu.memory_space<vmem>>) target(%dma_start3A_317 : memref<8008x128xf32, #tpu.memory_space<vmem_shared>>) offsets(%dma_start3A_314 : memref<128xi32, #tpu.memory_space<vmem>>) semaphore(%arg17 : memref<!tpu.dma_semaphore, #tpu.memory_space<semaphore_mem>>) {add = true}
      %dma_wait3A_318 = arith.constant 7 : i32
      %dma_wait3A_319 = arith.constant 0 : i32
      %dma_wait3A_320 = tpu.memref_slice %arg9[%dma_wait3A_318, %dma_wait3A_319] : memref<10x128xi32, #tpu.memory_space<vmem>> -> memref<1x128xi32, #tpu.memory_space<vmem>>
      %dma_wait3A_321 = tpu.memref_squeeze %dma_wait3A_320 : memref<1x128xi32, #tpu.memory_space<vmem>> -> memref<128xi32, #tpu.memory_space<vmem>>
      %dma_wait3A_322 = arith.constant 0 : i32
      %dma_wait3A_323 = arith.constant 0 : i32
      %dma_wait3A_324 = tpu.memref_slice %arg13[%dma_wait3A_322, %dma_wait3A_323] : memref<8008x128xf32, #tpu.memory_space<vmem_shared>> -> memref<8008x128xf32, #tpu.memory_space<vmem_shared>>
      tpu.wait_indirect_dma semaphore(%arg18 : memref<!tpu.dma_semaphore, #tpu.memory_space<semaphore_mem>>) src(%arg11 : memref<128x128xf32, #tpu.memory_space<vmem>>) dst(%dma_wait3A_324 : memref<8008x128xf32, #tpu.memory_space<vmem_shared>>)
      %dma_wait3A_325 = arith.constant 8 : i32
      %dma_wait3A_326 = arith.constant 0 : i32
      %dma_wait3A_327 = tpu.memref_slice %arg9[%dma_wait3A_325, %dma_wait3A_326] : memref<10x128xi32, #tpu.memory_space<vmem>> -> memref<1x128xi32, #tpu.memory_space<vmem>>
      %dma_wait3A_328 = tpu.memref_squeeze %dma_wait3A_327 : memref<1x128xi32, #tpu.memory_space<vmem>> -> memref<128xi32, #tpu.memory_space<vmem>>
      %dma_wait3A_329 = arith.constant 0 : i32
      %dma_wait3A_330 = arith.constant 0 : i32
      %dma_wait3A_331 = tpu.memref_slice %arg13[%dma_wait3A_329, %dma_wait3A_330] : memref<8008x128xf32, #tpu.memory_space<vmem_shared>> -> memref<8008x128xf32, #tpu.memory_space<vmem_shared>>
      tpu.wait_indirect_dma semaphore(%arg19 : memref<!tpu.dma_semaphore, #tpu.memory_space<semaphore_mem>>) src(%arg12 : memref<128x128xf32, #tpu.memory_space<vmem>>) dst(%dma_wait3A_331 : memref<8008x128xf32, #tpu.memory_space<vmem_shared>>)
      %dma_wait3A_332 = arith.constant 9 : i32
      %dma_wait3A_333 = arith.constant 0 : i32
      %dma_wait3A_334 = tpu.memref_slice %arg9[%dma_wait3A_332, %dma_wait3A_333] : memref<10x128xi32, #tpu.memory_space<vmem>> -> memref<1x128xi32, #tpu.memory_space<vmem>>
      %dma_wait3A_335 = tpu.memref_squeeze %dma_wait3A_334 : memref<1x128xi32, #tpu.memory_space<vmem>> -> memref<128xi32, #tpu.memory_space<vmem>>
      %dma_wait3A_336 = arith.constant 0 : i32
      %dma_wait3A_337 = arith.constant 0 : i32
      %dma_wait3A_338 = tpu.memref_slice %arg13[%dma_wait3A_336, %dma_wait3A_337] : memref<8008x128xf32, #tpu.memory_space<vmem_shared>> -> memref<8008x128xf32, #tpu.memory_space<vmem_shared>>
      tpu.wait_indirect_dma semaphore(%arg17 : memref<!tpu.dma_semaphore, #tpu.memory_space<semaphore_mem>>) src(%arg10 : memref<128x128xf32, #tpu.memory_space<vmem>>) dst(%dma_wait3A_338 : memref<8008x128xf32, #tpu.memory_space<vmem_shared>>)
    }
    %while3A_26 = arith.constant 1 : i32
    scf.for %while3A_59 = %while3A_24 to %while3A_20 step %while3A_26  : i32 {
      %add3A_60 = arith.addi %add3A_8, %while3A_59 : i32
      "tpu.region"() ({
        %run_scoped3A = tpu.sem_alloc : memref<!tpu.dma_semaphore, #tpu.memory_space<semaphore_mem>>
        %dma_start3A_339 = arith.constant 0 : i32
        %dma_start3A_340 = arith.constant 0 : i32
        %dma_start3A_341 = tpu.memref_slice %arg3[%add3A_60, %dma_start3A_339, %dma_start3A_340] : memref<250x10x128xi32, #tpu.memory_space<hbm>> -> memref<1x10x128xi32, #tpu.memory_space<hbm>>
        %dma_start3A_342 = tpu.memref_squeeze %dma_start3A_341 : memref<1x10x128xi32, #tpu.memory_space<hbm>> -> memref<10x128xi32, #tpu.memory_space<hbm>>
        %dma_start3A_343 = arith.constant 0 : i32
        %dma_start3A_344 = arith.constant 0 : i32
        %dma_start3A_345 = tpu.memref_slice %arg3[%add3A_60, %dma_start3A_343, %dma_start3A_344] : memref<250x10x128xi32, #tpu.memory_space<hbm>> -> memref<1x10x128xi32, #tpu.memory_space<hbm>>
        %dma_start3A_346 = tpu.memref_squeeze %dma_start3A_345 : memref<1x10x128xi32, #tpu.memory_space<hbm>> -> memref<10x128xi32, #tpu.memory_space<hbm>>
        tpu.enqueue_dma source(%dma_start3A_346 : memref<10x128xi32, #tpu.memory_space<hbm>>) target(%arg8 : memref<10x128xi32, #tpu.memory_space<vmem>>) target_semaphore(%run_scoped3A : memref<!tpu.dma_semaphore, #tpu.memory_space<semaphore_mem>>)
        %dma_wait3A_347 = arith.constant 0 : i32
        %dma_wait3A_348 = arith.constant 0 : i32
        %dma_wait3A_349 = tpu.memref_slice %arg3[%add3A_60, %dma_wait3A_347, %dma_wait3A_348] : memref<250x10x128xi32, #tpu.memory_space<hbm>> -> memref<1x10x128xi32, #tpu.memory_space<hbm>>
        %dma_wait3A_350 = tpu.memref_squeeze %dma_wait3A_349 : memref<1x10x128xi32, #tpu.memory_space<hbm>> -> memref<10x128xi32, #tpu.memory_space<hbm>>
        %dma_wait3A_351 = arith.constant 0 : i32
        %dma_wait3A_352 = arith.constant 0 : i32
        %dma_wait3A_353 = tpu.memref_slice %arg3[%add3A_60, %dma_wait3A_351, %dma_wait3A_352] : memref<250x10x128xi32, #tpu.memory_space<hbm>> -> memref<1x10x128xi32, #tpu.memory_space<hbm>>
        %dma_wait3A_354 = tpu.memref_squeeze %dma_wait3A_353 : memref<1x10x128xi32, #tpu.memory_space<hbm>> -> memref<10x128xi32, #tpu.memory_space<hbm>>
        tpu.wait_dma2 semaphore(%run_scoped3A : memref<!tpu.dma_semaphore, #tpu.memory_space<semaphore_mem>>) src(%dma_wait3A_354 : memref<10x128xi32, #tpu.memory_space<hbm>>) dst(%arg8 : memref<10x128xi32, #tpu.memory_space<vmem>>)
        tpu.yield
      }) : () -> ()
      "tpu.region"() ({
        %run_scoped3A = tpu.sem_alloc : memref<!tpu.dma_semaphore, #tpu.memory_space<semaphore_mem>>
        %dma_start3A_339 = arith.constant 0 : i32
        %dma_start3A_340 = arith.constant 0 : i32
        %dma_start3A_341 = tpu.memref_slice %arg4[%add3A_60, %dma_start3A_339, %dma_start3A_340] : memref<250x10x128xi32, #tpu.memory_space<hbm>> -> memref<1x10x128xi32, #tpu.memory_space<hbm>>
        %dma_start3A_342 = tpu.memref_squeeze %dma_start3A_341 : memref<1x10x128xi32, #tpu.memory_space<hbm>> -> memref<10x128xi32, #tpu.memory_space<hbm>>
        %dma_start3A_343 = arith.constant 0 : i32
        %dma_start3A_344 = arith.constant 0 : i32
        %dma_start3A_345 = tpu.memref_slice %arg4[%add3A_60, %dma_start3A_343, %dma_start3A_344] : memref<250x10x128xi32, #tpu.memory_space<hbm>> -> memref<1x10x128xi32, #tpu.memory_space<hbm>>
        %dma_start3A_346 = tpu.memref_squeeze %dma_start3A_345 : memref<1x10x128xi32, #tpu.memory_space<hbm>> -> memref<10x128xi32, #tpu.memory_space<hbm>>
        tpu.enqueue_dma source(%dma_start3A_346 : memref<10x128xi32, #tpu.memory_space<hbm>>) target(%arg9 : memref<10x128xi32, #tpu.memory_space<vmem>>) target_semaphore(%run_scoped3A : memref<!tpu.dma_semaphore, #tpu.memory_space<semaphore_mem>>)
        %dma_wait3A_347 = arith.constant 0 : i32
        %dma_wait3A_348 = arith.constant 0 : i32
        %dma_wait3A_349 = tpu.memref_slice %arg4[%add3A_60, %dma_wait3A_347, %dma_wait3A_348] : memref<250x10x128xi32, #tpu.memory_space<hbm>> -> memref<1x10x128xi32, #tpu.memory_space<hbm>>
        %dma_wait3A_350 = tpu.memref_squeeze %dma_wait3A_349 : memref<1x10x128xi32, #tpu.memory_space<hbm>> -> memref<10x128xi32, #tpu.memory_space<hbm>>
        %dma_wait3A_351 = arith.constant 0 : i32
        %dma_wait3A_352 = arith.constant 0 : i32
        %dma_wait3A_353 = tpu.memref_slice %arg4[%add3A_60, %dma_wait3A_351, %dma_wait3A_352] : memref<250x10x128xi32, #tpu.memory_space<hbm>> -> memref<1x10x128xi32, #tpu.memory_space<hbm>>
        %dma_wait3A_354 = tpu.memref_squeeze %dma_wait3A_353 : memref<1x10x128xi32, #tpu.memory_space<hbm>> -> memref<10x128xi32, #tpu.memory_space<hbm>>
        tpu.wait_dma2 semaphore(%run_scoped3A : memref<!tpu.dma_semaphore, #tpu.memory_space<semaphore_mem>>) src(%dma_wait3A_354 : memref<10x128xi32, #tpu.memory_space<hbm>>) dst(%arg9 : memref<10x128xi32, #tpu.memory_space<vmem>>)
        tpu.yield
      }) : () -> ()
      %dma_start3A = arith.constant 0 : i32
      %dma_start3A_61 = arith.constant 0 : i32
      %dma_start3A_62 = tpu.memref_slice %arg8[%dma_start3A, %dma_start3A_61] : memref<10x128xi32, #tpu.memory_space<vmem>> -> memref<1x128xi32, #tpu.memory_space<vmem>>
      %dma_start3A_63 = tpu.memref_squeeze %dma_start3A_62 : memref<1x128xi32, #tpu.memory_space<vmem>> -> memref<128xi32, #tpu.memory_space<vmem>>
      %dma_start3A_64 = arith.constant 0 : i32
      %dma_start3A_65 = arith.constant 0 : i32
      %dma_start3A_66 = tpu.memref_slice %arg2[%dma_start3A_64, %dma_start3A_65] : memref<160000x128xf32, #tpu.memory_space<hbm>> -> memref<160000x128xf32, #tpu.memory_space<hbm>>
      tpu.enqueue_indirect_dma source(%dma_start3A_66 : memref<160000x128xf32, #tpu.memory_space<hbm>>) target(%arg10 : memref<128x128xf32, #tpu.memory_space<vmem>>) offsets(%dma_start3A_63 : memref<128xi32, #tpu.memory_space<vmem>>) semaphore(%arg14 : memref<!tpu.dma_semaphore, #tpu.memory_space<semaphore_mem>>)
      %dma_start3A_67 = arith.constant 1 : i32
      %dma_start3A_68 = arith.constant 0 : i32
      %dma_start3A_69 = tpu.memref_slice %arg8[%dma_start3A_67, %dma_start3A_68] : memref<10x128xi32, #tpu.memory_space<vmem>> -> memref<1x128xi32, #tpu.memory_space<vmem>>
      %dma_start3A_70 = tpu.memref_squeeze %dma_start3A_69 : memref<1x128xi32, #tpu.memory_space<vmem>> -> memref<128xi32, #tpu.memory_space<vmem>>
      %dma_start3A_71 = arith.constant 0 : i32
      %dma_start3A_72 = arith.constant 0 : i32
      %dma_start3A_73 = tpu.memref_slice %arg2[%dma_start3A_71, %dma_start3A_72] : memref<160000x128xf32, #tpu.memory_space<hbm>> -> memref<160000x128xf32, #tpu.memory_space<hbm>>
      tpu.enqueue_indirect_dma source(%dma_start3A_73 : memref<160000x128xf32, #tpu.memory_space<hbm>>) target(%arg11 : memref<128x128xf32, #tpu.memory_space<vmem>>) offsets(%dma_start3A_70 : memref<128xi32, #tpu.memory_space<vmem>>) semaphore(%arg15 : memref<!tpu.dma_semaphore, #tpu.memory_space<semaphore_mem>>)
      %dma_wait3A = arith.constant 0 : i32
      %dma_wait3A_74 = arith.constant 0 : i32
      %dma_wait3A_75 = tpu.memref_slice %arg8[%dma_wait3A, %dma_wait3A_74] : memref<10x128xi32, #tpu.memory_space<vmem>> -> memref<1x128xi32, #tpu.memory_space<vmem>>
      %dma_wait3A_76 = tpu.memref_squeeze %dma_wait3A_75 : memref<1x128xi32, #tpu.memory_space<vmem>> -> memref<128xi32, #tpu.memory_space<vmem>>
      %dma_wait3A_77 = arith.constant 0 : i32
      %dma_wait3A_78 = arith.constant 0 : i32
      %dma_wait3A_79 = tpu.memref_slice %arg2[%dma_wait3A_77, %dma_wait3A_78] : memref<160000x128xf32, #tpu.memory_space<hbm>> -> memref<160000x128xf32, #tpu.memory_space<hbm>>
      tpu.wait_indirect_dma semaphore(%arg14 : memref<!tpu.dma_semaphore, #tpu.memory_space<semaphore_mem>>) src(%dma_wait3A_79 : memref<160000x128xf32, #tpu.memory_space<hbm>>) dst(%arg10 : memref<128x128xf32, #tpu.memory_space<vmem>>)
      %dma_start3A_80 = arith.constant 0 : i32
      %dma_start3A_81 = arith.constant 0 : i32
      %dma_start3A_82 = tpu.memref_slice %arg9[%dma_start3A_80, %dma_start3A_81] : memref<10x128xi32, #tpu.memory_space<vmem>> -> memref<1x128xi32, #tpu.memory_space<vmem>>
      %dma_start3A_83 = tpu.memref_squeeze %dma_start3A_82 : memref<1x128xi32, #tpu.memory_space<vmem>> -> memref<128xi32, #tpu.memory_space<vmem>>
      %dma_start3A_84 = arith.constant 0 : i32
      %dma_start3A_85 = arith.constant 0 : i32
      %dma_start3A_86 = tpu.memref_slice %arg13[%dma_start3A_84, %dma_start3A_85] : memref<8008x128xf32, #tpu.memory_space<vmem_shared>> -> memref<8008x128xf32, #tpu.memory_space<vmem_shared>>
      tpu.enqueue_indirect_dma source(%arg10 : memref<128x128xf32, #tpu.memory_space<vmem>>) target(%dma_start3A_86 : memref<8008x128xf32, #tpu.memory_space<vmem_shared>>) offsets(%dma_start3A_83 : memref<128xi32, #tpu.memory_space<vmem>>) semaphore(%arg17 : memref<!tpu.dma_semaphore, #tpu.memory_space<semaphore_mem>>) {add = true}
      %dma_start3A_87 = arith.constant 2 : i32
      %dma_start3A_88 = arith.constant 0 : i32
      %dma_start3A_89 = tpu.memref_slice %arg8[%dma_start3A_87, %dma_start3A_88] : memref<10x128xi32, #tpu.memory_space<vmem>> -> memref<1x128xi32, #tpu.memory_space<vmem>>
      %dma_start3A_90 = tpu.memref_squeeze %dma_start3A_89 : memref<1x128xi32, #tpu.memory_space<vmem>> -> memref<128xi32, #tpu.memory_space<vmem>>
      %dma_start3A_91 = arith.constant 0 : i32
      %dma_start3A_92 = arith.constant 0 : i32
      %dma_start3A_93 = tpu.memref_slice %arg2[%dma_start3A_91, %dma_start3A_92] : memref<160000x128xf32, #tpu.memory_space<hbm>> -> memref<160000x128xf32, #tpu.memory_space<hbm>>
      tpu.enqueue_indirect_dma source(%dma_start3A_93 : memref<160000x128xf32, #tpu.memory_space<hbm>>) target(%arg12 : memref<128x128xf32, #tpu.memory_space<vmem>>) offsets(%dma_start3A_90 : memref<128xi32, #tpu.memory_space<vmem>>) semaphore(%arg16 : memref<!tpu.dma_semaphore, #tpu.memory_space<semaphore_mem>>)
      %dma_wait3A_94 = arith.constant 1 : i32
      %dma_wait3A_95 = arith.constant 0 : i32
      %dma_wait3A_96 = tpu.memref_slice %arg8[%dma_wait3A_94, %dma_wait3A_95] : memref<10x128xi32, #tpu.memory_space<vmem>> -> memref<1x128xi32, #tpu.memory_space<vmem>>
      %dma_wait3A_97 = tpu.memref_squeeze %dma_wait3A_96 : memref<1x128xi32, #tpu.memory_space<vmem>> -> memref<128xi32, #tpu.memory_space<vmem>>
      %dma_wait3A_98 = arith.constant 0 : i32
      %dma_wait3A_99 = arith.constant 0 : i32
      %dma_wait3A_100 = tpu.memref_slice %arg2[%dma_wait3A_98, %dma_wait3A_99] : memref<160000x128xf32, #tpu.memory_space<hbm>> -> memref<160000x128xf32, #tpu.memory_space<hbm>>
      tpu.wait_indirect_dma semaphore(%arg15 : memref<!tpu.dma_semaphore, #tpu.memory_space<semaphore_mem>>) src(%dma_wait3A_100 : memref<160000x128xf32, #tpu.memory_space<hbm>>) dst(%arg11 : memref<128x128xf32, #tpu.memory_space<vmem>>)
      %dma_start3A_101 = arith.constant 1 : i32
      %dma_start3A_102 = arith.constant 0 : i32
      %dma_start3A_103 = tpu.memref_slice %arg9[%dma_start3A_101, %dma_start3A_102] : memref<10x128xi32, #tpu.memory_space<vmem>> -> memref<1x128xi32, #tpu.memory_space<vmem>>
      %dma_start3A_104 = tpu.memref_squeeze %dma_start3A_103 : memref<1x128xi32, #tpu.memory_space<vmem>> -> memref<128xi32, #tpu.memory_space<vmem>>
      %dma_start3A_105 = arith.constant 0 : i32
      %dma_start3A_106 = arith.constant 0 : i32
      %dma_start3A_107 = tpu.memref_slice %arg13[%dma_start3A_105, %dma_start3A_106] : memref<8008x128xf32, #tpu.memory_space<vmem_shared>> -> memref<8008x128xf32, #tpu.memory_space<vmem_shared>>
      tpu.enqueue_indirect_dma source(%arg11 : memref<128x128xf32, #tpu.memory_space<vmem>>) target(%dma_start3A_107 : memref<8008x128xf32, #tpu.memory_space<vmem_shared>>) offsets(%dma_start3A_104 : memref<128xi32, #tpu.memory_space<vmem>>) semaphore(%arg18 : memref<!tpu.dma_semaphore, #tpu.memory_space<semaphore_mem>>) {add = true}
      %dma_wait3A_108 = arith.constant 0 : i32
      %dma_wait3A_109 = arith.constant 0 : i32
      %dma_wait3A_110 = tpu.memref_slice %arg9[%dma_wait3A_108, %dma_wait3A_109] : memref<10x128xi32, #tpu.memory_space<vmem>> -> memref<1x128xi32, #tpu.memory_space<vmem>>
      %dma_wait3A_111 = tpu.memref_squeeze %dma_wait3A_110 : memref<1x128xi32, #tpu.memory_space<vmem>> -> memref<128xi32, #tpu.memory_space<vmem>>
      %dma_wait3A_112 = arith.constant 0 : i32
      %dma_wait3A_113 = arith.constant 0 : i32
      %dma_wait3A_114 = tpu.memref_slice %arg13[%dma_wait3A_112, %dma_wait3A_113] : memref<8008x128xf32, #tpu.memory_space<vmem_shared>> -> memref<8008x128xf32, #tpu.memory_space<vmem_shared>>
      tpu.wait_indirect_dma semaphore(%arg17 : memref<!tpu.dma_semaphore, #tpu.memory_space<semaphore_mem>>) src(%arg10 : memref<128x128xf32, #tpu.memory_space<vmem>>) dst(%dma_wait3A_114 : memref<8008x128xf32, #tpu.memory_space<vmem_shared>>)
      %dma_start3A_115 = arith.constant 3 : i32
      %dma_start3A_116 = arith.constant 0 : i32
      %dma_start3A_117 = tpu.memref_slice %arg8[%dma_start3A_115, %dma_start3A_116] : memref<10x128xi32, #tpu.memory_space<vmem>> -> memref<1x128xi32, #tpu.memory_space<vmem>>
      %dma_start3A_118 = tpu.memref_squeeze %dma_start3A_117 : memref<1x128xi32, #tpu.memory_space<vmem>> -> memref<128xi32, #tpu.memory_space<vmem>>
      %dma_start3A_119 = arith.constant 0 : i32
      %dma_start3A_120 = arith.constant 0 : i32
      %dma_start3A_121 = tpu.memref_slice %arg2[%dma_start3A_119, %dma_start3A_120] : memref<160000x128xf32, #tpu.memory_space<hbm>> -> memref<160000x128xf32, #tpu.memory_space<hbm>>
      tpu.enqueue_indirect_dma source(%dma_start3A_121 : memref<160000x128xf32, #tpu.memory_space<hbm>>) target(%arg10 : memref<128x128xf32, #tpu.memory_space<vmem>>) offsets(%dma_start3A_118 : memref<128xi32, #tpu.memory_space<vmem>>) semaphore(%arg14 : memref<!tpu.dma_semaphore, #tpu.memory_space<semaphore_mem>>)
      %dma_wait3A_122 = arith.constant 2 : i32
      %dma_wait3A_123 = arith.constant 0 : i32
      %dma_wait3A_124 = tpu.memref_slice %arg8[%dma_wait3A_122, %dma_wait3A_123] : memref<10x128xi32, #tpu.memory_space<vmem>> -> memref<1x128xi32, #tpu.memory_space<vmem>>
      %dma_wait3A_125 = tpu.memref_squeeze %dma_wait3A_124 : memref<1x128xi32, #tpu.memory_space<vmem>> -> memref<128xi32, #tpu.memory_space<vmem>>
      %dma_wait3A_126 = arith.constant 0 : i32
      %dma_wait3A_127 = arith.constant 0 : i32
      %dma_wait3A_128 = tpu.memref_slice %arg2[%dma_wait3A_126, %dma_wait3A_127] : memref<160000x128xf32, #tpu.memory_space<hbm>> -> memref<160000x128xf32, #tpu.memory_space<hbm>>
      tpu.wait_indirect_dma semaphore(%arg16 : memref<!tpu.dma_semaphore, #tpu.memory_space<semaphore_mem>>) src(%dma_wait3A_128 : memref<160000x128xf32, #tpu.memory_space<hbm>>) dst(%arg12 : memref<128x128xf32, #tpu.memory_space<vmem>>)
      %dma_start3A_129 = arith.constant 2 : i32
      %dma_start3A_130 = arith.constant 0 : i32
      %dma_start3A_131 = tpu.memref_slice %arg9[%dma_start3A_129, %dma_start3A_130] : memref<10x128xi32, #tpu.memory_space<vmem>> -> memref<1x128xi32, #tpu.memory_space<vmem>>
      %dma_start3A_132 = tpu.memref_squeeze %dma_start3A_131 : memref<1x128xi32, #tpu.memory_space<vmem>> -> memref<128xi32, #tpu.memory_space<vmem>>
      %dma_start3A_133 = arith.constant 0 : i32
      %dma_start3A_134 = arith.constant 0 : i32
      %dma_start3A_135 = tpu.memref_slice %arg13[%dma_start3A_133, %dma_start3A_134] : memref<8008x128xf32, #tpu.memory_space<vmem_shared>> -> memref<8008x128xf32, #tpu.memory_space<vmem_shared>>
      tpu.enqueue_indirect_dma source(%arg12 : memref<128x128xf32, #tpu.memory_space<vmem>>) target(%dma_start3A_135 : memref<8008x128xf32, #tpu.memory_space<vmem_shared>>) offsets(%dma_start3A_132 : memref<128xi32, #tpu.memory_space<vmem>>) semaphore(%arg19 : memref<!tpu.dma_semaphore, #tpu.memory_space<semaphore_mem>>) {add = true}
      %dma_wait3A_136 = arith.constant 1 : i32
      %dma_wait3A_137 = arith.constant 0 : i32
      %dma_wait3A_138 = tpu.memref_slice %arg9[%dma_wait3A_136, %dma_wait3A_137] : memref<10x128xi32, #tpu.memory_space<vmem>> -> memref<1x128xi32, #tpu.memory_space<vmem>>
      %dma_wait3A_139 = tpu.memref_squeeze %dma_wait3A_138 : memref<1x128xi32, #tpu.memory_space<vmem>> -> memref<128xi32, #tpu.memory_space<vmem>>
      %dma_wait3A_140 = arith.constant 0 : i32
      %dma_wait3A_141 = arith.constant 0 : i32
      %dma_wait3A_142 = tpu.memref_slice %arg13[%dma_wait3A_140, %dma_wait3A_141] : memref<8008x128xf32, #tpu.memory_space<vmem_shared>> -> memref<8008x128xf32, #tpu.memory_space<vmem_shared>>
      tpu.wait_indirect_dma semaphore(%arg18 : memref<!tpu.dma_semaphore, #tpu.memory_space<semaphore_mem>>) src(%arg11 : memref<128x128xf32, #tpu.memory_space<vmem>>) dst(%dma_wait3A_142 : memref<8008x128xf32, #tpu.memory_space<vmem_shared>>)
      %dma_start3A_143 = arith.constant 4 : i32
      %dma_start3A_144 = arith.constant 0 : i32
      %dma_start3A_145 = tpu.memref_slice %arg8[%dma_start3A_143, %dma_start3A_144] : memref<10x128xi32, #tpu.memory_space<vmem>> -> memref<1x128xi32, #tpu.memory_space<vmem>>
      %dma_start3A_146 = tpu.memref_squeeze %dma_start3A_145 : memref<1x128xi32, #tpu.memory_space<vmem>> -> memref<128xi32, #tpu.memory_space<vmem>>
      %dma_start3A_147 = arith.constant 0 : i32
      %dma_start3A_148 = arith.constant 0 : i32
      %dma_start3A_149 = tpu.memref_slice %arg2[%dma_start3A_147, %dma_start3A_148] : memref<160000x128xf32, #tpu.memory_space<hbm>> -> memref<160000x128xf32, #tpu.memory_space<hbm>>
      tpu.enqueue_indirect_dma source(%dma_start3A_149 : memref<160000x128xf32, #tpu.memory_space<hbm>>) target(%arg11 : memref<128x128xf32, #tpu.memory_space<vmem>>) offsets(%dma_start3A_146 : memref<128xi32, #tpu.memory_space<vmem>>) semaphore(%arg15 : memref<!tpu.dma_semaphore, #tpu.memory_space<semaphore_mem>>)
      %dma_wait3A_150 = arith.constant 3 : i32
      %dma_wait3A_151 = arith.constant 0 : i32
      %dma_wait3A_152 = tpu.memref_slice %arg8[%dma_wait3A_150, %dma_wait3A_151] : memref<10x128xi32, #tpu.memory_space<vmem>> -> memref<1x128xi32, #tpu.memory_space<vmem>>
      %dma_wait3A_153 = tpu.memref_squeeze %dma_wait3A_152 : memref<1x128xi32, #tpu.memory_space<vmem>> -> memref<128xi32, #tpu.memory_space<vmem>>
      %dma_wait3A_154 = arith.constant 0 : i32
      %dma_wait3A_155 = arith.constant 0 : i32
      %dma_wait3A_156 = tpu.memref_slice %arg2[%dma_wait3A_154, %dma_wait3A_155] : memref<160000x128xf32, #tpu.memory_space<hbm>> -> memref<160000x128xf32, #tpu.memory_space<hbm>>
      tpu.wait_indirect_dma semaphore(%arg14 : memref<!tpu.dma_semaphore, #tpu.memory_space<semaphore_mem>>) src(%dma_wait3A_156 : memref<160000x128xf32, #tpu.memory_space<hbm>>) dst(%arg10 : memref<128x128xf32, #tpu.memory_space<vmem>>)
      %dma_start3A_157 = arith.constant 3 : i32
      %dma_start3A_158 = arith.constant 0 : i32
      %dma_start3A_159 = tpu.memref_slice %arg9[%dma_start3A_157, %dma_start3A_158] : memref<10x128xi32, #tpu.memory_space<vmem>> -> memref<1x128xi32, #tpu.memory_space<vmem>>
      %dma_start3A_160 = tpu.memref_squeeze %dma_start3A_159 : memref<1x128xi32, #tpu.memory_space<vmem>> -> memref<128xi32, #tpu.memory_space<vmem>>
      %dma_start3A_161 = arith.constant 0 : i32
      %dma_start3A_162 = arith.constant 0 : i32
      %dma_start3A_163 = tpu.memref_slice %arg13[%dma_start3A_161, %dma_start3A_162] : memref<8008x128xf32, #tpu.memory_space<vmem_shared>> -> memref<8008x128xf32, #tpu.memory_space<vmem_shared>>
      tpu.enqueue_indirect_dma source(%arg10 : memref<128x128xf32, #tpu.memory_space<vmem>>) target(%dma_start3A_163 : memref<8008x128xf32, #tpu.memory_space<vmem_shared>>) offsets(%dma_start3A_160 : memref<128xi32, #tpu.memory_space<vmem>>) semaphore(%arg17 : memref<!tpu.dma_semaphore, #tpu.memory_space<semaphore_mem>>) {add = true}
      %dma_wait3A_164 = arith.constant 2 : i32
      %dma_wait3A_165 = arith.constant 0 : i32
      %dma_wait3A_166 = tpu.memref_slice %arg9[%dma_wait3A_164, %dma_wait3A_165] : memref<10x128xi32, #tpu.memory_space<vmem>> -> memref<1x128xi32, #tpu.memory_space<vmem>>
      %dma_wait3A_167 = tpu.memref_squeeze %dma_wait3A_166 : memref<1x128xi32, #tpu.memory_space<vmem>> -> memref<128xi32, #tpu.memory_space<vmem>>
      %dma_wait3A_168 = arith.constant 0 : i32
      %dma_wait3A_169 = arith.constant 0 : i32
      %dma_wait3A_170 = tpu.memref_slice %arg13[%dma_wait3A_168, %dma_wait3A_169] : memref<8008x128xf32, #tpu.memory_space<vmem_shared>> -> memref<8008x128xf32, #tpu.memory_space<vmem_shared>>
      tpu.wait_indirect_dma semaphore(%arg19 : memref<!tpu.dma_semaphore, #tpu.memory_space<semaphore_mem>>) src(%arg12 : memref<128x128xf32, #tpu.memory_space<vmem>>) dst(%dma_wait3A_170 : memref<8008x128xf32, #tpu.memory_space<vmem_shared>>)
      %dma_start3A_171 = arith.constant 5 : i32
      %dma_start3A_172 = arith.constant 0 : i32
      %dma_start3A_173 = tpu.memref_slice %arg8[%dma_start3A_171, %dma_start3A_172] : memref<10x128xi32, #tpu.memory_space<vmem>> -> memref<1x128xi32, #tpu.memory_space<vmem>>
      %dma_start3A_174 = tpu.memref_squeeze %dma_start3A_173 : memref<1x128xi32, #tpu.memory_space<vmem>> -> memref<128xi32, #tpu.memory_space<vmem>>
      %dma_start3A_175 = arith.constant 0 : i32
      %dma_start3A_176 = arith.constant 0 : i32
      %dma_start3A_177 = tpu.memref_slice %arg2[%dma_start3A_175, %dma_start3A_176] : memref<160000x128xf32, #tpu.memory_space<hbm>> -> memref<160000x128xf32, #tpu.memory_space<hbm>>
      tpu.enqueue_indirect_dma source(%dma_start3A_177 : memref<160000x128xf32, #tpu.memory_space<hbm>>) target(%arg12 : memref<128x128xf32, #tpu.memory_space<vmem>>) offsets(%dma_start3A_174 : memref<128xi32, #tpu.memory_space<vmem>>) semaphore(%arg16 : memref<!tpu.dma_semaphore, #tpu.memory_space<semaphore_mem>>)
      %dma_wait3A_178 = arith.constant 4 : i32
      %dma_wait3A_179 = arith.constant 0 : i32
      %dma_wait3A_180 = tpu.memref_slice %arg8[%dma_wait3A_178, %dma_wait3A_179] : memref<10x128xi32, #tpu.memory_space<vmem>> -> memref<1x128xi32, #tpu.memory_space<vmem>>
      %dma_wait3A_181 = tpu.memref_squeeze %dma_wait3A_180 : memref<1x128xi32, #tpu.memory_space<vmem>> -> memref<128xi32, #tpu.memory_space<vmem>>
      %dma_wait3A_182 = arith.constant 0 : i32
      %dma_wait3A_183 = arith.constant 0 : i32
      %dma_wait3A_184 = tpu.memref_slice %arg2[%dma_wait3A_182, %dma_wait3A_183] : memref<160000x128xf32, #tpu.memory_space<hbm>> -> memref<160000x128xf32, #tpu.memory_space<hbm>>
      tpu.wait_indirect_dma semaphore(%arg15 : memref<!tpu.dma_semaphore, #tpu.memory_space<semaphore_mem>>) src(%dma_wait3A_184 : memref<160000x128xf32, #tpu.memory_space<hbm>>) dst(%arg11 : memref<128x128xf32, #tpu.memory_space<vmem>>)
      %dma_start3A_185 = arith.constant 4 : i32
      %dma_start3A_186 = arith.constant 0 : i32
      %dma_start3A_187 = tpu.memref_slice %arg9[%dma_start3A_185, %dma_start3A_186] : memref<10x128xi32, #tpu.memory_space<vmem>> -> memref<1x128xi32, #tpu.memory_space<vmem>>
      %dma_start3A_188 = tpu.memref_squeeze %dma_start3A_187 : memref<1x128xi32, #tpu.memory_space<vmem>> -> memref<128xi32, #tpu.memory_space<vmem>>
      %dma_start3A_189 = arith.constant 0 : i32
      %dma_start3A_190 = arith.constant 0 : i32
      %dma_start3A_191 = tpu.memref_slice %arg13[%dma_start3A_189, %dma_start3A_190] : memref<8008x128xf32, #tpu.memory_space<vmem_shared>> -> memref<8008x128xf32, #tpu.memory_space<vmem_shared>>
      tpu.enqueue_indirect_dma source(%arg11 : memref<128x128xf32, #tpu.memory_space<vmem>>) target(%dma_start3A_191 : memref<8008x128xf32, #tpu.memory_space<vmem_shared>>) offsets(%dma_start3A_188 : memref<128xi32, #tpu.memory_space<vmem>>) semaphore(%arg18 : memref<!tpu.dma_semaphore, #tpu.memory_space<semaphore_mem>>) {add = true}
      %dma_wait3A_192 = arith.constant 3 : i32
      %dma_wait3A_193 = arith.constant 0 : i32
      %dma_wait3A_194 = tpu.memref_slice %arg9[%dma_wait3A_192, %dma_wait3A_193] : memref<10x128xi32, #tpu.memory_space<vmem>> -> memref<1x128xi32, #tpu.memory_space<vmem>>
      %dma_wait3A_195 = tpu.memref_squeeze %dma_wait3A_194 : memref<1x128xi32, #tpu.memory_space<vmem>> -> memref<128xi32, #tpu.memory_space<vmem>>
      %dma_wait3A_196 = arith.constant 0 : i32
      %dma_wait3A_197 = arith.constant 0 : i32
      %dma_wait3A_198 = tpu.memref_slice %arg13[%dma_wait3A_196, %dma_wait3A_197] : memref<8008x128xf32, #tpu.memory_space<vmem_shared>> -> memref<8008x128xf32, #tpu.memory_space<vmem_shared>>
      tpu.wait_indirect_dma semaphore(%arg17 : memref<!tpu.dma_semaphore, #tpu.memory_space<semaphore_mem>>) src(%arg10 : memref<128x128xf32, #tpu.memory_space<vmem>>) dst(%dma_wait3A_198 : memref<8008x128xf32, #tpu.memory_space<vmem_shared>>)
      %dma_start3A_199 = arith.constant 6 : i32
      %dma_start3A_200 = arith.constant 0 : i32
      %dma_start3A_201 = tpu.memref_slice %arg8[%dma_start3A_199, %dma_start3A_200] : memref<10x128xi32, #tpu.memory_space<vmem>> -> memref<1x128xi32, #tpu.memory_space<vmem>>
      %dma_start3A_202 = tpu.memref_squeeze %dma_start3A_201 : memref<1x128xi32, #tpu.memory_space<vmem>> -> memref<128xi32, #tpu.memory_space<vmem>>
      %dma_start3A_203 = arith.constant 0 : i32
      %dma_start3A_204 = arith.constant 0 : i32
      %dma_start3A_205 = tpu.memref_slice %arg2[%dma_start3A_203, %dma_start3A_204] : memref<160000x128xf32, #tpu.memory_space<hbm>> -> memref<160000x128xf32, #tpu.memory_space<hbm>>
      tpu.enqueue_indirect_dma source(%dma_start3A_205 : memref<160000x128xf32, #tpu.memory_space<hbm>>) target(%arg10 : memref<128x128xf32, #tpu.memory_space<vmem>>) offsets(%dma_start3A_202 : memref<128xi32, #tpu.memory_space<vmem>>) semaphore(%arg14 : memref<!tpu.dma_semaphore, #tpu.memory_space<semaphore_mem>>)
      %dma_wait3A_206 = arith.constant 5 : i32
      %dma_wait3A_207 = arith.constant 0 : i32
      %dma_wait3A_208 = tpu.memref_slice %arg8[%dma_wait3A_206, %dma_wait3A_207] : memref<10x128xi32, #tpu.memory_space<vmem>> -> memref<1x128xi32, #tpu.memory_space<vmem>>
      %dma_wait3A_209 = tpu.memref_squeeze %dma_wait3A_208 : memref<1x128xi32, #tpu.memory_space<vmem>> -> memref<128xi32, #tpu.memory_space<vmem>>
      %dma_wait3A_210 = arith.constant 0 : i32
      %dma_wait3A_211 = arith.constant 0 : i32
      %dma_wait3A_212 = tpu.memref_slice %arg2[%dma_wait3A_210, %dma_wait3A_211] : memref<160000x128xf32, #tpu.memory_space<hbm>> -> memref<160000x128xf32, #tpu.memory_space<hbm>>
      tpu.wait_indirect_dma semaphore(%arg16 : memref<!tpu.dma_semaphore, #tpu.memory_space<semaphore_mem>>) src(%dma_wait3A_212 : memref<160000x128xf32, #tpu.memory_space<hbm>>) dst(%arg12 : memref<128x128xf32, #tpu.memory_space<vmem>>)
      %dma_start3A_213 = arith.constant 5 : i32
      %dma_start3A_214 = arith.constant 0 : i32
      %dma_start3A_215 = tpu.memref_slice %arg9[%dma_start3A_213, %dma_start3A_214] : memref<10x128xi32, #tpu.memory_space<vmem>> -> memref<1x128xi32, #tpu.memory_space<vmem>>
      %dma_start3A_216 = tpu.memref_squeeze %dma_start3A_215 : memref<1x128xi32, #tpu.memory_space<vmem>> -> memref<128xi32, #tpu.memory_space<vmem>>
      %dma_start3A_217 = arith.constant 0 : i32
      %dma_start3A_218 = arith.constant 0 : i32
      %dma_start3A_219 = tpu.memref_slice %arg13[%dma_start3A_217, %dma_start3A_218] : memref<8008x128xf32, #tpu.memory_space<vmem_shared>> -> memref<8008x128xf32, #tpu.memory_space<vmem_shared>>
      tpu.enqueue_indirect_dma source(%arg12 : memref<128x128xf32, #tpu.memory_space<vmem>>) target(%dma_start3A_219 : memref<8008x128xf32, #tpu.memory_space<vmem_shared>>) offsets(%dma_start3A_216 : memref<128xi32, #tpu.memory_space<vmem>>) semaphore(%arg19 : memref<!tpu.dma_semaphore, #tpu.memory_space<semaphore_mem>>) {add = true}
      %dma_wait3A_220 = arith.constant 4 : i32
      %dma_wait3A_221 = arith.constant 0 : i32
      %dma_wait3A_222 = tpu.memref_slice %arg9[%dma_wait3A_220, %dma_wait3A_221] : memref<10x128xi32, #tpu.memory_space<vmem>> -> memref<1x128xi32, #tpu.memory_space<vmem>>
      %dma_wait3A_223 = tpu.memref_squeeze %dma_wait3A_222 : memref<1x128xi32, #tpu.memory_space<vmem>> -> memref<128xi32, #tpu.memory_space<vmem>>
      %dma_wait3A_224 = arith.constant 0 : i32
      %dma_wait3A_225 = arith.constant 0 : i32
      %dma_wait3A_226 = tpu.memref_slice %arg13[%dma_wait3A_224, %dma_wait3A_225] : memref<8008x128xf32, #tpu.memory_space<vmem_shared>> -> memref<8008x128xf32, #tpu.memory_space<vmem_shared>>
      tpu.wait_indirect_dma semaphore(%arg18 : memref<!tpu.dma_semaphore, #tpu.memory_space<semaphore_mem>>) src(%arg11 : memref<128x128xf32, #tpu.memory_space<vmem>>) dst(%dma_wait3A_226 : memref<8008x128xf32, #tpu.memory_space<vmem_shared>>)
      %dma_start3A_227 = arith.constant 7 : i32
      %dma_start3A_228 = arith.constant 0 : i32
      %dma_start3A_229 = tpu.memref_slice %arg8[%dma_start3A_227, %dma_start3A_228] : memref<10x128xi32, #tpu.memory_space<vmem>> -> memref<1x128xi32, #tpu.memory_space<vmem>>
      %dma_start3A_230 = tpu.memref_squeeze %dma_start3A_229 : memref<1x128xi32, #tpu.memory_space<vmem>> -> memref<128xi32, #tpu.memory_space<vmem>>
      %dma_start3A_231 = arith.constant 0 : i32
      %dma_start3A_232 = arith.constant 0 : i32
      %dma_start3A_233 = tpu.memref_slice %arg2[%dma_start3A_231, %dma_start3A_232] : memref<160000x128xf32, #tpu.memory_space<hbm>> -> memref<160000x128xf32, #tpu.memory_space<hbm>>
      tpu.enqueue_indirect_dma source(%dma_start3A_233 : memref<160000x128xf32, #tpu.memory_space<hbm>>) target(%arg11 : memref<128x128xf32, #tpu.memory_space<vmem>>) offsets(%dma_start3A_230 : memref<128xi32, #tpu.memory_space<vmem>>) semaphore(%arg15 : memref<!tpu.dma_semaphore, #tpu.memory_space<semaphore_mem>>)
      %dma_wait3A_234 = arith.constant 6 : i32
      %dma_wait3A_235 = arith.constant 0 : i32
      %dma_wait3A_236 = tpu.memref_slice %arg8[%dma_wait3A_234, %dma_wait3A_235] : memref<10x128xi32, #tpu.memory_space<vmem>> -> memref<1x128xi32, #tpu.memory_space<vmem>>
      %dma_wait3A_237 = tpu.memref_squeeze %dma_wait3A_236 : memref<1x128xi32, #tpu.memory_space<vmem>> -> memref<128xi32, #tpu.memory_space<vmem>>
      %dma_wait3A_238 = arith.constant 0 : i32
      %dma_wait3A_239 = arith.constant 0 : i32
      %dma_wait3A_240 = tpu.memref_slice %arg2[%dma_wait3A_238, %dma_wait3A_239] : memref<160000x128xf32, #tpu.memory_space<hbm>> -> memref<160000x128xf32, #tpu.memory_space<hbm>>
      tpu.wait_indirect_dma semaphore(%arg14 : memref<!tpu.dma_semaphore, #tpu.memory_space<semaphore_mem>>) src(%dma_wait3A_240 : memref<160000x128xf32, #tpu.memory_space<hbm>>) dst(%arg10 : memref<128x128xf32, #tpu.memory_space<vmem>>)
      %dma_start3A_241 = arith.constant 6 : i32
      %dma_start3A_242 = arith.constant 0 : i32
      %dma_start3A_243 = tpu.memref_slice %arg9[%dma_start3A_241, %dma_start3A_242] : memref<10x128xi32, #tpu.memory_space<vmem>> -> memref<1x128xi32, #tpu.memory_space<vmem>>
      %dma_start3A_244 = tpu.memref_squeeze %dma_start3A_243 : memref<1x128xi32, #tpu.memory_space<vmem>> -> memref<128xi32, #tpu.memory_space<vmem>>
      %dma_start3A_245 = arith.constant 0 : i32
      %dma_start3A_246 = arith.constant 0 : i32
      %dma_start3A_247 = tpu.memref_slice %arg13[%dma_start3A_245, %dma_start3A_246] : memref<8008x128xf32, #tpu.memory_space<vmem_shared>> -> memref<8008x128xf32, #tpu.memory_space<vmem_shared>>
      tpu.enqueue_indirect_dma source(%arg10 : memref<128x128xf32, #tpu.memory_space<vmem>>) target(%dma_start3A_247 : memref<8008x128xf32, #tpu.memory_space<vmem_shared>>) offsets(%dma_start3A_244 : memref<128xi32, #tpu.memory_space<vmem>>) semaphore(%arg17 : memref<!tpu.dma_semaphore, #tpu.memory_space<semaphore_mem>>) {add = true}
      %dma_wait3A_248 = arith.constant 5 : i32
      %dma_wait3A_249 = arith.constant 0 : i32
      %dma_wait3A_250 = tpu.memref_slice %arg9[%dma_wait3A_248, %dma_wait3A_249] : memref<10x128xi32, #tpu.memory_space<vmem>> -> memref<1x128xi32, #tpu.memory_space<vmem>>
      %dma_wait3A_251 = tpu.memref_squeeze %dma_wait3A_250 : memref<1x128xi32, #tpu.memory_space<vmem>> -> memref<128xi32, #tpu.memory_space<vmem>>
      %dma_wait3A_252 = arith.constant 0 : i32
      %dma_wait3A_253 = arith.constant 0 : i32
      %dma_wait3A_254 = tpu.memref_slice %arg13[%dma_wait3A_252, %dma_wait3A_253] : memref<8008x128xf32, #tpu.memory_space<vmem_shared>> -> memref<8008x128xf32, #tpu.memory_space<vmem_shared>>
      tpu.wait_indirect_dma semaphore(%arg19 : memref<!tpu.dma_semaphore, #tpu.memory_space<semaphore_mem>>) src(%arg12 : memref<128x128xf32, #tpu.memory_space<vmem>>) dst(%dma_wait3A_254 : memref<8008x128xf32, #tpu.memory_space<vmem_shared>>)
      %dma_start3A_255 = arith.constant 8 : i32
      %dma_start3A_256 = arith.constant 0 : i32
      %dma_start3A_257 = tpu.memref_slice %arg8[%dma_start3A_255, %dma_start3A_256] : memref<10x128xi32, #tpu.memory_space<vmem>> -> memref<1x128xi32, #tpu.memory_space<vmem>>
      %dma_start3A_258 = tpu.memref_squeeze %dma_start3A_257 : memref<1x128xi32, #tpu.memory_space<vmem>> -> memref<128xi32, #tpu.memory_space<vmem>>
      %dma_start3A_259 = arith.constant 0 : i32
      %dma_start3A_260 = arith.constant 0 : i32
      %dma_start3A_261 = tpu.memref_slice %arg2[%dma_start3A_259, %dma_start3A_260] : memref<160000x128xf32, #tpu.memory_space<hbm>> -> memref<160000x128xf32, #tpu.memory_space<hbm>>
      tpu.enqueue_indirect_dma source(%dma_start3A_261 : memref<160000x128xf32, #tpu.memory_space<hbm>>) target(%arg12 : memref<128x128xf32, #tpu.memory_space<vmem>>) offsets(%dma_start3A_258 : memref<128xi32, #tpu.memory_space<vmem>>) semaphore(%arg16 : memref<!tpu.dma_semaphore, #tpu.memory_space<semaphore_mem>>)
      %dma_wait3A_262 = arith.constant 7 : i32
      %dma_wait3A_263 = arith.constant 0 : i32
      %dma_wait3A_264 = tpu.memref_slice %arg8[%dma_wait3A_262, %dma_wait3A_263] : memref<10x128xi32, #tpu.memory_space<vmem>> -> memref<1x128xi32, #tpu.memory_space<vmem>>
      %dma_wait3A_265 = tpu.memref_squeeze %dma_wait3A_264 : memref<1x128xi32, #tpu.memory_space<vmem>> -> memref<128xi32, #tpu.memory_space<vmem>>
      %dma_wait3A_266 = arith.constant 0 : i32
      %dma_wait3A_267 = arith.constant 0 : i32
      %dma_wait3A_268 = tpu.memref_slice %arg2[%dma_wait3A_266, %dma_wait3A_267] : memref<160000x128xf32, #tpu.memory_space<hbm>> -> memref<160000x128xf32, #tpu.memory_space<hbm>>
      tpu.wait_indirect_dma semaphore(%arg15 : memref<!tpu.dma_semaphore, #tpu.memory_space<semaphore_mem>>) src(%dma_wait3A_268 : memref<160000x128xf32, #tpu.memory_space<hbm>>) dst(%arg11 : memref<128x128xf32, #tpu.memory_space<vmem>>)
      %dma_start3A_269 = arith.constant 7 : i32
      %dma_start3A_270 = arith.constant 0 : i32
      %dma_start3A_271 = tpu.memref_slice %arg9[%dma_start3A_269, %dma_start3A_270] : memref<10x128xi32, #tpu.memory_space<vmem>> -> memref<1x128xi32, #tpu.memory_space<vmem>>
      %dma_start3A_272 = tpu.memref_squeeze %dma_start3A_271 : memref<1x128xi32, #tpu.memory_space<vmem>> -> memref<128xi32, #tpu.memory_space<vmem>>
      %dma_start3A_273 = arith.constant 0 : i32
      %dma_start3A_274 = arith.constant 0 : i32
      %dma_start3A_275 = tpu.memref_slice %arg13[%dma_start3A_273, %dma_start3A_274] : memref<8008x128xf32, #tpu.memory_space<vmem_shared>> -> memref<8008x128xf32, #tpu.memory_space<vmem_shared>>
      tpu.enqueue_indirect_dma source(%arg11 : memref<128x128xf32, #tpu.memory_space<vmem>>) target(%dma_start3A_275 : memref<8008x128xf32, #tpu.memory_space<vmem_shared>>) offsets(%dma_start3A_272 : memref<128xi32, #tpu.memory_space<vmem>>) semaphore(%arg18 : memref<!tpu.dma_semaphore, #tpu.memory_space<semaphore_mem>>) {add = true}
      %dma_wait3A_276 = arith.constant 6 : i32
      %dma_wait3A_277 = arith.constant 0 : i32
      %dma_wait3A_278 = tpu.memref_slice %arg9[%dma_wait3A_276, %dma_wait3A_277] : memref<10x128xi32, #tpu.memory_space<vmem>> -> memref<1x128xi32, #tpu.memory_space<vmem>>
      %dma_wait3A_279 = tpu.memref_squeeze %dma_wait3A_278 : memref<1x128xi32, #tpu.memory_space<vmem>> -> memref<128xi32, #tpu.memory_space<vmem>>
      %dma_wait3A_280 = arith.constant 0 : i32
      %dma_wait3A_281 = arith.constant 0 : i32
      %dma_wait3A_282 = tpu.memref_slice %arg13[%dma_wait3A_280, %dma_wait3A_281] : memref<8008x128xf32, #tpu.memory_space<vmem_shared>> -> memref<8008x128xf32, #tpu.memory_space<vmem_shared>>
      tpu.wait_indirect_dma semaphore(%arg17 : memref<!tpu.dma_semaphore, #tpu.memory_space<semaphore_mem>>) src(%arg10 : memref<128x128xf32, #tpu.memory_space<vmem>>) dst(%dma_wait3A_282 : memref<8008x128xf32, #tpu.memory_space<vmem_shared>>)
      %dma_start3A_283 = arith.constant 9 : i32
      %dma_start3A_284 = arith.constant 0 : i32
      %dma_start3A_285 = tpu.memref_slice %arg8[%dma_start3A_283, %dma_start3A_284] : memref<10x128xi32, #tpu.memory_space<vmem>> -> memref<1x128xi32, #tpu.memory_space<vmem>>
      %dma_start3A_286 = tpu.memref_squeeze %dma_start3A_285 : memref<1x128xi32, #tpu.memory_space<vmem>> -> memref<128xi32, #tpu.memory_space<vmem>>
      %dma_start3A_287 = arith.constant 0 : i32
      %dma_start3A_288 = arith.constant 0 : i32
      %dma_start3A_289 = tpu.memref_slice %arg2[%dma_start3A_287, %dma_start3A_288] : memref<160000x128xf32, #tpu.memory_space<hbm>> -> memref<160000x128xf32, #tpu.memory_space<hbm>>
      tpu.enqueue_indirect_dma source(%dma_start3A_289 : memref<160000x128xf32, #tpu.memory_space<hbm>>) target(%arg10 : memref<128x128xf32, #tpu.memory_space<vmem>>) offsets(%dma_start3A_286 : memref<128xi32, #tpu.memory_space<vmem>>) semaphore(%arg14 : memref<!tpu.dma_semaphore, #tpu.memory_space<semaphore_mem>>)
      %dma_wait3A_290 = arith.constant 8 : i32
      %dma_wait3A_291 = arith.constant 0 : i32
      %dma_wait3A_292 = tpu.memref_slice %arg8[%dma_wait3A_290, %dma_wait3A_291] : memref<10x128xi32, #tpu.memory_space<vmem>> -> memref<1x128xi32, #tpu.memory_space<vmem>>
      %dma_wait3A_293 = tpu.memref_squeeze %dma_wait3A_292 : memref<1x128xi32, #tpu.memory_space<vmem>> -> memref<128xi32, #tpu.memory_space<vmem>>
      %dma_wait3A_294 = arith.constant 0 : i32
      %dma_wait3A_295 = arith.constant 0 : i32
      %dma_wait3A_296 = tpu.memref_slice %arg2[%dma_wait3A_294, %dma_wait3A_295] : memref<160000x128xf32, #tpu.memory_space<hbm>> -> memref<160000x128xf32, #tpu.memory_space<hbm>>
      tpu.wait_indirect_dma semaphore(%arg16 : memref<!tpu.dma_semaphore, #tpu.memory_space<semaphore_mem>>) src(%dma_wait3A_296 : memref<160000x128xf32, #tpu.memory_space<hbm>>) dst(%arg12 : memref<128x128xf32, #tpu.memory_space<vmem>>)
      %dma_start3A_297 = arith.constant 8 : i32
      %dma_start3A_298 = arith.constant 0 : i32
      %dma_start3A_299 = tpu.memref_slice %arg9[%dma_start3A_297, %dma_start3A_298] : memref<10x128xi32, #tpu.memory_space<vmem>> -> memref<1x128xi32, #tpu.memory_space<vmem>>
      %dma_start3A_300 = tpu.memref_squeeze %dma_start3A_299 : memref<1x128xi32, #tpu.memory_space<vmem>> -> memref<128xi32, #tpu.memory_space<vmem>>
      %dma_start3A_301 = arith.constant 0 : i32
      %dma_start3A_302 = arith.constant 0 : i32
      %dma_start3A_303 = tpu.memref_slice %arg13[%dma_start3A_301, %dma_start3A_302] : memref<8008x128xf32, #tpu.memory_space<vmem_shared>> -> memref<8008x128xf32, #tpu.memory_space<vmem_shared>>
      tpu.enqueue_indirect_dma source(%arg12 : memref<128x128xf32, #tpu.memory_space<vmem>>) target(%dma_start3A_303 : memref<8008x128xf32, #tpu.memory_space<vmem_shared>>) offsets(%dma_start3A_300 : memref<128xi32, #tpu.memory_space<vmem>>) semaphore(%arg19 : memref<!tpu.dma_semaphore, #tpu.memory_space<semaphore_mem>>) {add = true}
      %dma_wait3A_304 = arith.constant 9 : i32
      %dma_wait3A_305 = arith.constant 0 : i32
      %dma_wait3A_306 = tpu.memref_slice %arg8[%dma_wait3A_304, %dma_wait3A_305] : memref<10x128xi32, #tpu.memory_space<vmem>> -> memref<1x128xi32, #tpu.memory_space<vmem>>
      %dma_wait3A_307 = tpu.memref_squeeze %dma_wait3A_306 : memref<1x128xi32, #tpu.memory_space<vmem>> -> memref<128xi32, #tpu.memory_space<vmem>>
      %dma_wait3A_308 = arith.constant 0 : i32
      %dma_wait3A_309 = arith.constant 0 : i32
      %dma_wait3A_310 = tpu.memref_slice %arg2[%dma_wait3A_308, %dma_wait3A_309] : memref<160000x128xf32, #tpu.memory_space<hbm>> -> memref<160000x128xf32, #tpu.memory_space<hbm>>
      tpu.wait_indirect_dma semaphore(%arg14 : memref<!tpu.dma_semaphore, #tpu.memory_space<semaphore_mem>>) src(%dma_wait3A_310 : memref<160000x128xf32, #tpu.memory_space<hbm>>) dst(%arg10 : memref<128x128xf32, #tpu.memory_space<vmem>>)
      %dma_start3A_311 = arith.constant 9 : i32
      %dma_start3A_312 = arith.constant 0 : i32
      %dma_start3A_313 = tpu.memref_slice %arg9[%dma_start3A_311, %dma_start3A_312] : memref<10x128xi32, #tpu.memory_space<vmem>> -> memref<1x128xi32, #tpu.memory_space<vmem>>
      %dma_start3A_314 = tpu.memref_squeeze %dma_start3A_313 : memref<1x128xi32, #tpu.memory_space<vmem>> -> memref<128xi32, #tpu.memory_space<vmem>>
      %dma_start3A_315 = arith.constant 0 : i32
      %dma_start3A_316 = arith.constant 0 : i32
      %dma_start3A_317 = tpu.memref_slice %arg13[%dma_start3A_315, %dma_start3A_316] : memref<8008x128xf32, #tpu.memory_space<vmem_shared>> -> memref<8008x128xf32, #tpu.memory_space<vmem_shared>>
      tpu.enqueue_indirect_dma source(%arg10 : memref<128x128xf32, #tpu.memory_space<vmem>>) target(%dma_start3A_317 : memref<8008x128xf32, #tpu.memory_space<vmem_shared>>) offsets(%dma_start3A_314 : memref<128xi32, #tpu.memory_space<vmem>>) semaphore(%arg17 : memref<!tpu.dma_semaphore, #tpu.memory_space<semaphore_mem>>) {add = true}
      %dma_wait3A_318 = arith.constant 7 : i32
      %dma_wait3A_319 = arith.constant 0 : i32
      %dma_wait3A_320 = tpu.memref_slice %arg9[%dma_wait3A_318, %dma_wait3A_319] : memref<10x128xi32, #tpu.memory_space<vmem>> -> memref<1x128xi32, #tpu.memory_space<vmem>>
      %dma_wait3A_321 = tpu.memref_squeeze %dma_wait3A_320 : memref<1x128xi32, #tpu.memory_space<vmem>> -> memref<128xi32, #tpu.memory_space<vmem>>
      %dma_wait3A_322 = arith.constant 0 : i32
      %dma_wait3A_323 = arith.constant 0 : i32
      %dma_wait3A_324 = tpu.memref_slice %arg13[%dma_wait3A_322, %dma_wait3A_323] : memref<8008x128xf32, #tpu.memory_space<vmem_shared>> -> memref<8008x128xf32, #tpu.memory_space<vmem_shared>>
      tpu.wait_indirect_dma semaphore(%arg18 : memref<!tpu.dma_semaphore, #tpu.memory_space<semaphore_mem>>) src(%arg11 : memref<128x128xf32, #tpu.memory_space<vmem>>) dst(%dma_wait3A_324 : memref<8008x128xf32, #tpu.memory_space<vmem_shared>>)
      %dma_wait3A_325 = arith.constant 8 : i32
      %dma_wait3A_326 = arith.constant 0 : i32
      %dma_wait3A_327 = tpu.memref_slice %arg9[%dma_wait3A_325, %dma_wait3A_326] : memref<10x128xi32, #tpu.memory_space<vmem>> -> memref<1x128xi32, #tpu.memory_space<vmem>>
      %dma_wait3A_328 = tpu.memref_squeeze %dma_wait3A_327 : memref<1x128xi32, #tpu.memory_space<vmem>> -> memref<128xi32, #tpu.memory_space<vmem>>
      %dma_wait3A_329 = arith.constant 0 : i32
      %dma_wait3A_330 = arith.constant 0 : i32
      %dma_wait3A_331 = tpu.memref_slice %arg13[%dma_wait3A_329, %dma_wait3A_330] : memref<8008x128xf32, #tpu.memory_space<vmem_shared>> -> memref<8008x128xf32, #tpu.memory_space<vmem_shared>>
      tpu.wait_indirect_dma semaphore(%arg19 : memref<!tpu.dma_semaphore, #tpu.memory_space<semaphore_mem>>) src(%arg12 : memref<128x128xf32, #tpu.memory_space<vmem>>) dst(%dma_wait3A_331 : memref<8008x128xf32, #tpu.memory_space<vmem_shared>>)
      %dma_wait3A_332 = arith.constant 9 : i32
      %dma_wait3A_333 = arith.constant 0 : i32
      %dma_wait3A_334 = tpu.memref_slice %arg9[%dma_wait3A_332, %dma_wait3A_333] : memref<10x128xi32, #tpu.memory_space<vmem>> -> memref<1x128xi32, #tpu.memory_space<vmem>>
      %dma_wait3A_335 = tpu.memref_squeeze %dma_wait3A_334 : memref<1x128xi32, #tpu.memory_space<vmem>> -> memref<128xi32, #tpu.memory_space<vmem>>
      %dma_wait3A_336 = arith.constant 0 : i32
      %dma_wait3A_337 = arith.constant 0 : i32
      %dma_wait3A_338 = tpu.memref_slice %arg13[%dma_wait3A_336, %dma_wait3A_337] : memref<8008x128xf32, #tpu.memory_space<vmem_shared>> -> memref<8008x128xf32, #tpu.memory_space<vmem_shared>>
      tpu.wait_indirect_dma semaphore(%arg17 : memref<!tpu.dma_semaphore, #tpu.memory_space<semaphore_mem>>) src(%arg10 : memref<128x128xf32, #tpu.memory_space<vmem>>) dst(%dma_wait3A_338 : memref<8008x128xf32, #tpu.memory_space<vmem_shared>>)
    }
    %barrier3A_27 = arith.constant 0 : index
    tpu.barrier barrier_id(%barrier3A_27)
    %eq3A_28 = arith.constant 0 : i32
    %eq3A_29 = arith.cmpi eq, %arg0, %eq3A_28 : i32
    %lt3A_30 = arith.constant 15 : i32
    %lt3A_31 = arith.cmpi slt, %arg1, %lt3A_30 : i32
    %and3A = arith.andi %eq3A_29, %lt3A_31 : i1
    %convert_element_type3A_32 = arith.extui %and3A : i1 to i32
    %cond3A_33 = arith.constant 0 : i32
    %cond3A_34 = arith.cmpi ne, %convert_element_type3A_32, %cond3A_33 : i32
    scf.if %cond3A_34 {
      %mul3A_59 = arith.constant 496 : i32
      %mul3A_60 = arith.muli %arg1, %mul3A_59 : i32
      "tpu.region"() ({
        %run_scoped3A = tpu.sem_alloc : memref<!tpu.dma_semaphore, #tpu.memory_space<semaphore_mem>>
        %dma_start3A = arith.constant 0 : i32
        %dma_start3A_61 = tpu.memref_slice %arg6[%mul3A_60, %dma_start3A] : memref<8008x128xf32, #tpu.memory_space<hbm>> -> memref<496x128xf32, #tpu.memory_space<hbm>>
        %dma_start3A_62 = arith.constant 0 : i32
        %dma_start3A_63 = tpu.memref_slice %arg13[%mul3A_60, %dma_start3A_62] : memref<8008x128xf32, #tpu.memory_space<vmem_shared>> -> memref<496x128xf32, #tpu.memory_space<vmem_shared>>
        tpu.enqueue_dma source(%dma_start3A_63 : memref<496x128xf32, #tpu.memory_space<vmem_shared>>) target(%dma_start3A_61 : memref<496x128xf32, #tpu.memory_space<hbm>>) target_semaphore(%run_scoped3A : memref<!tpu.dma_semaphore, #tpu.memory_space<semaphore_mem>>)
        %dma_wait3A = arith.constant 0 : i32
        %dma_wait3A_64 = tpu.memref_slice %arg6[%mul3A_60, %dma_wait3A] : memref<8008x128xf32, #tpu.memory_space<hbm>> -> memref<496x128xf32, #tpu.memory_space<hbm>>
        %dma_wait3A_65 = arith.constant 0 : i32
        %dma_wait3A_66 = tpu.memref_slice %arg13[%mul3A_60, %dma_wait3A_65] : memref<8008x128xf32, #tpu.memory_space<vmem_shared>> -> memref<496x128xf32, #tpu.memory_space<vmem_shared>>
        tpu.wait_dma2 semaphore(%run_scoped3A : memref<!tpu.dma_semaphore, #tpu.memory_space<semaphore_mem>>) src(%dma_wait3A_66 : memref<496x128xf32, #tpu.memory_space<vmem_shared>>) dst(%dma_wait3A_64 : memref<496x128xf32, #tpu.memory_space<hbm>>)
        tpu.yield
      }) : () -> ()
    } else {
    }
    %eq3A_35 = arith.constant 0 : i32
    %eq3A_36 = arith.cmpi eq, %arg0, %eq3A_35 : i32
    %eq3A_37 = arith.constant 15 : i32
    %eq3A_38 = arith.cmpi eq, %arg1, %eq3A_37 : i32
    %and3A_39 = arith.andi %eq3A_36, %eq3A_38 : i1
    %convert_element_type3A_40 = arith.extui %and3A_39 : i1 to i32
    %cond3A_41 = arith.constant 0 : i32
    %cond3A_42 = arith.cmpi ne, %convert_element_type3A_40, %cond3A_41 : i32
    scf.if %cond3A_42 {
      "tpu.region"() ({
        %run_scoped3A = tpu.sem_alloc : memref<!tpu.dma_semaphore, #tpu.memory_space<semaphore_mem>>
        %dma_start3A = arith.constant 7440 : i32
        %dma_start3A_59 = arith.constant 0 : i32
        %dma_start3A_60 = tpu.memref_slice %arg6[%dma_start3A, %dma_start3A_59] : memref<8008x128xf32, #tpu.memory_space<hbm>> -> memref<568x128xf32, #tpu.memory_space<hbm>>
        %dma_start3A_61 = arith.constant 7440 : i32
        %dma_start3A_62 = arith.constant 0 : i32
        %dma_start3A_63 = tpu.memref_slice %arg13[%dma_start3A_61, %dma_start3A_62] : memref<8008x128xf32, #tpu.memory_space<vmem_shared>> -> memref<568x128xf32, #tpu.memory_space<vmem_shared>>
        tpu.enqueue_dma source(%dma_start3A_63 : memref<568x128xf32, #tpu.memory_space<vmem_shared>>) target(%dma_start3A_60 : memref<568x128xf32, #tpu.memory_space<hbm>>) target_semaphore(%run_scoped3A : memref<!tpu.dma_semaphore, #tpu.memory_space<semaphore_mem>>)
        %dma_wait3A = arith.constant 7440 : i32
        %dma_wait3A_64 = arith.constant 0 : i32
        %dma_wait3A_65 = tpu.memref_slice %arg6[%dma_wait3A, %dma_wait3A_64] : memref<8008x128xf32, #tpu.memory_space<hbm>> -> memref<568x128xf32, #tpu.memory_space<hbm>>
        %dma_wait3A_66 = arith.constant 7440 : i32
        %dma_wait3A_67 = arith.constant 0 : i32
        %dma_wait3A_68 = tpu.memref_slice %arg13[%dma_wait3A_66, %dma_wait3A_67] : memref<8008x128xf32, #tpu.memory_space<vmem_shared>> -> memref<568x128xf32, #tpu.memory_space<vmem_shared>>
        tpu.wait_dma2 semaphore(%run_scoped3A : memref<!tpu.dma_semaphore, #tpu.memory_space<semaphore_mem>>) src(%dma_wait3A_68 : memref<568x128xf32, #tpu.memory_space<vmem_shared>>) dst(%dma_wait3A_65 : memref<568x128xf32, #tpu.memory_space<hbm>>)
        tpu.yield
      }) : () -> ()
    } else {
    }
    %eq3A_43 = arith.constant 1 : i32
    %eq3A_44 = arith.cmpi eq, %arg0, %eq3A_43 : i32
    %lt3A_45 = arith.constant 15 : i32
    %lt3A_46 = arith.cmpi slt, %arg1, %lt3A_45 : i32
    %and3A_47 = arith.andi %eq3A_44, %lt3A_46 : i1
    %convert_element_type3A_48 = arith.extui %and3A_47 : i1 to i32
    %cond3A_49 = arith.constant 0 : i32
    %cond3A_50 = arith.cmpi ne, %convert_element_type3A_48, %cond3A_49 : i32
    scf.if %cond3A_50 {
      %mul3A_59 = arith.constant 496 : i32
      %mul3A_60 = arith.muli %arg1, %mul3A_59 : i32
      "tpu.region"() ({
        %run_scoped3A = tpu.sem_alloc : memref<!tpu.dma_semaphore, #tpu.memory_space<semaphore_mem>>
        %dma_start3A = arith.constant 0 : i32
        %dma_start3A_61 = tpu.memref_slice %arg7[%mul3A_60, %dma_start3A] : memref<8008x128xf32, #tpu.memory_space<hbm>> -> memref<496x128xf32, #tpu.memory_space<hbm>>
        %dma_start3A_62 = arith.constant 0 : i32
        %dma_start3A_63 = tpu.memref_slice %arg13[%mul3A_60, %dma_start3A_62] : memref<8008x128xf32, #tpu.memory_space<vmem_shared>> -> memref<496x128xf32, #tpu.memory_space<vmem_shared>>
        tpu.enqueue_dma source(%dma_start3A_63 : memref<496x128xf32, #tpu.memory_space<vmem_shared>>) target(%dma_start3A_61 : memref<496x128xf32, #tpu.memory_space<hbm>>) target_semaphore(%run_scoped3A : memref<!tpu.dma_semaphore, #tpu.memory_space<semaphore_mem>>)
        %dma_wait3A = arith.constant 0 : i32
        %dma_wait3A_64 = tpu.memref_slice %arg7[%mul3A_60, %dma_wait3A] : memref<8008x128xf32, #tpu.memory_space<hbm>> -> memref<496x128xf32, #tpu.memory_space<hbm>>
        %dma_wait3A_65 = arith.constant 0 : i32
        %dma_wait3A_66 = tpu.memref_slice %arg13[%mul3A_60, %dma_wait3A_65] : memref<8008x128xf32, #tpu.memory_space<vmem_shared>> -> memref<496x128xf32, #tpu.memory_space<vmem_shared>>
        tpu.wait_dma2 semaphore(%run_scoped3A : memref<!tpu.dma_semaphore, #tpu.memory_space<semaphore_mem>>) src(%dma_wait3A_66 : memref<496x128xf32, #tpu.memory_space<vmem_shared>>) dst(%dma_wait3A_64 : memref<496x128xf32, #tpu.memory_space<hbm>>)
        tpu.yield
      }) : () -> ()
    } else {
    }
    %eq3A_51 = arith.constant 1 : i32
    %eq3A_52 = arith.cmpi eq, %arg0, %eq3A_51 : i32
    %eq3A_53 = arith.constant 15 : i32
    %eq3A_54 = arith.cmpi eq, %arg1, %eq3A_53 : i32
    %and3A_55 = arith.andi %eq3A_52, %eq3A_54 : i1
    %convert_element_type3A_56 = arith.extui %and3A_55 : i1 to i32
    %cond3A_57 = arith.constant 0 : i32
    %cond3A_58 = arith.cmpi ne, %convert_element_type3A_56, %cond3A_57 : i32
    scf.if %cond3A_58 {
      "tpu.region"() ({
        %run_scoped3A = tpu.sem_alloc : memref<!tpu.dma_semaphore, #tpu.memory_space<semaphore_mem>>
        %dma_start3A = arith.constant 7440 : i32
        %dma_start3A_59 = arith.constant 0 : i32
        %dma_start3A_60 = tpu.memref_slice %arg7[%dma_start3A, %dma_start3A_59] : memref<8008x128xf32, #tpu.memory_space<hbm>> -> memref<568x128xf32, #tpu.memory_space<hbm>>
        %dma_start3A_61 = arith.constant 7440 : i32
        %dma_start3A_62 = arith.constant 0 : i32
        %dma_start3A_63 = tpu.memref_slice %arg13[%dma_start3A_61, %dma_start3A_62] : memref<8008x128xf32, #tpu.memory_space<vmem_shared>> -> memref<568x128xf32, #tpu.memory_space<vmem_shared>>
        tpu.enqueue_dma source(%dma_start3A_63 : memref<568x128xf32, #tpu.memory_space<vmem_shared>>) target(%dma_start3A_60 : memref<568x128xf32, #tpu.memory_space<hbm>>) target_semaphore(%run_scoped3A : memref<!tpu.dma_semaphore, #tpu.memory_space<semaphore_mem>>)
        %dma_wait3A = arith.constant 7440 : i32
        %dma_wait3A_64 = arith.constant 0 : i32
        %dma_wait3A_65 = tpu.memref_slice %arg7[%dma_wait3A, %dma_wait3A_64] : memref<8008x128xf32, #tpu.memory_space<hbm>> -> memref<568x128xf32, #tpu.memory_space<hbm>>
        %dma_wait3A_66 = arith.constant 7440 : i32
        %dma_wait3A_67 = arith.constant 0 : i32
        %dma_wait3A_68 = tpu.memref_slice %arg13[%dma_wait3A_66, %dma_wait3A_67] : memref<8008x128xf32, #tpu.memory_space<vmem_shared>> -> memref<568x128xf32, #tpu.memory_space<vmem_shared>>
        tpu.wait_dma2 semaphore(%run_scoped3A : memref<!tpu.dma_semaphore, #tpu.memory_space<semaphore_mem>>) src(%dma_wait3A_68 : memref<568x128xf32, #tpu.memory_space<vmem_shared>>) dst(%dma_wait3A_65 : memref<568x128xf32, #tpu.memory_space<hbm>>)
        tpu.yield
      }) : () -> ()
    } else {
    }
    return
  }
}

module attributes {stable_mosaic.version = 14 : i64} {
  func.func @_ht_b_body(%arg0: i32, %arg1: i32, %arg2: memref<1000x72xf32, #tpu.memory_space<vmem>>, %arg3: memref<1x1x128xf32, #tpu.memory_space<vmem>>, %arg4: memref<1000x128xf32, #tpu.memory_space<vmem>>) attributes {dimension_semantics = [#tpu.dimension_semantics<arbitrary>, #tpu.dimension_semantics<arbitrary>], iteration_bounds = array<i64: 10, 16>, scalar_prefetch = 0 : i64, scratch_operands = 0 : i64, tpu.core_type = #tpu.core_type<tc>, window_params = [{transform_indices = @transform_0, window_bounds = array<i64: 1000, 72>}, {transform_indices = @transform_1, window_bounds = array<i64: 1, 1, 128>}, {transform_indices = @transform_2, window_bounds = array<i64: 1000, 128>}]} {
    %get3A = arith.constant 0 : index
    %get3A_0 = arith.constant 0 : index
    %get3A_1 = vector.load %arg2[%get3A, %get3A_0] : memref<1000x72xf32, #tpu.memory_space<vmem>>, vector<1000x72xf32>
    %broadcast_in_dim3A = arith.constant 1.000000e+00 : f32
    %broadcast_in_dim3A_2 = vector.broadcast %broadcast_in_dim3A : f32 to vector<1000x1xf32>
    %broadcast_in_dim3A_3 = arith.constant 0.000000e+00 : f32
    %broadcast_in_dim3A_4 = vector.broadcast %broadcast_in_dim3A_3 : f32 to vector<1000x55xf32>
    %concatenate3A = tpu.concatenate %get3A_1, %broadcast_in_dim3A_2, %broadcast_in_dim3A_4 in 1 : vector<1000x72xf32>, vector<1000x1xf32>, vector<1000x55xf32> -> vector<1000x128xf32>
    %get3A_5 = arith.constant 0 : index
    %get3A_6 = arith.constant 0 : index
    %get3A_7 = arith.constant 0 : index
    %get3A_8 = vector.load %arg3[%get3A_5, %get3A_6, %get3A_7] : memref<1x1x128xf32, #tpu.memory_space<vmem>>, vector<1x1x128xf32>
    %get3A_9 = vector.shape_cast %get3A_8 : vector<1x1x128xf32> to vector<1x128xf32>
    %mul3A = vector.broadcast %get3A_9 : vector<1x128xf32> to vector<1000x128xf32>
    %mul3A_10 = arith.mulf %concatenate3A, %mul3A : vector<1000x128xf32>
    %swap3A = arith.constant 0 : index
    %swap3A_11 = arith.constant 0 : index
    %swap3A_12 = vector.load %arg4[%swap3A, %swap3A_11] : memref<1000x128xf32, #tpu.memory_space<vmem>>, vector<1000x128xf32>
    tpu.vector_store %arg4[%swap3A, %swap3A_11], %mul3A_10 {strides = array<i32>} : memref<1000x128xf32, #tpu.memory_space<vmem>>, vector<1000x128xf32>,
    return
  }
  func.func @transform_0(%arg0: i32, %arg1: i32) -> (i32, i32) {
    %c0_i32 = arith.constant 0 : i32
    %c0_i32_0 = arith.constant 0 : i32
    return %arg0, %c0_i32 : i32, i32
  }
  func.func @transform_1(%arg0: i32, %arg1: i32) -> (i32, i32, i32) {
    %c0_i32 = arith.constant 0 : i32
    %c0_i32_0 = arith.constant 0 : i32
    %c0_i32_1 = arith.constant 0 : i32
    return %arg1, %c0_i32, %c0_i32_0 : i32, i32, i32
  }
  func.func @transform_2(%arg0: i32, %arg1: i32) -> (i32, i32) {
    %mul3A = arith.constant 10 : i32
    %mul3A_0 = arith.muli %arg1, %mul3A : i32
    %add3A = arith.addi %mul3A_0, %arg0 : i32
    %c0_i32 = arith.constant 0 : i32
    %c0_i32_1 = arith.constant 0 : i32
    return %add3A, %c0_i32 : i32, i32
  }
}

module attributes {stable_mosaic.version = 14 : i64} {
  func.func @_gidx_body(%arg0: memref<250x10x128xi32, #tpu.memory_space<vmem>>, %arg1: memref<250x10x128xi32, #tpu.memory_space<vmem>>, %arg2: memref<250x10x128xi32, #tpu.memory_space<vmem>>, %arg3: memref<250x10x128xi32, #tpu.memory_space<vmem>>, %arg4: memref<250x10x128xi32, #tpu.memory_space<vmem>>) attributes {dimension_semantics = [], scalar_prefetch = 0 : i64, scratch_operands = 0 : i64, tpu.core_type = #tpu.core_type<tc>} {
    %get3A = arith.constant 0 : index
    %get3A_0 = arith.constant 0 : index
    %get3A_1 = arith.constant 0 : index
    %get3A_2 = vector.load %arg1[%get3A, %get3A_0, %get3A_1] : memref<250x10x128xi32, #tpu.memory_space<vmem>>, vector<250x10x128xi32>
    %mul3A = arith.constant 10000 : i32
    %mul3A_3 = vector.broadcast %mul3A : i32 to vector<250x10x128xi32>
    %mul3A_4 = arith.muli %get3A_2, %mul3A_3 : vector<250x10x128xi32>
    %get3A_5 = arith.constant 0 : index
    %get3A_6 = arith.constant 0 : index
    %get3A_7 = arith.constant 0 : index
    %get3A_8 = vector.load %arg0[%get3A_5, %get3A_6, %get3A_7] : memref<250x10x128xi32, #tpu.memory_space<vmem>>, vector<250x10x128xi32>
    %add3A = arith.addi %mul3A_4, %get3A_8 : vector<250x10x128xi32>
    %swap3A = arith.constant 0 : index
    %swap3A_9 = arith.constant 0 : index
    %swap3A_10 = arith.constant 0 : index
    %swap3A_11 = vector.load %arg3[%swap3A, %swap3A_9, %swap3A_10] : memref<250x10x128xi32, #tpu.memory_space<vmem>>, vector<250x10x128xi32>
    tpu.vector_store %arg3[%swap3A, %swap3A_9, %swap3A_10], %add3A {strides = array<i32>} : memref<250x10x128xi32, #tpu.memory_space<vmem>>, vector<250x10x128xi32>,
    %get3A_12 = arith.constant 0 : index
    %get3A_13 = arith.constant 0 : index
    %get3A_14 = arith.constant 0 : index
    %get3A_15 = vector.load %arg2[%get3A_12, %get3A_13, %get3A_14] : memref<250x10x128xi32, #tpu.memory_space<vmem>>, vector<250x10x128xi32>
    %min3A = arith.constant 8000 : i32
    %min3A_16 = vector.broadcast %min3A : i32 to vector<250x10x128xi32>
    %min3A_17 = arith.minsi %get3A_15, %min3A_16 : vector<250x10x128xi32>
    %swap3A_18 = arith.constant 0 : index
    %swap3A_19 = arith.constant 0 : index
    %swap3A_20 = arith.constant 0 : index
    %swap3A_21 = vector.load %arg4[%swap3A_18, %swap3A_19, %swap3A_20] : memref<250x10x128xi32, #tpu.memory_space<vmem>>, vector<250x10x128xi32>
    tpu.vector_store %arg4[%swap3A_18, %swap3A_19, %swap3A_20], %min3A_17 {strides = array<i32>} : memref<250x10x128xi32, #tpu.memory_space<vmem>>, vector<250x10x128xi32>,
    return
  }
}

module attributes {stable_mosaic.version = 14 : i64} {
  func.func @_ht_a_body(%arg0: i32, %arg1: i32, %arg2: memref<1000x128xf32, #tpu.memory_space<vmem>>, %arg3: memref<1x1x128xf32, #tpu.memory_space<vmem>>, %arg4: memref<1000x128xf32, #tpu.memory_space<vmem>>) attributes {dimension_semantics = [#tpu.dimension_semantics<arbitrary>, #tpu.dimension_semantics<arbitrary>], iteration_bounds = array<i64: 10, 16>, scalar_prefetch = 0 : i64, scratch_operands = 0 : i64, tpu.core_type = #tpu.core_type<tc>, window_params = [{transform_indices = @transform_0, window_bounds = array<i64: 1000, 128>}, {transform_indices = @transform_1, window_bounds = array<i64: 1, 1, 128>}, {transform_indices = @transform_2, window_bounds = array<i64: 1000, 128>}]} {
    %get3A = arith.constant 0 : index
    %get3A_0 = arith.constant 0 : index
    %get3A_1 = vector.load %arg2[%get3A, %get3A_0] : memref<1000x128xf32, #tpu.memory_space<vmem>>, vector<1000x128xf32>
    %get3A_2 = arith.constant 0 : index
    %get3A_3 = arith.constant 0 : index
    %get3A_4 = arith.constant 0 : index
    %get3A_5 = vector.load %arg3[%get3A_2, %get3A_3, %get3A_4] : memref<1x1x128xf32, #tpu.memory_space<vmem>>, vector<1x1x128xf32>
    %get3A_6 = vector.shape_cast %get3A_5 : vector<1x1x128xf32> to vector<1x128xf32>
    %mul3A = vector.broadcast %get3A_6 : vector<1x128xf32> to vector<1000x128xf32>
    %mul3A_7 = arith.mulf %get3A_1, %mul3A : vector<1000x128xf32>
    %swap3A = arith.constant 0 : index
    %swap3A_8 = arith.constant 0 : index
    %swap3A_9 = vector.load %arg4[%swap3A, %swap3A_8] : memref<1000x128xf32, #tpu.memory_space<vmem>>, vector<1000x128xf32>
    tpu.vector_store %arg4[%swap3A, %swap3A_8], %mul3A_7 {strides = array<i32>} : memref<1000x128xf32, #tpu.memory_space<vmem>>, vector<1000x128xf32>,
    return
  }
  func.func @transform_0(%arg0: i32, %arg1: i32) -> (i32, i32) {
    %c0_i32 = arith.constant 0 : i32
    %c0_i32_0 = arith.constant 0 : i32
    return %arg0, %c0_i32 : i32, i32
  }
  func.func @transform_1(%arg0: i32, %arg1: i32) -> (i32, i32, i32) {
    %c0_i32 = arith.constant 0 : i32
    %c0_i32_0 = arith.constant 0 : i32
    %c0_i32_1 = arith.constant 0 : i32
    return %arg1, %c0_i32, %c0_i32_0 : i32, i32, i32
  }
  func.func @transform_2(%arg0: i32, %arg1: i32) -> (i32, i32) {
    %mul3A = arith.constant 10 : i32
    %mul3A_0 = arith.muli %arg1, %mul3A : i32
    %add3A = arith.addi %mul3A_0, %arg0 : i32
    %c0_i32 = arith.constant 0 : i32
    %c0_i32_1 = arith.constant 0 : i32
    return %add3A, %c0_i32 : i32, i32
  }
}

module attributes {stable_mosaic.version = 14 : i64} {
  func.func @_score_body(%arg0: memref<1024x200xf32, #tpu.memory_space<vmem>>, %arg1: memref<8000x200xf32, #tpu.memory_space<vmem>>, %arg2: memref<1024x8000xf32, #tpu.memory_space<vmem>>) attributes {dimension_semantics = [], scalar_prefetch = 0 : i64, scratch_operands = 0 : i64, tpu.core_type = #tpu.core_type<tc>} {
    %get3A = arith.constant 0 : index
    %get3A_0 = arith.constant 0 : index
    %get3A_1 = vector.load %arg0[%get3A, %get3A_0] : memref<1024x200xf32, #tpu.memory_space<vmem>>, vector<1024x200xf32>
    %get3A_2 = arith.constant 0 : index
    %get3A_3 = arith.constant 0 : index
    %get3A_4 = vector.load %arg1[%get3A_2, %get3A_3] : memref<8000x200xf32, #tpu.memory_space<vmem>>, vector<8000x200xf32>
    %dot_general3A = arith.constant dense<0.000000e+00> : vector<1024x8000xf32>
    %dot_general3A_5 = tpu.matmul %get3A_1, %get3A_4, %dot_general3A {dimension_numbers = #tpu.dot_dimension_numbers<[1], [1], [0], [0], [0, 0, 1, 0], [], []>, transpose_lhs_hint = false} : vector<1024x200xf32>, vector<8000x200xf32>, vector<1024x8000xf32> -> vector<1024x8000xf32>
    %swap3A = arith.constant 0 : index
    %swap3A_6 = arith.constant 0 : index
    %swap3A_7 = vector.load %arg2[%swap3A, %swap3A_6] : memref<1024x8000xf32, #tpu.memory_space<vmem>>, vector<1024x8000xf32>
    tpu.vector_store %arg2[%swap3A, %swap3A_6], %dot_general3A_5 {strides = array<i32>} : memref<1024x8000xf32, #tpu.memory_space<vmem>>, vector<1024x8000xf32>,
    return
  }
}

module attributes {stable_mosaic.version = 14 : i64} {
  func.func @_decode_body(%arg0: memref<8008x128xf32, #tpu.memory_space<vmem>>, %arg1: memref<8008x128xf32, #tpu.memory_space<vmem>>, %arg2: memref<8008x128xf32, #tpu.memory_space<vmem>>, %arg3: memref<8008x128xf32, #tpu.memory_space<vmem>>, %arg4: memref<1024x1xi32, #tpu.memory_space<vmem>>, %arg5: memref<1024x1xi32, #tpu.memory_space<vmem>>, %arg6: memref<1024x1xi32, #tpu.memory_space<vmem>>, %arg7: memref<230x200xf32, #tpu.memory_space<vmem>>, %arg8: memref<200x200xf32, #tpu.memory_space<vmem>>, %arg9: memref<200x200xf32, #tpu.memory_space<vmem>>, %arg10: memref<1x200xf32, #tpu.memory_space<vmem>>, %arg11: memref<1x200xf32, #tpu.memory_space<vmem>>, %arg12: memref<365x1xf32, #tpu.memory_space<vmem>>, %arg13: memref<8000x200xf32, #tpu.memory_space<vmem>>, %arg14: memref<1024x200xf32, #tpu.memory_space<vmem>>) attributes {dimension_semantics = [], scalar_prefetch = 0 : i64, scratch_operands = 0 : i64, tpu.core_type = #tpu.core_type<tc>} {
    %get3A = arith.constant 0 : index
    %get3A_0 = arith.constant 0 : index
    %get3A_1 = vector.load %arg0[%get3A, %get3A_0] : memref<8008x128xf32, #tpu.memory_space<vmem>>, vector<8000x128xf32>
    %get3A_2 = arith.constant 0 : index
    %get3A_3 = arith.constant 0 : index
    %get3A_4 = vector.load %arg1[%get3A_2, %get3A_3] : memref<8008x128xf32, #tpu.memory_space<vmem>>, vector<8000x128xf32>
    %add3A = arith.addf %get3A_1, %get3A_4 : vector<8000x128xf32>
    %get3A_5 = arith.constant 0 : index
    %get3A_6 = arith.constant 0 : index
    %get3A_7 = vector.load %arg2[%get3A_5, %get3A_6] : memref<8008x128xf32, #tpu.memory_space<vmem>>, vector<8000x128xf32>
    %get3A_8 = arith.constant 0 : index
    %get3A_9 = arith.constant 0 : index
    %get3A_10 = vector.load %arg3[%get3A_8, %get3A_9] : memref<8008x128xf32, #tpu.memory_space<vmem>>, vector<8000x128xf32>
    %add3A_11 = arith.addf %get3A_7, %get3A_10 : vector<8000x128xf32>
    %slice3A = vector.extract_strided_slice %add3A_11 {offsets = [0, 72], sizes = [8000, 1], strides = [1, 1]} : vector<8000x128xf32> to vector<8000x1xf32>
    %gt3A = arith.constant 0.000000e+00 : f32
    %gt3A_12 = vector.broadcast %gt3A : f32 to vector<8000x1xf32>
    %gt3A_13 = arith.cmpf ogt, %slice3A, %gt3A_12 : vector<8000x1xf32>
    %max3A = arith.constant 1.000000e+00 : f32
    %max3A_14 = vector.broadcast %max3A : f32 to vector<8000x1xf32>
    %max3A_15 = arith.maximumf %slice3A, %max3A_14 : vector<8000x1xf32>
    %div3A = arith.constant 1.000000e+00 : f32
    %div3A_16 = vector.broadcast %div3A : f32 to vector<8000x1xf32>
    %div3A_17 = arith.divf %div3A_16, %max3A_15 : vector<8000x1xf32>
    %jit3A = arith.constant 0.000000e+00 : f32
    %broadcast_in_dim3A = vector.broadcast %jit3A : f32 to vector<8000x1xf32>
    %select_n3A = arith.select %gt3A_13, %div3A_17, %broadcast_in_dim3A : vector<8000x1xi1>, vector<8000x1xf32>
    %slice3A_18 = vector.extract_strided_slice %add3A_11 {offsets = [0, 0], sizes = [8000, 72], strides = [1, 1]} : vector<8000x128xf32> to vector<8000x72xf32>
    %concatenate3A = tpu.concatenate %add3A, %slice3A_18 in 1 : vector<8000x128xf32>, vector<8000x72xf32> -> vector<8000x200xf32>
    %mul3A = vector.broadcast %select_n3A : vector<8000x1xf32> to vector<8000x200xf32>
    %mul3A_19 = arith.mulf %concatenate3A, %mul3A : vector<8000x200xf32>
    %ge3A = arith.constant 0.000000e+00 : f32
    %ge3A_20 = vector.broadcast %ge3A : f32 to vector<8000x200xf32>
    %ge3A_21 = arith.cmpf oge, %mul3A_19, %ge3A_20 : vector<8000x200xf32>
    %mul3A_22 = arith.constant 0.229166672 : f32
    %mul3A_23 = vector.broadcast %mul3A_22 : f32 to vector<8000x200xf32>
    %mul3A_24 = arith.mulf %mul3A_19, %mul3A_23 : vector<8000x200xf32>
    %select_n3A_25 = arith.select %ge3A_21, %mul3A_19, %mul3A_24 : vector<8000x200xi1>, vector<8000x200xf32>
    %swap3A = arith.constant 0 : index
    %swap3A_26 = arith.constant 0 : index
    %swap3A_27 = vector.load %arg13[%swap3A, %swap3A_26] : memref<8000x200xf32, #tpu.memory_space<vmem>>, vector<8000x200xf32>
    tpu.vector_store %arg13[%swap3A, %swap3A_26], %select_n3A_25 {strides = array<i32>} : memref<8000x200xf32, #tpu.memory_space<vmem>>, vector<8000x200xf32>,
    %get3A_28 = arith.constant 0 : index
    %get3A_29 = arith.constant 0 : index
    %get3A_30 = vector.load %arg4[%get3A_28, %get3A_29] : memref<1024x1xi32, #tpu.memory_space<vmem>>, vector<1024x1xi32>
    %broadcast_in_dim3A_31 = arith.constant 0.000000e+00 : f32
    %broadcast_in_dim3A_32 = vector.broadcast %broadcast_in_dim3A_31 : f32 to vector<1024x200xf32>
    %iota3A = tpu.iota {dimensions = array<i32: 1>} : vector<1024x1000xi32>
    %add3A_33 = arith.constant 0 : i32
    %add3A_34 = vector.broadcast %add3A_33 : i32 to vector<1024x1000xi32>
    %add3A_35 = arith.addi %iota3A, %add3A_34 : vector<1024x1000xi32>
    %eq3A = vector.broadcast %get3A_30 : vector<1024x1xi32> to vector<1024x1000xi32>
    %eq3A_36 = arith.cmpi eq, %eq3A, %add3A_35 : vector<1024x1000xi32>
    %convert_element_type3A = arith.extui %eq3A_36 : vector<1024x1000xi1> to vector<1024x1000xi32>
    %convert_element_type3A_37 = arith.sitofp %convert_element_type3A : vector<1024x1000xi32> to vector<1024x1000xf32>
    %slice3A_38 = vector.extract_strided_slice %select_n3A_25 {offsets = [0, 0], sizes = [1000, 200], strides = [1, 1]} : vector<8000x200xf32> to vector<1000x200xf32>
    %dot_general3A = arith.constant dense<0.000000e+00> : vector<1024x200xf32>
    %dot_general3A_39 = tpu.matmul %convert_element_type3A_37, %slice3A_38, %dot_general3A {dimension_numbers = #tpu.dot_dimension_numbers<[1], [0], [0], [1], [0, 0, 1, 1], [], []>, transpose_lhs_hint = false} : vector<1024x1000xf32>, vector<1000x200xf32>, vector<1024x200xf32> -> vector<1024x200xf32>
    %add3A_40 = arith.addf %broadcast_in_dim3A_32, %dot_general3A_39 : vector<1024x200xf32>
    %iota3A_41 = tpu.iota {dimensions = array<i32: 1>} : vector<1024x1000xi32>
    %add3A_42 = arith.constant 1000 : i32
    %add3A_43 = vector.broadcast %add3A_42 : i32 to vector<1024x1000xi32>
    %add3A_44 = arith.addi %iota3A_41, %add3A_43 : vector<1024x1000xi32>
    %eq3A_45 = vector.broadcast %get3A_30 : vector<1024x1xi32> to vector<1024x1000xi32>
    %eq3A_46 = arith.cmpi eq, %eq3A_45, %add3A_44 : vector<1024x1000xi32>
    %convert_element_type3A_47 = arith.extui %eq3A_46 : vector<1024x1000xi1> to vector<1024x1000xi32>
    %convert_element_type3A_48 = arith.sitofp %convert_element_type3A_47 : vector<1024x1000xi32> to vector<1024x1000xf32>
    %slice3A_49 = vector.extract_strided_slice %select_n3A_25 {offsets = [1000, 0], sizes = [1000, 200], strides = [1, 1]} : vector<8000x200xf32> to vector<1000x200xf32>
    %dot_general3A_50 = arith.constant dense<0.000000e+00> : vector<1024x200xf32>
    %dot_general3A_51 = tpu.matmul %convert_element_type3A_48, %slice3A_49, %dot_general3A_50 {dimension_numbers = #tpu.dot_dimension_numbers<[1], [0], [0], [1], [0, 0, 1, 1], [], []>, transpose_lhs_hint = false} : vector<1024x1000xf32>, vector<1000x200xf32>, vector<1024x200xf32> -> vector<1024x200xf32>
    %add3A_52 = arith.addf %add3A_40, %dot_general3A_51 : vector<1024x200xf32>
    %iota3A_53 = tpu.iota {dimensions = array<i32: 1>} : vector<1024x1000xi32>
    %add3A_54 = arith.constant 2000 : i32
    %add3A_55 = vector.broadcast %add3A_54 : i32 to vector<1024x1000xi32>
    %add3A_56 = arith.addi %iota3A_53, %add3A_55 : vector<1024x1000xi32>
    %eq3A_57 = vector.broadcast %get3A_30 : vector<1024x1xi32> to vector<1024x1000xi32>
    %eq3A_58 = arith.cmpi eq, %eq3A_57, %add3A_56 : vector<1024x1000xi32>
    %convert_element_type3A_59 = arith.extui %eq3A_58 : vector<1024x1000xi1> to vector<1024x1000xi32>
    %convert_element_type3A_60 = arith.sitofp %convert_element_type3A_59 : vector<1024x1000xi32> to vector<1024x1000xf32>
    %slice3A_61 = vector.extract_strided_slice %select_n3A_25 {offsets = [2000, 0], sizes = [1000, 200], strides = [1, 1]} : vector<8000x200xf32> to vector<1000x200xf32>
    %dot_general3A_62 = arith.constant dense<0.000000e+00> : vector<1024x200xf32>
    %dot_general3A_63 = tpu.matmul %convert_element_type3A_60, %slice3A_61, %dot_general3A_62 {dimension_numbers = #tpu.dot_dimension_numbers<[1], [0], [0], [1], [0, 0, 1, 1], [], []>, transpose_lhs_hint = false} : vector<1024x1000xf32>, vector<1000x200xf32>, vector<1024x200xf32> -> vector<1024x200xf32>
    %add3A_64 = arith.addf %add3A_52, %dot_general3A_63 : vector<1024x200xf32>
    %iota3A_65 = tpu.iota {dimensions = array<i32: 1>} : vector<1024x1000xi32>
    %add3A_66 = arith.constant 3000 : i32
    %add3A_67 = vector.broadcast %add3A_66 : i32 to vector<1024x1000xi32>
    %add3A_68 = arith.addi %iota3A_65, %add3A_67 : vector<1024x1000xi32>
    %eq3A_69 = vector.broadcast %get3A_30 : vector<1024x1xi32> to vector<1024x1000xi32>
    %eq3A_70 = arith.cmpi eq, %eq3A_69, %add3A_68 : vector<1024x1000xi32>
    %convert_element_type3A_71 = arith.extui %eq3A_70 : vector<1024x1000xi1> to vector<1024x1000xi32>
    %convert_element_type3A_72 = arith.sitofp %convert_element_type3A_71 : vector<1024x1000xi32> to vector<1024x1000xf32>
    %slice3A_73 = vector.extract_strided_slice %select_n3A_25 {offsets = [3000, 0], sizes = [1000, 200], strides = [1, 1]} : vector<8000x200xf32> to vector<1000x200xf32>
    %dot_general3A_74 = arith.constant dense<0.000000e+00> : vector<1024x200xf32>
    %dot_general3A_75 = tpu.matmul %convert_element_type3A_72, %slice3A_73, %dot_general3A_74 {dimension_numbers = #tpu.dot_dimension_numbers<[1], [0], [0], [1], [0, 0, 1, 1], [], []>, transpose_lhs_hint = false} : vector<1024x1000xf32>, vector<1000x200xf32>, vector<1024x200xf32> -> vector<1024x200xf32>
    %add3A_76 = arith.addf %add3A_64, %dot_general3A_75 : vector<1024x200xf32>
    %iota3A_77 = tpu.iota {dimensions = array<i32: 1>} : vector<1024x1000xi32>
    %add3A_78 = arith.constant 4000 : i32
    %add3A_79 = vector.broadcast %add3A_78 : i32 to vector<1024x1000xi32>
    %add3A_80 = arith.addi %iota3A_77, %add3A_79 : vector<1024x1000xi32>
    %eq3A_81 = vector.broadcast %get3A_30 : vector<1024x1xi32> to vector<1024x1000xi32>
    %eq3A_82 = arith.cmpi eq, %eq3A_81, %add3A_80 : vector<1024x1000xi32>
    %convert_element_type3A_83 = arith.extui %eq3A_82 : vector<1024x1000xi1> to vector<1024x1000xi32>
    %convert_element_type3A_84 = arith.sitofp %convert_element_type3A_83 : vector<1024x1000xi32> to vector<1024x1000xf32>
    %slice3A_85 = vector.extract_strided_slice %select_n3A_25 {offsets = [4000, 0], sizes = [1000, 200], strides = [1, 1]} : vector<8000x200xf32> to vector<1000x200xf32>
    %dot_general3A_86 = arith.constant dense<0.000000e+00> : vector<1024x200xf32>
    %dot_general3A_87 = tpu.matmul %convert_element_type3A_84, %slice3A_85, %dot_general3A_86 {dimension_numbers = #tpu.dot_dimension_numbers<[1], [0], [0], [1], [0, 0, 1, 1], [], []>, transpose_lhs_hint = false} : vector<1024x1000xf32>, vector<1000x200xf32>, vector<1024x200xf32> -> vector<1024x200xf32>
    %add3A_88 = arith.addf %add3A_76, %dot_general3A_87 : vector<1024x200xf32>
    %iota3A_89 = tpu.iota {dimensions = array<i32: 1>} : vector<1024x1000xi32>
    %add3A_90 = arith.constant 5000 : i32
    %add3A_91 = vector.broadcast %add3A_90 : i32 to vector<1024x1000xi32>
    %add3A_92 = arith.addi %iota3A_89, %add3A_91 : vector<1024x1000xi32>
    %eq3A_93 = vector.broadcast %get3A_30 : vector<1024x1xi32> to vector<1024x1000xi32>
    %eq3A_94 = arith.cmpi eq, %eq3A_93, %add3A_92 : vector<1024x1000xi32>
    %convert_element_type3A_95 = arith.extui %eq3A_94 : vector<1024x1000xi1> to vector<1024x1000xi32>
    %convert_element_type3A_96 = arith.sitofp %convert_element_type3A_95 : vector<1024x1000xi32> to vector<1024x1000xf32>
    %slice3A_97 = vector.extract_strided_slice %select_n3A_25 {offsets = [5000, 0], sizes = [1000, 200], strides = [1, 1]} : vector<8000x200xf32> to vector<1000x200xf32>
    %dot_general3A_98 = arith.constant dense<0.000000e+00> : vector<1024x200xf32>
    %dot_general3A_99 = tpu.matmul %convert_element_type3A_96, %slice3A_97, %dot_general3A_98 {dimension_numbers = #tpu.dot_dimension_numbers<[1], [0], [0], [1], [0, 0, 1, 1], [], []>, transpose_lhs_hint = false} : vector<1024x1000xf32>, vector<1000x200xf32>, vector<1024x200xf32> -> vector<1024x200xf32>
    %add3A_100 = arith.addf %add3A_88, %dot_general3A_99 : vector<1024x200xf32>
    %iota3A_101 = tpu.iota {dimensions = array<i32: 1>} : vector<1024x1000xi32>
    %add3A_102 = arith.constant 6000 : i32
    %add3A_103 = vector.broadcast %add3A_102 : i32 to vector<1024x1000xi32>
    %add3A_104 = arith.addi %iota3A_101, %add3A_103 : vector<1024x1000xi32>
    %eq3A_105 = vector.broadcast %get3A_30 : vector<1024x1xi32> to vector<1024x1000xi32>
    %eq3A_106 = arith.cmpi eq, %eq3A_105, %add3A_104 : vector<1024x1000xi32>
    %convert_element_type3A_107 = arith.extui %eq3A_106 : vector<1024x1000xi1> to vector<1024x1000xi32>
    %convert_element_type3A_108 = arith.sitofp %convert_element_type3A_107 : vector<1024x1000xi32> to vector<1024x1000xf32>
    %slice3A_109 = vector.extract_strided_slice %select_n3A_25 {offsets = [6000, 0], sizes = [1000, 200], strides = [1, 1]} : vector<8000x200xf32> to vector<1000x200xf32>
    %dot_general3A_110 = arith.constant dense<0.000000e+00> : vector<1024x200xf32>
    %dot_general3A_111 = tpu.matmul %convert_element_type3A_108, %slice3A_109, %dot_general3A_110 {dimension_numbers = #tpu.dot_dimension_numbers<[1], [0], [0], [1], [0, 0, 1, 1], [], []>, transpose_lhs_hint = false} : vector<1024x1000xf32>, vector<1000x200xf32>, vector<1024x200xf32> -> vector<1024x200xf32>
    %add3A_112 = arith.addf %add3A_100, %dot_general3A_111 : vector<1024x200xf32>
    %iota3A_113 = tpu.iota {dimensions = array<i32: 1>} : vector<1024x1000xi32>
    %add3A_114 = arith.constant 7000 : i32
    %add3A_115 = vector.broadcast %add3A_114 : i32 to vector<1024x1000xi32>
    %add3A_116 = arith.addi %iota3A_113, %add3A_115 : vector<1024x1000xi32>
    %eq3A_117 = vector.broadcast %get3A_30 : vector<1024x1xi32> to vector<1024x1000xi32>
    %eq3A_118 = arith.cmpi eq, %eq3A_117, %add3A_116 : vector<1024x1000xi32>
    %convert_element_type3A_119 = arith.extui %eq3A_118 : vector<1024x1000xi1> to vector<1024x1000xi32>
    %convert_element_type3A_120 = arith.sitofp %convert_element_type3A_119 : vector<1024x1000xi32> to vector<1024x1000xf32>
    %slice3A_121 = vector.extract_strided_slice %select_n3A_25 {offsets = [7000, 0], sizes = [1000, 200], strides = [1, 1]} : vector<8000x200xf32> to vector<1000x200xf32>
    %dot_general3A_122 = arith.constant dense<0.000000e+00> : vector<1024x200xf32>
    %dot_general3A_123 = tpu.matmul %convert_element_type3A_120, %slice3A_121, %dot_general3A_122 {dimension_numbers = #tpu.dot_dimension_numbers<[1], [0], [0], [1], [0, 0, 1, 1], [], []>, transpose_lhs_hint = false} : vector<1024x1000xf32>, vector<1000x200xf32>, vector<1024x200xf32> -> vector<1024x200xf32>
    %add3A_124 = arith.addf %add3A_112, %dot_general3A_123 : vector<1024x200xf32>
    %tanh3A = math.tanh %add3A_124 : vector<1024x200xf32>
    %get3A_125 = arith.constant 0 : index
    %get3A_126 = arith.constant 0 : index
    %get3A_127 = vector.load %arg5[%get3A_125, %get3A_126] : memref<1024x1xi32, #tpu.memory_space<vmem>>, vector<1024x1xi32>
    %iota3A_128 = tpu.iota {dimensions = array<i32: 1>} : vector<1024x230xi32>
    %eq3A_129 = vector.broadcast %get3A_127 : vector<1024x1xi32> to vector<1024x230xi32>
    %eq3A_130 = arith.cmpi eq, %eq3A_129, %iota3A_128 : vector<1024x230xi32>
    %convert_element_type3A_131 = arith.extui %eq3A_130 : vector<1024x230xi1> to vector<1024x230xi32>
    %convert_element_type3A_132 = arith.sitofp %convert_element_type3A_131 : vector<1024x230xi32> to vector<1024x230xf32>
    %get3A_133 = arith.constant 0 : index
    %get3A_134 = arith.constant 0 : index
    %get3A_135 = vector.load %arg7[%get3A_133, %get3A_134] : memref<230x200xf32, #tpu.memory_space<vmem>>, vector<230x200xf32>
    %dot_general3A_136 = arith.constant dense<0.000000e+00> : vector<1024x200xf32>
    %dot_general3A_137 = tpu.matmul %convert_element_type3A_132, %get3A_135, %dot_general3A_136 {dimension_numbers = #tpu.dot_dimension_numbers<[1], [0], [0], [1], [0, 0, 1, 1], [], []>, transpose_lhs_hint = false} : vector<1024x230xf32>, vector<230x200xf32>, vector<1024x200xf32> -> vector<1024x200xf32>
    %get3A_138 = arith.constant 0 : index
    %get3A_139 = arith.constant 0 : index
    %get3A_140 = vector.load %arg6[%get3A_138, %get3A_139] : memref<1024x1xi32, #tpu.memory_space<vmem>>, vector<1024x1xi32>
    %jit3A_141 = arith.constant 24 : i32
    %div3A_142 = vector.broadcast %jit3A_141 : i32 to vector<1024x1xi32>
    %div3A_143 = arith.divsi %get3A_140, %div3A_142 : vector<1024x1xi32>
    %sign3A = arith.constant 0 : i32
    %sign3A_144 = vector.broadcast %sign3A : i32 to vector<1024x1xi32>
    %sign3A_145 = arith.cmpi sgt, %get3A_140, %sign3A_144 : vector<1024x1xi32>
    %sign3A_146 = arith.extui %sign3A_145 : vector<1024x1xi1> to vector<1024x1xi32>
    %sign3A_147 = arith.constant 0 : i32
    %sign3A_148 = vector.broadcast %sign3A_147 : i32 to vector<1024x1xi32>
    %sign3A_149 = arith.cmpi slt, %get3A_140, %sign3A_148 : vector<1024x1xi32>
    %sign3A_150 = arith.extui %sign3A_149 : vector<1024x1xi1> to vector<1024x1xi32>
    %sign3A_151 = arith.subi %sign3A_146, %sign3A_150 : vector<1024x1xi32>
    %sign3A_152 = arith.constant 0 : i32
    %sign3A_153 = arith.cmpi sgt, %jit3A_141, %sign3A_152 : i32
    %sign3A_154 = arith.extui %sign3A_153 : i1 to i32
    %sign3A_155 = arith.constant 0 : i32
    %sign3A_156 = arith.cmpi slt, %jit3A_141, %sign3A_155 : i32
    %sign3A_157 = arith.extui %sign3A_156 : i1 to i32
    %sign3A_158 = arith.subi %sign3A_154, %sign3A_157 : i32
    %ne3A = vector.broadcast %sign3A_158 : i32 to vector<1024x1xi32>
    %ne3A_159 = arith.cmpi ne, %sign3A_151, %ne3A : vector<1024x1xi32>
    %rem3A = vector.broadcast %jit3A_141 : i32 to vector<1024x1xi32>
    %rem3A_160 = arith.remsi %get3A_140, %rem3A : vector<1024x1xi32>
    %ne3A_161 = arith.constant 0 : i32
    %ne3A_162 = vector.broadcast %ne3A_161 : i32 to vector<1024x1xi32>
    %ne3A_163 = arith.cmpi ne, %rem3A_160, %ne3A_162 : vector<1024x1xi32>
    %and3A = arith.andi %ne3A_159, %ne3A_163 : vector<1024x1xi1>
    %sub3A = arith.constant 1 : i32
    %sub3A_164 = vector.broadcast %sub3A : i32 to vector<1024x1xi32>
    %sub3A_165 = arith.subi %div3A_143, %sub3A_164 : vector<1024x1xi32>
    %select_n3A_166 = arith.select %and3A, %sub3A_165, %div3A_143 : vector<1024x1xi1>, vector<1024x1xi32>
    %iota3A_167 = tpu.iota {dimensions = array<i32: 1>} : vector<1024x365xi32>
    %eq3A_168 = vector.broadcast %select_n3A_166 : vector<1024x1xi32> to vector<1024x365xi32>
    %eq3A_169 = arith.cmpi eq, %eq3A_168, %iota3A_167 : vector<1024x365xi32>
    %convert_element_type3A_170 = arith.extui %eq3A_169 : vector<1024x365xi1> to vector<1024x365xi32>
    %convert_element_type3A_171 = arith.sitofp %convert_element_type3A_170 : vector<1024x365xi32> to vector<1024x365xf32>
    %get3A_172 = arith.constant 0 : index
    %get3A_173 = arith.constant 0 : index
    %get3A_174 = vector.load %arg12[%get3A_172, %get3A_173] : memref<365x1xf32, #tpu.memory_space<vmem>>, vector<365x1xf32>
    %dot_general3A_175 = arith.constant dense<0.000000e+00> : vector<1024x1xf32>
    %dot_general3A_176 = tpu.matmul %convert_element_type3A_171, %get3A_174, %dot_general3A_175 {dimension_numbers = #tpu.dot_dimension_numbers<[1], [0], [0], [1], [0, 0, 1, 1], [], []>, transpose_lhs_hint = false} : vector<1024x365xf32>, vector<365x1xf32>, vector<1024x1xf32> -> vector<1024x1xf32>
    %get3A_177 = arith.constant 0 : index
    %get3A_178 = arith.constant 0 : index
    %get3A_179 = vector.load %arg8[%get3A_177, %get3A_178] : memref<200x200xf32, #tpu.memory_space<vmem>>, vector<200x200xf32>
    %dot_general3A_180 = arith.constant dense<0.000000e+00> : vector<1024x200xf32>
    %dot_general3A_181 = tpu.matmul %tanh3A, %get3A_179, %dot_general3A_180 {dimension_numbers = #tpu.dot_dimension_numbers<[1], [0], [0], [1], [0, 0, 1, 1], [], []>, transpose_lhs_hint = false} : vector<1024x200xf32>, vector<200x200xf32>, vector<1024x200xf32> -> vector<1024x200xf32>
    %get3A_182 = arith.constant 0 : index
    %get3A_183 = arith.constant 0 : index
    %get3A_184 = vector.load %arg9[%get3A_182, %get3A_183] : memref<200x200xf32, #tpu.memory_space<vmem>>, vector<200x200xf32>
    %dot_general3A_185 = arith.constant dense<0.000000e+00> : vector<1024x200xf32>
    %dot_general3A_186 = tpu.matmul %dot_general3A_137, %get3A_184, %dot_general3A_185 {dimension_numbers = #tpu.dot_dimension_numbers<[1], [0], [0], [1], [0, 0, 1, 1], [], []>, transpose_lhs_hint = false} : vector<1024x200xf32>, vector<200x200xf32>, vector<1024x200xf32> -> vector<1024x200xf32>
    %add3A_187 = arith.addf %dot_general3A_181, %dot_general3A_186 : vector<1024x200xf32>
    %get3A_188 = arith.constant 0 : index
    %get3A_189 = arith.constant 0 : index
    %get3A_190 = vector.load %arg10[%get3A_188, %get3A_189] : memref<1x200xf32, #tpu.memory_space<vmem>>, vector<1x200xf32>
    %mul3A_191 = vector.broadcast %dot_general3A_176 : vector<1024x1xf32> to vector<1024x200xf32>
    %mul3A_192 = vector.broadcast %get3A_190 : vector<1x200xf32> to vector<1024x200xf32>
    %mul3A_193 = arith.mulf %mul3A_191, %mul3A_192 : vector<1024x200xf32>
    %add3A_194 = arith.addf %add3A_187, %mul3A_193 : vector<1024x200xf32>
    %get3A_195 = arith.constant 0 : index
    %get3A_196 = arith.constant 0 : index
    %get3A_197 = vector.load %arg11[%get3A_195, %get3A_196] : memref<1x200xf32, #tpu.memory_space<vmem>>, vector<1x200xf32>
    %add3A_198 = vector.broadcast %get3A_197 : vector<1x200xf32> to vector<1024x200xf32>
    %add3A_199 = arith.addf %add3A_194, %add3A_198 : vector<1024x200xf32>
    %max3A_200 = arith.constant 0.000000e+00 : f32
    %max3A_201 = vector.broadcast %max3A_200 : f32 to vector<1024x200xf32>
    %max3A_202 = arith.maximumf %add3A_199, %max3A_201 : vector<1024x200xf32>
    %swap3A_203 = arith.constant 0 : index
    %swap3A_204 = arith.constant 0 : index
    %swap3A_205 = vector.load %arg14[%swap3A_203, %swap3A_204] : memref<1024x200xf32, #tpu.memory_space<vmem>>, vector<1024x200xf32>
    tpu.vector_store %arg14[%swap3A_203, %swap3A_204], %max3A_202 {strides = array<i32>} : memref<1024x200xf32, #tpu.memory_space<vmem>>, vector<1024x200xf32>,
    return
  }
}

</mosaic_0001>

<sc_bundles>
// kernel: kernel.12.cloned.1.call-start
scs
__scs_entry_jumppad:
0x0: {  	(pc) =	sbr.rel $0x88, $3  }
0x1: {  	(tag) =	ssettag $0x0;
	lr =	simm.s32 $0x1  }
0x2: {  	[smem:$0x3F97] =	sst lr;
	_ =	strace $0xD0000000  }
0x3: {  	_ = 	snop  }
0x4: {  	_ = 	snop  }
0x5: {  	_ = 	snop  }
0x6: {  	_ = 	snop  }
0x7: {  	_ = 	snop  }
__scs_overlays_trampoline_lowered:
0x8: {  	[smem:$0x3FA6] =	sst s0  }
0x9: {  	[smem:$0x3FA7] =	sst s1  }
0xa: {  	[smem:$0x3FA8] =	sst s2  }
0xb: {  	[smem:$0x3FA9] =	sst s3  }
0xc: {  	[smem:$0x3FAA] =	sst s4  }
0xd: {  	[smem:$0x3FAB] =	sst s5  }
0xe: {  	[smem:$0x3FAC] =	sst s6  }
0xf: {  	[smem:$0x3FAD] =	sst s7  }
0x10: {  	[smem:$0x3FAE] =	sst s8  }
0x11: {  	[smem:$0x3FAF] =	sst s9;
	s0 =	simm.s32 @!p0 $0x0  }
0x12: {  	s1 =	sld [smem:$0x3F95];
	s0 =	simm.s32 @p0 $0x1  }
0x13: {  	[smem:$0x3FB0] =	sst s0;
	s0 =	simm.s32 @!p1 $0x0  }
0x14: {  	s2 =	sld [smem:$0x3F94];
	s0 =	simm.s32 @p1 $0x1  }
0x15: {  	[smem:$0x3FB1] =	sst s0;
	s0 =	simm.s32 @!p2 $0x0  }
0x16: {  	s3 =	sld [smem:$0x3FDB];
	s0 =	simm.s32 @p2 $0x1  }
0x17: {  	s4 =	simm.s32 $0x1BF5;
	[smem:$0x3FB3] =	sst s0  }
0x18: {  	s0 =	sld [smem:$0x3F96];
	_ =	swait.ge [sflag:s4], $0x0  }
0x19: {  	s7 =	sld [smem:$0x3F97]  }
0x1a: {  	s8 =	sadd.s32 $0xFFFFE003, lr  }
0x1b: {  	s9 =	sadd.s32 $0xFFFFFEF7, lr;
	s5 =	simm.s32 $0xFFFFFFFF;
	p2 =	slt.u32 s8, $0xFFFFF086  }
0x1c: {  	p1 =	slt.u32 s9, $0xF7A;
	s5 =	simm.s32 @!p2 $0x0  }
0x1d: {  	s5 =	simm.s32 @p1 $0x1;
	p0 =	seq.s32 s7, s2  }
0x1e: {  	s7 =	smul.u32 @!p0 $0xF7A, s2;
	p2 =	seq.s32 @!p0 s5, $0x0  }
0x1f: {  	s9 =	smul.u32 $0xF7A, s1;
	s8 =	simm.s32 @!p0 $0x1BF5;
	p2 =	por !p2, p0  }
0x20: {  	[sflag:s8] =	ssyncset.s32 @!p0 $0xFFFFF086;
	s6 =	sadd.s32 @!p0 s3, s7;
	s7 =	simm.s32 @!p0 $0x108  }
0x21: {  	s3 =	sadd.s32 s3, s9;
	s6 =	sadd.s32 @!p0 $0x88, s6;
	s7 =	simm.s32 @p2 $0x1082  }
0x22: {  	[simem:s7], [sflag:s8] =	dma.local @!p0 [hbm:s6], $0xF7A  }
0x23: {  	s9 =	sor.u32 $0xD0000000, s2;
	s6 =	simm.s32 $0x108;
	_ =	swait.ge @!p0 [sflag:s8], $0x0  }
0x24: {  	s3 =	sadd.s32 $0x88, s3;
	s6 =	simm.s32 @!p1 $0x1082;
	[sflag:s4] =	ssyncset.s32 $0xFFFFF086  }
0x25: {  	[simem:s6], [sflag:s4] =	dma.local [hbm:s3], $0xF7A  }
0x26: {  	[smem:$0x3F97] =	sst s1;
	(tag) =	ssettag s2;
	_ =	strace s9  }
0x27: {  	s1 =	sld [smem:$0x3FA7]  }
0x28: {  	s2 =	sld [smem:$0x3FA8]  }
0x29: {  	s4 =	sld [smem:$0x3FAA]  }
0x2a: {  	p0 =	seq.s32 s5, $0x0;
	s5 =	sld [smem:$0x3FAB]  }
0x2b: {  	s6 =	sld [smem:$0x3FAC]  }
0x2c: {  	s7 =	sld [smem:$0x3FAD]  }
0x2d: {  	s3 =	simm.s32 $0x108;
	s8 =	sld [smem:$0x3FAE]  }
0x2e: {  	s3 =	simm.s32 @!p0 $0x1082;
	s9 =	sld [smem:$0x3FAF]  }
0x2f: {  	lr =	sadd.s32 s0, s3;
	s0 =	sld [smem:$0x3FA6]  }
0x30: {  	s3 =	sld [smem:$0x3FA9]  }
0x31: {  	[smem:$0x3FB2] =	sst s10  }
0x32: {  	s10 =	sld [smem:$0x3FB0];
	_ =	sdelay $0x3  }
0x33: {  	p0 =	seq.s32 s10, $0x1;
	s10 =	sld [smem:$0x3FB2];
	_ =	sdelay $0x3  }
0x34: {  	[smem:$0x3FB2] =	sst s10  }
0x35: {  	s10 =	sld [smem:$0x3FB1];
	_ =	sdelay $0x3  }
0x36: {  	p1 =	seq.s32 s10, $0x1;
	s10 =	sld [smem:$0x3FB2];
	_ =	sdelay $0x3  }
0x37: {  	[smem:$0x3FB2] =	sst s10  }
0x38: {  	s10 =	sld [smem:$0x3FB3]  }
0x39: {  	_ = 	snop;
	(pc) =	sbr.ind lr, $3  }
0x3a: {  	_ = 	snop  }
0x3b: {  	_ = 	snop  }
0x3c: {  	p2 =	seq.s32 s10, $0x1;
	s10 =	sld [smem:$0x3FB2]  }
0x3d: {  	_ =	shalt  }
0x3e: {  	_ =	shalt  }
0x3f: {  	_ =	shalt  }
0x40: {  	_ =	shalt  }
0x41: {  	_ =	shalt  }
0x42: {  	_ =	shalt  }
0x43: {  	_ =	shalt  }
0x44: {  	_ =	shalt  }
0x45: {  	_ =	shalt  }
0x46: {  	_ =	shalt  }
0x47: {  	_ =	shalt  }
0x48: {  	_ =	shalt  }
0x49: {  	_ =	shalt  }
0x4a: {  	_ =	shalt  }
0x4b: {  	_ =	shalt  }
0x4c: {  	_ =	shalt  }
0x4d: {  	_ =	shalt  }
0x4e: {  	_ =	shalt  }
0x4f: {  	_ =	shalt  }
0x50: {  	_ =	shalt  }
0x51: {  	_ =	shalt  }
0x52: {  	_ =	shalt  }
0x53: {  	_ =	shalt  }
0x54: {  	_ =	shalt  }
0x55: {  	_ =	shalt  }
0x56: {  	_ =	shalt  }
0x57: {  	_ =	shalt  }
0x58: {  	_ =	shalt  }
0x59: {  	_ =	shalt  }
0x5a: {  	_ =	shalt  }
0x5b: {  	_ =	shalt  }
0x5c: {  	_ =	shalt  }
0x5d: {  	_ =	shalt  }
0x5e: {  	_ =	shalt  }
0x5f: {  	_ =	shalt  }
0x60: {  	_ =	shalt  }
0x61: {  	_ =	shalt  }
0x62: {  	_ =	shalt  }
0x63: {  	_ =	shalt  }
0x64: {  	_ =	shalt  }
0x65: {  	_ =	shalt  }
0x66: {  	_ =	shalt  }
0x67: {  	_ =	shalt  }
0x68: {  	_ =	shalt  }
0x69: {  	_ =	shalt  }
0x6a: {  	_ =	shalt  }
0x6b: {  	_ =	shalt  }
0x6c: {  	_ =	shalt  }
0x6d: {  	_ =	shalt  }
0x6e: {  	_ =	shalt  }
0x6f: {  	_ =	shalt  }
0x70: {  	_ =	shalt  }
0x71: {  	_ =	shalt  }
0x72: {  	_ =	shalt  }
0x73: {  	_ =	shalt  }
0x74: {  	_ =	shalt  }
0x75: {  	_ =	shalt  }
0x76: {  	_ =	shalt  }
0x77: {  	_ =	shalt  }
0x78: {  	_ =	shalt  }
0x79: {  	_ =	shalt  }
0x7a: {  	_ =	shalt  }
0x7b: {  	_ =	shalt  }
0x7c: {  	_ =	shalt  }
0x7d: {  	_ =	shalt  }
0x7e: {  	_ =	shalt  }
0x7f: {  	_ =	shalt  }
0x80: {  	_ =	shalt  }
0x81: {  	_ =	shalt  }
0x82: {  	_ =	shalt  }
0x83: {  	_ =	shalt  }
0x84: {  	_ =	shalt  }
0x85: {  	_ =	shalt  }
0x86: {  	_ =	shalt  }
0x87: {  	_ =	shalt  }
.Lfunc_end0:
.L_simem_size_0:
called_computation.1_lowered:
.L_overlay_start_0:
0x88: {  	s2 =	sld [smem:$0x3FD9]  }
0x89: {  	s3 =	sld [smem:$0x3FFE];
	_ =	sdelay $0x1  }
0x8a: {  	s1 =	srdreg.scid  }
0x8b: {  	s0 =	sand.u32 $0x1, s1  }
0x8c: {  	s16 =	sshll.u32 s0, $0xA;
	s2 =	sadd.s32 s3, s2  }
0x8d: {  	s2 =	sadd.s32 s2, s16  }
0x8e: {  	[smem:$0x3FBE] =	sst s2  }
0x8f: {  	_ = 	snop  }
0x90: {  	(tm) =	ssettm $0x1  }
0x91: {  	s17 =	sld [smem:$0x3FFB];
	_ =	sdelay $0x3  }
0x92: {  	_ =	strace s17  }
0x93: {  	s2 =	sld [smem:$0x3FFC];
	_ =	sdelay $0x3  }
0x94: {  	_ =	strace s2  }
0x95: {  	s2 =	sld [smem:$0x3FFD];
	_ =	sdelay $0x3  }
0x96: {  	_ =	strace s2  }
0x97: {  	_ =	strace $0x8FFFFFFF  }
0x98: {  	s18 =	sld [smem:$0x3FDB];
	_ =	sdelay $0x1  }
0x99: {  	s19 =	simm.s32 $_scs_section_size  }
0x9a: {  	s4 =	simm.s32 $_size__tile_overlayer_lowered;
	s5 =	simm.s32 $_tile_overlayer_lowered  }
0x9b: {  	s22 =	simm.s32 $0x1BFF;
	s21 =	sshll.u32 s5, $0x1;
	s2 =	sadd.s32 s19, s18  }
0x9c: {  	s6 =	simm.s32 $0x0;
	s20 =	sshll.u32 s4, $0x1;
	s4 =	sadd.s32 s21, s2  }
0x9d: {  	[timem:s6], [sflag:s22] =	dma.local [hbm:s4], s20  }
0x9e: {  	_ =	swait.ge [sflag:s22], s20  }
0x9f: {  	s3 =	ssub.s32 $0x0, s20;
	[sflag:s22] =	ssyncset.done $0x0  }
0xa0: {  	[sflag:s22] =	ssyncadd.s32 s3;
	_ =	sdelay $0x1  }
0xa1: {  	s23 =	simm.s32 $0x1B8B  }
0xa2: {  	_ =	swait.ge [sflag:s23], $0x1  }
0xa3: {  	[sflag:s23] =	ssyncset.done $0x0  }
0xa4: {  	s25 =	simm.s32 $0x1B8E;
	s24 =	sld [smem:$0x3FFE];
	[sflag:s23] =	ssyncadd.s32 $0xFFFFFFFF  }
0xa5: {  	s26 =	simm.s32 $execute0_lowered;
	[smem:$0x3FD2] =	sst s25  }
0xa6: {  	s4 =	sshll.u32 s26, $0x1;
	_ =	strace $0x80000046;
	[dreg:$0x1] =	wrdreg $0xFFFFFFFF  }
0xa7: {  	s28 =	simm.s32 $_size_execute0_lowered;
	s2 =	sadd.s32 s2, s4;
	[dreg:$0x0] =	wrdreg $0x0  }
0xa8: {  	s4 =	sshll.u32 s28, $0x1;
	[dreg:$0x2] =	wrdreg s2  }
0xa9: {  	[dreg:$0x3] =	wrdreg s4  }
0xaa: {  	[dreg:$0x4] =	wrdreg $0xC0  }
0xab: {  	_ =	task [dreg:s6], $0x5FFFF  }
0xac: {  	[dreg:$0x1] =	wrdreg $0xFFFFFFFF  }
0xad: {  	[dreg:$0x0] =	wrdreg $0x60  }
0xae: {  	[dreg:$0x2] =	wrdreg s24  }
0xaf: {  	[dreg:$0x3] =	wrdreg $0xD0000  }
0xb0: {  	[dreg:$0x4] =	wrdreg $0xA  }
0xb1: {  	_ =	task.clear_ibuf [dreg:s6], $0x5FFFF;
	_ =	strace $0x90000046  }
0xb2: {  	s29 =	simm.s32 $0xA;
	_ =	strace $0x80000048  }
0xb3: {  	_ =	swait.ge [sflag:s29], $0x1  }
0xb4: {  	[sflag:s29] =	ssyncadd.s32 $0xFFFFFFFF  }
0xb5: {  	_ =	strace $0x90000048  }
0xb6: {  	_ =	sfence  }
0xb7: {  	s30 =	sld [smem:$0x0];
	_ =	sdelay $0x2  }
0xb8: {  	s31 =	sshll.u32 s1, $0xD;
	s1 =	sshrl.u32 s1, $0x2  }
0xb9: {  	s3 =	sand.u32 $0x4000, s31;
	s1 =	sadd.s32 s1, s30  }
0xba: {  	s0 =	sor.u32 s3, s0;
	s1 =	sshll.u32 s1, $0x11  }
0xbb: {  	s0 =	sor.u32 s1, s0  }
0xbc: {  	s0 =	sadd.s32 $0x8F2B, s0  }
0xbd: {  	[sflag:s0] =	ssyncadd.remote.s32 $0x1  }
0xbe: {  	_ =	sfence.sel $0xFFFF  }
0xbf: {  	[dreg:$0x0] =	wrdreg $0xFFFFFFFF;
	(pc) =	sbr.abs _section_cstart, $3  }
0xc0: {  	[dreg:$0x1] =	wrdreg $0xFFFFFFFF  }
0xc1: {  	_ =	task.clear_ibuf [dreg:s6], $0x2FFFF;
	_ =	strace $0x9FFFFFFF  }
0xc2: {  	(tm) =	ssettm $0x7FFFFFFF  }
0xc3: {  	_ =	shalt  }
tec
execute0_lowered:
.L_overlay_start_1:
0x0: {  	(tag) =	ssettag $0x1  }
0x1: {  	s0 =	rddreg [dreg:$0x0]  }
0x2: {  	s1 =	rddreg [dreg:$0x1]  }
0x3: {  	s2 =	simm.s32 $0x0;
	s5 =	srdreg.scid;
	s12 =	stileid.u32  }
0x4: {  	s19 =	simm.s32 $0x100;
	s20 =	simm.s32 $0x880;
	s28 =	simm.s32 $0x3  }
0x5: {  	s29 =	simm.s32 $0x5;
	s31 =	simm.s32 $0x300;
	[smem:$0x7FF] =	sst s2  }
0x6: {  	s30 =	simm.s32 $0x6;
	s3 =	sadd.s32 $0x274A00, s0;
	s4 =	sadd.s32 $0x284400, s0  }
0x7: {  	s21 =	sand.u32 $0x1, s5;
	s22 =	sadd.s32 $0x293E00, s0;
	s13 =	sadd.s32 $0x296200, s0  }
0x8: {  	s14 =	sadd.s32 $0x2B5800, s0;
	s7 =	smin.u32 s12, $0xD;
	s8 =	smax.u32 s12, $0xD  }
0x9: {  	p0 =	slt.u32 s12, $0xD;
	_ =	strace $0x80000047;
	[dreg:$0x3] =	wrdreg s3  }
0xa: {  	s9 =	smul.u32 $0x3E000, s12;
	p3 =	sne.s32 s12, $0xF;
	[dreg:$0x4] =	wrdreg s4  }
0xb: {  	s11 =	smul.u32 $0x1F00, s12;
	s3 =	sadd.s32 $0x3A00, s0;
	[dreg:$0xd] =	wrdreg s22  }
0xc: {  	s23 =	ssub.s32 $0x2, s21;
	s6 =	smul.u32 $0x7D, s21;
	[dreg:$0xe] =	wrdreg s13  }
0xd: {  	s25 =	sshll.u32 s7, $0x3;
	s26 =	smul.u32 $0x7, s8;
	[dreg:$0xf] =	wrdreg s14  }
0xe: {  	s8 =	simm.s32 $0x8;
	p4 =	seq.s32 s21, $0x0;
	[dreg:$0x5] =	wrdreg s19  }
0xf: {  	p2 =	seq.s32 s21, $0x1;
	s19 =	simm.s32 $0x800;
	[dreg:$0x6] =	wrdreg s20  }
0x10: {  	s21 =	simm.s32 $0x180;
	s20 =	simm.s32 $0x80;
	s22 =	simm.s32 $0x900  }
0x11: {  	s7 =	simm.s32 $0xB00;
	s24 =	sshrl.u32 s23, $0x1;
	s8 =	simm.s32 @!p0 $0x7  }
0x12: {  	p0 =	seq.s32 s12, $0xF;
	s9 =	sshrl.u32 s9, $0x2;
	p1 =	por !p4, !p3  }
0x13: {  	s15 =	sadd.s32 s13, s11;
	p5 =	por !p3, !p2;
	[dreg:$0x7] =	wrdreg s21  }
0x14: {  	s17 =	sadd.s32 s14, s11;
	s21 =	simm.s32 $0x1000;
	[dreg:$0x8] =	wrdreg s22  }
0x15: {  	s22 =	simm.s32 $0x5000;
	s11 =	simm.s32 $0xB80;
	s13 =	simm.s32 $0xC00  }
0x16: {  	s0 =	ssub.s32 s23, s24;
	[dreg:$0x10] =	wrdreg s8;
	s8 =	sadd.s32 $0xE8800, s1  }
0x17: {  	s10 =	sadd.s32 s9, s1;
	p1 =	por !p1, !p1;
	[dreg:$0x12] =	wrdreg s15  }
0x18: {  	p4 =	por !p4, !p0;
	s16 =	sadd.s32 s25, s6;
	p6 =	por !p5, !p5  }
0x19: {  	[dreg:$0x13] =	wrdreg s17;
	s23 =	simm.s32 $0x200;
	s24 =	simm.s32 $0x980  }
0x1a: {  	s25 =	simm.s32 $0x280;
	s6 =	simm.s32 $0x380;
	s9 =	simm.s32 $0x400  }
0x1b: {  	s15 =	simm.s32 $0xC80;
	p3 =	por !p4, !p4;
	[dreg:$0x11] =	wrdreg s8  }
0x1c: {  	s4 =	sadd.s32 s26, s16;
	s0 =	smax.u32 s0, $0x1;
	[dreg:$0x9] =	wrdreg s23  }
0x1d: {  	s23 =	simm.s32 $0x1;
	[dreg:$0xa] =	wrdreg s24;
	s24 =	simm.s32 $0x9000  }
0x1e: {  	[dreg:$0xb] =	wrdreg s25;
	s26 =	simm.s32 $0xA00;
	s25 =	simm.s32 $0x2  }
0x1f: {  	s16 =	simm.s32 $0x0;
	[dreg:$0x14] =	wrdreg s0;
	s18 =	sshll.u32 s4, $0x8  }
.Ltmp0:
0x20: {  	s0 =	sshrl.u32 @p0 s8, $0x3;
	[dreg:$0xc] =	wrdreg s26;
	(pc) =	sbr.rel .LBB2_1-.Ltmp0, $4  }
0x21: {  	p4 =	por !p6, p3;
	[dreg:$0x15] =	wrdreg s0;
	s0 =	sshll.u32 @!p0 s12, $0x6  }
0x22: {  	s26 =	simm.s32 $0x4;
	s17 =	sadd.s32 $0x1FFFA500, s18;
	s0 =	sor.u32 @!p0 $0x1C07, s0  }
0x23: {  	s18 =	simm.s32 $0x7;
	[dreg:$0x16] =	wrdreg s0;
	s0 =	sshrl.u32 @!p0 s10, $0x3  }
0x24: {  	s12 =	simm.s32 $0x480;
	[dreg:$0x17] =	wrdreg s0;
	s0 =	simm.s32 $0xA80  }
.LBB2_8:
0x25: {  	s16 =	sadd.s32 $0x1, s16;
	s4 =	rddreg [dreg:$0x14]  }
0x26: {  	p5 =	sne.s32 s16, s4  }
.Ltmp1:
0x27: {  	_ = 	snop;
	(pc) =	sbr.rel @!p5 .LBB2_9-.Ltmp1, $1  }
0x28: {  	_ =	sdelay $0x3  }
.LBB2_1:
0x29: {  	s5 =	rddreg [dreg:$0xd]  }
0x2a: {  	s4 =	simm.s32 @p0 $0x1FC7;
	s8 =	rddreg [dreg:$0x15]  }
0x2b: {  	[spmem:s8], [sflag:s4] =	dma.local @p0 [hbm:s5], $0x2380  }
0x2c: {  	s4 =	simm.s32 @p0 $0x7  }
0x2d: {  	_ =	swait.ge @p0 [sflag:s4], $0x2380  }
0x2e: {  	[sflag:s4] =	ssyncset.done @p0 $0x0;
	s8 =	rddreg [dreg:$0x17]  }
0x2f: {  	[sflag:s4] =	ssyncadd.s32 @p0 $0xFFFFDC80;
	s4 =	rddreg [dreg:$0x16]  }
0x30: {  	[spmem:s8], [sflag:s4] =	dma.local @!p0 [hbm:s5], $0x1F00  }
0x31: {  	s4 =	simm.s32 @!p0 $0x7  }
0x32: {  	_ =	swait.ge @!p0 [sflag:s4], $0x1F00  }
0x33: {  	[sflag:s4] =	ssyncset.done @!p0 $0x0  }
0x34: {  	[sflag:s4] =	ssyncadd.s32 @!p0 $0xFFFFE100  }
0x35: {  	[bflag:$0x0] =	sbarrier.arrive $0xFFFF  }
0x36: {  	s14 =	rddreg [dreg:$0x10]  }
0x37: {  	p6 =	sne.s32 s14, $0x1  }
.Ltmp2:
0x38: {  	_ = 	snop;
	(pc) =	sbr.rel @!p6 .LBB2_2-.Ltmp2, $2  }
0x39: {  	_ =	sdelay $0x2  }
0x3a: {  	p5 =	por $0x0, $0x0;
	s5 =	rddreg [dreg:$0x3];
	s4 =	sadd.s32 $0xFFFFFFFF, s14  }
0x3b: {  	s14 =	sand.u32 $0x1FFFFF00, s17  }
0x3c: {  	s5 =	sadd.s32 s5, s14  }
0x3d: {  	[tilespmem:s2], [sflag:$0x7] =	stream.linear.gather [hbm4b:s5+s2], $0x500, $0x38;
	[tilespmem:$0x1CA40] =	vst v63  }
0x3e: {  	_ =	swait.ge [sflag:s18], $0x500  }
0x3f: {  	s8 =	rddreg [dreg:$0x4];
	[sflag:s18] =	ssyncset.done $0x0  }
0x40: {  	[sflag:s18] =	ssyncadd.s32 $0xFFFFFB00;
	s5 =	sadd.s32 s8, s14  }
0x41: {  	[tilespmem:s19], [sflag:$0x7] =	stream.linear.gather [hbm4b:s5+s2], $0x500, $0x38;
	[tilespmem:$0x1CA40] =	vst v63  }
0x42: {  	_ =	swait.ge [sflag:s18], $0x500  }
0x43: {  	[sflag:s18] =	ssyncset.done $0x0  }
0x44: {  	[sflag:s18] =	ssyncadd.s32 $0xFFFFFB00  }
0x45: {  	[tilespmem:s21], [sflag:$0x1] =	stream.indirect.gather [hbm4b:s3+s20], $0x80, s2, s20, $0xb8;
	[tilespmem:$0x1CA40] =	vst v63  }
0x46: {  	_ = 	snop  }
0x47: {  	[tilespmem:s22], [sflag:$0x2] =	stream.indirect.gather [hbm4b:s3+s20], $0x80, s20, s20, $0xb8;
	[tilespmem:$0x1CA40] =	vst v63  }
0x48: {  	_ =	swait.ge [sflag:s23], $0x4000  }
0x49: {  	[sflag:s23] =	ssyncset.done $0x0  }
0x4a: {  	[sflag:s23] =	ssyncadd.s32 $0xFFFFC000  }
0x4b: {  	[spmem:s1] =	stream.indirect.scatter.add.f32 [tilespmem:s21], [sflag:$0x4], $0x80, s19, s20, $0xb8;
	[tilespmem:$0x1CA40] =	vst v63  }
0x4c: {  	s8 =	rddreg [dreg:$0x5]  }
0x4d: {  	[tilespmem:s24], [sflag:$0x3] =	stream.indirect.gather [hbm4b:s3+s20], $0x80, s8, s20, $0xb8;
	[tilespmem:$0x1CA40] =	vst v63  }
0x4e: {  	_ =	swait.ge [sflag:s25], $0x4000  }
0x4f: {  	[sflag:s25] =	ssyncset.done $0x0  }
0x50: {  	s14 =	rddreg [dreg:$0x6];
	[sflag:s25] =	ssyncadd.s32 $0xFFFFC000  }
0x51: {  	[spmem:s1] =	stream.indirect.scatter.add.f32 [tilespmem:s22], [sflag:$0x5], $0x80, s14, s20, $0xb8;
	[tilespmem:$0x1CA40] =	vst v63  }
0x52: {  	_ =	swait.ge [sflag:s26], $0x4000  }
0x53: {  	[sflag:s26] =	ssyncset.done $0x0  }
0x54: {  	s8 =	rddreg [dreg:$0x7];
	[sflag:s26] =	ssyncadd.s32 $0xFFFFC000  }
0x55: {  	[tilespmem:s21], [sflag:$0x1] =	stream.indirect.gather [hbm4b:s3+s20], $0x80, s8, s20, $0xb8;
	[tilespmem:$0x1CA40] =	vst v63  }
0x56: {  	_ =	swait.ge [sflag:s28], $0x4000  }
0x57: {  	[sflag:s28] =	ssyncset.done $0x0  }
0x58: {  	s14 =	rddreg [dreg:$0x8];
	[sflag:s28] =	ssyncadd.s32 $0xFFFFC000  }
0x59: {  	[spmem:s1] =	stream.indirect.scatter.add.f32 [tilespmem:s24], [sflag:$0x6], $0x80, s14, s20, $0xb8;
	[tilespmem:$0x1CA40] =	vst v63  }
0x5a: {  	_ =	swait.ge [sflag:s29], $0x4000  }
0x5b: {  	[sflag:s29] =	ssyncset.done $0x0  }
0x5c: {  	s8 =	rddreg [dreg:$0x9];
	[sflag:s29] =	ssyncadd.s32 $0xFFFFC000  }
0x5d: {  	[tilespmem:s22], [sflag:$0x2] =	stream.indirect.gather [hbm4b:s3+s20], $0x80, s8, s20, $0xb8;
	[tilespmem:$0x1CA40] =	vst v63  }
0x5e: {  	_ =	swait.ge [sflag:s23], $0x4000  }
0x5f: {  	[sflag:s23] =	ssyncset.done $0x0  }
0x60: {  	s14 =	rddreg [dreg:$0xa];
	[sflag:s23] =	ssyncadd.s32 $0xFFFFC000  }
0x61: {  	[spmem:s1] =	stream.indirect.scatter.add.f32 [tilespmem:s21], [sflag:$0x4], $0x80, s14, s20, $0xb8;
	[tilespmem:$0x1CA40] =	vst v63  }
0x62: {  	_ =	swait.ge [sflag:s30], $0x4000  }
0x63: {  	[sflag:s30] =	ssyncset.done $0x0  }
0x64: {  	s8 =	rddreg [dreg:$0xb];
	[sflag:s30] =	ssyncadd.s32 $0xFFFFC000  }
0x65: {  	[tilespmem:s24], [sflag:$0x3] =	stream.indirect.gather [hbm4b:s3+s20], $0x80, s8, s20, $0xb8;
	[tilespmem:$0x1CA40] =	vst v63  }
0x66: {  	_ =	swait.ge [sflag:s25], $0x4000  }
0x67: {  	[sflag:s25] =	ssyncset.done $0x0  }
0x68: {  	s14 =	rddreg [dreg:$0xc];
	[sflag:s25] =	ssyncadd.s32 $0xFFFFC000  }
0x69: {  	[spmem:s1] =	stream.indirect.scatter.add.f32 [tilespmem:s22], [sflag:$0x5], $0x80, s14, s20, $0xb8;
	[tilespmem:$0x1CA40] =	vst v63  }
0x6a: {  	_ =	swait.ge [sflag:s26], $0x4000  }
0x6b: {  	[sflag:s26] =	ssyncset.done $0x0  }
0x6c: {  	[sflag:s26] =	ssyncadd.s32 $0xFFFFC000  }
0x6d: {  	[tilespmem:s21], [sflag:$0x1] =	stream.indirect.gather [hbm4b:s3+s20], $0x80, s31, s20, $0xb8;
	[tilespmem:$0x1CA40] =	vst v63  }
0x6e: {  	_ =	swait.ge [sflag:s28], $0x4000  }
0x6f: {  	[sflag:s28] =	ssyncset.done $0x0  }
0x70: {  	[sflag:s28] =	ssyncadd.s32 $0xFFFFC000  }
0x71: {  	[spmem:s1] =	stream.indirect.scatter.add.f32 [tilespmem:s24], [sflag:$0x6], $0x80, s0, s20, $0xb8;
	[tilespmem:$0x1CA40] =	vst v63  }
0x72: {  	_ =	swait.ge [sflag:s29], $0x4000  }
0x73: {  	[sflag:s29] =	ssyncset.done $0x0  }
0x74: {  	[sflag:s29] =	ssyncadd.s32 $0xFFFFC000  }
0x75: {  	[tilespmem:s22], [sflag:$0x2] =	stream.indirect.gather [hbm4b:s3+s20], $0x80, s6, s20, $0xb8;
	[tilespmem:$0x1CA40] =	vst v63  }
0x76: {  	_ =	swait.ge [sflag:s23], $0x4000  }
0x77: {  	[sflag:s23] =	ssyncset.done $0x0  }
0x78: {  	[sflag:s23] =	ssyncadd.s32 $0xFFFFC000  }
0x79: {  	[spmem:s1] =	stream.indirect.scatter.add.f32 [tilespmem:s21], [sflag:$0x4], $0x80, s7, s20, $0xb8;
	[tilespmem:$0x1CA40] =	vst v63  }
0x7a: {  	_ =	swait.ge [sflag:s30], $0x4000  }
0x7b: {  	[sflag:s30] =	ssyncset.done $0x0  }
0x7c: {  	[sflag:s30] =	ssyncadd.s32 $0xFFFFC000  }
0x7d: {  	[tilespmem:s24], [sflag:$0x3] =	stream.indirect.gather [hbm4b:s3+s20], $0x80, s9, s20, $0xb8;
	[tilespmem:$0x1CA40] =	vst v63  }
0x7e: {  	_ =	swait.ge [sflag:s25], $0x4000  }
0x7f: {  	[sflag:s25] =	ssyncset.done $0x0  }
0x80: {  	[sflag:s25] =	ssyncadd.s32 $0xFFFFC000  }
0x81: {  	[spmem:s1] =	stream.indirect.scatter.add.f32 [tilespmem:s22], [sflag:$0x5], $0x80, s11, s20, $0xb8;
	[tilespmem:$0x1CA40] =	vst v63  }
0x82: {  	_ =	swait.ge [sflag:s26], $0x4000  }
0x83: {  	[sflag:s26] =	ssyncset.done $0x0  }
0x84: {  	[sflag:s26] =	ssyncadd.s32 $0xFFFFC000  }
0x85: {  	[tilespmem:s21], [sflag:$0x1] =	stream.indirect.gather [hbm4b:s3+s20], $0x80, s12, s20, $0xb8;
	[tilespmem:$0x1CA40] =	vst v63  }
0x86: {  	_ =	swait.ge [sflag:s28], $0x4000  }
0x87: {  	[sflag:s28] =	ssyncset.done $0x0  }
0x88: {  	[sflag:s28] =	ssyncadd.s32 $0xFFFFC000  }
0x89: {  	[spmem:s1] =	stream.indirect.scatter.add.f32 [tilespmem:s24], [sflag:$0x6], $0x80, s13, s20, $0xb8;
	[tilespmem:$0x1CA40] =	vst v63  }
0x8a: {  	_ =	swait.ge [sflag:s23], $0x4000  }
0x8b: {  	[sflag:s23] =	ssyncset.done $0x0  }
0x8c: {  	[sflag:s23] =	ssyncadd.s32 $0xFFFFC000  }
0x8d: {  	[spmem:s1] =	stream.indirect.scatter.add.f32 [tilespmem:s21], [sflag:$0x4], $0x80, s15, s20, $0xb8;
	[tilespmem:$0x1CA40] =	vst v63  }
0x8e: {  	_ =	swait.ge [sflag:s29], $0x4000  }
0x8f: {  	[sflag:s29] =	ssyncset.done $0x0  }
0x90: {  	p6 =	sne.s32 s4, $0x1;
	[sflag:s29] =	ssyncadd.s32 $0xFFFFC000  }
.Ltmp3:
0x91: {  	_ =	swait.ge [sflag:s30], $0x4000;
	(pc) =	sbr.rel @!p6 .LBB2_4-.Ltmp3, $4  }
0x92: {  	[sflag:s30] =	ssyncset.done $0x0  }
0x93: {  	[sflag:s30] =	ssyncadd.s32 $0xFFFFC000  }
0x94: {  	s4 =	sadd.s32 $0xFFFFFFFF, s4;
	p5 =	por $0x1, $0x1;
	_ =	swait.ge [sflag:s26], $0x4000  }
0x95: {  	s14 =	smov.u32 s17;
	s5 =	rddreg [dreg:$0x3];
	[sflag:s26] =	ssyncset.done $0x0  }
.LBB2_5:
0x96: {  	s14 =	sadd.s32 $0x100, s14  }
0x97: {  	s8 =	sand.u32 $0x1FFFFF00, s14  }
0x98: {  	[sflag:s26] =	ssyncadd.s32 $0xFFFFC000;
	s5 =	sadd.s32 s5, s8  }
0x99: {  	[tilespmem:s2], [sflag:$0x7] =	stream.linear.gather [hbm4b:s5+s2], $0x500, $0x38;
	[tilespmem:$0x1CA40] =	vst v63  }
0x9a: {  	_ =	swait.ge [sflag:s18], $0x500  }
0x9b: {  	s5 =	rddreg [dreg:$0x4];
	[sflag:s18] =	ssyncset.done $0x0  }
0x9c: {  	[sflag:s18] =	ssyncadd.s32 $0xFFFFFB00;
	s5 =	sadd.s32 s5, s8  }
0x9d: {  	[tilespmem:s19], [sflag:$0x7] =	stream.linear.gather [hbm4b:s5+s2], $0x500, $0x38;
	[tilespmem:$0x1CA40] =	vst v63  }
0x9e: {  	_ =	swait.ge [sflag:s18], $0x500  }
0x9f: {  	[sflag:s18] =	ssyncset.done $0x0  }
0xa0: {  	[sflag:s18] =	ssyncadd.s32 $0xFFFFFB00  }
0xa1: {  	[tilespmem:s21], [sflag:$0x1] =	stream.indirect.gather [hbm4b:s3+s20], $0x80, s2, s20, $0xb8;
	[tilespmem:$0x1CA40] =	vst v63  }
0xa2: {  	_ = 	snop  }
0xa3: {  	[tilespmem:s22], [sflag:$0x2] =	stream.indirect.gather [hbm4b:s3+s20], $0x80, s20, s20, $0xb8;
	[tilespmem:$0x1CA40] =	vst v63  }
0xa4: {  	_ =	swait.ge [sflag:s23], $0x4000  }
0xa5: {  	[sflag:s23] =	ssyncset.done $0x0  }
0xa6: {  	[sflag:s23] =	ssyncadd.s32 $0xFFFFC000  }
0xa7: {  	[spmem:s1] =	stream.indirect.scatter.add.f32 [tilespmem:s21], [sflag:$0x4], $0x80, s19, s20, $0xb8;
	[tilespmem:$0x1CA40] =	vst v63  }
0xa8: {  	s8 =	rddreg [dreg:$0x5]  }
0xa9: {  	[tilespmem:s24], [sflag:$0x3] =	stream.indirect.gather [hbm4b:s3+s20], $0x80, s8, s20, $0xb8;
	[tilespmem:$0x1CA40] =	vst v63  }
0xaa: {  	_ =	swait.ge [sflag:s25], $0x4000  }
0xab: {  	[sflag:s25] =	ssyncset.done $0x0  }
0xac: {  	s8 =	rddreg [dreg:$0x6];
	[sflag:s25] =	ssyncadd.s32 $0xFFFFC000  }
0xad: {  	[spmem:s1] =	stream.indirect.scatter.add.f32 [tilespmem:s22], [sflag:$0x5], $0x80, s8, s20, $0xb8;
	[tilespmem:$0x1CA40] =	vst v63  }
0xae: {  	_ =	swait.ge [sflag:s26], $0x4000  }
0xaf: {  	[sflag:s26] =	ssyncset.done $0x0  }
0xb0: {  	s8 =	rddreg [dreg:$0x7];
	[sflag:s26] =	ssyncadd.s32 $0xFFFFC000  }
0xb1: {  	[tilespmem:s21], [sflag:$0x1] =	stream.indirect.gather [hbm4b:s3+s20], $0x80, s8, s20, $0xb8;
	[tilespmem:$0x1CA40] =	vst v63  }
0xb2: {  	_ =	swait.ge [sflag:s28], $0x4000  }
0xb3: {  	[sflag:s28] =	ssyncset.done $0x0  }
0xb4: {  	s8 =	rddreg [dreg:$0x8];
	[sflag:s28] =	ssyncadd.s32 $0xFFFFC000  }
0xb5: {  	[spmem:s1] =	stream.indirect.scatter.add.f32 [tilespmem:s24], [sflag:$0x6], $0x80, s8, s20, $0xb8;
	[tilespmem:$0x1CA40] =	vst v63  }
0xb6: {  	_ =	swait.ge [sflag:s29], $0x4000  }
0xb7: {  	[sflag:s29] =	ssyncset.done $0x0  }
0xb8: {  	s8 =	rddreg [dreg:$0x9];
	[sflag:s29] =	ssyncadd.s32 $0xFFFFC000  }
0xb9: {  	[tilespmem:s22], [sflag:$0x2] =	stream.indirect.gather [hbm4b:s3+s20], $0x80, s8, s20, $0xb8;
	[tilespmem:$0x1CA40] =	vst v63  }
0xba: {  	_ =	swait.ge [sflag:s23], $0x4000  }
0xbb: {  	[sflag:s23] =	ssyncset.done $0x0  }
0xbc: {  	s8 =	rddreg [dreg:$0xa];
	[sflag:s23] =	ssyncadd.s32 $0xFFFFC000  }
0xbd: {  	[spmem:s1] =	stream.indirect.scatter.add.f32 [tilespmem:s21], [sflag:$0x4], $0x80, s8, s20, $0xb8;
	[tilespmem:$0x1CA40] =	vst v63  }
0xbe: {  	_ =	swait.ge [sflag:s30], $0x4000  }
0xbf: {  	[sflag:s30] =	ssyncset.done $0x0  }
0xc0: {  	s8 =	rddreg [dreg:$0xb];
	[sflag:s30] =	ssyncadd.s32 $0xFFFFC000  }
0xc1: {  	[tilespmem:s24], [sflag:$0x3] =	stream.indirect.gather [hbm4b:s3+s20], $0x80, s8, s20, $0xb8;
	[tilespmem:$0x1CA40] =	vst v63  }
0xc2: {  	_ =	swait.ge [sflag:s25], $0x4000  }
0xc3: {  	[sflag:s25] =	ssyncset.done $0x0  }
0xc4: {  	s8 =	rddreg [dreg:$0xc];
	[sflag:s25] =	ssyncadd.s32 $0xFFFFC000  }
0xc5: {  	[spmem:s1] =	stream.indirect.scatter.add.f32 [tilespmem:s22], [sflag:$0x5], $0x80, s8, s20, $0xb8;
	[tilespmem:$0x1CA40] =	vst v63  }
0xc6: {  	_ =	swait.ge [sflag:s26], $0x4000  }
0xc7: {  	[sflag:s26] =	ssyncset.done $0x0  }
0xc8: {  	[sflag:s26] =	ssyncadd.s32 $0xFFFFC000  }
0xc9: {  	[tilespmem:s21], [sflag:$0x1] =	stream.indirect.gather [hbm4b:s3+s20], $0x80, s31, s20, $0xb8;
	[tilespmem:$0x1CA40] =	vst v63  }
0xca: {  	_ =	swait.ge [sflag:s28], $0x4000  }
0xcb: {  	[sflag:s28] =	ssyncset.done $0x0  }
0xcc: {  	[sflag:s28] =	ssyncadd.s32 $0xFFFFC000  }
0xcd: {  	[spmem:s1] =	stream.indirect.scatter.add.f32 [tilespmem:s24], [sflag:$0x6], $0x80, s0, s20, $0xb8;
	[tilespmem:$0x1CA40] =	vst v63  }
0xce: {  	_ =	swait.ge [sflag:s29], $0x4000  }
0xcf: {  	[sflag:s29] =	ssyncset.done $0x0  }
0xd0: {  	[sflag:s29] =	ssyncadd.s32 $0xFFFFC000  }
0xd1: {  	[tilespmem:s22], [sflag:$0x2] =	stream.indirect.gather [hbm4b:s3+s20], $0x80, s6, s20, $0xb8;
	[tilespmem:$0x1CA40] =	vst v63  }
0xd2: {  	_ =	swait.ge [sflag:s23], $0x4000  }
0xd3: {  	[sflag:s23] =	ssyncset.done $0x0  }
0xd4: {  	[sflag:s23] =	ssyncadd.s32 $0xFFFFC000  }
0xd5: {  	[spmem:s1] =	stream.indirect.scatter.add.f32 [tilespmem:s21], [sflag:$0x4], $0x80, s7, s20, $0xb8;
	[tilespmem:$0x1CA40] =	vst v63  }
0xd6: {  	_ =	swait.ge [sflag:s30], $0x4000  }
0xd7: {  	[sflag:s30] =	ssyncset.done $0x0  }
0xd8: {  	[sflag:s30] =	ssyncadd.s32 $0xFFFFC000  }
0xd9: {  	[tilespmem:s24], [sflag:$0x3] =	stream.indirect.gather [hbm4b:s3+s20], $0x80, s9, s20, $0xb8;
	[tilespmem:$0x1CA40] =	vst v63  }
0xda: {  	_ =	swait.ge [sflag:s25], $0x4000  }
0xdb: {  	[sflag:s25] =	ssyncset.done $0x0  }
0xdc: {  	[sflag:s25] =	ssyncadd.s32 $0xFFFFC000  }
0xdd: {  	[spmem:s1] =	stream.indirect.scatter.add.f32 [tilespmem:s22], [sflag:$0x5], $0x80, s11, s20, $0xb8;
	[tilespmem:$0x1CA40] =	vst v63  }
0xde: {  	_ =	swait.ge [sflag:s26], $0x4000  }
0xdf: {  	[sflag:s26] =	ssyncset.done $0x0  }
0xe0: {  	[sflag:s26] =	ssyncadd.s32 $0xFFFFC000  }
0xe1: {  	[tilespmem:s21], [sflag:$0x1] =	stream.indirect.gather [hbm4b:s3+s20], $0x80, s12, s20, $0xb8;
	[tilespmem:$0x1CA40] =	vst v63  }
0xe2: {  	_ =	swait.ge [sflag:s28], $0x4000  }
0xe3: {  	[sflag:s28] =	ssyncset.done $0x0  }
0xe4: {  	[sflag:s28] =	ssyncadd.s32 $0xFFFFC000  }
0xe5: {  	[spmem:s1] =	stream.indirect.scatter.add.f32 [tilespmem:s24], [sflag:$0x6], $0x80, s13, s20, $0xb8;
	[tilespmem:$0x1CA40] =	vst v63  }
0xe6: {  	_ =	swait.ge [sflag:s23], $0x4000  }
0xe7: {  	[sflag:s23] =	ssyncset.done $0x0  }
0xe8: {  	[sflag:s23] =	ssyncadd.s32 $0xFFFFC000  }
0xe9: {  	[spmem:s1] =	stream.indirect.scatter.add.f32 [tilespmem:s21], [sflag:$0x4], $0x80, s15, s20, $0xb8;
	[tilespmem:$0x1CA40] =	vst v63  }
0xea: {  	_ =	swait.ge [sflag:s29], $0x4000  }
0xeb: {  	[sflag:s29] =	ssyncset.done $0x0  }
0xec: {  	p6 =	sne.s32 s4, $0x1;
	[sflag:s29] =	ssyncadd.s32 $0xFFFFC000  }
.Ltmp4:
0xed: {  	_ =	swait.ge [sflag:s30], $0x4000;
	(pc) =	sbr.rel @p6 .LBB2_5-.Ltmp4, $4  }
0xee: {  	[sflag:s30] =	ssyncset.done $0x0  }
0xef: {  	[sflag:s30] =	ssyncadd.s32 $0xFFFFC000  }
0xf0: {  	_ =	swait.ge [sflag:s26], $0x4000  }
0xf1: {  	s4 =	sadd.s32 $0xFFFFFFFF, s4;
	s5 =	rddreg [dreg:$0x3];
	[sflag:s26] =	ssyncset.done $0x0  }
.LBB2_6:
0xf2: {  	s4 =	sadd.s32 @p5 $0x100, s14;
	s8 =	smov.u32 s17  }
0xf3: {  	s8 =	smov.u32 @p5 s4  }
0xf4: {  	s4 =	sand.u32 $0x1FFFFF00, s8  }
0xf5: {  	[sflag:s26] =	ssyncadd.s32 @p5 $0xFFFFC000;
	s5 =	sadd.s32 s5, s4  }
0xf6: {  	[tilespmem:s2], [sflag:$0x7] =	stream.linear.gather [hbm4b:s5+s2], $0x500, $0x38;
	[tilespmem:$0x1CA40] =	vst v63  }
0xf7: {  	_ =	swait.ge [sflag:s18], $0x500  }
0xf8: {  	s14 =	rddreg [dreg:$0x4];
	[sflag:s18] =	ssyncset.done $0x0  }
0xf9: {  	[sflag:s18] =	ssyncadd.s32 $0xFFFFFB00;
	s4 =	sadd.s32 s14, s4  }
0xfa: {  	[tilespmem:s19], [sflag:$0x7] =	stream.linear.gather [hbm4b:s4+s2], $0x500, $0x38;
	[tilespmem:$0x1CA40] =	vst v63  }
0xfb: {  	_ =	swait.ge [sflag:s18], $0x500  }
0xfc: {  	[sflag:s18] =	ssyncset.done $0x0  }
0xfd: {  	[sflag:s18] =	ssyncadd.s32 $0xFFFFFB00  }
0xfe: {  	[tilespmem:s21], [sflag:$0x1] =	stream.indirect.gather [hbm4b:s3+s20], $0x80, s2, s20, $0xb8;
	[tilespmem:$0x1CA40] =	vst v63  }
0xff: {  	_ = 	snop  }
0x100: {  	[tilespmem:s22], [sflag:$0x2] =	stream.indirect.gather [hbm4b:s3+s20], $0x80, s20, s20, $0xb8;
	[tilespmem:$0x1CA40] =	vst v63  }
0x101: {  	_ =	swait.ge [sflag:s23], $0x4000  }
0x102: {  	[sflag:s23] =	ssyncset.done $0x0  }
0x103: {  	[sflag:s23] =	ssyncadd.s32 $0xFFFFC000  }
0x104: {  	[spmem:s1] =	stream.indirect.scatter.add.f32 [tilespmem:s21], [sflag:$0x4], $0x80, s19, s20, $0xb8;
	[tilespmem:$0x1CA40] =	vst v63  }
0x105: {  	s8 =	rddreg [dreg:$0x5]  }
0x106: {  	[tilespmem:s24], [sflag:$0x3] =	stream.indirect.gather [hbm4b:s3+s20], $0x80, s8, s20, $0xb8;
	[tilespmem:$0x1CA40] =	vst v63  }
0x107: {  	_ =	swait.ge [sflag:s25], $0x4000  }
0x108: {  	[sflag:s25] =	ssyncset.done $0x0  }
0x109: {  	s14 =	rddreg [dreg:$0x6];
	[sflag:s25] =	ssyncadd.s32 $0xFFFFC000  }
0x10a: {  	[spmem:s1] =	stream.indirect.scatter.add.f32 [tilespmem:s22], [sflag:$0x5], $0x80, s14, s20, $0xb8;
	[tilespmem:$0x1CA40] =	vst v63  }
0x10b: {  	_ =	swait.ge [sflag:s26], $0x4000  }
0x10c: {  	[sflag:s26] =	ssyncset.done $0x0  }
0x10d: {  	s5 =	rddreg [dreg:$0x7];
	[sflag:s26] =	ssyncadd.s32 $0xFFFFC000  }
0x10e: {  	[tilespmem:s21], [sflag:$0x1] =	stream.indirect.gather [hbm4b:s3+s20], $0x80, s5, s20, $0xb8;
	[tilespmem:$0x1CA40] =	vst v63  }
0x10f: {  	_ =	swait.ge [sflag:s28], $0x4000  }
0x110: {  	[sflag:s28] =	ssyncset.done $0x0  }
0x111: {  	s8 =	rddreg [dreg:$0x8];
	[sflag:s28] =	ssyncadd.s32 $0xFFFFC000  }
0x112: {  	[spmem:s1] =	stream.indirect.scatter.add.f32 [tilespmem:s24], [sflag:$0x6], $0x80, s8, s20, $0xb8;
	[tilespmem:$0x1CA40] =	vst v63  }
0x113: {  	_ =	swait.ge [sflag:s29], $0x4000  }
0x114: {  	[sflag:s29] =	ssyncset.done $0x0  }
0x115: {  	s14 =	rddreg [dreg:$0x9];
	[sflag:s29] =	ssyncadd.s32 $0xFFFFC000  }
0x116: {  	[tilespmem:s22], [sflag:$0x2] =	stream.indirect.gather [hbm4b:s3+s20], $0x80, s14, s20, $0xb8;
	[tilespmem:$0x1CA40] =	vst v63  }
0x117: {  	_ =	swait.ge [sflag:s23], $0x4000  }
0x118: {  	[sflag:s23] =	ssyncset.done $0x0  }
0x119: {  	s5 =	rddreg [dreg:$0xa];
	[sflag:s23] =	ssyncadd.s32 $0xFFFFC000  }
0x11a: {  	[spmem:s1] =	stream.indirect.scatter.add.f32 [tilespmem:s21], [sflag:$0x4], $0x80, s5, s20, $0xb8;
	[tilespmem:$0x1CA40] =	vst v63  }
0x11b: {  	_ =	swait.ge [sflag:s30], $0x4000  }
0x11c: {  	[sflag:s30] =	ssyncset.done $0x0  }
0x11d: {  	s8 =	rddreg [dreg:$0xb];
	[sflag:s30] =	ssyncadd.s32 $0xFFFFC000  }
0x11e: {  	[tilespmem:s24], [sflag:$0x3] =	stream.indirect.gather [hbm4b:s3+s20], $0x80, s8, s20, $0xb8;
	[tilespmem:$0x1CA40] =	vst v63  }
0x11f: {  	_ =	swait.ge [sflag:s25], $0x4000  }
0x120: {  	[sflag:s25] =	ssyncset.done $0x0  }
0x121: {  	s14 =	rddreg [dreg:$0xc];
	[sflag:s25] =	ssyncadd.s32 $0xFFFFC000  }
0x122: {  	[spmem:s1] =	stream.indirect.scatter.add.f32 [tilespmem:s22], [sflag:$0x5], $0x80, s14, s20, $0xb8;
	[tilespmem:$0x1CA40] =	vst v63  }
0x123: {  	_ =	swait.ge [sflag:s26], $0x4000  }
0x124: {  	[sflag:s26] =	ssyncset.done $0x0  }
0x125: {  	[sflag:s26] =	ssyncadd.s32 $0xFFFFC000  }
0x126: {  	[tilespmem:s21], [sflag:$0x1] =	stream.indirect.gather [hbm4b:s3+s20], $0x80, s31, s20, $0xb8;
	[tilespmem:$0x1CA40] =	vst v63  }
0x127: {  	_ =	swait.ge [sflag:s28], $0x4000  }
0x128: {  	[sflag:s28] =	ssyncset.done $0x0  }
0x129: {  	[sflag:s28] =	ssyncadd.s32 $0xFFFFC000  }
0x12a: {  	[spmem:s1] =	stream.indirect.scatter.add.f32 [tilespmem:s24], [sflag:$0x6], $0x80, s0, s20, $0xb8;
	[tilespmem:$0x1CA40] =	vst v63  }
0x12b: {  	_ =	swait.ge [sflag:s29], $0x4000  }
0x12c: {  	[sflag:s29] =	ssyncset.done $0x0  }
0x12d: {  	[sflag:s29] =	ssyncadd.s32 $0xFFFFC000  }
0x12e: {  	[tilespmem:s22], [sflag:$0x2] =	stream.indirect.gather [hbm4b:s3+s20], $0x80, s6, s20, $0xb8;
	[tilespmem:$0x1CA40] =	vst v63  }
0x12f: {  	_ =	swait.ge [sflag:s23], $0x4000  }
0x130: {  	[sflag:s23] =	ssyncset.done $0x0  }
0x131: {  	[sflag:s23] =	ssyncadd.s32 $0xFFFFC000  }
0x132: {  	[spmem:s1] =	stream.indirect.scatter.add.f32 [tilespmem:s21], [sflag:$0x4], $0x80, s7, s20, $0xb8;
	[tilespmem:$0x1CA40] =	vst v63  }
0x133: {  	_ =	swait.ge [sflag:s30], $0x4000  }
0x134: {  	[sflag:s30] =	ssyncset.done $0x0  }
0x135: {  	[sflag:s30] =	ssyncadd.s32 $0xFFFFC000  }
0x136: {  	[tilespmem:s24], [sflag:$0x3] =	stream.indirect.gather [hbm4b:s3+s20], $0x80, s9, s20, $0xb8;
	[tilespmem:$0x1CA40] =	vst v63  }
0x137: {  	_ =	swait.ge [sflag:s25], $0x4000  }
0x138: {  	[sflag:s25] =	ssyncset.done $0x0  }
0x139: {  	[sflag:s25] =	ssyncadd.s32 $0xFFFFC000  }
0x13a: {  	[spmem:s1] =	stream.indirect.scatter.add.f32 [tilespmem:s22], [sflag:$0x5], $0x80, s11, s20, $0xb8;
	[tilespmem:$0x1CA40] =	vst v63  }
0x13b: {  	_ =	swait.ge [sflag:s26], $0x4000  }
0x13c: {  	[sflag:s26] =	ssyncset.done $0x0  }
0x13d: {  	[sflag:s26] =	ssyncadd.s32 $0xFFFFC000  }
0x13e: {  	[tilespmem:s21], [sflag:$0x1] =	stream.indirect.gather [hbm4b:s3+s20], $0x80, s12, s20, $0xb8;
	[tilespmem:$0x1CA40] =	vst v63  }
0x13f: {  	_ =	swait.ge [sflag:s28], $0x4000  }
0x140: {  	[sflag:s28] =	ssyncset.done $0x0  }
0x141: {  	[sflag:s28] =	ssyncadd.s32 $0xFFFFC000  }
0x142: {  	[spmem:s1] =	stream.indirect.scatter.add.f32 [tilespmem:s24], [sflag:$0x6], $0x80, s13, s20, $0xb8;
	[tilespmem:$0x1CA40] =	vst v63  }
0x143: {  	_ =	swait.ge [sflag:s23], $0x4000  }
0x144: {  	[sflag:s23] =	ssyncset.done $0x0  }
0x145: {  	[sflag:s23] =	ssyncadd.s32 $0xFFFFC000  }
0x146: {  	[spmem:s1] =	stream.indirect.scatter.add.f32 [tilespmem:s21], [sflag:$0x4], $0x80, s15, s20, $0xb8;
	[tilespmem:$0x1CA40] =	vst v63  }
0x147: {  	_ =	swait.ge [sflag:s29], $0x4000  }
0x148: {  	[sflag:s29] =	ssyncset.done $0x0  }
0x149: {  	[sflag:s29] =	ssyncadd.s32 $0xFFFFC000  }
0x14a: {  	_ =	swait.ge [sflag:s30], $0x4000  }
0x14b: {  	[sflag:s30] =	ssyncset.done $0x0  }
0x14c: {  	[sflag:s30] =	ssyncadd.s32 $0xFFFFC000  }
0x14d: {  	_ =	swait.ge [sflag:s26], $0x4000  }
0x14e: {  	p6 =	por p2, p2;
	p5 =	por @!p4 $0x1, $0x1;
	[sflag:s26] =	ssyncset.done $0x0  }
0x14f: {  	p6 =	por @!p4 p5, p5;
	s14 =	stileid.u32;
	[sflag:s26] =	ssyncadd.s32 $0xFFFFC000  }
0x150: {  	p5 =	por @!p3 !p6, !p0;
	s4 =	sshll.u32 @p1 s14, $0x6;
	[bflag:$0x0] =	sbarrier.arrive $0xFFFF  }
0x151: {  	s5 =	sshrl.u32 @p1 s10, $0x3;
	s4 =	sor.u32 @p1 $0x1C07, s4;
	s8 =	rddreg [dreg:$0x12]  }
0x152: {  	[hbm:s8], [sflag:s4] =	dma.local @p1 [spmem:s5], $0x1F00  }
0x153: {  	p5 =	por @!p3 !p5, !p5;
	s4 =	simm.s32 @p1 $0x7  }
0x154: {  	p5 =	por p3, p5;
	_ =	swait.ge @p1 [sflag:s4], $0x1F00  }
0x155: {  	s5 =	sshll.u32 @!p4 s14, $0x6;
	[sflag:s4] =	ssyncset.done @p1 $0x0;
	s14 =	rddreg [dreg:$0x13]  }
0x156: {  	[sflag:s4] =	ssyncadd.s32 @p1 $0xFFFFE100;
	s4 =	sor.u32 @!p4 $0x1C07, s5;
	s5 =	sshrl.u32 @!p4 s10, $0x3  }
0x157: {  	[hbm:s14], [sflag:s4] =	dma.local @!p4 [spmem:s5], $0x1F00  }
.Ltmp5:
0x158: {  	_ = 	snop;
	(pc) =	sbr.rel @!p5 .LBB2_8-.Ltmp5, $4  }
0x159: {  	s4 =	simm.s32 @!p4 $0x7  }
0x15a: {  	_ =	swait.ge @!p4 [sflag:s4], $0x1F00  }
0x15b: {  	[sflag:s4] =	ssyncset.done @!p4 $0x0  }
0x15c: {  	s8 =	stileid.u32;
	[sflag:s4] =	ssyncadd.s32 @!p4 $0xFFFFE100  }
0x15d: {  	s4 =	rddreg [dreg:$0xf]  }
0x15e: {  	s5 =	rddreg [dreg:$0xe]  }
0x15f: {  	s14 =	rddreg [dreg:$0x11]  }
0x160: {  	s4 =	smov.u32 @p3 s5;
	s5 =	sshrl.u32 s14, $0x3  }
.Ltmp6:
0x161: {  	s14 =	simm.s32 $0x1FC7;
	s4 =	sadd.s32 $0x1D100, s4;
	(pc) =	sbr.rel .LBB2_8-.Ltmp6, $4  }
0x162: {  	[hbm:s4], [sflag:s14] =	dma.local [spmem:s5], $0x2380  }
0x163: {  	_ =	swait.ge [sflag:s18], $0x2380  }
0x164: {  	[sflag:s18] =	ssyncset.done $0x0  }
0x165: {  	[sflag:s18] =	ssyncadd.s32 $0xFFFFDC80  }
.LBB2_2:
.Ltmp7:
0x166: {  	(pc) =	sbr.rel .LBB2_6-.Ltmp7, $2  }
0x167: {  	_ =	sdelay $0x2  }
0x168: {  	s14 =	smov.u32 s17  }
.LBB2_4:
.Ltmp8:
0x169: {  	(pc) =	sbr.rel .LBB2_6-.Ltmp8, $2  }
0x16a: {  	_ =	sdelay $0x2  }
0x16b: {  	s14 =	smov.u32 s17  }
.LBB2_9:
0x16c: {  	_ =	sfence.sel $0x180000  }
0x16d: {  	[bflag:$0x0] =	sbarrier.arrive $0xFFFF  }
0x16e: {  	_ =	strace $0x90000047  }
0x16f: {  	[bflag:$0x2] =	sbarrier.arrive $0xFFFF  }
0x170: {  	p0 =	sne.s32 s8, $0x0;
	s0 =	rddreg [dreg:$0x2]  }
0x171: {  	s0 =	sadd.s32 @!p0 $0x100000, s0  }
0x172: {  	[sflag:s0] =	ssyncadd.tile.s32 @!p0 $0x1;
	_ =	shalt  }
.Lfunc_end2:
_tile_overlayer_lowered:
.L_overlay_start_2:
0x173: {  	(tag) =	ssettag $0x2  }
0x174: {  	s0 =	rddreg [dreg:$0x0];
	s2 =	stileid.u32  }
0x175: {  	s1 =	rddreg [dreg:$0x1];
	p0 =	sne.s32 s2, $0x0  }
0x176: {  	s3 =	rddreg [dreg:$0x2];
	[bflag:$0x3] =	sbarrier.arrive $0xFFFF;
	s2 =	simm.s32 @!p0 $0x1C07  }
0x177: {  	[timem:s3], [sflag:s2] =	dma.local @!p0 [hbm:s0], s1  }
0x178: {  	s0 =	simm.s32 @!p0 $0x7  }
0x179: {  	_ =	swait.ge @!p0 [sflag:s0], s1  }
0x17a: {  	s1 =	ssub.s32 @!p0 $0x0, s1;
	[sflag:s0] =	ssyncset.done @!p0 $0x0  }
0x17b: {  	[sflag:s0] =	ssyncadd.s32 @!p0 s1  }
0x17c: {  	[bflag:$0x3] =	sbarrier.arrive $0xFFFF  }
0x17d: {  	_ =	shalt  }

// kernel: kernel.9.cloned.1.call-start
scs
__scs_entry_jumppad:
0x0: {  	(pc) =	sbr.rel $0x88, $3  }
0x1: {  	(tag) =	ssettag $0x0;
	lr =	simm.s32 $0x1  }
0x2: {  	[smem:$0x3F97] =	sst lr;
	_ =	strace $0xD0000000  }
0x3: {  	_ = 	snop  }
0x4: {  	_ = 	snop  }
0x5: {  	_ = 	snop  }
0x6: {  	_ = 	snop  }
0x7: {  	_ = 	snop  }
__scs_overlays_trampoline_lowered:
0x8: {  	[smem:$0x3FA6] =	sst s0  }
0x9: {  	[smem:$0x3FA7] =	sst s1  }
0xa: {  	[smem:$0x3FA8] =	sst s2  }
0xb: {  	[smem:$0x3FA9] =	sst s3  }
0xc: {  	[smem:$0x3FAA] =	sst s4  }
0xd: {  	[smem:$0x3FAB] =	sst s5  }
0xe: {  	[smem:$0x3FAC] =	sst s6  }
0xf: {  	[smem:$0x3FAD] =	sst s7  }
0x10: {  	[smem:$0x3FAE] =	sst s8  }
0x11: {  	[smem:$0x3FAF] =	sst s9;
	s0 =	simm.s32 @!p0 $0x0  }
0x12: {  	s1 =	sld [smem:$0x3F95];
	s0 =	simm.s32 @p0 $0x1  }
0x13: {  	[smem:$0x3FB0] =	sst s0;
	s0 =	simm.s32 @!p1 $0x0  }
0x14: {  	s2 =	sld [smem:$0x3F94];
	s0 =	simm.s32 @p1 $0x1  }
0x15: {  	[smem:$0x3FB1] =	sst s0;
	s0 =	simm.s32 @!p2 $0x0  }
0x16: {  	s3 =	sld [smem:$0x3FDB];
	s0 =	simm.s32 @p2 $0x1  }
0x17: {  	s4 =	simm.s32 $0x1BF5;
	[smem:$0x3FB3] =	sst s0  }
0x18: {  	s0 =	sld [smem:$0x3F96];
	_ =	swait.ge [sflag:s4], $0x0  }
0x19: {  	s7 =	sld [smem:$0x3F97]  }
0x1a: {  	s8 =	sadd.s32 $0xFFFFE003, lr  }
0x1b: {  	s9 =	sadd.s32 $0xFFFFFEF7, lr;
	s5 =	simm.s32 $0xFFFFFFFF;
	p2 =	slt.u32 s8, $0xFFFFF086  }
0x1c: {  	p1 =	slt.u32 s9, $0xF7A;
	s5 =	simm.s32 @!p2 $0x0  }
0x1d: {  	s5 =	simm.s32 @p1 $0x1;
	p0 =	seq.s32 s7, s2  }
0x1e: {  	s7 =	smul.u32 @!p0 $0xF7A, s2;
	p2 =	seq.s32 @!p0 s5, $0x0  }
0x1f: {  	s9 =	smul.u32 $0xF7A, s1;
	s8 =	simm.s32 @!p0 $0x1BF5;
	p2 =	por !p2, p0  }
0x20: {  	[sflag:s8] =	ssyncset.s32 @!p0 $0xFFFFF086;
	s6 =	sadd.s32 @!p0 s3, s7;
	s7 =	simm.s32 @!p0 $0x108  }
0x21: {  	s3 =	sadd.s32 s3, s9;
	s6 =	sadd.s32 @!p0 $0x88, s6;
	s7 =	simm.s32 @p2 $0x1082  }
0x22: {  	[simem:s7], [sflag:s8] =	dma.local @!p0 [hbm:s6], $0xF7A  }
0x23: {  	s9 =	sor.u32 $0xD0000000, s2;
	s6 =	simm.s32 $0x108;
	_ =	swait.ge @!p0 [sflag:s8], $0x0  }
0x24: {  	s3 =	sadd.s32 $0x88, s3;
	s6 =	simm.s32 @!p1 $0x1082;
	[sflag:s4] =	ssyncset.s32 $0xFFFFF086  }
0x25: {  	[simem:s6], [sflag:s4] =	dma.local [hbm:s3], $0xF7A  }
0x26: {  	[smem:$0x3F97] =	sst s1;
	(tag) =	ssettag s2;
	_ =	strace s9  }
0x27: {  	s1 =	sld [smem:$0x3FA7]  }
0x28: {  	s2 =	sld [smem:$0x3FA8]  }
0x29: {  	s4 =	sld [smem:$0x3FAA]  }
0x2a: {  	p0 =	seq.s32 s5, $0x0;
	s5 =	sld [smem:$0x3FAB]  }
0x2b: {  	s6 =	sld [smem:$0x3FAC]  }
0x2c: {  	s7 =	sld [smem:$0x3FAD]  }
0x2d: {  	s3 =	simm.s32 $0x108;
	s8 =	sld [smem:$0x3FAE]  }
0x2e: {  	s3 =	simm.s32 @!p0 $0x1082;
	s9 =	sld [smem:$0x3FAF]  }
0x2f: {  	lr =	sadd.s32 s0, s3;
	s0 =	sld [smem:$0x3FA6]  }
0x30: {  	s3 =	sld [smem:$0x3FA9]  }
0x31: {  	[smem:$0x3FB2] =	sst s10  }
0x32: {  	s10 =	sld [smem:$0x3FB0];
	_ =	sdelay $0x3  }
0x33: {  	p0 =	seq.s32 s10, $0x1;
	s10 =	sld [smem:$0x3FB2];
	_ =	sdelay $0x3  }
0x34: {  	[smem:$0x3FB2] =	sst s10  }
0x35: {  	s10 =	sld [smem:$0x3FB1];
	_ =	sdelay $0x3  }
0x36: {  	p1 =	seq.s32 s10, $0x1;
	s10 =	sld [smem:$0x3FB2];
	_ =	sdelay $0x3  }
0x37: {  	[smem:$0x3FB2] =	sst s10  }
0x38: {  	s10 =	sld [smem:$0x3FB3]  }
0x39: {  	_ = 	snop;
	(pc) =	sbr.ind lr, $3  }
0x3a: {  	_ = 	snop  }
0x3b: {  	_ = 	snop  }
0x3c: {  	p2 =	seq.s32 s10, $0x1;
	s10 =	sld [smem:$0x3FB2]  }
0x3d: {  	_ =	shalt  }
0x3e: {  	_ =	shalt  }
0x3f: {  	_ =	shalt  }
0x40: {  	_ =	shalt  }
0x41: {  	_ =	shalt  }
0x42: {  	_ =	shalt  }
0x43: {  	_ =	shalt  }
0x44: {  	_ =	shalt  }
0x45: {  	_ =	shalt  }
0x46: {  	_ =	shalt  }
0x47: {  	_ =	shalt  }
0x48: {  	_ =	shalt  }
0x49: {  	_ =	shalt  }
0x4a: {  	_ =	shalt  }
0x4b: {  	_ =	shalt  }
0x4c: {  	_ =	shalt  }
0x4d: {  	_ =	shalt  }
0x4e: {  	_ =	shalt  }
0x4f: {  	_ =	shalt  }
0x50: {  	_ =	shalt  }
0x51: {  	_ =	shalt  }
0x52: {  	_ =	shalt  }
0x53: {  	_ =	shalt  }
0x54: {  	_ =	shalt  }
0x55: {  	_ =	shalt  }
0x56: {  	_ =	shalt  }
0x57: {  	_ =	shalt  }
0x58: {  	_ =	shalt  }
0x59: {  	_ =	shalt  }
0x5a: {  	_ =	shalt  }
0x5b: {  	_ =	shalt  }
0x5c: {  	_ =	shalt  }
0x5d: {  	_ =	shalt  }
0x5e: {  	_ =	shalt  }
0x5f: {  	_ =	shalt  }
0x60: {  	_ =	shalt  }
0x61: {  	_ =	shalt  }
0x62: {  	_ =	shalt  }
0x63: {  	_ =	shalt  }
0x64: {  	_ =	shalt  }
0x65: {  	_ =	shalt  }
0x66: {  	_ =	shalt  }
0x67: {  	_ =	shalt  }
0x68: {  	_ =	shalt  }
0x69: {  	_ =	shalt  }
0x6a: {  	_ =	shalt  }
0x6b: {  	_ =	shalt  }
0x6c: {  	_ =	shalt  }
0x6d: {  	_ =	shalt  }
0x6e: {  	_ =	shalt  }
0x6f: {  	_ =	shalt  }
0x70: {  	_ =	shalt  }
0x71: {  	_ =	shalt  }
0x72: {  	_ =	shalt  }
0x73: {  	_ =	shalt  }
0x74: {  	_ =	shalt  }
0x75: {  	_ =	shalt  }
0x76: {  	_ =	shalt  }
0x77: {  	_ =	shalt  }
0x78: {  	_ =	shalt  }
0x79: {  	_ =	shalt  }
0x7a: {  	_ =	shalt  }
0x7b: {  	_ =	shalt  }
0x7c: {  	_ =	shalt  }
0x7d: {  	_ =	shalt  }
0x7e: {  	_ =	shalt  }
0x7f: {  	_ =	shalt  }
0x80: {  	_ =	shalt  }
0x81: {  	_ =	shalt  }
0x82: {  	_ =	shalt  }
0x83: {  	_ =	shalt  }
0x84: {  	_ =	shalt  }
0x85: {  	_ =	shalt  }
0x86: {  	_ =	shalt  }
0x87: {  	_ =	shalt  }
.Lfunc_end0:
.L_simem_size_0:
called_computation_lowered:
.L_overlay_start_0:
0x88: {  	s2 =	sld [smem:$0x3FD9]  }
0x89: {  	s3 =	sld [smem:$0x3FFE];
	_ =	sdelay $0x1  }
0x8a: {  	s1 =	srdreg.scid  }
0x8b: {  	s0 =	sand.u32 $0x1, s1  }
0x8c: {  	s17 =	sshll.u32 s0, $0xA;
	s2 =	sadd.s32 s3, s2  }
0x8d: {  	s2 =	sadd.s32 s2, s17  }
0x8e: {  	[smem:$0x3FBE] =	sst s2  }
0x8f: {  	_ = 	snop  }
0x90: {  	s18 =	sld [smem:$0x3FD0];
	(tm) =	ssettm $0x1  }
0x91: {  	s19 =	sld [smem:$0x3FFB];
	_ =	sdelay $0x3  }
0x92: {  	_ =	strace s19  }
0x93: {  	s2 =	sld [smem:$0x3FFC];
	_ =	sdelay $0x3  }
0x94: {  	_ =	strace s2  }
0x95: {  	s2 =	sld [smem:$0x3FFD];
	_ =	sdelay $0x3  }
0x96: {  	_ =	strace s2  }
0x97: {  	_ =	strace $0x8FFFFFFF  }
0x98: {  	s20 =	sld [smem:$0x3FDB];
	_ =	sdelay $0x1  }
0x99: {  	s4 =	simm.s32 $_scs_section_size  }
0x9a: {  	s5 =	simm.s32 $_size__tile_overlayer_lowered;
	s6 =	simm.s32 $_tile_overlayer_lowered  }
0x9b: {  	s7 =	simm.s32 $0x1BFF;
	s21 =	sshll.u32 s6, $0x1;
	s4 =	sadd.s32 s4, s20  }
0x9c: {  	s22 =	simm.s32 $0x0;
	s5 =	sshll.u32 s5, $0x1;
	s6 =	sadd.s32 s21, s4  }
0x9d: {  	[timem:s22], [sflag:s7] =	dma.local [hbm:s6], s5  }
0x9e: {  	_ =	swait.ge [sflag:s7], s5  }
0x9f: {  	s5 =	ssub.s32 $0x0, s5;
	[sflag:s7] =	ssyncset.done $0x0  }
0xa0: {  	[sflag:s7] =	ssyncadd.s32 s5;
	_ =	sdelay $0x1  }
0xa1: {  	s23 =	simm.s32 $0x1B8B  }
0xa2: {  	_ =	swait.ge [sflag:s23], $0x1  }
0xa3: {  	[sflag:s23] =	ssyncset.done $0x0  }
0xa4: {  	[sflag:s23] =	ssyncadd.s32 $0xFFFFFFFF  }
0xa5: {  	s5 =	sld [smem:$0x0]  }
0xa6: {  	s6 =	sand.u32 $0xFFFFFFFE, s1  }
0xa7: {  	p0 =	sne.s32 s1, s6  }
0xa8: {  	s6 =	sshll.u32 @p0 s6, $0xE  }
0xa9: {  	s6 =	sadd.s32 @p0 $0x11B8D, s6;
	s7 =	sshll.u32 @p0 s5, $0x11  }
0xaa: {  	s6 =	sor.u32 @p0 s7, s6  }
0xab: {  	[sflag:s6] =	ssyncadd.remote.s32 @p0 $0x1;
	_ =	sdelay $0x1  }
0xac: {  	s6 =	simm.s32 @p0 $0x1B8D  }
0xad: {  	_ =	swait.eq @p0 [sflag:s6], $0x1  }
0xae: {  	[sflag:s6] =	ssyncadd.s32 @p0 $0xFFFFFFFF  }
0xaf: {  	s7 =	sshll.u32 @!p0 s1, $0xE  }
0xb0: {  	s7 =	sor.u32 @!p0 $0x4000, s7;
	s6 =	simm.s32 @!p0 $0x1B8D  }
0xb1: {  	s5 =	sshll.u32 @!p0 s5, $0x11;
	s7 =	sadd.s32 @!p0 $0x11B8D, s7;
	_ =	swait.eq @!p0 [sflag:s6], $0x1  }
0xb2: {  	s5 =	sor.u32 @!p0 s5, s7;
	[sflag:s6] =	ssyncadd.s32 @!p0 $0xFFFFFFFF  }
0xb3: {  	s25 =	simm.s32 $0x1B8E;
	s24 =	sld [smem:$0x3FFE];
	[sflag:s5] =	ssyncadd.remote.s32 @!p0 $0x1  }
0xb4: {  	s26 =	simm.s32 $execute0_lowered;
	[smem:$0x3FD2] =	sst s25  }
0xb5: {  	s6 =	sshll.u32 s26, $0x1;
	_ =	strace $0x80000049;
	[dreg:$0x1] =	wrdreg $0xFFFFFFFF  }
0xb6: {  	s28 =	simm.s32 $_size_execute0_lowered;
	s4 =	sadd.s32 s4, s6;
	[dreg:$0x0] =	wrdreg $0x0  }
0xb7: {  	s6 =	sshll.u32 s28, $0x1;
	[dreg:$0x2] =	wrdreg s4  }
0xb8: {  	[dreg:$0x3] =	wrdreg s6  }
0xb9: {  	[dreg:$0x4] =	wrdreg $0xC0  }
0xba: {  	_ =	task [dreg:s22], $0x5FFFF  }
0xbb: {  	[dreg:$0x1] =	wrdreg $0xFFFFFFFF  }
0xbc: {  	[dreg:$0x0] =	wrdreg $0x60  }
0xbd: {  	[dreg:$0x2] =	wrdreg s24  }
0xbe: {  	[dreg:$0x3] =	wrdreg s18  }
0xbf: {  	[dreg:$0x4] =	wrdreg $0xD0000  }
0xc0: {  	[dreg:$0x5] =	wrdreg $0x9  }
0xc1: {  	_ =	task.clear_ibuf [dreg:s22], $0x6FFFF;
	_ =	strace $0x90000049  }
0xc2: {  	s29 =	simm.s32 $0x9;
	_ =	strace $0x8000004B  }
0xc3: {  	_ =	swait.ge [sflag:s29], $0x1  }
0xc4: {  	[sflag:s29] =	ssyncadd.s32 $0xFFFFFFFF  }
0xc5: {  	_ =	strace $0x9000004B  }
0xc6: {  	_ =	sfence  }
0xc7: {  	s30 =	sld [smem:$0x0];
	_ =	sdelay $0x2  }
0xc8: {  	s31 =	sshll.u32 s1, $0xD;
	s1 =	sshrl.u32 s1, $0x2  }
0xc9: {  	s4 =	sand.u32 $0x4000, s31;
	s1 =	sadd.s32 s1, s30  }
0xca: {  	s0 =	sor.u32 s4, s0;
	s1 =	sshll.u32 s1, $0x11  }
0xcb: {  	s0 =	sor.u32 s1, s0  }
0xcc: {  	s0 =	sadd.s32 $0x8F2B, s0  }
0xcd: {  	[sflag:s0] =	ssyncadd.remote.s32 $0x1  }
0xce: {  	_ =	sfence.sel $0xFFFF  }
0xcf: {  	[dreg:$0x0] =	wrdreg $0xFFFFFFFF;
	(pc) =	sbr.abs _section_cstart, $3  }
0xd0: {  	[dreg:$0x1] =	wrdreg $0xFFFFFFFF  }
0xd1: {  	_ =	task.clear_ibuf [dreg:s22], $0x2FFFF;
	_ =	strace $0x9FFFFFFF  }
0xd2: {  	(tm) =	ssettm $0x7FFFFFFF  }
0xd3: {  	_ =	shalt  }
tec
execute0_lowered:
.L_overlay_start_1:
0x0: {  	(tag) =	ssettag $0x1  }
0x1: {  	s0 =	rddreg [dreg:$0x0]  }
0x2: {  	s12 =	rddreg [dreg:$0x1]  }
0x3: {  	s2 =	rddreg [dreg:$0x2];
	s3 =	simm.s32 $0x0  }
0x4: {  	s5 =	srdreg.scid;
	s13 =	stileid.u32;
	s19 =	simm.s32 $0x100  }
0x5: {  	s20 =	simm.s32 $0x880;
	s21 =	simm.s32 $0x180;
	s22 =	simm.s32 $0x900  }
0x6: {  	s28 =	simm.s32 $0x3;
	s31 =	simm.s32 $0x300;
	[smem:$0x7FF] =	sst s3  }
0x7: {  	s29 =	simm.s32 $0x5;
	s4 =	sadd.s32 $0x2D4E00, s0;
	s1 =	sadd.s32 $0x274A00, s0  }
0x8: {  	s30 =	simm.s32 $0x6;
	s23 =	sadd.s32 $0x284400, s0;
	s24 =	sadd.s32 $0x293E00, s0  }
0x9: {  	s5 =	sand.u32 $0x1, s5;
	s14 =	sadd.s32 $0x545E00, s0;
	s7 =	smin.u32 s13, $0xD  }
0xa: {  	s8 =	smax.u32 s13, $0xD;
	_ =	strace $0x8000004A;
	[dreg:$0x4] =	wrdreg s1  }
0xb: {  	p0 =	slt.u32 s13, $0xD;
	s9 =	smul.u32 $0x3E000, s13;
	[dreg:$0x5] =	wrdreg s23  }
0xc: {  	p3 =	sne.s32 s13, $0xF;
	s11 =	smul.u32 $0x1F00, s13;
	[dreg:$0xe] =	wrdreg s24  }
0xd: {  	s25 =	ssub.s32 $0x2, s5;
	s6 =	smul.u32 $0x7D, s5;
	[dreg:$0xf] =	wrdreg s14  }
0xe: {  	s7 =	sshll.u32 s7, $0x3;
	s15 =	smul.u32 $0x7, s8;
	[dreg:$0x6] =	wrdreg s19  }
0xf: {  	s8 =	simm.s32 $0x8;
	p4 =	seq.s32 s5, $0x0;
	[dreg:$0x7] =	wrdreg s20  }
0x10: {  	p2 =	seq.s32 s5, $0x1;
	s19 =	simm.s32 $0x800;
	[dreg:$0x8] =	wrdreg s21  }
0x11: {  	s20 =	simm.s32 $0x80;
	s21 =	simm.s32 $0x1000;
	[dreg:$0x9] =	wrdreg s22  }
0x12: {  	s23 =	simm.s32 $0x200;
	s22 =	simm.s32 $0x5000;
	s24 =	simm.s32 $0x980  }
0x13: {  	s26 =	sshrl.u32 s25, $0x1;
	s8 =	simm.s32 @!p0 $0x7;
	p0 =	seq.s32 s13, $0xF  }
0x14: {  	s9 =	sshrl.u32 s9, $0x2;
	p1 =	por !p4, !p3;
	s16 =	sadd.s32 s12, s11  }
0x15: {  	p5 =	por !p3, !p2;
	s17 =	sadd.s32 s14, s11;
	[dreg:$0xa] =	wrdreg s23  }
0x16: {  	s23 =	simm.s32 $0x1;
	[dreg:$0xb] =	wrdreg s24;
	s24 =	simm.s32 $0x9000  }
0x17: {  	s11 =	simm.s32 $0xB80;
	s12 =	simm.s32 $0x480;
	s0 =	ssub.s32 s25, s26  }
0x18: {  	[dreg:$0x10] =	wrdreg s8;
	s8 =	sadd.s32 $0xE8800, s2;
	s10 =	sadd.s32 s9, s2  }
0x19: {  	p1 =	por !p1, !p1;
	[dreg:$0x12] =	wrdreg s16;
	p4 =	por !p4, !p0  }
0x1a: {  	s1 =	sadd.s32 s7, s6;
	p6 =	por !p5, !p5;
	[dreg:$0x13] =	wrdreg s17  }
0x1b: {  	s25 =	simm.s32 $0x280;
	s26 =	simm.s32 $0xA00;
	s7 =	simm.s32 $0xB00  }
0x1c: {  	s9 =	simm.s32 $0x400;
	s16 =	simm.s32 $0x0;
	[dreg:$0x11] =	wrdreg s8  }
0x1d: {  	p3 =	por !p4, !p4;
	s1 =	sadd.s32 s15, s1;
	[dreg:$0xc] =	wrdreg s25  }
0x1e: {  	s0 =	smax.u32 s0, $0x1;
	[dreg:$0xd] =	wrdreg s26;
	s25 =	simm.s32 $0x2  }
0x1f: {  	s26 =	simm.s32 $0x4;
	s15 =	simm.s32 $0xC80;
	[dreg:$0x14] =	wrdreg s0  }
.Ltmp0:
0x20: {  	s18 =	sshll.u32 s1, $0x8;
	s0 =	sshrl.u32 @p0 s8, $0x3;
	(pc) =	sbr.rel .LBB2_1-.Ltmp0, $4  }
0x21: {  	p4 =	por !p6, p3;
	[dreg:$0x15] =	wrdreg s0;
	s0 =	sshll.u32 @!p0 s13, $0x6  }
0x22: {  	s1 =	simm.s32 $0x380;
	s17 =	sadd.s32 $0x1FFFA500, s18;
	s0 =	sor.u32 @!p0 $0x1C07, s0  }
0x23: {  	s18 =	simm.s32 $0x7;
	[dreg:$0x16] =	wrdreg s0;
	s0 =	sshrl.u32 @!p0 s10, $0x3  }
0x24: {  	s13 =	simm.s32 $0xC00;
	[dreg:$0x17] =	wrdreg s0;
	s0 =	simm.s32 $0xA80  }
.LBB2_8:
0x25: {  	s16 =	sadd.s32 $0x1, s16;
	s5 =	rddreg [dreg:$0x14]  }
0x26: {  	p5 =	sne.s32 s16, s5  }
.Ltmp1:
0x27: {  	_ = 	snop;
	(pc) =	sbr.rel @!p5 .LBB2_9-.Ltmp1, $1  }
0x28: {  	_ =	sdelay $0x3  }
.LBB2_1:
0x29: {  	s6 =	rddreg [dreg:$0xe]  }
0x2a: {  	s5 =	simm.s32 @p0 $0x1FC7;
	s8 =	rddreg [dreg:$0x15]  }
0x2b: {  	[spmem:s8], [sflag:s5] =	dma.local @p0 [hbm:s6], $0x2380  }
0x2c: {  	s5 =	simm.s32 @p0 $0x7  }
0x2d: {  	_ =	swait.ge @p0 [sflag:s5], $0x2380  }
0x2e: {  	[sflag:s5] =	ssyncset.done @p0 $0x0;
	s8 =	rddreg [dreg:$0x17]  }
0x2f: {  	[sflag:s5] =	ssyncadd.s32 @p0 $0xFFFFDC80;
	s5 =	rddreg [dreg:$0x16]  }
0x30: {  	[spmem:s8], [sflag:s5] =	dma.local @!p0 [hbm:s6], $0x1F00  }
0x31: {  	s5 =	simm.s32 @!p0 $0x7  }
0x32: {  	_ =	swait.ge @!p0 [sflag:s5], $0x1F00  }
0x33: {  	[sflag:s5] =	ssyncset.done @!p0 $0x0  }
0x34: {  	[sflag:s5] =	ssyncadd.s32 @!p0 $0xFFFFE100  }
0x35: {  	[bflag:$0x0] =	sbarrier.arrive $0xFFFF  }
0x36: {  	s14 =	rddreg [dreg:$0x10]  }
0x37: {  	p6 =	sne.s32 s14, $0x1  }
.Ltmp2:
0x38: {  	_ = 	snop;
	(pc) =	sbr.rel @!p6 .LBB2_2-.Ltmp2, $2  }
0x39: {  	_ =	sdelay $0x2  }
0x3a: {  	p5 =	por $0x0, $0x0;
	s6 =	rddreg [dreg:$0x4];
	s5 =	sadd.s32 $0xFFFFFFFF, s14  }
0x3b: {  	s14 =	sand.u32 $0x1FFFFF00, s17  }
0x3c: {  	s6 =	sadd.s32 s6, s14  }
0x3d: {  	[tilespmem:s3], [sflag:$0x7] =	stream.linear.gather [hbm4b:s6+s3], $0x500, $0x38;
	[tilespmem:$0x1CA40] =	vst v63  }
0x3e: {  	_ =	swait.ge [sflag:s18], $0x500  }
0x3f: {  	s8 =	rddreg [dreg:$0x5];
	[sflag:s18] =	ssyncset.done $0x0  }
0x40: {  	[sflag:s18] =	ssyncadd.s32 $0xFFFFFB00;
	s6 =	sadd.s32 s8, s14  }
0x41: {  	[tilespmem:s19], [sflag:$0x7] =	stream.linear.gather [hbm4b:s6+s3], $0x500, $0x38;
	[tilespmem:$0x1CA40] =	vst v63  }
0x42: {  	_ =	swait.ge [sflag:s18], $0x500  }
0x43: {  	[sflag:s18] =	ssyncset.done $0x0  }
0x44: {  	[sflag:s18] =	ssyncadd.s32 $0xFFFFFB00  }
0x45: {  	[tilespmem:s21], [sflag:$0x1] =	stream.indirect.gather [hbm4b:s4+s20], $0x80, s3, s20, $0xb8;
	[tilespmem:$0x1CA40] =	vst v63  }
0x46: {  	_ = 	snop  }
0x47: {  	[tilespmem:s22], [sflag:$0x2] =	stream.indirect.gather [hbm4b:s4+s20], $0x80, s20, s20, $0xb8;
	[tilespmem:$0x1CA40] =	vst v63  }
0x48: {  	_ =	swait.ge [sflag:s23], $0x4000  }
0x49: {  	[sflag:s23] =	ssyncset.done $0x0  }
0x4a: {  	[sflag:s23] =	ssyncadd.s32 $0xFFFFC000  }
0x4b: {  	[spmem:s2] =	stream.indirect.scatter.add.f32 [tilespmem:s21], [sflag:$0x4], $0x80, s19, s20, $0xb8;
	[tilespmem:$0x1CA40] =	vst v63  }
0x4c: {  	s8 =	rddreg [dreg:$0x6]  }
0x4d: {  	[tilespmem:s24], [sflag:$0x3] =	stream.indirect.gather [hbm4b:s4+s20], $0x80, s8, s20, $0xb8;
	[tilespmem:$0x1CA40] =	vst v63  }
0x4e: {  	_ =	swait.ge [sflag:s25], $0x4000  }
0x4f: {  	[sflag:s25] =	ssyncset.done $0x0  }
0x50: {  	s14 =	rddreg [dreg:$0x7];
	[sflag:s25] =	ssyncadd.s32 $0xFFFFC000  }
0x51: {  	[spmem:s2] =	stream.indirect.scatter.add.f32 [tilespmem:s22], [sflag:$0x5], $0x80, s14, s20, $0xb8;
	[tilespmem:$0x1CA40] =	vst v63  }
0x52: {  	_ =	swait.ge [sflag:s26], $0x4000  }
0x53: {  	[sflag:s26] =	ssyncset.done $0x0  }
0x54: {  	s8 =	rddreg [dreg:$0x8];
	[sflag:s26] =	ssyncadd.s32 $0xFFFFC000  }
0x55: {  	[tilespmem:s21], [sflag:$0x1] =	stream.indirect.gather [hbm4b:s4+s20], $0x80, s8, s20, $0xb8;
	[tilespmem:$0x1CA40] =	vst v63  }
0x56: {  	_ =	swait.ge [sflag:s28], $0x4000  }
0x57: {  	[sflag:s28] =	ssyncset.done $0x0  }
0x58: {  	s14 =	rddreg [dreg:$0x9];
	[sflag:s28] =	ssyncadd.s32 $0xFFFFC000  }
0x59: {  	[spmem:s2] =	stream.indirect.scatter.add.f32 [tilespmem:s24], [sflag:$0x6], $0x80, s14, s20, $0xb8;
	[tilespmem:$0x1CA40] =	vst v63  }
0x5a: {  	_ =	swait.ge [sflag:s29], $0x4000  }
0x5b: {  	[sflag:s29] =	ssyncset.done $0x0  }
0x5c: {  	s8 =	rddreg [dreg:$0xa];
	[sflag:s29] =	ssyncadd.s32 $0xFFFFC000  }
0x5d: {  	[tilespmem:s22], [sflag:$0x2] =	stream.indirect.gather [hbm4b:s4+s20], $0x80, s8, s20, $0xb8;
	[tilespmem:$0x1CA40] =	vst v63  }
0x5e: {  	_ =	swait.ge [sflag:s23], $0x4000  }
0x5f: {  	[sflag:s23] =	ssyncset.done $0x0  }
0x60: {  	s14 =	rddreg [dreg:$0xb];
	[sflag:s23] =	ssyncadd.s32 $0xFFFFC000  }
0x61: {  	[spmem:s2] =	stream.indirect.scatter.add.f32 [tilespmem:s21], [sflag:$0x4], $0x80, s14, s20, $0xb8;
	[tilespmem:$0x1CA40] =	vst v63  }
0x62: {  	_ =	swait.ge [sflag:s30], $0x4000  }
0x63: {  	[sflag:s30] =	ssyncset.done $0x0  }
0x64: {  	s8 =	rddreg [dreg:$0xc];
	[sflag:s30] =	ssyncadd.s32 $0xFFFFC000  }
0x65: {  	[tilespmem:s24], [sflag:$0x3] =	stream.indirect.gather [hbm4b:s4+s20], $0x80, s8, s20, $0xb8;
	[tilespmem:$0x1CA40] =	vst v63  }
0x66: {  	_ =	swait.ge [sflag:s25], $0x4000  }
0x67: {  	[sflag:s25] =	ssyncset.done $0x0  }
0x68: {  	s14 =	rddreg [dreg:$0xd];
	[sflag:s25] =	ssyncadd.s32 $0xFFFFC000  }
0x69: {  	[spmem:s2] =	stream.indirect.scatter.add.f32 [tilespmem:s22], [sflag:$0x5], $0x80, s14, s20, $0xb8;
	[tilespmem:$0x1CA40] =	vst v63  }
0x6a: {  	_ =	swait.ge [sflag:s26], $0x4000  }
0x6b: {  	[sflag:s26] =	ssyncset.done $0x0  }
0x6c: {  	[sflag:s26] =	ssyncadd.s32 $0xFFFFC000  }
0x6d: {  	[tilespmem:s21], [sflag:$0x1] =	stream.indirect.gather [hbm4b:s4+s20], $0x80, s31, s20, $0xb8;
	[tilespmem:$0x1CA40] =	vst v63  }
0x6e: {  	_ =	swait.ge [sflag:s28], $0x4000  }
0x6f: {  	[sflag:s28] =	ssyncset.done $0x0  }
0x70: {  	[sflag:s28] =	ssyncadd.s32 $0xFFFFC000  }
0x71: {  	[spmem:s2] =	stream.indirect.scatter.add.f32 [tilespmem:s24], [sflag:$0x6], $0x80, s0, s20, $0xb8;
	[tilespmem:$0x1CA40] =	vst v63  }
0x72: {  	_ =	swait.ge [sflag:s29], $0x4000  }
0x73: {  	[sflag:s29] =	ssyncset.done $0x0  }
0x74: {  	[sflag:s29] =	ssyncadd.s32 $0xFFFFC000  }
0x75: {  	[tilespmem:s22], [sflag:$0x2] =	stream.indirect.gather [hbm4b:s4+s20], $0x80, s1, s20, $0xb8;
	[tilespmem:$0x1CA40] =	vst v63  }
0x76: {  	_ =	swait.ge [sflag:s23], $0x4000  }
0x77: {  	[sflag:s23] =	ssyncset.done $0x0  }
0x78: {  	[sflag:s23] =	ssyncadd.s32 $0xFFFFC000  }
0x79: {  	[spmem:s2] =	stream.indirect.scatter.add.f32 [tilespmem:s21], [sflag:$0x4], $0x80, s7, s20, $0xb8;
	[tilespmem:$0x1CA40] =	vst v63  }
0x7a: {  	_ =	swait.ge [sflag:s30], $0x4000  }
0x7b: {  	[sflag:s30] =	ssyncset.done $0x0  }
0x7c: {  	[sflag:s30] =	ssyncadd.s32 $0xFFFFC000  }
0x7d: {  	[tilespmem:s24], [sflag:$0x3] =	stream.indirect.gather [hbm4b:s4+s20], $0x80, s9, s20, $0xb8;
	[tilespmem:$0x1CA40] =	vst v63  }
0x7e: {  	_ =	swait.ge [sflag:s25], $0x4000  }
0x7f: {  	[sflag:s25] =	ssyncset.done $0x0  }
0x80: {  	[sflag:s25] =	ssyncadd.s32 $0xFFFFC000  }
0x81: {  	[spmem:s2] =	stream.indirect.scatter.add.f32 [tilespmem:s22], [sflag:$0x5], $0x80, s11, s20, $0xb8;
	[tilespmem:$0x1CA40] =	vst v63  }
0x82: {  	_ =	swait.ge [sflag:s26], $0x4000  }
0x83: {  	[sflag:s26] =	ssyncset.done $0x0  }
0x84: {  	[sflag:s26] =	ssyncadd.s32 $0xFFFFC000  }
0x85: {  	[tilespmem:s21], [sflag:$0x1] =	stream.indirect.gather [hbm4b:s4+s20], $0x80, s12, s20, $0xb8;
	[tilespmem:$0x1CA40] =	vst v63  }
0x86: {  	_ =	swait.ge [sflag:s28], $0x4000  }
0x87: {  	[sflag:s28] =	ssyncset.done $0x0  }
0x88: {  	[sflag:s28] =	ssyncadd.s32 $0xFFFFC000  }
0x89: {  	[spmem:s2] =	stream.indirect.scatter.add.f32 [tilespmem:s24], [sflag:$0x6], $0x80, s13, s20, $0xb8;
	[tilespmem:$0x1CA40] =	vst v63  }
0x8a: {  	_ =	swait.ge [sflag:s23], $0x4000  }
0x8b: {  	[sflag:s23] =	ssyncset.done $0x0  }
0x8c: {  	[sflag:s23] =	ssyncadd.s32 $0xFFFFC000  }
0x8d: {  	[spmem:s2] =	stream.indirect.scatter.add.f32 [tilespmem:s21], [sflag:$0x4], $0x80, s15, s20, $0xb8;
	[tilespmem:$0x1CA40] =	vst v63  }
0x8e: {  	_ =	swait.ge [sflag:s29], $0x4000  }
0x8f: {  	[sflag:s29] =	ssyncset.done $0x0  }
0x90: {  	p6 =	sne.s32 s5, $0x1;
	[sflag:s29] =	ssyncadd.s32 $0xFFFFC000  }
.Ltmp3:
0x91: {  	_ =	swait.ge [sflag:s30], $0x4000;
	(pc) =	sbr.rel @!p6 .LBB2_4-.Ltmp3, $4  }
0x92: {  	[sflag:s30] =	ssyncset.done $0x0  }
0x93: {  	[sflag:s30] =	ssyncadd.s32 $0xFFFFC000  }
0x94: {  	s5 =	sadd.s32 $0xFFFFFFFF, s5;
	p5 =	por $0x1, $0x1;
	_ =	swait.ge [sflag:s26], $0x4000  }
0x95: {  	s14 =	smov.u32 s17;
	s6 =	rddreg [dreg:$0x4];
	[sflag:s26] =	ssyncset.done $0x0  }
.LBB2_5:
0x96: {  	s14 =	sadd.s32 $0x100, s14  }
0x97: {  	s8 =	sand.u32 $0x1FFFFF00, s14  }
0x98: {  	[sflag:s26] =	ssyncadd.s32 $0xFFFFC000;
	s6 =	sadd.s32 s6, s8  }
0x99: {  	[tilespmem:s3], [sflag:$0x7] =	stream.linear.gather [hbm4b:s6+s3], $0x500, $0x38;
	[tilespmem:$0x1CA40] =	vst v63  }
0x9a: {  	_ =	swait.ge [sflag:s18], $0x500  }
0x9b: {  	s6 =	rddreg [dreg:$0x5];
	[sflag:s18] =	ssyncset.done $0x0  }
0x9c: {  	[sflag:s18] =	ssyncadd.s32 $0xFFFFFB00;
	s6 =	sadd.s32 s6, s8  }
0x9d: {  	[tilespmem:s19], [sflag:$0x7] =	stream.linear.gather [hbm4b:s6+s3], $0x500, $0x38;
	[tilespmem:$0x1CA40] =	vst v63  }
0x9e: {  	_ =	swait.ge [sflag:s18], $0x500  }
0x9f: {  	[sflag:s18] =	ssyncset.done $0x0  }
0xa0: {  	[sflag:s18] =	ssyncadd.s32 $0xFFFFFB00  }
0xa1: {  	[tilespmem:s21], [sflag:$0x1] =	stream.indirect.gather [hbm4b:s4+s20], $0x80, s3, s20, $0xb8;
	[tilespmem:$0x1CA40] =	vst v63  }
0xa2: {  	_ = 	snop  }
0xa3: {  	[tilespmem:s22], [sflag:$0x2] =	stream.indirect.gather [hbm4b:s4+s20], $0x80, s20, s20, $0xb8;
	[tilespmem:$0x1CA40] =	vst v63  }
0xa4: {  	_ =	swait.ge [sflag:s23], $0x4000  }
0xa5: {  	[sflag:s23] =	ssyncset.done $0x0  }
0xa6: {  	[sflag:s23] =	ssyncadd.s32 $0xFFFFC000  }
0xa7: {  	[spmem:s2] =	stream.indirect.scatter.add.f32 [tilespmem:s21], [sflag:$0x4], $0x80, s19, s20, $0xb8;
	[tilespmem:$0x1CA40] =	vst v63  }
0xa8: {  	s8 =	rddreg [dreg:$0x6]  }
0xa9: {  	[tilespmem:s24], [sflag:$0x3] =	stream.indirect.gather [hbm4b:s4+s20], $0x80, s8, s20, $0xb8;
	[tilespmem:$0x1CA40] =	vst v63  }
0xaa: {  	_ =	swait.ge [sflag:s25], $0x4000  }
0xab: {  	[sflag:s25] =	ssyncset.done $0x0  }
0xac: {  	s8 =	rddreg [dreg:$0x7];
	[sflag:s25] =	ssyncadd.s32 $0xFFFFC000  }
0xad: {  	[spmem:s2] =	stream.indirect.scatter.add.f32 [tilespmem:s22], [sflag:$0x5], $0x80, s8, s20, $0xb8;
	[tilespmem:$0x1CA40] =	vst v63  }
0xae: {  	_ =	swait.ge [sflag:s26], $0x4000  }
0xaf: {  	[sflag:s26] =	ssyncset.done $0x0  }
0xb0: {  	s8 =	rddreg [dreg:$0x8];
	[sflag:s26] =	ssyncadd.s32 $0xFFFFC000  }
0xb1: {  	[tilespmem:s21], [sflag:$0x1] =	stream.indirect.gather [hbm4b:s4+s20], $0x80, s8, s20, $0xb8;
	[tilespmem:$0x1CA40] =	vst v63  }
0xb2: {  	_ =	swait.ge [sflag:s28], $0x4000  }
0xb3: {  	[sflag:s28] =	ssyncset.done $0x0  }
0xb4: {  	s8 =	rddreg [dreg:$0x9];
	[sflag:s28] =	ssyncadd.s32 $0xFFFFC000  }
0xb5: {  	[spmem:s2] =	stream.indirect.scatter.add.f32 [tilespmem:s24], [sflag:$0x6], $0x80, s8, s20, $0xb8;
	[tilespmem:$0x1CA40] =	vst v63  }
0xb6: {  	_ =	swait.ge [sflag:s29], $0x4000  }
0xb7: {  	[sflag:s29] =	ssyncset.done $0x0  }
0xb8: {  	s8 =	rddreg [dreg:$0xa];
	[sflag:s29] =	ssyncadd.s32 $0xFFFFC000  }
0xb9: {  	[tilespmem:s22], [sflag:$0x2] =	stream.indirect.gather [hbm4b:s4+s20], $0x80, s8, s20, $0xb8;
	[tilespmem:$0x1CA40] =	vst v63  }
0xba: {  	_ =	swait.ge [sflag:s23], $0x4000  }
0xbb: {  	[sflag:s23] =	ssyncset.done $0x0  }
0xbc: {  	s8 =	rddreg [dreg:$0xb];
	[sflag:s23] =	ssyncadd.s32 $0xFFFFC000  }
0xbd: {  	[spmem:s2] =	stream.indirect.scatter.add.f32 [tilespmem:s21], [sflag:$0x4], $0x80, s8, s20, $0xb8;
	[tilespmem:$0x1CA40] =	vst v63  }
0xbe: {  	_ =	swait.ge [sflag:s30], $0x4000  }
0xbf: {  	[sflag:s30] =	ssyncset.done $0x0  }
0xc0: {  	s8 =	rddreg [dreg:$0xc];
	[sflag:s30] =	ssyncadd.s32 $0xFFFFC000  }
0xc1: {  	[tilespmem:s24], [sflag:$0x3] =	stream.indirect.gather [hbm4b:s4+s20], $0x80, s8, s20, $0xb8;
	[tilespmem:$0x1CA40] =	vst v63  }
0xc2: {  	_ =	swait.ge [sflag:s25], $0x4000  }
0xc3: {  	[sflag:s25] =	ssyncset.done $0x0  }
0xc4: {  	s8 =	rddreg [dreg:$0xd];
	[sflag:s25] =	ssyncadd.s32 $0xFFFFC000  }
0xc5: {  	[spmem:s2] =	stream.indirect.scatter.add.f32 [tilespmem:s22], [sflag:$0x5], $0x80, s8, s20, $0xb8;
	[tilespmem:$0x1CA40] =	vst v63  }
0xc6: {  	_ =	swait.ge [sflag:s26], $0x4000  }
0xc7: {  	[sflag:s26] =	ssyncset.done $0x0  }
0xc8: {  	[sflag:s26] =	ssyncadd.s32 $0xFFFFC000  }
0xc9: {  	[tilespmem:s21], [sflag:$0x1] =	stream.indirect.gather [hbm4b:s4+s20], $0x80, s31, s20, $0xb8;
	[tilespmem:$0x1CA40] =	vst v63  }
0xca: {  	_ =	swait.ge [sflag:s28], $0x4000  }
0xcb: {  	[sflag:s28] =	ssyncset.done $0x0  }
0xcc: {  	[sflag:s28] =	ssyncadd.s32 $0xFFFFC000  }
0xcd: {  	[spmem:s2] =	stream.indirect.scatter.add.f32 [tilespmem:s24], [sflag:$0x6], $0x80, s0, s20, $0xb8;
	[tilespmem:$0x1CA40] =	vst v63  }
0xce: {  	_ =	swait.ge [sflag:s29], $0x4000  }
0xcf: {  	[sflag:s29] =	ssyncset.done $0x0  }
0xd0: {  	[sflag:s29] =	ssyncadd.s32 $0xFFFFC000  }
0xd1: {  	[tilespmem:s22], [sflag:$0x2] =	stream.indirect.gather [hbm4b:s4+s20], $0x80, s1, s20, $0xb8;
	[tilespmem:$0x1CA40] =	vst v63  }
0xd2: {  	_ =	swait.ge [sflag:s23], $0x4000  }
0xd3: {  	[sflag:s23] =	ssyncset.done $0x0  }
0xd4: {  	[sflag:s23] =	ssyncadd.s32 $0xFFFFC000  }
0xd5: {  	[spmem:s2] =	stream.indirect.scatter.add.f32 [tilespmem:s21], [sflag:$0x4], $0x80, s7, s20, $0xb8;
	[tilespmem:$0x1CA40] =	vst v63  }
0xd6: {  	_ =	swait.ge [sflag:s30], $0x4000  }
0xd7: {  	[sflag:s30] =	ssyncset.done $0x0  }
0xd8: {  	[sflag:s30] =	ssyncadd.s32 $0xFFFFC000  }
0xd9: {  	[tilespmem:s24], [sflag:$0x3] =	stream.indirect.gather [hbm4b:s4+s20], $0x80, s9, s20, $0xb8;
	[tilespmem:$0x1CA40] =	vst v63  }
0xda: {  	_ =	swait.ge [sflag:s25], $0x4000  }
0xdb: {  	[sflag:s25] =	ssyncset.done $0x0  }
0xdc: {  	[sflag:s25] =	ssyncadd.s32 $0xFFFFC000  }
0xdd: {  	[spmem:s2] =	stream.indirect.scatter.add.f32 [tilespmem:s22], [sflag:$0x5], $0x80, s11, s20, $0xb8;
	[tilespmem:$0x1CA40] =	vst v63  }
0xde: {  	_ =	swait.ge [sflag:s26], $0x4000  }
0xdf: {  	[sflag:s26] =	ssyncset.done $0x0  }
0xe0: {  	[sflag:s26] =	ssyncadd.s32 $0xFFFFC000  }
0xe1: {  	[tilespmem:s21], [sflag:$0x1] =	stream.indirect.gather [hbm4b:s4+s20], $0x80, s12, s20, $0xb8;
	[tilespmem:$0x1CA40] =	vst v63  }
0xe2: {  	_ =	swait.ge [sflag:s28], $0x4000  }
0xe3: {  	[sflag:s28] =	ssyncset.done $0x0  }
0xe4: {  	[sflag:s28] =	ssyncadd.s32 $0xFFFFC000  }
0xe5: {  	[spmem:s2] =	stream.indirect.scatter.add.f32 [tilespmem:s24], [sflag:$0x6], $0x80, s13, s20, $0xb8;
	[tilespmem:$0x1CA40] =	vst v63  }
0xe6: {  	_ =	swait.ge [sflag:s23], $0x4000  }
0xe7: {  	[sflag:s23] =	ssyncset.done $0x0  }
0xe8: {  	[sflag:s23] =	ssyncadd.s32 $0xFFFFC000  }
0xe9: {  	[spmem:s2] =	stream.indirect.scatter.add.f32 [tilespmem:s21], [sflag:$0x4], $0x80, s15, s20, $0xb8;
	[tilespmem:$0x1CA40] =	vst v63  }
0xea: {  	_ =	swait.ge [sflag:s29], $0x4000  }
0xeb: {  	[sflag:s29] =	ssyncset.done $0x0  }
0xec: {  	p6 =	sne.s32 s5, $0x1;
	[sflag:s29] =	ssyncadd.s32 $0xFFFFC000  }
.Ltmp4:
0xed: {  	_ =	swait.ge [sflag:s30], $0x4000;
	(pc) =	sbr.rel @p6 .LBB2_5-.Ltmp4, $4  }
0xee: {  	[sflag:s30] =	ssyncset.done $0x0  }
0xef: {  	[sflag:s30] =	ssyncadd.s32 $0xFFFFC000  }
0xf0: {  	_ =	swait.ge [sflag:s26], $0x4000  }
0xf1: {  	s5 =	sadd.s32 $0xFFFFFFFF, s5;
	s6 =	rddreg [dreg:$0x4];
	[sflag:s26] =	ssyncset.done $0x0  }
.LBB2_6:
0xf2: {  	s5 =	sadd.s32 @p5 $0x100, s14;
	s8 =	smov.u32 s17  }
0xf3: {  	s8 =	smov.u32 @p5 s5  }
0xf4: {  	s5 =	sand.u32 $0x1FFFFF00, s8  }
0xf5: {  	[sflag:s26] =	ssyncadd.s32 @p5 $0xFFFFC000;
	s6 =	sadd.s32 s6, s5  }
0xf6: {  	[tilespmem:s3], [sflag:$0x7] =	stream.linear.gather [hbm4b:s6+s3], $0x500, $0x38;
	[tilespmem:$0x1CA40] =	vst v63  }
0xf7: {  	_ =	swait.ge [sflag:s18], $0x500  }
0xf8: {  	s14 =	rddreg [dreg:$0x5];
	[sflag:s18] =	ssyncset.done $0x0  }
0xf9: {  	[sflag:s18] =	ssyncadd.s32 $0xFFFFFB00;
	s5 =	sadd.s32 s14, s5  }
0xfa: {  	[tilespmem:s19], [sflag:$0x7] =	stream.linear.gather [hbm4b:s5+s3], $0x500, $0x38;
	[tilespmem:$0x1CA40] =	vst v63  }
0xfb: {  	_ =	swait.ge [sflag:s18], $0x500  }
0xfc: {  	[sflag:s18] =	ssyncset.done $0x0  }
0xfd: {  	[sflag:s18] =	ssyncadd.s32 $0xFFFFFB00  }
0xfe: {  	[tilespmem:s21], [sflag:$0x1] =	stream.indirect.gather [hbm4b:s4+s20], $0x80, s3, s20, $0xb8;
	[tilespmem:$0x1CA40] =	vst v63  }
0xff: {  	_ = 	snop  }
0x100: {  	[tilespmem:s22], [sflag:$0x2] =	stream.indirect.gather [hbm4b:s4+s20], $0x80, s20, s20, $0xb8;
	[tilespmem:$0x1CA40] =	vst v63  }
0x101: {  	_ =	swait.ge [sflag:s23], $0x4000  }
0x102: {  	[sflag:s23] =	ssyncset.done $0x0  }
0x103: {  	[sflag:s23] =	ssyncadd.s32 $0xFFFFC000  }
0x104: {  	[spmem:s2] =	stream.indirect.scatter.add.f32 [tilespmem:s21], [sflag:$0x4], $0x80, s19, s20, $0xb8;
	[tilespmem:$0x1CA40] =	vst v63  }
0x105: {  	s8 =	rddreg [dreg:$0x6]  }
0x106: {  	[tilespmem:s24], [sflag:$0x3] =	stream.indirect.gather [hbm4b:s4+s20], $0x80, s8, s20, $0xb8;
	[tilespmem:$0x1CA40] =	vst v63  }
0x107: {  	_ =	swait.ge [sflag:s25], $0x4000  }
0x108: {  	[sflag:s25] =	ssyncset.done $0x0  }
0x109: {  	s14 =	rddreg [dreg:$0x7];
	[sflag:s25] =	ssyncadd.s32 $0xFFFFC000  }
0x10a: {  	[spmem:s2] =	stream.indirect.scatter.add.f32 [tilespmem:s22], [sflag:$0x5], $0x80, s14, s20, $0xb8;
	[tilespmem:$0x1CA40] =	vst v63  }
0x10b: {  	_ =	swait.ge [sflag:s26], $0x4000  }
0x10c: {  	[sflag:s26] =	ssyncset.done $0x0  }
0x10d: {  	s6 =	rddreg [dreg:$0x8];
	[sflag:s26] =	ssyncadd.s32 $0xFFFFC000  }
0x10e: {  	[tilespmem:s21], [sflag:$0x1] =	stream.indirect.gather [hbm4b:s4+s20], $0x80, s6, s20, $0xb8;
	[tilespmem:$0x1CA40] =	vst v63  }
0x10f: {  	_ =	swait.ge [sflag:s28], $0x4000  }
0x110: {  	[sflag:s28] =	ssyncset.done $0x0  }
0x111: {  	s8 =	rddreg [dreg:$0x9];
	[sflag:s28] =	ssyncadd.s32 $0xFFFFC000  }
0x112: {  	[spmem:s2] =	stream.indirect.scatter.add.f32 [tilespmem:s24], [sflag:$0x6], $0x80, s8, s20, $0xb8;
	[tilespmem:$0x1CA40] =	vst v63  }
0x113: {  	_ =	swait.ge [sflag:s29], $0x4000  }
0x114: {  	[sflag:s29] =	ssyncset.done $0x0  }
0x115: {  	s14 =	rddreg [dreg:$0xa];
	[sflag:s29] =	ssyncadd.s32 $0xFFFFC000  }
0x116: {  	[tilespmem:s22], [sflag:$0x2] =	stream.indirect.gather [hbm4b:s4+s20], $0x80, s14, s20, $0xb8;
	[tilespmem:$0x1CA40] =	vst v63  }
0x117: {  	_ =	swait.ge [sflag:s23], $0x4000  }
0x118: {  	[sflag:s23] =	ssyncset.done $0x0  }
0x119: {  	s6 =	rddreg [dreg:$0xb];
	[sflag:s23] =	ssyncadd.s32 $0xFFFFC000  }
0x11a: {  	[spmem:s2] =	stream.indirect.scatter.add.f32 [tilespmem:s21], [sflag:$0x4], $0x80, s6, s20, $0xb8;
	[tilespmem:$0x1CA40] =	vst v63  }
0x11b: {  	_ =	swait.ge [sflag:s30], $0x4000  }
0x11c: {  	[sflag:s30] =	ssyncset.done $0x0  }
0x11d: {  	s8 =	rddreg [dreg:$0xc];
	[sflag:s30] =	ssyncadd.s32 $0xFFFFC000  }
0x11e: {  	[tilespmem:s24], [sflag:$0x3] =	stream.indirect.gather [hbm4b:s4+s20], $0x80, s8, s20, $0xb8;
	[tilespmem:$0x1CA40] =	vst v63  }
0x11f: {  	_ =	swait.ge [sflag:s25], $0x4000  }
0x120: {  	[sflag:s25] =	ssyncset.done $0x0  }
0x121: {  	s14 =	rddreg [dreg:$0xd];
	[sflag:s25] =	ssyncadd.s32 $0xFFFFC000  }
0x122: {  	[spmem:s2] =	stream.indirect.scatter.add.f32 [tilespmem:s22], [sflag:$0x5], $0x80, s14, s20, $0xb8;
	[tilespmem:$0x1CA40] =	vst v63  }
0x123: {  	_ =	swait.ge [sflag:s26], $0x4000  }
0x124: {  	[sflag:s26] =	ssyncset.done $0x0  }
0x125: {  	[sflag:s26] =	ssyncadd.s32 $0xFFFFC000  }
0x126: {  	[tilespmem:s21], [sflag:$0x1] =	stream.indirect.gather [hbm4b:s4+s20], $0x80, s31, s20, $0xb8;
	[tilespmem:$0x1CA40] =	vst v63  }
0x127: {  	_ =	swait.ge [sflag:s28], $0x4000  }
0x128: {  	[sflag:s28] =	ssyncset.done $0x0  }
0x129: {  	[sflag:s28] =	ssyncadd.s32 $0xFFFFC000  }
0x12a: {  	[spmem:s2] =	stream.indirect.scatter.add.f32 [tilespmem:s24], [sflag:$0x6], $0x80, s0, s20, $0xb8;
	[tilespmem:$0x1CA40] =	vst v63  }
0x12b: {  	_ =	swait.ge [sflag:s29], $0x4000  }
0x12c: {  	[sflag:s29] =	ssyncset.done $0x0  }
0x12d: {  	[sflag:s29] =	ssyncadd.s32 $0xFFFFC000  }
0x12e: {  	[tilespmem:s22], [sflag:$0x2] =	stream.indirect.gather [hbm4b:s4+s20], $0x80, s1, s20, $0xb8;
	[tilespmem:$0x1CA40] =	vst v63  }
0x12f: {  	_ =	swait.ge [sflag:s23], $0x4000  }
0x130: {  	[sflag:s23] =	ssyncset.done $0x0  }
0x131: {  	[sflag:s23] =	ssyncadd.s32 $0xFFFFC000  }
0x132: {  	[spmem:s2] =	stream.indirect.scatter.add.f32 [tilespmem:s21], [sflag:$0x4], $0x80, s7, s20, $0xb8;
	[tilespmem:$0x1CA40] =	vst v63  }
0x133: {  	_ =	swait.ge [sflag:s30], $0x4000  }
0x134: {  	[sflag:s30] =	ssyncset.done $0x0  }
0x135: {  	[sflag:s30] =	ssyncadd.s32 $0xFFFFC000  }
0x136: {  	[tilespmem:s24], [sflag:$0x3] =	stream.indirect.gather [hbm4b:s4+s20], $0x80, s9, s20, $0xb8;
	[tilespmem:$0x1CA40] =	vst v63  }
0x137: {  	_ =	swait.ge [sflag:s25], $0x4000  }
0x138: {  	[sflag:s25] =	ssyncset.done $0x0  }
0x139: {  	[sflag:s25] =	ssyncadd.s32 $0xFFFFC000  }
0x13a: {  	[spmem:s2] =	stream.indirect.scatter.add.f32 [tilespmem:s22], [sflag:$0x5], $0x80, s11, s20, $0xb8;
	[tilespmem:$0x1CA40] =	vst v63  }
0x13b: {  	_ =	swait.ge [sflag:s26], $0x4000  }
0x13c: {  	[sflag:s26] =	ssyncset.done $0x0  }
0x13d: {  	[sflag:s26] =	ssyncadd.s32 $0xFFFFC000  }
0x13e: {  	[tilespmem:s21], [sflag:$0x1] =	stream.indirect.gather [hbm4b:s4+s20], $0x80, s12, s20, $0xb8;
	[tilespmem:$0x1CA40] =	vst v63  }
0x13f: {  	_ =	swait.ge [sflag:s28], $0x4000  }
0x140: {  	[sflag:s28] =	ssyncset.done $0x0  }
0x141: {  	[sflag:s28] =	ssyncadd.s32 $0xFFFFC000  }
0x142: {  	[spmem:s2] =	stream.indirect.scatter.add.f32 [tilespmem:s24], [sflag:$0x6], $0x80, s13, s20, $0xb8;
	[tilespmem:$0x1CA40] =	vst v63  }
0x143: {  	_ =	swait.ge [sflag:s23], $0x4000  }
0x144: {  	[sflag:s23] =	ssyncset.done $0x0  }
0x145: {  	[sflag:s23] =	ssyncadd.s32 $0xFFFFC000  }
0x146: {  	[spmem:s2] =	stream.indirect.scatter.add.f32 [tilespmem:s21], [sflag:$0x4], $0x80, s15, s20, $0xb8;
	[tilespmem:$0x1CA40] =	vst v63  }
0x147: {  	_ =	swait.ge [sflag:s29], $0x4000  }
0x148: {  	[sflag:s29] =	ssyncset.done $0x0  }
0x149: {  	[sflag:s29] =	ssyncadd.s32 $0xFFFFC000  }
0x14a: {  	_ =	swait.ge [sflag:s30], $0x4000  }
0x14b: {  	[sflag:s30] =	ssyncset.done $0x0  }
0x14c: {  	[sflag:s30] =	ssyncadd.s32 $0xFFFFC000  }
0x14d: {  	_ =	swait.ge [sflag:s26], $0x4000  }
0x14e: {  	p6 =	por p2, p2;
	p5 =	por @!p4 $0x1, $0x1;
	[sflag:s26] =	ssyncset.done $0x0  }
0x14f: {  	p6 =	por @!p4 p5, p5;
	s14 =	stileid.u32;
	[sflag:s26] =	ssyncadd.s32 $0xFFFFC000  }
0x150: {  	p5 =	por @!p3 !p6, !p0;
	s5 =	sshll.u32 @p1 s14, $0x6;
	[bflag:$0x0] =	sbarrier.arrive $0xFFFF  }
0x151: {  	s6 =	sshrl.u32 @p1 s10, $0x3;
	s5 =	sor.u32 @p1 $0x1C07, s5;
	s8 =	rddreg [dreg:$0x12]  }
0x152: {  	[hbm:s8], [sflag:s5] =	dma.local @p1 [spmem:s6], $0x1F00  }
0x153: {  	p5 =	por @!p3 !p5, !p5;
	s5 =	simm.s32 @p1 $0x7  }
0x154: {  	p5 =	por p3, p5;
	_ =	swait.ge @p1 [sflag:s5], $0x1F00  }
0x155: {  	s6 =	sshll.u32 @!p4 s14, $0x6;
	[sflag:s5] =	ssyncset.done @p1 $0x0;
	s14 =	rddreg [dreg:$0x13]  }
0x156: {  	[sflag:s5] =	ssyncadd.s32 @p1 $0xFFFFE100;
	s5 =	sor.u32 @!p4 $0x1C07, s6;
	s6 =	sshrl.u32 @!p4 s10, $0x3  }
0x157: {  	[hbm:s14], [sflag:s5] =	dma.local @!p4 [spmem:s6], $0x1F00  }
.Ltmp5:
0x158: {  	_ = 	snop;
	(pc) =	sbr.rel @!p5 .LBB2_8-.Ltmp5, $4  }
0x159: {  	s5 =	simm.s32 @!p4 $0x7  }
0x15a: {  	_ =	swait.ge @!p4 [sflag:s5], $0x1F00  }
0x15b: {  	[sflag:s5] =	ssyncset.done @!p4 $0x0  }
0x15c: {  	s8 =	stileid.u32;
	[sflag:s5] =	ssyncadd.s32 @!p4 $0xFFFFE100  }
0x15d: {  	s5 =	rddreg [dreg:$0xf]  }
0x15e: {  	s6 =	rddreg [dreg:$0x1]  }
0x15f: {  	s14 =	rddreg [dreg:$0x11]  }
0x160: {  	s5 =	smov.u32 @p3 s6;
	s6 =	sshrl.u32 s14, $0x3  }
.Ltmp6:
0x161: {  	s14 =	simm.s32 $0x1FC7;
	s5 =	sadd.s32 $0x1D100, s5;
	(pc) =	sbr.rel .LBB2_8-.Ltmp6, $4  }
0x162: {  	[hbm:s5], [sflag:s14] =	dma.local [spmem:s6], $0x2380  }
0x163: {  	_ =	swait.ge [sflag:s18], $0x2380  }
0x164: {  	[sflag:s18] =	ssyncset.done $0x0  }
0x165: {  	[sflag:s18] =	ssyncadd.s32 $0xFFFFDC80  }
.LBB2_2:
.Ltmp7:
0x166: {  	(pc) =	sbr.rel .LBB2_6-.Ltmp7, $2  }
0x167: {  	_ =	sdelay $0x2  }
0x168: {  	s14 =	smov.u32 s17  }
.LBB2_4:
.Ltmp8:
0x169: {  	(pc) =	sbr.rel .LBB2_6-.Ltmp8, $2  }
0x16a: {  	_ =	sdelay $0x2  }
0x16b: {  	s14 =	smov.u32 s17  }
.LBB2_9:
0x16c: {  	_ =	sfence.sel $0x180000  }
0x16d: {  	[bflag:$0x0] =	sbarrier.arrive $0xFFFF  }
0x16e: {  	_ =	strace $0x9000004A  }
0x16f: {  	[bflag:$0x2] =	sbarrier.arrive $0xFFFF  }
0x170: {  	p0 =	sne.s32 s8, $0x0;
	s0 =	rddreg [dreg:$0x3]  }
0x171: {  	s0 =	sadd.s32 @!p0 $0x100000, s0  }
0x172: {  	[sflag:s0] =	ssyncadd.tile.s32 @!p0 $0x1;
	_ =	shalt  }
.Lfunc_end2:
_tile_overlayer_lowered:
.L_overlay_start_2:
0x173: {  	(tag) =	ssettag $0x2  }
0x174: {  	s0 =	rddreg [dreg:$0x0];
	s2 =	stileid.u32  }
0x175: {  	s1 =	rddreg [dreg:$0x1];
	p0 =	sne.s32 s2, $0x0  }
0x176: {  	s3 =	rddreg [dreg:$0x2];
	[bflag:$0x3] =	sbarrier.arrive $0xFFFF;
	s2 =	simm.s32 @!p0 $0x1C07  }
0x177: {  	[timem:s3], [sflag:s2] =	dma.local @!p0 [hbm:s0], s1  }
0x178: {  	s0 =	simm.s32 @!p0 $0x7  }
0x179: {  	_ =	swait.ge @!p0 [sflag:s0], s1  }
0x17a: {  	s1 =	ssub.s32 @!p0 $0x0, s1;
	[sflag:s0] =	ssyncset.done @!p0 $0x0  }
0x17b: {  	[sflag:s0] =	ssyncadd.s32 @!p0 s1  }
0x17c: {  	[bflag:$0x3] =	sbarrier.arrive $0xFFFF  }
0x17d: {  	_ =	shalt  }

</sc_bundles>
